<compile_context>
chip_gen: v7x
topology: tpu7x:2x2x1
jax: 0.10.2.dev20260603
libtpu: 0.0.44.dev20260713+nightly
codegen_flags: <defaults>
</compile_context>

<pallas_src>
import functools

import jax
import jax.numpy as jnp
from jax import lax
from jax.experimental import pallas as pl
from jax.experimental.pallas import tpu as pltpu
from jax.experimental.pallas import tpu_sc as plsc

N = 10000
D = 128
E = 320000
D_OUT = 64

NC = 2
NS = 16
NW = NC * NS
C = 125
CH = 80
CL = 128
RPT = 632
RPT_LAST = N - (NS - 1) * RPT
BLK = 2000


def _build_sc_segment_sum():
    mesh = plsc.VectorSubcoreMesh(
        core_axis_name="c", subcore_axis_name="s", num_cores=NC, num_subcores=NS
    )

    @functools.partial(
        pl.kernel,
        out_type=(
            jax.ShapeDtypeStruct((N, D), jnp.float32),
            jax.ShapeDtypeStruct((N, D), jnp.float32),
        ),
        mesh=mesh,
        scratch_types=[
            pltpu.VMEM((4, CL), jnp.int32),
            pltpu.VMEM((CH, C), jnp.int32),
            pltpu.VMEM((2, CL, D), jnp.float32),
            pltpu.VMEM_SHARED((N, D), jnp.float32),
            pltpu.SemaphoreType.DMA,
            pltpu.SemaphoreType.DMA,
            pltpu.SemaphoreType.DMA,
            pltpu.SemaphoreType.DMA,
            pltpu.SemaphoreType.DMA,
            pltpu.SemaphoreType.DMA,
            pltpu.SemaphoreType.DMA,
            pltpu.SemaphoreType.DMA,
        ],
    )
    def sc_segment_sum(x_hbm, srci_hbm, dsti_hbm, zeros_hbm,
                       out0_hbm, out1_hbm,
                       iring, dsti_v, rows_v, acc,
                       isem0, isem1, isem2, isem3, gsem0, gsem1,
                       ssem0, ssem1):
        c = lax.axis_index("c")
        s = lax.axis_index("s")
        wid = c * NS + s
        isems = (isem0, isem1, isem2, isem3)
        gsems = (gsem0, gsem1)
        ssems = (ssem0, ssem1)

        def idx_fetch(jj, slot):
            return pltpu.make_async_copy(
                srci_hbm.at[wid, jj], iring.at[slot], isems[slot])

        NSPLIT = 4
        W = CL // NSPLIT

        def gather_issue(jj_slot, b):
            for p in range(NSPLIT):
                pltpu.async_copy(
                    x_hbm.at[iring.at[jj_slot].at[pl.ds(p * W, W)]],
                    rows_v.at[b].at[pl.ds(p * W, W)], gsems[b])

        def gather_wait(jj_slot, b):
            pltpu.make_async_copy(
                x_hbm.at[iring.at[jj_slot]], rows_v.at[b], gsems[b]).wait()

        def scatter_issue(jj, b):
            pltpu.async_copy(rows_v.at[b].at[pl.ds(0, C)],
                             acc.at[dsti_v.at[jj]], ssems[b], add=True)

        def scatter_wait(jj, b):
            pltpu.make_async_copy(rows_v.at[b].at[pl.ds(0, C)],
                                  acc.at[dsti_v.at[jj]], ssems[b]).wait()

        idx_fetch(0, 0).start()
        idx_fetch(1, 1).start()
        pltpu.sync_copy(dsti_hbm.at[wid], dsti_v)
        idx_fetch(0, 0).wait()
        gather_issue(0, 0)

        @pl.when(s < NS - 1)
        def _():
            pltpu.sync_copy(zeros_hbm, acc.at[pl.ds(s * RPT, RPT)])

        @pl.when(s == NS - 1)
        def _():
            pltpu.sync_copy(zeros_hbm.at[pl.ds(0, RPT_LAST)],
                            acc.at[pl.ds((NS - 1) * RPT, RPT_LAST)])

        plsc.subcore_barrier()

        @pl.loop(0, CH, step=4, unroll=1)
        def _(j):
            for q in range(4):
                jj = j + q
                b = q % 2
                gather_wait(q, b)

                @pl.when(jj + 2 < CH)
                def _():
                    idx_fetch(jj + 2, (q + 2) % 4).start()

                scatter_issue(jj, b)

                @pl.when(jj + 1 < CH)
                def _():
                    idx_fetch(jj + 1, (q + 1) % 4).wait()

                    @pl.when(jj >= 1)
                    def _():
                        scatter_wait(jj - 1, 1 - b)

                    gather_issue((q + 1) % 4, 1 - b)

        scatter_wait(CH - 1, (CH - 1) % 2)
        plsc.subcore_barrier()

        out_hbms = (out0_hbm, out1_hbm)
        for ci in range(NC):

            @pl.when(c == ci)
            def _(ci=ci):

                @pl.when(s < NS - 1)
                def _():
                    rows = pl.ds(s * RPT, RPT)
                    pltpu.sync_copy(acc.at[rows], out_hbms[ci].at[rows])

                @pl.when(s == NS - 1)
                def _():
                    rows = pl.ds((NS - 1) * RPT, RPT_LAST)
                    pltpu.sync_copy(acc.at[rows], out_hbms[ci].at[rows])

    return sc_segment_sum


_sc_segment_sum_cache = []


def _sc_segment_sum(*args):
    if not _sc_segment_sum_cache:
        _sc_segment_sum_cache.append(_build_sc_segment_sum())
    return _sc_segment_sum_cache[0](*args)


def _mlp_body(x_ref, a0_ref, a1_ref, w1_ref, b1_ref, w2_ref, b2_ref,
              g_ref, bt_ref, mn_ref, vr_ref, o_ref):
    a = x_ref[...] + a0_ref[...] + a1_ref[...]
    t = lax.dot_general(a, w1_ref[...], (((1,), (0,)), ((), ())),
                        preferred_element_type=jnp.float32)
    t = jnp.maximum(t + b1_ref[...], 0.0)
    h = lax.dot_general(t, w2_ref[...], (((1,), (0,)), ((), ())),
                        preferred_element_type=jnp.float32)
    h = h + b2_ref[...]
    h = (h - mn_ref[...]) * lax.rsqrt(vr_ref[...] + 1e-5) * g_ref[...] + bt_ref[...]
    o_ref[...] = jnp.maximum(h, 0.0)


_vec_spec = pl.BlockSpec((1, D), lambda i: (0, 0))
_w_spec = pl.BlockSpec((D, D), lambda i: (0, 0))
_row_spec = pl.BlockSpec((BLK, D), lambda i: (i, 0))

_mlp = pl.pallas_call(
    _mlp_body,
    grid=(N // BLK,),
    in_specs=[_row_spec, _row_spec, _row_spec,
              _w_spec, _vec_spec, _w_spec, _vec_spec,
              _vec_spec, _vec_spec, _vec_spec, _vec_spec],
    out_specs=_row_spec,
    out_shape=jax.ShapeDtypeStruct((N, D), jnp.float32),
)


def _mlp_pool_body(x_ref, a0_ref, a1_ref, w1_ref, b1_ref, w2_ref, b2_ref,
                   g_ref, bt_ref, mn_ref, vr_ref, wc_ref, bc_ref, o_ref):
    i = pl.program_id(0)
    a = x_ref[...] + a0_ref[...] + a1_ref[...]
    t = lax.dot_general(a, w1_ref[...], (((1,), (0,)), ((), ())),
                        preferred_element_type=jnp.float32)
    t = jnp.maximum(t + b1_ref[...], 0.0)
    h = lax.dot_general(t, w2_ref[...], (((1,), (0,)), ((), ())),
                        preferred_element_type=jnp.float32)
    h = h + b2_ref[...]
    h = (h - mn_ref[...]) * lax.rsqrt(vr_ref[...] + 1e-5) * g_ref[...] + bt_ref[...]
    h = jnp.maximum(h, 0.0)
    part = jnp.sum(h, axis=0, keepdims=True)

    @pl.when(i == 0)
    def _():
        o_ref[...] = part

    @pl.when(i > 0)
    def _():
        o_ref[...] = o_ref[...] + part

    @pl.when(i == N // BLK - 1)
    def _():
        pooled = o_ref[...]
        o_ref[...] = lax.dot_general(
            pooled, wc_ref[...], (((1,), (0,)), ((), ())),
            preferred_element_type=jnp.float32) + bc_ref[...]


_mlp_pool = pl.pallas_call(
    _mlp_pool_body,
    grid=(N // BLK,),
    in_specs=[_row_spec, _row_spec, _row_spec,
              _w_spec, _vec_spec, _w_spec, _vec_spec,
              _vec_spec, _vec_spec, _vec_spec, _vec_spec,
              _w_spec, _vec_spec],
    out_specs=pl.BlockSpec((1, D), lambda i: (0, 0)),
    out_shape=jax.ShapeDtypeStruct((1, D), jnp.float32),
)


def kernel(x, edge_index, W1_0, b1_0, W2_0, b2_0, gamma_0, beta_0, mean_0,
           var_0, W1_1, b1_1, W2_1, b2_1, gamma_1, beta_1, mean_1, var_1,
           W1_2, b1_2, W2_2, b2_2, gamma_2, beta_2, mean_2, var_2, Wc, bc):
    srci = jnp.concatenate(
        [edge_index[0].reshape(NW, CH, C),
         jnp.zeros((NW, CH, CL - C), jnp.int32)], axis=2)
    dsti = edge_index[1].reshape(NW, CH, C)
    zeros = jnp.zeros((RPT, D), jnp.float32)
    h = x

    params = [
        (W1_0, b1_0, W2_0, b2_0, gamma_0, beta_0, mean_0, var_0),
        (W1_1, b1_1, W2_1, b2_1, gamma_1, beta_1, mean_1, var_1),
        (W1_2, b1_2, W2_2, b2_2, gamma_2, beta_2, mean_2, var_2),
    ]

    for li, (W1, b1, W2, b2, g, bt, mn, vr) in enumerate(params):
        a0, a1 = _sc_segment_sum(h, srci, dsti, zeros)
        vecs = [v.reshape(1, D) for v in (b1, b2, g, bt, mn, vr)]
        if li < 2:
            h = _mlp(h, a0, a1, W1, vecs[0], W2, vecs[1],
                     vecs[2], vecs[3], vecs[4], vecs[5])
        else:
            wc_pad = jnp.concatenate(
                [Wc, jnp.zeros((D, D - D_OUT), jnp.float32)], axis=1)
            bc_pad = jnp.concatenate(
                [bc, jnp.zeros((D - D_OUT,), jnp.float32)]).reshape(1, D)
            out = _mlp_pool(h, a0, a1, W1, vecs[0], W2, vecs[1],
                            vecs[2], vecs[3], vecs[4], vecs[5],
                            wc_pad, bc_pad)
    return out[:, :D_OUT]

# --- scband reference (transcript-rebuilt; emitter-appended) ---
"""Pipeline reference for scband-gin-32066225832278 (READ-ONLY COPY).

The authoritative reference and input builder live on the scoring server;
editing this copy changes nothing except your own understanding.
"""

import jax, jax.numpy as jnp
import numpy as np

N = 10000
E = 320000
D_IN = 128
D_H = 128
D_OUT = 64


def setup_inputs(seed: int = 0):
    key = jax.random.key(seed)
    ks = jax.random.split(key, 40)
    inp = {}
    inp["x"] = jax.random.normal(ks[0], (N, D_IN), dtype=jnp.float32)
    inp["edge_index"] = jax.random.randint(ks[1], (2, E), 0, N, dtype=jnp.int32)
    dims = [D_IN, D_H, D_H]
    j = 2
    for i in range(3):
        d_in = dims[i]
        inp[f"W1_{i}"] = jax.random.normal(ks[j], (d_in, D_H), dtype=jnp.float32) * 0.05; j += 1
        inp[f"b1_{i}"] = jnp.zeros((D_H,), dtype=jnp.float32)
        inp[f"W2_{i}"] = jax.random.normal(ks[j], (D_H, D_H), dtype=jnp.float32) * 0.05; j += 1
        inp[f"b2_{i}"] = jnp.zeros((D_H,), dtype=jnp.float32)
        inp[f"gamma_{i}"] = jnp.ones((D_H,), dtype=jnp.float32)
        inp[f"beta_{i}"] = jnp.zeros((D_H,), dtype=jnp.float32)
        inp[f"mean_{i}"] = jnp.zeros((D_H,), dtype=jnp.float32)
        inp[f"var_{i}"] = jnp.ones((D_H,), dtype=jnp.float32)
    inp["Wc"] = jax.random.normal(ks[j], (D_H, D_OUT), dtype=jnp.float32) * 0.05; j += 1
    inp["bc"] = jnp.zeros((D_OUT,), dtype=jnp.float32)
    return inp


def _gin_layer(x, src, dst, W1, b1, W2, b2, gamma, beta, mean, var):
    # GINConv: h = MLP((1 + eps) * x + sum_{j in N(i)} x_j), eps = 0 (default, not trained)
    agg = jax.ops.segment_sum(x[src], dst, num_segments=x.shape[0])
    h = x + agg
    h = jnp.maximum(h @ W1 + b1, 0.0)
    h = h @ W2 + b2
    # BatchNorm1d in eval mode with running stats
    h = (h - mean) / jnp.sqrt(var + 1e-5) * gamma + beta
    # ReLU; dropout is identity in eval mode
    return jnp.maximum(h, 0.0)


def reference(x, edge_index, W1_0, b1_0, W2_0, b2_0, gamma_0, beta_0, mean_0, var_0, W1_1, b1_1, W2_1, b2_1, gamma_1, beta_1, mean_1, var_1, W1_2, b1_2, W2_2, b2_2, gamma_2, beta_2, mean_2, var_2, Wc, bc):
    src = edge_index[0]
    dst = edge_index[1]
    h = _gin_layer(x, src, dst, W1_0, b1_0, W2_0, b2_0, gamma_0, beta_0, mean_0, var_0)
    h = _gin_layer(h, src, dst, W1_1, b1_1, W2_1, b2_1, gamma_1, beta_1, mean_1, var_1)
    h = _gin_layer(h, src, dst, W1_2, b1_2, W2_2, b2_2, gamma_2, beta_2, mean_2, var_2)
    # batch is None -> all nodes belong to graph 0 -> global_add_pool is a full sum
    pooled = jnp.sum(h, axis=0, keepdims=True)
    logits = pooled @ Wc + bc
    return logits

if __name__ == "__main__":
    import jax
    _d = setup_inputs()
    print(jax.jit(kernel)(*tuple(_d.values())))

</pallas_src>

<mosaic_0001>
#map = affine_map<(d0, d1) -> (0, 0)>
#map1 = affine_map<(d0, d1) -> (0, 0, 0)>
module attributes {stable_mosaic.version = 14 : i64} {
  func.func @sc_segment_sum(%arg0: i32, %arg1: i32, %arg2: memref<10000x128xf32, #tpu.memory_space<hbm>>, %arg3: memref<32x80x128xi32, #tpu.memory_space<hbm>>, %arg4: memref<32x80x125xi32, #tpu.memory_space<hbm>>, %arg5: memref<632x128xf32, #tpu.memory_space<hbm>>, %arg6: memref<10000x128xf32, #tpu.memory_space<hbm>>, %arg7: memref<10000x128xf32, #tpu.memory_space<hbm>>, %arg8: memref<4x128xi32, #tpu.memory_space<vmem>>, %arg9: memref<80x125xi32, #tpu.memory_space<vmem>>, %arg10: memref<2x128x128xf32, #tpu.memory_space<vmem>>, %arg11: memref<10000x128xf32, #tpu.memory_space<vmem_shared>>, %arg12: memref<!tpu.dma_semaphore, #tpu.memory_space<semaphore_mem>>, %arg13: memref<!tpu.dma_semaphore, #tpu.memory_space<semaphore_mem>>, %arg14: memref<!tpu.dma_semaphore, #tpu.memory_space<semaphore_mem>>, %arg15: memref<!tpu.dma_semaphore, #tpu.memory_space<semaphore_mem>>, %arg16: memref<!tpu.dma_semaphore, #tpu.memory_space<semaphore_mem>>, %arg17: memref<!tpu.dma_semaphore, #tpu.memory_space<semaphore_mem>>, %arg18: memref<!tpu.dma_semaphore, #tpu.memory_space<semaphore_mem>>, %arg19: memref<!tpu.dma_semaphore, #tpu.memory_space<semaphore_mem>>) attributes {dimension_semantics = [#tpu.dimension_semantics<core_parallel>, #tpu.dimension_semantics<subcore_parallel>], iteration_bounds = array<i64: 2, 16>, scalar_prefetch = 0 : i64, scratch_operands = 12 : i64, tpu.core_type = #tpu.core_type<sc_vector_subcore>, window_params = [{transform_indices = #map}, {transform_indices = #map1}, {transform_indices = #map1}, {transform_indices = #map}, {transform_indices = #map}, {transform_indices = #map}]} {
    %mul3A = arith.constant 16 : i32
    %mul3A_0 = arith.muli %arg0, %mul3A : i32
    %add3A = arith.addi %mul3A_0, %arg1 : i32
    %dma_start3A = arith.constant 0 : i32
    %dma_start3A_1 = arith.constant 0 : i32
    %dma_start3A_2 = arith.constant 0 : i32
    %dma_start3A_3 = tpu.memref_slice %arg8[%dma_start3A_1, %dma_start3A_2] : memref<4x128xi32, #tpu.memory_space<vmem>> -> memref<1x128xi32, #tpu.memory_space<vmem>>
    %dma_start3A_4 = tpu.memref_squeeze %dma_start3A_3 : memref<1x128xi32, #tpu.memory_space<vmem>> -> memref<128xi32, #tpu.memory_space<vmem>>
    %dma_start3A_5 = arith.constant 0 : i32
    %dma_start3A_6 = tpu.memref_slice %arg3[%add3A, %dma_start3A, %dma_start3A_5] : memref<32x80x128xi32, #tpu.memory_space<hbm>> -> memref<1x1x128xi32, #tpu.memory_space<hbm>>
    %dma_start3A_7 = tpu.memref_squeeze %dma_start3A_6 : memref<1x1x128xi32, #tpu.memory_space<hbm>> -> memref<128xi32, #tpu.memory_space<hbm>>
    %dma_start3A_8 = arith.constant 0 : i32
    %dma_start3A_9 = tpu.memref_slice %arg8[%dma_start3A_1, %dma_start3A_8] : memref<4x128xi32, #tpu.memory_space<vmem>> -> memref<1x128xi32, #tpu.memory_space<vmem>>
    %dma_start3A_10 = tpu.memref_squeeze %dma_start3A_9 : memref<1x128xi32, #tpu.memory_space<vmem>> -> memref<128xi32, #tpu.memory_space<vmem>>
    %dma_start3A_11 = arith.constant 0 : i32
    %dma_start3A_12 = tpu.memref_slice %arg3[%add3A, %dma_start3A, %dma_start3A_11] : memref<32x80x128xi32, #tpu.memory_space<hbm>> -> memref<1x1x128xi32, #tpu.memory_space<hbm>>
    %dma_start3A_13 = tpu.memref_squeeze %dma_start3A_12 : memref<1x1x128xi32, #tpu.memory_space<hbm>> -> memref<128xi32, #tpu.memory_space<hbm>>
    tpu.enqueue_dma source(%dma_start3A_13 : memref<128xi32, #tpu.memory_space<hbm>>) target(%dma_start3A_10 : memref<128xi32, #tpu.memory_space<vmem>>) target_semaphore(%arg12 : memref<!tpu.dma_semaphore, #tpu.memory_space<semaphore_mem>>)
    %dma_start3A_14 = arith.constant 1 : i32
    %dma_start3A_15 = arith.constant 1 : i32
    %dma_start3A_16 = arith.constant 0 : i32
    %dma_start3A_17 = tpu.memref_slice %arg8[%dma_start3A_15, %dma_start3A_16] : memref<4x128xi32, #tpu.memory_space<vmem>> -> memref<1x128xi32, #tpu.memory_space<vmem>>
    %dma_start3A_18 = tpu.memref_squeeze %dma_start3A_17 : memref<1x128xi32, #tpu.memory_space<vmem>> -> memref<128xi32, #tpu.memory_space<vmem>>
    %dma_start3A_19 = arith.constant 0 : i32
    %dma_start3A_20 = tpu.memref_slice %arg3[%add3A, %dma_start3A_14, %dma_start3A_19] : memref<32x80x128xi32, #tpu.memory_space<hbm>> -> memref<1x1x128xi32, #tpu.memory_space<hbm>>
    %dma_start3A_21 = tpu.memref_squeeze %dma_start3A_20 : memref<1x1x128xi32, #tpu.memory_space<hbm>> -> memref<128xi32, #tpu.memory_space<hbm>>
    %dma_start3A_22 = arith.constant 0 : i32
    %dma_start3A_23 = tpu.memref_slice %arg8[%dma_start3A_15, %dma_start3A_22] : memref<4x128xi32, #tpu.memory_space<vmem>> -> memref<1x128xi32, #tpu.memory_space<vmem>>
    %dma_start3A_24 = tpu.memref_squeeze %dma_start3A_23 : memref<1x128xi32, #tpu.memory_space<vmem>> -> memref<128xi32, #tpu.memory_space<vmem>>
    %dma_start3A_25 = arith.constant 0 : i32
    %dma_start3A_26 = tpu.memref_slice %arg3[%add3A, %dma_start3A_14, %dma_start3A_25] : memref<32x80x128xi32, #tpu.memory_space<hbm>> -> memref<1x1x128xi32, #tpu.memory_space<hbm>>
    %dma_start3A_27 = tpu.memref_squeeze %dma_start3A_26 : memref<1x1x128xi32, #tpu.memory_space<hbm>> -> memref<128xi32, #tpu.memory_space<hbm>>
    tpu.enqueue_dma source(%dma_start3A_27 : memref<128xi32, #tpu.memory_space<hbm>>) target(%dma_start3A_24 : memref<128xi32, #tpu.memory_space<vmem>>) target_semaphore(%arg13 : memref<!tpu.dma_semaphore, #tpu.memory_space<semaphore_mem>>)
    "tpu.region"() ({
      %run_scoped3A = tpu.sem_alloc : memref<!tpu.dma_semaphore, #tpu.memory_space<semaphore_mem>>
      %dma_start3A_145 = arith.constant 0 : i32
      %dma_start3A_146 = arith.constant 0 : i32
      %dma_start3A_147 = tpu.memref_slice %arg4[%add3A, %dma_start3A_145, %dma_start3A_146] : memref<32x80x125xi32, #tpu.memory_space<hbm>> -> memref<1x80x125xi32, #tpu.memory_space<hbm>>
      %dma_start3A_148 = tpu.memref_squeeze %dma_start3A_147 : memref<1x80x125xi32, #tpu.memory_space<hbm>> -> memref<80x125xi32, #tpu.memory_space<hbm>>
      %dma_start3A_149 = arith.constant 0 : i32
      %dma_start3A_150 = arith.constant 0 : i32
      %dma_start3A_151 = tpu.memref_slice %arg4[%add3A, %dma_start3A_149, %dma_start3A_150] : memref<32x80x125xi32, #tpu.memory_space<hbm>> -> memref<1x80x125xi32, #tpu.memory_space<hbm>>
      %dma_start3A_152 = tpu.memref_squeeze %dma_start3A_151 : memref<1x80x125xi32, #tpu.memory_space<hbm>> -> memref<80x125xi32, #tpu.memory_space<hbm>>
      tpu.enqueue_dma source(%dma_start3A_152 : memref<80x125xi32, #tpu.memory_space<hbm>>) target(%arg9 : memref<80x125xi32, #tpu.memory_space<vmem>>) target_semaphore(%run_scoped3A : memref<!tpu.dma_semaphore, #tpu.memory_space<semaphore_mem>>)
      %dma_wait3A_153 = arith.constant 0 : i32
      %dma_wait3A_154 = arith.constant 0 : i32
      %dma_wait3A_155 = tpu.memref_slice %arg4[%add3A, %dma_wait3A_153, %dma_wait3A_154] : memref<32x80x125xi32, #tpu.memory_space<hbm>> -> memref<1x80x125xi32, #tpu.memory_space<hbm>>
      %dma_wait3A_156 = tpu.memref_squeeze %dma_wait3A_155 : memref<1x80x125xi32, #tpu.memory_space<hbm>> -> memref<80x125xi32, #tpu.memory_space<hbm>>
      %dma_wait3A_157 = arith.constant 0 : i32
      %dma_wait3A_158 = arith.constant 0 : i32
      %dma_wait3A_159 = tpu.memref_slice %arg4[%add3A, %dma_wait3A_157, %dma_wait3A_158] : memref<32x80x125xi32, #tpu.memory_space<hbm>> -> memref<1x80x125xi32, #tpu.memory_space<hbm>>
      %dma_wait3A_160 = tpu.memref_squeeze %dma_wait3A_159 : memref<1x80x125xi32, #tpu.memory_space<hbm>> -> memref<80x125xi32, #tpu.memory_space<hbm>>
      tpu.wait_dma2 semaphore(%run_scoped3A : memref<!tpu.dma_semaphore, #tpu.memory_space<semaphore_mem>>) src(%dma_wait3A_160 : memref<80x125xi32, #tpu.memory_space<hbm>>) dst(%arg9 : memref<80x125xi32, #tpu.memory_space<vmem>>)
      tpu.yield
    }) : () -> ()
    %dma_wait3A = arith.constant 0 : i32
    %dma_wait3A_28 = arith.constant 0 : i32
    %dma_wait3A_29 = arith.constant 0 : i32
    %dma_wait3A_30 = tpu.memref_slice %arg8[%dma_wait3A_28, %dma_wait3A_29] : memref<4x128xi32, #tpu.memory_space<vmem>> -> memref<1x128xi32, #tpu.memory_space<vmem>>
    %dma_wait3A_31 = tpu.memref_squeeze %dma_wait3A_30 : memref<1x128xi32, #tpu.memory_space<vmem>> -> memref<128xi32, #tpu.memory_space<vmem>>
    %dma_wait3A_32 = arith.constant 0 : i32
    %dma_wait3A_33 = tpu.memref_slice %arg3[%add3A, %dma_wait3A, %dma_wait3A_32] : memref<32x80x128xi32, #tpu.memory_space<hbm>> -> memref<1x1x128xi32, #tpu.memory_space<hbm>>
    %dma_wait3A_34 = tpu.memref_squeeze %dma_wait3A_33 : memref<1x1x128xi32, #tpu.memory_space<hbm>> -> memref<128xi32, #tpu.memory_space<hbm>>
    %dma_wait3A_35 = arith.constant 0 : i32
    %dma_wait3A_36 = tpu.memref_slice %arg8[%dma_wait3A_28, %dma_wait3A_35] : memref<4x128xi32, #tpu.memory_space<vmem>> -> memref<1x128xi32, #tpu.memory_space<vmem>>
    %dma_wait3A_37 = tpu.memref_squeeze %dma_wait3A_36 : memref<1x128xi32, #tpu.memory_space<vmem>> -> memref<128xi32, #tpu.memory_space<vmem>>
    %dma_wait3A_38 = arith.constant 0 : i32
    %dma_wait3A_39 = tpu.memref_slice %arg3[%add3A, %dma_wait3A, %dma_wait3A_38] : memref<32x80x128xi32, #tpu.memory_space<hbm>> -> memref<1x1x128xi32, #tpu.memory_space<hbm>>
    %dma_wait3A_40 = tpu.memref_squeeze %dma_wait3A_39 : memref<1x1x128xi32, #tpu.memory_space<hbm>> -> memref<128xi32, #tpu.memory_space<hbm>>
    tpu.wait_dma2 semaphore(%arg12 : memref<!tpu.dma_semaphore, #tpu.memory_space<semaphore_mem>>) src(%dma_wait3A_40 : memref<128xi32, #tpu.memory_space<hbm>>) dst(%dma_wait3A_37 : memref<128xi32, #tpu.memory_space<vmem>>)
    %dma_start3A_41 = arith.constant 0 : i32
    %dma_start3A_42 = arith.constant 0 : i32
    %dma_start3A_43 = arith.constant 0 : i32
    %dma_start3A_44 = arith.constant 0 : i32
    %dma_start3A_45 = tpu.memref_slice %arg10[%dma_start3A_42, %dma_start3A_43, %dma_start3A_44] : memref<2x128x128xf32, #tpu.memory_space<vmem>> -> memref<1x128x128xf32, #tpu.memory_space<vmem>>
    %dma_start3A_46 = tpu.memref_squeeze %dma_start3A_45 : memref<1x128x128xf32, #tpu.memory_space<vmem>> -> memref<128x128xf32, #tpu.memory_space<vmem>>
    %dma_start3A_47 = arith.constant 0 : i32
    %dma_start3A_48 = arith.constant 0 : i32
    %dma_start3A_49 = tpu.memref_slice %dma_start3A_46[%dma_start3A_47, %dma_start3A_48] : memref<128x128xf32, #tpu.memory_space<vmem>> -> memref<32x128xf32, #tpu.memory_space<vmem>>
    %dma_start3A_50 = arith.constant 0 : i32
    %dma_start3A_51 = tpu.memref_slice %arg8[%dma_start3A_41, %dma_start3A_50] : memref<4x128xi32, #tpu.memory_space<vmem>> -> memref<1x128xi32, #tpu.memory_space<vmem>>
    %dma_start3A_52 = tpu.memref_squeeze %dma_start3A_51 : memref<1x128xi32, #tpu.memory_space<vmem>> -> memref<128xi32, #tpu.memory_space<vmem>>
    %dma_start3A_53 = arith.constant 0 : i32
    %dma_start3A_54 = tpu.memref_slice %dma_start3A_52[%dma_start3A_53] : memref<128xi32, #tpu.memory_space<vmem>> -> memref<32xi32, #tpu.memory_space<vmem>>
    %dma_start3A_55 = arith.constant 0 : i32
    %dma_start3A_56 = arith.constant 0 : i32
    %dma_start3A_57 = tpu.memref_slice %arg2[%dma_start3A_55, %dma_start3A_56] : memref<10000x128xf32, #tpu.memory_space<hbm>> -> memref<10000x128xf32, #tpu.memory_space<hbm>>
    tpu.enqueue_indirect_dma source(%dma_start3A_57 : memref<10000x128xf32, #tpu.memory_space<hbm>>) target(%dma_start3A_49 : memref<32x128xf32, #tpu.memory_space<vmem>>) offsets(%dma_start3A_54 : memref<32xi32, #tpu.memory_space<vmem>>) semaphore(%arg16 : memref<!tpu.dma_semaphore, #tpu.memory_space<semaphore_mem>>)
    %dma_start3A_58 = arith.constant 0 : i32
    %dma_start3A_59 = arith.constant 0 : i32
    %dma_start3A_60 = arith.constant 0 : i32
    %dma_start3A_61 = arith.constant 0 : i32
    %dma_start3A_62 = tpu.memref_slice %arg10[%dma_start3A_59, %dma_start3A_60, %dma_start3A_61] : memref<2x128x128xf32, #tpu.memory_space<vmem>> -> memref<1x128x128xf32, #tpu.memory_space<vmem>>
    %dma_start3A_63 = tpu.memref_squeeze %dma_start3A_62 : memref<1x128x128xf32, #tpu.memory_space<vmem>> -> memref<128x128xf32, #tpu.memory_space<vmem>>
    %dma_start3A_64 = arith.constant 32 : i32
    %dma_start3A_65 = arith.constant 0 : i32
    %dma_start3A_66 = tpu.memref_slice %dma_start3A_63[%dma_start3A_64, %dma_start3A_65] : memref<128x128xf32, #tpu.memory_space<vmem>> -> memref<32x128xf32, #tpu.memory_space<vmem>>
    %dma_start3A_67 = arith.constant 0 : i32
    %dma_start3A_68 = tpu.memref_slice %arg8[%dma_start3A_58, %dma_start3A_67] : memref<4x128xi32, #tpu.memory_space<vmem>> -> memref<1x128xi32, #tpu.memory_space<vmem>>
    %dma_start3A_69 = tpu.memref_squeeze %dma_start3A_68 : memref<1x128xi32, #tpu.memory_space<vmem>> -> memref<128xi32, #tpu.memory_space<vmem>>
    %dma_start3A_70 = arith.constant 32 : i32
    %dma_start3A_71 = tpu.memref_slice %dma_start3A_69[%dma_start3A_70] : memref<128xi32, #tpu.memory_space<vmem>> -> memref<32xi32, #tpu.memory_space<vmem>>
    %dma_start3A_72 = arith.constant 0 : i32
    %dma_start3A_73 = arith.constant 0 : i32
    %dma_start3A_74 = tpu.memref_slice %arg2[%dma_start3A_72, %dma_start3A_73] : memref<10000x128xf32, #tpu.memory_space<hbm>> -> memref<10000x128xf32, #tpu.memory_space<hbm>>
    tpu.enqueue_indirect_dma source(%dma_start3A_74 : memref<10000x128xf32, #tpu.memory_space<hbm>>) target(%dma_start3A_66 : memref<32x128xf32, #tpu.memory_space<vmem>>) offsets(%dma_start3A_71 : memref<32xi32, #tpu.memory_space<vmem>>) semaphore(%arg16 : memref<!tpu.dma_semaphore, #tpu.memory_space<semaphore_mem>>)
    %dma_start3A_75 = arith.constant 0 : i32
    %dma_start3A_76 = arith.constant 0 : i32
    %dma_start3A_77 = arith.constant 0 : i32
    %dma_start3A_78 = arith.constant 0 : i32
    %dma_start3A_79 = tpu.memref_slice %arg10[%dma_start3A_76, %dma_start3A_77, %dma_start3A_78] : memref<2x128x128xf32, #tpu.memory_space<vmem>> -> memref<1x128x128xf32, #tpu.memory_space<vmem>>
    %dma_start3A_80 = tpu.memref_squeeze %dma_start3A_79 : memref<1x128x128xf32, #tpu.memory_space<vmem>> -> memref<128x128xf32, #tpu.memory_space<vmem>>
    %dma_start3A_81 = arith.constant 64 : i32
    %dma_start3A_82 = arith.constant 0 : i32
    %dma_start3A_83 = tpu.memref_slice %dma_start3A_80[%dma_start3A_81, %dma_start3A_82] : memref<128x128xf32, #tpu.memory_space<vmem>> -> memref<32x128xf32, #tpu.memory_space<vmem>>
    %dma_start3A_84 = arith.constant 0 : i32
    %dma_start3A_85 = tpu.memref_slice %arg8[%dma_start3A_75, %dma_start3A_84] : memref<4x128xi32, #tpu.memory_space<vmem>> -> memref<1x128xi32, #tpu.memory_space<vmem>>
    %dma_start3A_86 = tpu.memref_squeeze %dma_start3A_85 : memref<1x128xi32, #tpu.memory_space<vmem>> -> memref<128xi32, #tpu.memory_space<vmem>>
    %dma_start3A_87 = arith.constant 64 : i32
    %dma_start3A_88 = tpu.memref_slice %dma_start3A_86[%dma_start3A_87] : memref<128xi32, #tpu.memory_space<vmem>> -> memref<32xi32, #tpu.memory_space<vmem>>
    %dma_start3A_89 = arith.constant 0 : i32
    %dma_start3A_90 = arith.constant 0 : i32
    %dma_start3A_91 = tpu.memref_slice %arg2[%dma_start3A_89, %dma_start3A_90] : memref<10000x128xf32, #tpu.memory_space<hbm>> -> memref<10000x128xf32, #tpu.memory_space<hbm>>
    tpu.enqueue_indirect_dma source(%dma_start3A_91 : memref<10000x128xf32, #tpu.memory_space<hbm>>) target(%dma_start3A_83 : memref<32x128xf32, #tpu.memory_space<vmem>>) offsets(%dma_start3A_88 : memref<32xi32, #tpu.memory_space<vmem>>) semaphore(%arg16 : memref<!tpu.dma_semaphore, #tpu.memory_space<semaphore_mem>>)
    %dma_start3A_92 = arith.constant 0 : i32
    %dma_start3A_93 = arith.constant 0 : i32
    %dma_start3A_94 = arith.constant 0 : i32
    %dma_start3A_95 = arith.constant 0 : i32
    %dma_start3A_96 = tpu.memref_slice %arg10[%dma_start3A_93, %dma_start3A_94, %dma_start3A_95] : memref<2x128x128xf32, #tpu.memory_space<vmem>> -> memref<1x128x128xf32, #tpu.memory_space<vmem>>
    %dma_start3A_97 = tpu.memref_squeeze %dma_start3A_96 : memref<1x128x128xf32, #tpu.memory_space<vmem>> -> memref<128x128xf32, #tpu.memory_space<vmem>>
    %dma_start3A_98 = arith.constant 96 : i32
    %dma_start3A_99 = arith.constant 0 : i32
    %dma_start3A_100 = tpu.memref_slice %dma_start3A_97[%dma_start3A_98, %dma_start3A_99] : memref<128x128xf32, #tpu.memory_space<vmem>> -> memref<32x128xf32, #tpu.memory_space<vmem>>
    %dma_start3A_101 = arith.constant 0 : i32
    %dma_start3A_102 = tpu.memref_slice %arg8[%dma_start3A_92, %dma_start3A_101] : memref<4x128xi32, #tpu.memory_space<vmem>> -> memref<1x128xi32, #tpu.memory_space<vmem>>
    %dma_start3A_103 = tpu.memref_squeeze %dma_start3A_102 : memref<1x128xi32, #tpu.memory_space<vmem>> -> memref<128xi32, #tpu.memory_space<vmem>>
    %dma_start3A_104 = arith.constant 96 : i32
    %dma_start3A_105 = tpu.memref_slice %dma_start3A_103[%dma_start3A_104] : memref<128xi32, #tpu.memory_space<vmem>> -> memref<32xi32, #tpu.memory_space<vmem>>
    %dma_start3A_106 = arith.constant 0 : i32
    %dma_start3A_107 = arith.constant 0 : i32
    %dma_start3A_108 = tpu.memref_slice %arg2[%dma_start3A_106, %dma_start3A_107] : memref<10000x128xf32, #tpu.memory_space<hbm>> -> memref<10000x128xf32, #tpu.memory_space<hbm>>
    tpu.enqueue_indirect_dma source(%dma_start3A_108 : memref<10000x128xf32, #tpu.memory_space<hbm>>) target(%dma_start3A_100 : memref<32x128xf32, #tpu.memory_space<vmem>>) offsets(%dma_start3A_105 : memref<32xi32, #tpu.memory_space<vmem>>) semaphore(%arg16 : memref<!tpu.dma_semaphore, #tpu.memory_space<semaphore_mem>>)
    %lt3A = arith.constant 15 : i32
    %lt3A_109 = arith.cmpi slt, %arg1, %lt3A : i32
    %convert_element_type3A = arith.extui %lt3A_109 : i1 to i32
    %cond3A = arith.constant 0 : i32
    %cond3A_110 = arith.cmpi ne, %convert_element_type3A, %cond3A : i32
    scf.if %cond3A_110 {
      %mul3A_145 = arith.constant 632 : i32
      %mul3A_146 = arith.muli %arg1, %mul3A_145 : i32
      "tpu.region"() ({
        %run_scoped3A = tpu.sem_alloc : memref<!tpu.dma_semaphore, #tpu.memory_space<semaphore_mem>>
        %dma_start3A_147 = arith.constant 0 : i32
        %dma_start3A_148 = tpu.memref_slice %arg11[%mul3A_146, %dma_start3A_147] : memref<10000x128xf32, #tpu.memory_space<vmem_shared>> -> memref<632x128xf32, #tpu.memory_space<vmem_shared>>
        tpu.enqueue_dma source(%arg5 : memref<632x128xf32, #tpu.memory_space<hbm>>) target(%dma_start3A_148 : memref<632x128xf32, #tpu.memory_space<vmem_shared>>) target_semaphore(%run_scoped3A : memref<!tpu.dma_semaphore, #tpu.memory_space<semaphore_mem>>)
        %dma_wait3A_149 = arith.constant 0 : i32
        %dma_wait3A_150 = tpu.memref_slice %arg11[%mul3A_146, %dma_wait3A_149] : memref<10000x128xf32, #tpu.memory_space<vmem_shared>> -> memref<632x128xf32, #tpu.memory_space<vmem_shared>>
        tpu.wait_dma2 semaphore(%run_scoped3A : memref<!tpu.dma_semaphore, #tpu.memory_space<semaphore_mem>>) src(%arg5 : memref<632x128xf32, #tpu.memory_space<hbm>>) dst(%dma_wait3A_150 : memref<632x128xf32, #tpu.memory_space<vmem_shared>>)
        tpu.yield
      }) : () -> ()
    } else {
    }
    %eq3A = arith.constant 15 : i32
    %eq3A_111 = arith.cmpi eq, %arg1, %eq3A : i32
    %convert_element_type3A_112 = arith.extui %eq3A_111 : i1 to i32
    %cond3A_113 = arith.constant 0 : i32
    %cond3A_114 = arith.cmpi ne, %convert_element_type3A_112, %cond3A_113 : i32
    scf.if %cond3A_114 {
      "tpu.region"() ({
        %run_scoped3A = tpu.sem_alloc : memref<!tpu.dma_semaphore, #tpu.memory_space<semaphore_mem>>
        %dma_start3A_145 = arith.constant 9480 : i32
        %dma_start3A_146 = arith.constant 0 : i32
        %dma_start3A_147 = tpu.memref_slice %arg11[%dma_start3A_145, %dma_start3A_146] : memref<10000x128xf32, #tpu.memory_space<vmem_shared>> -> memref<520x128xf32, #tpu.memory_space<vmem_shared>>
        %dma_start3A_148 = arith.constant 0 : i32
        %dma_start3A_149 = arith.constant 0 : i32
        %dma_start3A_150 = tpu.memref_slice %arg5[%dma_start3A_148, %dma_start3A_149] : memref<632x128xf32, #tpu.memory_space<hbm>> -> memref<520x128xf32, #tpu.memory_space<hbm>>
        tpu.enqueue_dma source(%dma_start3A_150 : memref<520x128xf32, #tpu.memory_space<hbm>>) target(%dma_start3A_147 : memref<520x128xf32, #tpu.memory_space<vmem_shared>>) target_semaphore(%run_scoped3A : memref<!tpu.dma_semaphore, #tpu.memory_space<semaphore_mem>>)
        %dma_wait3A_151 = arith.constant 9480 : i32
        %dma_wait3A_152 = arith.constant 0 : i32
        %dma_wait3A_153 = tpu.memref_slice %arg11[%dma_wait3A_151, %dma_wait3A_152] : memref<10000x128xf32, #tpu.memory_space<vmem_shared>> -> memref<520x128xf32, #tpu.memory_space<vmem_shared>>
        %dma_wait3A_154 = arith.constant 0 : i32
        %dma_wait3A_155 = arith.constant 0 : i32
        %dma_wait3A_156 = tpu.memref_slice %arg5[%dma_wait3A_154, %dma_wait3A_155] : memref<632x128xf32, #tpu.memory_space<hbm>> -> memref<520x128xf32, #tpu.memory_space<hbm>>
        tpu.wait_dma2 semaphore(%run_scoped3A : memref<!tpu.dma_semaphore, #tpu.memory_space<semaphore_mem>>) src(%dma_wait3A_156 : memref<520x128xf32, #tpu.memory_space<hbm>>) dst(%dma_wait3A_153 : memref<520x128xf32, #tpu.memory_space<vmem_shared>>)
        tpu.yield
      }) : () -> ()
    } else {
    }
    %barrier3A = arith.constant 0 : index
    tpu.barrier barrier_id(%barrier3A)
    %scan3A = arith.constant 0 : i32
    %scan3A_115 = arith.constant 20 : i32
    %scan3A_116 = arith.addi %scan3A, %scan3A_115 : i32
    %scan3A_117 = arith.constant 1 : i32
    scf.for %scan3A_145 = %scan3A to %scan3A_116 step %scan3A_117  : i32 {
      %mul3A_146 = arith.constant 4 : i32
      %mul3A_147 = arith.muli %scan3A_145, %mul3A_146 : i32
      %add3A_148 = arith.constant 0 : i32
      %add3A_149 = arith.addi %add3A_148, %mul3A_147 : i32
      %add3A_150 = arith.constant 0 : i32
      %add3A_151 = arith.addi %add3A_149, %add3A_150 : i32
      %dma_wait3A_152 = arith.constant 0 : i32
      %dma_wait3A_153 = arith.constant 0 : i32
      %dma_wait3A_154 = arith.constant 0 : i32
      %dma_wait3A_155 = arith.constant 0 : i32
      %dma_wait3A_156 = tpu.memref_slice %arg10[%dma_wait3A_153, %dma_wait3A_154, %dma_wait3A_155] : memref<2x128x128xf32, #tpu.memory_space<vmem>> -> memref<1x128x128xf32, #tpu.memory_space<vmem>>
      %dma_wait3A_157 = tpu.memref_squeeze %dma_wait3A_156 : memref<1x128x128xf32, #tpu.memory_space<vmem>> -> memref<128x128xf32, #tpu.memory_space<vmem>>
      %dma_wait3A_158 = arith.constant 0 : i32
      %dma_wait3A_159 = tpu.memref_slice %arg8[%dma_wait3A_152, %dma_wait3A_158] : memref<4x128xi32, #tpu.memory_space<vmem>> -> memref<1x128xi32, #tpu.memory_space<vmem>>
      %dma_wait3A_160 = tpu.memref_squeeze %dma_wait3A_159 : memref<1x128xi32, #tpu.memory_space<vmem>> -> memref<128xi32, #tpu.memory_space<vmem>>
      %dma_wait3A_161 = arith.constant 0 : i32
      %dma_wait3A_162 = arith.constant 0 : i32
      %dma_wait3A_163 = tpu.memref_slice %arg2[%dma_wait3A_161, %dma_wait3A_162] : memref<10000x128xf32, #tpu.memory_space<hbm>> -> memref<10000x128xf32, #tpu.memory_space<hbm>>
      tpu.wait_indirect_dma semaphore(%arg16 : memref<!tpu.dma_semaphore, #tpu.memory_space<semaphore_mem>>) src(%dma_wait3A_163 : memref<10000x128xf32, #tpu.memory_space<hbm>>) dst(%dma_wait3A_157 : memref<128x128xf32, #tpu.memory_space<vmem>>)
      %add3A_164 = arith.constant 2 : i32
      %add3A_165 = arith.addi %add3A_151, %add3A_164 : i32
      %lt3A_166 = arith.constant 80 : i32
      %lt3A_167 = arith.cmpi slt, %add3A_165, %lt3A_166 : i32
      %convert_element_type3A_168 = arith.extui %lt3A_167 : i1 to i32
      %cond3A_169 = arith.constant 0 : i32
      %cond3A_170 = arith.cmpi ne, %convert_element_type3A_168, %cond3A_169 : i32
      scf.if %cond3A_170 {
        %add3A_318 = arith.constant 2 : i32
        %add3A_319 = arith.addi %add3A_151, %add3A_318 : i32
        %dma_start3A_320 = arith.constant 2 : i32
        %dma_start3A_321 = arith.constant 0 : i32
        %dma_start3A_322 = tpu.memref_slice %arg8[%dma_start3A_320, %dma_start3A_321] : memref<4x128xi32, #tpu.memory_space<vmem>> -> memref<1x128xi32, #tpu.memory_space<vmem>>
        %dma_start3A_323 = tpu.memref_squeeze %dma_start3A_322 : memref<1x128xi32, #tpu.memory_space<vmem>> -> memref<128xi32, #tpu.memory_space<vmem>>
        %dma_start3A_324 = arith.constant 0 : i32
        %dma_start3A_325 = tpu.memref_slice %arg3[%add3A, %add3A_319, %dma_start3A_324] : memref<32x80x128xi32, #tpu.memory_space<hbm>> -> memref<1x1x128xi32, #tpu.memory_space<hbm>>
        %dma_start3A_326 = tpu.memref_squeeze %dma_start3A_325 : memref<1x1x128xi32, #tpu.memory_space<hbm>> -> memref<128xi32, #tpu.memory_space<hbm>>
        %dma_start3A_327 = arith.constant 0 : i32
        %dma_start3A_328 = tpu.memref_slice %arg8[%dma_start3A_320, %dma_start3A_327] : memref<4x128xi32, #tpu.memory_space<vmem>> -> memref<1x128xi32, #tpu.memory_space<vmem>>
        %dma_start3A_329 = tpu.memref_squeeze %dma_start3A_328 : memref<1x128xi32, #tpu.memory_space<vmem>> -> memref<128xi32, #tpu.memory_space<vmem>>
        %dma_start3A_330 = arith.constant 0 : i32
        %dma_start3A_331 = tpu.memref_slice %arg3[%add3A, %add3A_319, %dma_start3A_330] : memref<32x80x128xi32, #tpu.memory_space<hbm>> -> memref<1x1x128xi32, #tpu.memory_space<hbm>>
        %dma_start3A_332 = tpu.memref_squeeze %dma_start3A_331 : memref<1x1x128xi32, #tpu.memory_space<hbm>> -> memref<128xi32, #tpu.memory_space<hbm>>
        tpu.enqueue_dma source(%dma_start3A_332 : memref<128xi32, #tpu.memory_space<hbm>>) target(%dma_start3A_329 : memref<128xi32, #tpu.memory_space<vmem>>) target_semaphore(%arg14 : memref<!tpu.dma_semaphore, #tpu.memory_space<semaphore_mem>>)
      } else {
      }
      %dma_start3A_171 = arith.constant 0 : i32
      %dma_start3A_172 = arith.constant 0 : i32
      %dma_start3A_173 = arith.constant 0 : i32
      %dma_start3A_174 = tpu.memref_slice %arg10[%dma_start3A_171, %dma_start3A_172, %dma_start3A_173] : memref<2x128x128xf32, #tpu.memory_space<vmem>> -> memref<1x128x128xf32, #tpu.memory_space<vmem>>
      %dma_start3A_175 = tpu.memref_squeeze %dma_start3A_174 : memref<1x128x128xf32, #tpu.memory_space<vmem>> -> memref<128x128xf32, #tpu.memory_space<vmem>>
      %dma_start3A_176 = arith.constant 0 : i32
      %dma_start3A_177 = arith.constant 0 : i32
      %dma_start3A_178 = tpu.memref_slice %dma_start3A_175[%dma_start3A_176, %dma_start3A_177] : memref<128x128xf32, #tpu.memory_space<vmem>> -> memref<125x128xf32, #tpu.memory_space<vmem>>
      %dma_start3A_179 = arith.constant 0 : i32
      %dma_start3A_180 = tpu.memref_slice %arg9[%add3A_151, %dma_start3A_179] : memref<80x125xi32, #tpu.memory_space<vmem>> -> memref<1x125xi32, #tpu.memory_space<vmem>>
      %dma_start3A_181 = tpu.memref_squeeze %dma_start3A_180 : memref<1x125xi32, #tpu.memory_space<vmem>> -> memref<125xi32, #tpu.memory_space<vmem>>
      %dma_start3A_182 = arith.constant 0 : i32
      %dma_start3A_183 = arith.constant 0 : i32
      %dma_start3A_184 = tpu.memref_slice %arg11[%dma_start3A_182, %dma_start3A_183] : memref<10000x128xf32, #tpu.memory_space<vmem_shared>> -> memref<10000x128xf32, #tpu.memory_space<vmem_shared>>
      tpu.enqueue_indirect_dma source(%dma_start3A_178 : memref<125x128xf32, #tpu.memory_space<vmem>>) target(%dma_start3A_184 : memref<10000x128xf32, #tpu.memory_space<vmem_shared>>) offsets(%dma_start3A_181 : memref<125xi32, #tpu.memory_space<vmem>>) semaphore(%arg18 : memref<!tpu.dma_semaphore, #tpu.memory_space<semaphore_mem>>) {add = true}
      %add3A_185 = arith.constant 1 : i32
      %add3A_186 = arith.addi %add3A_151, %add3A_185 : i32
      %lt3A_187 = arith.constant 80 : i32
      %lt3A_188 = arith.cmpi slt, %add3A_186, %lt3A_187 : i32
      %convert_element_type3A_189 = arith.extui %lt3A_188 : i1 to i32
      %cond3A_190 = arith.constant 0 : i32
      %cond3A_191 = arith.cmpi ne, %convert_element_type3A_189, %cond3A_190 : i32
      scf.if %cond3A_191 {
        %add3A_318 = arith.constant 1 : i32
        %add3A_319 = arith.addi %add3A_151, %add3A_318 : i32
        %dma_wait3A_320 = arith.constant 1 : i32
        %dma_wait3A_321 = arith.constant 0 : i32
        %dma_wait3A_322 = tpu.memref_slice %arg8[%dma_wait3A_320, %dma_wait3A_321] : memref<4x128xi32, #tpu.memory_space<vmem>> -> memref<1x128xi32, #tpu.memory_space<vmem>>
        %dma_wait3A_323 = tpu.memref_squeeze %dma_wait3A_322 : memref<1x128xi32, #tpu.memory_space<vmem>> -> memref<128xi32, #tpu.memory_space<vmem>>
        %dma_wait3A_324 = arith.constant 0 : i32
        %dma_wait3A_325 = tpu.memref_slice %arg3[%add3A, %add3A_319, %dma_wait3A_324] : memref<32x80x128xi32, #tpu.memory_space<hbm>> -> memref<1x1x128xi32, #tpu.memory_space<hbm>>
        %dma_wait3A_326 = tpu.memref_squeeze %dma_wait3A_325 : memref<1x1x128xi32, #tpu.memory_space<hbm>> -> memref<128xi32, #tpu.memory_space<hbm>>
        %dma_wait3A_327 = arith.constant 0 : i32
        %dma_wait3A_328 = tpu.memref_slice %arg8[%dma_wait3A_320, %dma_wait3A_327] : memref<4x128xi32, #tpu.memory_space<vmem>> -> memref<1x128xi32, #tpu.memory_space<vmem>>
        %dma_wait3A_329 = tpu.memref_squeeze %dma_wait3A_328 : memref<1x128xi32, #tpu.memory_space<vmem>> -> memref<128xi32, #tpu.memory_space<vmem>>
        %dma_wait3A_330 = arith.constant 0 : i32
        %dma_wait3A_331 = tpu.memref_slice %arg3[%add3A, %add3A_319, %dma_wait3A_330] : memref<32x80x128xi32, #tpu.memory_space<hbm>> -> memref<1x1x128xi32, #tpu.memory_space<hbm>>
        %dma_wait3A_332 = tpu.memref_squeeze %dma_wait3A_331 : memref<1x1x128xi32, #tpu.memory_space<hbm>> -> memref<128xi32, #tpu.memory_space<hbm>>
        tpu.wait_dma2 semaphore(%arg13 : memref<!tpu.dma_semaphore, #tpu.memory_space<semaphore_mem>>) src(%dma_wait3A_332 : memref<128xi32, #tpu.memory_space<hbm>>) dst(%dma_wait3A_329 : memref<128xi32, #tpu.memory_space<vmem>>)
        %ge3A = arith.constant 1 : i32
        %ge3A_333 = arith.cmpi sge, %add3A_151, %ge3A : i32
        %convert_element_type3A_334 = arith.extui %ge3A_333 : i1 to i32
        %cond3A_335 = arith.constant 0 : i32
        %cond3A_336 = arith.cmpi ne, %convert_element_type3A_334, %cond3A_335 : i32
        scf.if %cond3A_336 {
          %sub3A = arith.constant 1 : i32
          %sub3A_405 = arith.subi %add3A_151, %sub3A : i32
          %dma_wait3A_406 = arith.constant 1 : i32
          %dma_wait3A_407 = arith.constant 0 : i32
          %dma_wait3A_408 = arith.constant 0 : i32
          %dma_wait3A_409 = tpu.memref_slice %arg10[%dma_wait3A_406, %dma_wait3A_407, %dma_wait3A_408] : memref<2x128x128xf32, #tpu.memory_space<vmem>> -> memref<1x128x128xf32, #tpu.memory_space<vmem>>
          %dma_wait3A_410 = tpu.memref_squeeze %dma_wait3A_409 : memref<1x128x128xf32, #tpu.memory_space<vmem>> -> memref<128x128xf32, #tpu.memory_space<vmem>>
          %dma_wait3A_411 = arith.constant 0 : i32
          %dma_wait3A_412 = arith.constant 0 : i32
          %dma_wait3A_413 = tpu.memref_slice %dma_wait3A_410[%dma_wait3A_411, %dma_wait3A_412] : memref<128x128xf32, #tpu.memory_space<vmem>> -> memref<125x128xf32, #tpu.memory_space<vmem>>
          %dma_wait3A_414 = arith.constant 0 : i32
          %dma_wait3A_415 = tpu.memref_slice %arg9[%sub3A_405, %dma_wait3A_414] : memref<80x125xi32, #tpu.memory_space<vmem>> -> memref<1x125xi32, #tpu.memory_space<vmem>>
          %dma_wait3A_416 = tpu.memref_squeeze %dma_wait3A_415 : memref<1x125xi32, #tpu.memory_space<vmem>> -> memref<125xi32, #tpu.memory_space<vmem>>
          %dma_wait3A_417 = arith.constant 0 : i32
          %dma_wait3A_418 = arith.constant 0 : i32
          %dma_wait3A_419 = tpu.memref_slice %arg11[%dma_wait3A_417, %dma_wait3A_418] : memref<10000x128xf32, #tpu.memory_space<vmem_shared>> -> memref<10000x128xf32, #tpu.memory_space<vmem_shared>>
          tpu.wait_indirect_dma semaphore(%arg19 : memref<!tpu.dma_semaphore, #tpu.memory_space<semaphore_mem>>) src(%dma_wait3A_413 : memref<125x128xf32, #tpu.memory_space<vmem>>) dst(%dma_wait3A_419 : memref<10000x128xf32, #tpu.memory_space<vmem_shared>>)
        } else {
        }
        %dma_start3A_337 = arith.constant 1 : i32
        %dma_start3A_338 = arith.constant 1 : i32
        %dma_start3A_339 = arith.constant 0 : i32
        %dma_start3A_340 = arith.constant 0 : i32
        %dma_start3A_341 = tpu.memref_slice %arg10[%dma_start3A_338, %dma_start3A_339, %dma_start3A_340] : memref<2x128x128xf32, #tpu.memory_space<vmem>> -> memref<1x128x128xf32, #tpu.memory_space<vmem>>
        %dma_start3A_342 = tpu.memref_squeeze %dma_start3A_341 : memref<1x128x128xf32, #tpu.memory_space<vmem>> -> memref<128x128xf32, #tpu.memory_space<vmem>>
        %dma_start3A_343 = arith.constant 0 : i32
        %dma_start3A_344 = arith.constant 0 : i32
        %dma_start3A_345 = tpu.memref_slice %dma_start3A_342[%dma_start3A_343, %dma_start3A_344] : memref<128x128xf32, #tpu.memory_space<vmem>> -> memref<32x128xf32, #tpu.memory_space<vmem>>
        %dma_start3A_346 = arith.constant 0 : i32
        %dma_start3A_347 = tpu.memref_slice %arg8[%dma_start3A_337, %dma_start3A_346] : memref<4x128xi32, #tpu.memory_space<vmem>> -> memref<1x128xi32, #tpu.memory_space<vmem>>
        %dma_start3A_348 = tpu.memref_squeeze %dma_start3A_347 : memref<1x128xi32, #tpu.memory_space<vmem>> -> memref<128xi32, #tpu.memory_space<vmem>>
        %dma_start3A_349 = arith.constant 0 : i32
        %dma_start3A_350 = tpu.memref_slice %dma_start3A_348[%dma_start3A_349] : memref<128xi32, #tpu.memory_space<vmem>> -> memref<32xi32, #tpu.memory_space<vmem>>
        %dma_start3A_351 = arith.constant 0 : i32
        %dma_start3A_352 = arith.constant 0 : i32
        %dma_start3A_353 = tpu.memref_slice %arg2[%dma_start3A_351, %dma_start3A_352] : memref<10000x128xf32, #tpu.memory_space<hbm>> -> memref<10000x128xf32, #tpu.memory_space<hbm>>
        tpu.enqueue_indirect_dma source(%dma_start3A_353 : memref<10000x128xf32, #tpu.memory_space<hbm>>) target(%dma_start3A_345 : memref<32x128xf32, #tpu.memory_space<vmem>>) offsets(%dma_start3A_350 : memref<32xi32, #tpu.memory_space<vmem>>) semaphore(%arg17 : memref<!tpu.dma_semaphore, #tpu.memory_space<semaphore_mem>>)
        %dma_start3A_354 = arith.constant 1 : i32
        %dma_start3A_355 = arith.constant 1 : i32
        %dma_start3A_356 = arith.constant 0 : i32
        %dma_start3A_357 = arith.constant 0 : i32
        %dma_start3A_358 = tpu.memref_slice %arg10[%dma_start3A_355, %dma_start3A_356, %dma_start3A_357] : memref<2x128x128xf32, #tpu.memory_space<vmem>> -> memref<1x128x128xf32, #tpu.memory_space<vmem>>
        %dma_start3A_359 = tpu.memref_squeeze %dma_start3A_358 : memref<1x128x128xf32, #tpu.memory_space<vmem>> -> memref<128x128xf32, #tpu.memory_space<vmem>>
        %dma_start3A_360 = arith.constant 32 : i32
        %dma_start3A_361 = arith.constant 0 : i32
        %dma_start3A_362 = tpu.memref_slice %dma_start3A_359[%dma_start3A_360, %dma_start3A_361] : memref<128x128xf32, #tpu.memory_space<vmem>> -> memref<32x128xf32, #tpu.memory_space<vmem>>
        %dma_start3A_363 = arith.constant 0 : i32
        %dma_start3A_364 = tpu.memref_slice %arg8[%dma_start3A_354, %dma_start3A_363] : memref<4x128xi32, #tpu.memory_space<vmem>> -> memref<1x128xi32, #tpu.memory_space<vmem>>
        %dma_start3A_365 = tpu.memref_squeeze %dma_start3A_364 : memref<1x128xi32, #tpu.memory_space<vmem>> -> memref<128xi32, #tpu.memory_space<vmem>>
        %dma_start3A_366 = arith.constant 32 : i32
        %dma_start3A_367 = tpu.memref_slice %dma_start3A_365[%dma_start3A_366] : memref<128xi32, #tpu.memory_space<vmem>> -> memref<32xi32, #tpu.memory_space<vmem>>
        %dma_start3A_368 = arith.constant 0 : i32
        %dma_start3A_369 = arith.constant 0 : i32
        %dma_start3A_370 = tpu.memref_slice %arg2[%dma_start3A_368, %dma_start3A_369] : memref<10000x128xf32, #tpu.memory_space<hbm>> -> memref<10000x128xf32, #tpu.memory_space<hbm>>
        tpu.enqueue_indirect_dma source(%dma_start3A_370 : memref<10000x128xf32, #tpu.memory_space<hbm>>) target(%dma_start3A_362 : memref<32x128xf32, #tpu.memory_space<vmem>>) offsets(%dma_start3A_367 : memref<32xi32, #tpu.memory_space<vmem>>) semaphore(%arg17 : memref<!tpu.dma_semaphore, #tpu.memory_space<semaphore_mem>>)
        %dma_start3A_371 = arith.constant 1 : i32
        %dma_start3A_372 = arith.constant 1 : i32
        %dma_start3A_373 = arith.constant 0 : i32
        %dma_start3A_374 = arith.constant 0 : i32
        %dma_start3A_375 = tpu.memref_slice %arg10[%dma_start3A_372, %dma_start3A_373, %dma_start3A_374] : memref<2x128x128xf32, #tpu.memory_space<vmem>> -> memref<1x128x128xf32, #tpu.memory_space<vmem>>
        %dma_start3A_376 = tpu.memref_squeeze %dma_start3A_375 : memref<1x128x128xf32, #tpu.memory_space<vmem>> -> memref<128x128xf32, #tpu.memory_space<vmem>>
        %dma_start3A_377 = arith.constant 64 : i32
        %dma_start3A_378 = arith.constant 0 : i32
        %dma_start3A_379 = tpu.memref_slice %dma_start3A_376[%dma_start3A_377, %dma_start3A_378] : memref<128x128xf32, #tpu.memory_space<vmem>> -> memref<32x128xf32, #tpu.memory_space<vmem>>
        %dma_start3A_380 = arith.constant 0 : i32
        %dma_start3A_381 = tpu.memref_slice %arg8[%dma_start3A_371, %dma_start3A_380] : memref<4x128xi32, #tpu.memory_space<vmem>> -> memref<1x128xi32, #tpu.memory_space<vmem>>
        %dma_start3A_382 = tpu.memref_squeeze %dma_start3A_381 : memref<1x128xi32, #tpu.memory_space<vmem>> -> memref<128xi32, #tpu.memory_space<vmem>>
        %dma_start3A_383 = arith.constant 64 : i32
        %dma_start3A_384 = tpu.memref_slice %dma_start3A_382[%dma_start3A_383] : memref<128xi32, #tpu.memory_space<vmem>> -> memref<32xi32, #tpu.memory_space<vmem>>
        %dma_start3A_385 = arith.constant 0 : i32
        %dma_start3A_386 = arith.constant 0 : i32
        %dma_start3A_387 = tpu.memref_slice %arg2[%dma_start3A_385, %dma_start3A_386] : memref<10000x128xf32, #tpu.memory_space<hbm>> -> memref<10000x128xf32, #tpu.memory_space<hbm>>
        tpu.enqueue_indirect_dma source(%dma_start3A_387 : memref<10000x128xf32, #tpu.memory_space<hbm>>) target(%dma_start3A_379 : memref<32x128xf32, #tpu.memory_space<vmem>>) offsets(%dma_start3A_384 : memref<32xi32, #tpu.memory_space<vmem>>) semaphore(%arg17 : memref<!tpu.dma_semaphore, #tpu.memory_space<semaphore_mem>>)
        %dma_start3A_388 = arith.constant 1 : i32
        %dma_start3A_389 = arith.constant 1 : i32
        %dma_start3A_390 = arith.constant 0 : i32
        %dma_start3A_391 = arith.constant 0 : i32
        %dma_start3A_392 = tpu.memref_slice %arg10[%dma_start3A_389, %dma_start3A_390, %dma_start3A_391] : memref<2x128x128xf32, #tpu.memory_space<vmem>> -> memref<1x128x128xf32, #tpu.memory_space<vmem>>
        %dma_start3A_393 = tpu.memref_squeeze %dma_start3A_392 : memref<1x128x128xf32, #tpu.memory_space<vmem>> -> memref<128x128xf32, #tpu.memory_space<vmem>>
        %dma_start3A_394 = arith.constant 96 : i32
        %dma_start3A_395 = arith.constant 0 : i32
        %dma_start3A_396 = tpu.memref_slice %dma_start3A_393[%dma_start3A_394, %dma_start3A_395] : memref<128x128xf32, #tpu.memory_space<vmem>> -> memref<32x128xf32, #tpu.memory_space<vmem>>
        %dma_start3A_397 = arith.constant 0 : i32
        %dma_start3A_398 = tpu.memref_slice %arg8[%dma_start3A_388, %dma_start3A_397] : memref<4x128xi32, #tpu.memory_space<vmem>> -> memref<1x128xi32, #tpu.memory_space<vmem>>
        %dma_start3A_399 = tpu.memref_squeeze %dma_start3A_398 : memref<1x128xi32, #tpu.memory_space<vmem>> -> memref<128xi32, #tpu.memory_space<vmem>>
        %dma_start3A_400 = arith.constant 96 : i32
        %dma_start3A_401 = tpu.memref_slice %dma_start3A_399[%dma_start3A_400] : memref<128xi32, #tpu.memory_space<vmem>> -> memref<32xi32, #tpu.memory_space<vmem>>
        %dma_start3A_402 = arith.constant 0 : i32
        %dma_start3A_403 = arith.constant 0 : i32
        %dma_start3A_404 = tpu.memref_slice %arg2[%dma_start3A_402, %dma_start3A_403] : memref<10000x128xf32, #tpu.memory_space<hbm>> -> memref<10000x128xf32, #tpu.memory_space<hbm>>
        tpu.enqueue_indirect_dma source(%dma_start3A_404 : memref<10000x128xf32, #tpu.memory_space<hbm>>) target(%dma_start3A_396 : memref<32x128xf32, #tpu.memory_space<vmem>>) offsets(%dma_start3A_401 : memref<32xi32, #tpu.memory_space<vmem>>) semaphore(%arg17 : memref<!tpu.dma_semaphore, #tpu.memory_space<semaphore_mem>>)
      } else {
      }
      %add3A_192 = arith.constant 1 : i32
      %add3A_193 = arith.addi %add3A_149, %add3A_192 : i32
      %dma_wait3A_194 = arith.constant 1 : i32
      %dma_wait3A_195 = arith.constant 1 : i32
      %dma_wait3A_196 = arith.constant 0 : i32
      %dma_wait3A_197 = arith.constant 0 : i32
      %dma_wait3A_198 = tpu.memref_slice %arg10[%dma_wait3A_195, %dma_wait3A_196, %dma_wait3A_197] : memref<2x128x128xf32, #tpu.memory_space<vmem>> -> memref<1x128x128xf32, #tpu.memory_space<vmem>>
      %dma_wait3A_199 = tpu.memref_squeeze %dma_wait3A_198 : memref<1x128x128xf32, #tpu.memory_space<vmem>> -> memref<128x128xf32, #tpu.memory_space<vmem>>
      %dma_wait3A_200 = arith.constant 0 : i32
      %dma_wait3A_201 = tpu.memref_slice %arg8[%dma_wait3A_194, %dma_wait3A_200] : memref<4x128xi32, #tpu.memory_space<vmem>> -> memref<1x128xi32, #tpu.memory_space<vmem>>
      %dma_wait3A_202 = tpu.memref_squeeze %dma_wait3A_201 : memref<1x128xi32, #tpu.memory_space<vmem>> -> memref<128xi32, #tpu.memory_space<vmem>>
      %dma_wait3A_203 = arith.constant 0 : i32
      %dma_wait3A_204 = arith.constant 0 : i32
      %dma_wait3A_205 = tpu.memref_slice %arg2[%dma_wait3A_203, %dma_wait3A_204] : memref<10000x128xf32, #tpu.memory_space<hbm>> -> memref<10000x128xf32, #tpu.memory_space<hbm>>
      tpu.wait_indirect_dma semaphore(%arg17 : memref<!tpu.dma_semaphore, #tpu.memory_space<semaphore_mem>>) src(%dma_wait3A_205 : memref<10000x128xf32, #tpu.memory_space<hbm>>) dst(%dma_wait3A_199 : memref<128x128xf32, #tpu.memory_space<vmem>>)
      %add3A_206 = arith.constant 2 : i32
      %add3A_207 = arith.addi %add3A_193, %add3A_206 : i32
      %lt3A_208 = arith.constant 80 : i32
      %lt3A_209 = arith.cmpi slt, %add3A_207, %lt3A_208 : i32
      %convert_element_type3A_210 = arith.extui %lt3A_209 : i1 to i32
      %cond3A_211 = arith.constant 0 : i32
      %cond3A_212 = arith.cmpi ne, %convert_element_type3A_210, %cond3A_211 : i32
      scf.if %cond3A_212 {
        %add3A_318 = arith.constant 2 : i32
        %add3A_319 = arith.addi %add3A_193, %add3A_318 : i32
        %dma_start3A_320 = arith.constant 3 : i32
        %dma_start3A_321 = arith.constant 0 : i32
        %dma_start3A_322 = tpu.memref_slice %arg8[%dma_start3A_320, %dma_start3A_321] : memref<4x128xi32, #tpu.memory_space<vmem>> -> memref<1x128xi32, #tpu.memory_space<vmem>>
        %dma_start3A_323 = tpu.memref_squeeze %dma_start3A_322 : memref<1x128xi32, #tpu.memory_space<vmem>> -> memref<128xi32, #tpu.memory_space<vmem>>
        %dma_start3A_324 = arith.constant 0 : i32
        %dma_start3A_325 = tpu.memref_slice %arg3[%add3A, %add3A_319, %dma_start3A_324] : memref<32x80x128xi32, #tpu.memory_space<hbm>> -> memref<1x1x128xi32, #tpu.memory_space<hbm>>
        %dma_start3A_326 = tpu.memref_squeeze %dma_start3A_325 : memref<1x1x128xi32, #tpu.memory_space<hbm>> -> memref<128xi32, #tpu.memory_space<hbm>>
        %dma_start3A_327 = arith.constant 0 : i32
        %dma_start3A_328 = tpu.memref_slice %arg8[%dma_start3A_320, %dma_start3A_327] : memref<4x128xi32, #tpu.memory_space<vmem>> -> memref<1x128xi32, #tpu.memory_space<vmem>>
        %dma_start3A_329 = tpu.memref_squeeze %dma_start3A_328 : memref<1x128xi32, #tpu.memory_space<vmem>> -> memref<128xi32, #tpu.memory_space<vmem>>
        %dma_start3A_330 = arith.constant 0 : i32
        %dma_start3A_331 = tpu.memref_slice %arg3[%add3A, %add3A_319, %dma_start3A_330] : memref<32x80x128xi32, #tpu.memory_space<hbm>> -> memref<1x1x128xi32, #tpu.memory_space<hbm>>
        %dma_start3A_332 = tpu.memref_squeeze %dma_start3A_331 : memref<1x1x128xi32, #tpu.memory_space<hbm>> -> memref<128xi32, #tpu.memory_space<hbm>>
        tpu.enqueue_dma source(%dma_start3A_332 : memref<128xi32, #tpu.memory_space<hbm>>) target(%dma_start3A_329 : memref<128xi32, #tpu.memory_space<vmem>>) target_semaphore(%arg15 : memref<!tpu.dma_semaphore, #tpu.memory_space<semaphore_mem>>)
      } else {
      }
      %dma_start3A_213 = arith.constant 1 : i32
      %dma_start3A_214 = arith.constant 0 : i32
      %dma_start3A_215 = arith.constant 0 : i32
      %dma_start3A_216 = tpu.memref_slice %arg10[%dma_start3A_213, %dma_start3A_214, %dma_start3A_215] : memref<2x128x128xf32, #tpu.memory_space<vmem>> -> memref<1x128x128xf32, #tpu.memory_space<vmem>>
      %dma_start3A_217 = tpu.memref_squeeze %dma_start3A_216 : memref<1x128x128xf32, #tpu.memory_space<vmem>> -> memref<128x128xf32, #tpu.memory_space<vmem>>
      %dma_start3A_218 = arith.constant 0 : i32
      %dma_start3A_219 = arith.constant 0 : i32
      %dma_start3A_220 = tpu.memref_slice %dma_start3A_217[%dma_start3A_218, %dma_start3A_219] : memref<128x128xf32, #tpu.memory_space<vmem>> -> memref<125x128xf32, #tpu.memory_space<vmem>>
      %dma_start3A_221 = arith.constant 0 : i32
      %dma_start3A_222 = tpu.memref_slice %arg9[%add3A_193, %dma_start3A_221] : memref<80x125xi32, #tpu.memory_space<vmem>> -> memref<1x125xi32, #tpu.memory_space<vmem>>
      %dma_start3A_223 = tpu.memref_squeeze %dma_start3A_222 : memref<1x125xi32, #tpu.memory_space<vmem>> -> memref<125xi32, #tpu.memory_space<vmem>>
      %dma_start3A_224 = arith.constant 0 : i32
      %dma_start3A_225 = arith.constant 0 : i32
      %dma_start3A_226 = tpu.memref_slice %arg11[%dma_start3A_224, %dma_start3A_225] : memref<10000x128xf32, #tpu.memory_space<vmem_shared>> -> memref<10000x128xf32, #tpu.memory_space<vmem_shared>>
      tpu.enqueue_indirect_dma source(%dma_start3A_220 : memref<125x128xf32, #tpu.memory_space<vmem>>) target(%dma_start3A_226 : memref<10000x128xf32, #tpu.memory_space<vmem_shared>>) offsets(%dma_start3A_223 : memref<125xi32, #tpu.memory_space<vmem>>) semaphore(%arg19 : memref<!tpu.dma_semaphore, #tpu.memory_space<semaphore_mem>>) {add = true}
      %add3A_227 = arith.constant 1 : i32
      %add3A_228 = arith.addi %add3A_193, %add3A_227 : i32
      %lt3A_229 = arith.constant 80 : i32
      %lt3A_230 = arith.cmpi slt, %add3A_228, %lt3A_229 : i32
      %convert_element_type3A_231 = arith.extui %lt3A_230 : i1 to i32
      %cond3A_232 = arith.constant 0 : i32
      %cond3A_233 = arith.cmpi ne, %convert_element_type3A_231, %cond3A_232 : i32
      scf.if %cond3A_233 {
        %add3A_318 = arith.constant 1 : i32
        %add3A_319 = arith.addi %add3A_193, %add3A_318 : i32
        %dma_wait3A_320 = arith.constant 2 : i32
        %dma_wait3A_321 = arith.constant 0 : i32
        %dma_wait3A_322 = tpu.memref_slice %arg8[%dma_wait3A_320, %dma_wait3A_321] : memref<4x128xi32, #tpu.memory_space<vmem>> -> memref<1x128xi32, #tpu.memory_space<vmem>>
        %dma_wait3A_323 = tpu.memref_squeeze %dma_wait3A_322 : memref<1x128xi32, #tpu.memory_space<vmem>> -> memref<128xi32, #tpu.memory_space<vmem>>
        %dma_wait3A_324 = arith.constant 0 : i32
        %dma_wait3A_325 = tpu.memref_slice %arg3[%add3A, %add3A_319, %dma_wait3A_324] : memref<32x80x128xi32, #tpu.memory_space<hbm>> -> memref<1x1x128xi32, #tpu.memory_space<hbm>>
        %dma_wait3A_326 = tpu.memref_squeeze %dma_wait3A_325 : memref<1x1x128xi32, #tpu.memory_space<hbm>> -> memref<128xi32, #tpu.memory_space<hbm>>
        %dma_wait3A_327 = arith.constant 0 : i32
        %dma_wait3A_328 = tpu.memref_slice %arg8[%dma_wait3A_320, %dma_wait3A_327] : memref<4x128xi32, #tpu.memory_space<vmem>> -> memref<1x128xi32, #tpu.memory_space<vmem>>
        %dma_wait3A_329 = tpu.memref_squeeze %dma_wait3A_328 : memref<1x128xi32, #tpu.memory_space<vmem>> -> memref<128xi32, #tpu.memory_space<vmem>>
        %dma_wait3A_330 = arith.constant 0 : i32
        %dma_wait3A_331 = tpu.memref_slice %arg3[%add3A, %add3A_319, %dma_wait3A_330] : memref<32x80x128xi32, #tpu.memory_space<hbm>> -> memref<1x1x128xi32, #tpu.memory_space<hbm>>
        %dma_wait3A_332 = tpu.memref_squeeze %dma_wait3A_331 : memref<1x1x128xi32, #tpu.memory_space<hbm>> -> memref<128xi32, #tpu.memory_space<hbm>>
        tpu.wait_dma2 semaphore(%arg14 : memref<!tpu.dma_semaphore, #tpu.memory_space<semaphore_mem>>) src(%dma_wait3A_332 : memref<128xi32, #tpu.memory_space<hbm>>) dst(%dma_wait3A_329 : memref<128xi32, #tpu.memory_space<vmem>>)
        %ge3A = arith.constant 1 : i32
        %ge3A_333 = arith.cmpi sge, %add3A_193, %ge3A : i32
        %convert_element_type3A_334 = arith.extui %ge3A_333 : i1 to i32
        %cond3A_335 = arith.constant 0 : i32
        %cond3A_336 = arith.cmpi ne, %convert_element_type3A_334, %cond3A_335 : i32
        scf.if %cond3A_336 {
          %sub3A = arith.constant 1 : i32
          %sub3A_405 = arith.subi %add3A_193, %sub3A : i32
          %dma_wait3A_406 = arith.constant 0 : i32
          %dma_wait3A_407 = arith.constant 0 : i32
          %dma_wait3A_408 = arith.constant 0 : i32
          %dma_wait3A_409 = tpu.memref_slice %arg10[%dma_wait3A_406, %dma_wait3A_407, %dma_wait3A_408] : memref<2x128x128xf32, #tpu.memory_space<vmem>> -> memref<1x128x128xf32, #tpu.memory_space<vmem>>
          %dma_wait3A_410 = tpu.memref_squeeze %dma_wait3A_409 : memref<1x128x128xf32, #tpu.memory_space<vmem>> -> memref<128x128xf32, #tpu.memory_space<vmem>>
          %dma_wait3A_411 = arith.constant 0 : i32
          %dma_wait3A_412 = arith.constant 0 : i32
          %dma_wait3A_413 = tpu.memref_slice %dma_wait3A_410[%dma_wait3A_411, %dma_wait3A_412] : memref<128x128xf32, #tpu.memory_space<vmem>> -> memref<125x128xf32, #tpu.memory_space<vmem>>
          %dma_wait3A_414 = arith.constant 0 : i32
          %dma_wait3A_415 = tpu.memref_slice %arg9[%sub3A_405, %dma_wait3A_414] : memref<80x125xi32, #tpu.memory_space<vmem>> -> memref<1x125xi32, #tpu.memory_space<vmem>>
          %dma_wait3A_416 = tpu.memref_squeeze %dma_wait3A_415 : memref<1x125xi32, #tpu.memory_space<vmem>> -> memref<125xi32, #tpu.memory_space<vmem>>
          %dma_wait3A_417 = arith.constant 0 : i32
          %dma_wait3A_418 = arith.constant 0 : i32
          %dma_wait3A_419 = tpu.memref_slice %arg11[%dma_wait3A_417, %dma_wait3A_418] : memref<10000x128xf32, #tpu.memory_space<vmem_shared>> -> memref<10000x128xf32, #tpu.memory_space<vmem_shared>>
          tpu.wait_indirect_dma semaphore(%arg18 : memref<!tpu.dma_semaphore, #tpu.memory_space<semaphore_mem>>) src(%dma_wait3A_413 : memref<125x128xf32, #tpu.memory_space<vmem>>) dst(%dma_wait3A_419 : memref<10000x128xf32, #tpu.memory_space<vmem_shared>>)
        } else {
        }
        %dma_start3A_337 = arith.constant 2 : i32
        %dma_start3A_338 = arith.constant 0 : i32
        %dma_start3A_339 = arith.constant 0 : i32
        %dma_start3A_340 = arith.constant 0 : i32
        %dma_start3A_341 = tpu.memref_slice %arg10[%dma_start3A_338, %dma_start3A_339, %dma_start3A_340] : memref<2x128x128xf32, #tpu.memory_space<vmem>> -> memref<1x128x128xf32, #tpu.memory_space<vmem>>
        %dma_start3A_342 = tpu.memref_squeeze %dma_start3A_341 : memref<1x128x128xf32, #tpu.memory_space<vmem>> -> memref<128x128xf32, #tpu.memory_space<vmem>>
        %dma_start3A_343 = arith.constant 0 : i32
        %dma_start3A_344 = arith.constant 0 : i32
        %dma_start3A_345 = tpu.memref_slice %dma_start3A_342[%dma_start3A_343, %dma_start3A_344] : memref<128x128xf32, #tpu.memory_space<vmem>> -> memref<32x128xf32, #tpu.memory_space<vmem>>
        %dma_start3A_346 = arith.constant 0 : i32
        %dma_start3A_347 = tpu.memref_slice %arg8[%dma_start3A_337, %dma_start3A_346] : memref<4x128xi32, #tpu.memory_space<vmem>> -> memref<1x128xi32, #tpu.memory_space<vmem>>
        %dma_start3A_348 = tpu.memref_squeeze %dma_start3A_347 : memref<1x128xi32, #tpu.memory_space<vmem>> -> memref<128xi32, #tpu.memory_space<vmem>>
        %dma_start3A_349 = arith.constant 0 : i32
        %dma_start3A_350 = tpu.memref_slice %dma_start3A_348[%dma_start3A_349] : memref<128xi32, #tpu.memory_space<vmem>> -> memref<32xi32, #tpu.memory_space<vmem>>
        %dma_start3A_351 = arith.constant 0 : i32
        %dma_start3A_352 = arith.constant 0 : i32
        %dma_start3A_353 = tpu.memref_slice %arg2[%dma_start3A_351, %dma_start3A_352] : memref<10000x128xf32, #tpu.memory_space<hbm>> -> memref<10000x128xf32, #tpu.memory_space<hbm>>
        tpu.enqueue_indirect_dma source(%dma_start3A_353 : memref<10000x128xf32, #tpu.memory_space<hbm>>) target(%dma_start3A_345 : memref<32x128xf32, #tpu.memory_space<vmem>>) offsets(%dma_start3A_350 : memref<32xi32, #tpu.memory_space<vmem>>) semaphore(%arg16 : memref<!tpu.dma_semaphore, #tpu.memory_space<semaphore_mem>>)
        %dma_start3A_354 = arith.constant 2 : i32
        %dma_start3A_355 = arith.constant 0 : i32
        %dma_start3A_356 = arith.constant 0 : i32
        %dma_start3A_357 = arith.constant 0 : i32
        %dma_start3A_358 = tpu.memref_slice %arg10[%dma_start3A_355, %dma_start3A_356, %dma_start3A_357] : memref<2x128x128xf32, #tpu.memory_space<vmem>> -> memref<1x128x128xf32, #tpu.memory_space<vmem>>
        %dma_start3A_359 = tpu.memref_squeeze %dma_start3A_358 : memref<1x128x128xf32, #tpu.memory_space<vmem>> -> memref<128x128xf32, #tpu.memory_space<vmem>>
        %dma_start3A_360 = arith.constant 32 : i32
        %dma_start3A_361 = arith.constant 0 : i32
        %dma_start3A_362 = tpu.memref_slice %dma_start3A_359[%dma_start3A_360, %dma_start3A_361] : memref<128x128xf32, #tpu.memory_space<vmem>> -> memref<32x128xf32, #tpu.memory_space<vmem>>
        %dma_start3A_363 = arith.constant 0 : i32
        %dma_start3A_364 = tpu.memref_slice %arg8[%dma_start3A_354, %dma_start3A_363] : memref<4x128xi32, #tpu.memory_space<vmem>> -> memref<1x128xi32, #tpu.memory_space<vmem>>
        %dma_start3A_365 = tpu.memref_squeeze %dma_start3A_364 : memref<1x128xi32, #tpu.memory_space<vmem>> -> memref<128xi32, #tpu.memory_space<vmem>>
        %dma_start3A_366 = arith.constant 32 : i32
        %dma_start3A_367 = tpu.memref_slice %dma_start3A_365[%dma_start3A_366] : memref<128xi32, #tpu.memory_space<vmem>> -> memref<32xi32, #tpu.memory_space<vmem>>
        %dma_start3A_368 = arith.constant 0 : i32
        %dma_start3A_369 = arith.constant 0 : i32
        %dma_start3A_370 = tpu.memref_slice %arg2[%dma_start3A_368, %dma_start3A_369] : memref<10000x128xf32, #tpu.memory_space<hbm>> -> memref<10000x128xf32, #tpu.memory_space<hbm>>
        tpu.enqueue_indirect_dma source(%dma_start3A_370 : memref<10000x128xf32, #tpu.memory_space<hbm>>) target(%dma_start3A_362 : memref<32x128xf32, #tpu.memory_space<vmem>>) offsets(%dma_start3A_367 : memref<32xi32, #tpu.memory_space<vmem>>) semaphore(%arg16 : memref<!tpu.dma_semaphore, #tpu.memory_space<semaphore_mem>>)
        %dma_start3A_371 = arith.constant 2 : i32
        %dma_start3A_372 = arith.constant 0 : i32
        %dma_start3A_373 = arith.constant 0 : i32
        %dma_start3A_374 = arith.constant 0 : i32
        %dma_start3A_375 = tpu.memref_slice %arg10[%dma_start3A_372, %dma_start3A_373, %dma_start3A_374] : memref<2x128x128xf32, #tpu.memory_space<vmem>> -> memref<1x128x128xf32, #tpu.memory_space<vmem>>
        %dma_start3A_376 = tpu.memref_squeeze %dma_start3A_375 : memref<1x128x128xf32, #tpu.memory_space<vmem>> -> memref<128x128xf32, #tpu.memory_space<vmem>>
        %dma_start3A_377 = arith.constant 64 : i32
        %dma_start3A_378 = arith.constant 0 : i32
        %dma_start3A_379 = tpu.memref_slice %dma_start3A_376[%dma_start3A_377, %dma_start3A_378] : memref<128x128xf32, #tpu.memory_space<vmem>> -> memref<32x128xf32, #tpu.memory_space<vmem>>
        %dma_start3A_380 = arith.constant 0 : i32
        %dma_start3A_381 = tpu.memref_slice %arg8[%dma_start3A_371, %dma_start3A_380] : memref<4x128xi32, #tpu.memory_space<vmem>> -> memref<1x128xi32, #tpu.memory_space<vmem>>
        %dma_start3A_382 = tpu.memref_squeeze %dma_start3A_381 : memref<1x128xi32, #tpu.memory_space<vmem>> -> memref<128xi32, #tpu.memory_space<vmem>>
        %dma_start3A_383 = arith.constant 64 : i32
        %dma_start3A_384 = tpu.memref_slice %dma_start3A_382[%dma_start3A_383] : memref<128xi32, #tpu.memory_space<vmem>> -> memref<32xi32, #tpu.memory_space<vmem>>
        %dma_start3A_385 = arith.constant 0 : i32
        %dma_start3A_386 = arith.constant 0 : i32
        %dma_start3A_387 = tpu.memref_slice %arg2[%dma_start3A_385, %dma_start3A_386] : memref<10000x128xf32, #tpu.memory_space<hbm>> -> memref<10000x128xf32, #tpu.memory_space<hbm>>
        tpu.enqueue_indirect_dma source(%dma_start3A_387 : memref<10000x128xf32, #tpu.memory_space<hbm>>) target(%dma_start3A_379 : memref<32x128xf32, #tpu.memory_space<vmem>>) offsets(%dma_start3A_384 : memref<32xi32, #tpu.memory_space<vmem>>) semaphore(%arg16 : memref<!tpu.dma_semaphore, #tpu.memory_space<semaphore_mem>>)
        %dma_start3A_388 = arith.constant 2 : i32
        %dma_start3A_389 = arith.constant 0 : i32
        %dma_start3A_390 = arith.constant 0 : i32
        %dma_start3A_391 = arith.constant 0 : i32
        %dma_start3A_392 = tpu.memref_slice %arg10[%dma_start3A_389, %dma_start3A_390, %dma_start3A_391] : memref<2x128x128xf32, #tpu.memory_space<vmem>> -> memref<1x128x128xf32, #tpu.memory_space<vmem>>
        %dma_start3A_393 = tpu.memref_squeeze %dma_start3A_392 : memref<1x128x128xf32, #tpu.memory_space<vmem>> -> memref<128x128xf32, #tpu.memory_space<vmem>>
        %dma_start3A_394 = arith.constant 96 : i32
        %dma_start3A_395 = arith.constant 0 : i32
        %dma_start3A_396 = tpu.memref_slice %dma_start3A_393[%dma_start3A_394, %dma_start3A_395] : memref<128x128xf32, #tpu.memory_space<vmem>> -> memref<32x128xf32, #tpu.memory_space<vmem>>
        %dma_start3A_397 = arith.constant 0 : i32
        %dma_start3A_398 = tpu.memref_slice %arg8[%dma_start3A_388, %dma_start3A_397] : memref<4x128xi32, #tpu.memory_space<vmem>> -> memref<1x128xi32, #tpu.memory_space<vmem>>
        %dma_start3A_399 = tpu.memref_squeeze %dma_start3A_398 : memref<1x128xi32, #tpu.memory_space<vmem>> -> memref<128xi32, #tpu.memory_space<vmem>>
        %dma_start3A_400 = arith.constant 96 : i32
        %dma_start3A_401 = tpu.memref_slice %dma_start3A_399[%dma_start3A_400] : memref<128xi32, #tpu.memory_space<vmem>> -> memref<32xi32, #tpu.memory_space<vmem>>
        %dma_start3A_402 = arith.constant 0 : i32
        %dma_start3A_403 = arith.constant 0 : i32
        %dma_start3A_404 = tpu.memref_slice %arg2[%dma_start3A_402, %dma_start3A_403] : memref<10000x128xf32, #tpu.memory_space<hbm>> -> memref<10000x128xf32, #tpu.memory_space<hbm>>
        tpu.enqueue_indirect_dma source(%dma_start3A_404 : memref<10000x128xf32, #tpu.memory_space<hbm>>) target(%dma_start3A_396 : memref<32x128xf32, #tpu.memory_space<vmem>>) offsets(%dma_start3A_401 : memref<32xi32, #tpu.memory_space<vmem>>) semaphore(%arg16 : memref<!tpu.dma_semaphore, #tpu.memory_space<semaphore_mem>>)
      } else {
      }
      %add3A_234 = arith.constant 2 : i32
      %add3A_235 = arith.addi %add3A_149, %add3A_234 : i32
      %dma_wait3A_236 = arith.constant 2 : i32
      %dma_wait3A_237 = arith.constant 0 : i32
      %dma_wait3A_238 = arith.constant 0 : i32
      %dma_wait3A_239 = arith.constant 0 : i32
      %dma_wait3A_240 = tpu.memref_slice %arg10[%dma_wait3A_237, %dma_wait3A_238, %dma_wait3A_239] : memref<2x128x128xf32, #tpu.memory_space<vmem>> -> memref<1x128x128xf32, #tpu.memory_space<vmem>>
      %dma_wait3A_241 = tpu.memref_squeeze %dma_wait3A_240 : memref<1x128x128xf32, #tpu.memory_space<vmem>> -> memref<128x128xf32, #tpu.memory_space<vmem>>
      %dma_wait3A_242 = arith.constant 0 : i32
      %dma_wait3A_243 = tpu.memref_slice %arg8[%dma_wait3A_236, %dma_wait3A_242] : memref<4x128xi32, #tpu.memory_space<vmem>> -> memref<1x128xi32, #tpu.memory_space<vmem>>
      %dma_wait3A_244 = tpu.memref_squeeze %dma_wait3A_243 : memref<1x128xi32, #tpu.memory_space<vmem>> -> memref<128xi32, #tpu.memory_space<vmem>>
      %dma_wait3A_245 = arith.constant 0 : i32
      %dma_wait3A_246 = arith.constant 0 : i32
      %dma_wait3A_247 = tpu.memref_slice %arg2[%dma_wait3A_245, %dma_wait3A_246] : memref<10000x128xf32, #tpu.memory_space<hbm>> -> memref<10000x128xf32, #tpu.memory_space<hbm>>
      tpu.wait_indirect_dma semaphore(%arg16 : memref<!tpu.dma_semaphore, #tpu.memory_space<semaphore_mem>>) src(%dma_wait3A_247 : memref<10000x128xf32, #tpu.memory_space<hbm>>) dst(%dma_wait3A_241 : memref<128x128xf32, #tpu.memory_space<vmem>>)
      %add3A_248 = arith.constant 2 : i32
      %add3A_249 = arith.addi %add3A_235, %add3A_248 : i32
      %lt3A_250 = arith.constant 80 : i32
      %lt3A_251 = arith.cmpi slt, %add3A_249, %lt3A_250 : i32
      %convert_element_type3A_252 = arith.extui %lt3A_251 : i1 to i32
      %cond3A_253 = arith.constant 0 : i32
      %cond3A_254 = arith.cmpi ne, %convert_element_type3A_252, %cond3A_253 : i32
      scf.if %cond3A_254 {
        %add3A_318 = arith.constant 2 : i32
        %add3A_319 = arith.addi %add3A_235, %add3A_318 : i32
        %dma_start3A_320 = arith.constant 0 : i32
        %dma_start3A_321 = arith.constant 0 : i32
        %dma_start3A_322 = tpu.memref_slice %arg8[%dma_start3A_320, %dma_start3A_321] : memref<4x128xi32, #tpu.memory_space<vmem>> -> memref<1x128xi32, #tpu.memory_space<vmem>>
        %dma_start3A_323 = tpu.memref_squeeze %dma_start3A_322 : memref<1x128xi32, #tpu.memory_space<vmem>> -> memref<128xi32, #tpu.memory_space<vmem>>
        %dma_start3A_324 = arith.constant 0 : i32
        %dma_start3A_325 = tpu.memref_slice %arg3[%add3A, %add3A_319, %dma_start3A_324] : memref<32x80x128xi32, #tpu.memory_space<hbm>> -> memref<1x1x128xi32, #tpu.memory_space<hbm>>
        %dma_start3A_326 = tpu.memref_squeeze %dma_start3A_325 : memref<1x1x128xi32, #tpu.memory_space<hbm>> -> memref<128xi32, #tpu.memory_space<hbm>>
        %dma_start3A_327 = arith.constant 0 : i32
        %dma_start3A_328 = tpu.memref_slice %arg8[%dma_start3A_320, %dma_start3A_327] : memref<4x128xi32, #tpu.memory_space<vmem>> -> memref<1x128xi32, #tpu.memory_space<vmem>>
        %dma_start3A_329 = tpu.memref_squeeze %dma_start3A_328 : memref<1x128xi32, #tpu.memory_space<vmem>> -> memref<128xi32, #tpu.memory_space<vmem>>
        %dma_start3A_330 = arith.constant 0 : i32
        %dma_start3A_331 = tpu.memref_slice %arg3[%add3A, %add3A_319, %dma_start3A_330] : memref<32x80x128xi32, #tpu.memory_space<hbm>> -> memref<1x1x128xi32, #tpu.memory_space<hbm>>
        %dma_start3A_332 = tpu.memref_squeeze %dma_start3A_331 : memref<1x1x128xi32, #tpu.memory_space<hbm>> -> memref<128xi32, #tpu.memory_space<hbm>>
        tpu.enqueue_dma source(%dma_start3A_332 : memref<128xi32, #tpu.memory_space<hbm>>) target(%dma_start3A_329 : memref<128xi32, #tpu.memory_space<vmem>>) target_semaphore(%arg12 : memref<!tpu.dma_semaphore, #tpu.memory_space<semaphore_mem>>)
      } else {
      }
      %dma_start3A_255 = arith.constant 0 : i32
      %dma_start3A_256 = arith.constant 0 : i32
      %dma_start3A_257 = arith.constant 0 : i32
      %dma_start3A_258 = tpu.memref_slice %arg10[%dma_start3A_255, %dma_start3A_256, %dma_start3A_257] : memref<2x128x128xf32, #tpu.memory_space<vmem>> -> memref<1x128x128xf32, #tpu.memory_space<vmem>>
      %dma_start3A_259 = tpu.memref_squeeze %dma_start3A_258 : memref<1x128x128xf32, #tpu.memory_space<vmem>> -> memref<128x128xf32, #tpu.memory_space<vmem>>
      %dma_start3A_260 = arith.constant 0 : i32
      %dma_start3A_261 = arith.constant 0 : i32
      %dma_start3A_262 = tpu.memref_slice %dma_start3A_259[%dma_start3A_260, %dma_start3A_261] : memref<128x128xf32, #tpu.memory_space<vmem>> -> memref<125x128xf32, #tpu.memory_space<vmem>>
      %dma_start3A_263 = arith.constant 0 : i32
      %dma_start3A_264 = tpu.memref_slice %arg9[%add3A_235, %dma_start3A_263] : memref<80x125xi32, #tpu.memory_space<vmem>> -> memref<1x125xi32, #tpu.memory_space<vmem>>
      %dma_start3A_265 = tpu.memref_squeeze %dma_start3A_264 : memref<1x125xi32, #tpu.memory_space<vmem>> -> memref<125xi32, #tpu.memory_space<vmem>>
      %dma_start3A_266 = arith.constant 0 : i32
      %dma_start3A_267 = arith.constant 0 : i32
      %dma_start3A_268 = tpu.memref_slice %arg11[%dma_start3A_266, %dma_start3A_267] : memref<10000x128xf32, #tpu.memory_space<vmem_shared>> -> memref<10000x128xf32, #tpu.memory_space<vmem_shared>>
      tpu.enqueue_indirect_dma source(%dma_start3A_262 : memref<125x128xf32, #tpu.memory_space<vmem>>) target(%dma_start3A_268 : memref<10000x128xf32, #tpu.memory_space<vmem_shared>>) offsets(%dma_start3A_265 : memref<125xi32, #tpu.memory_space<vmem>>) semaphore(%arg18 : memref<!tpu.dma_semaphore, #tpu.memory_space<semaphore_mem>>) {add = true}
      %add3A_269 = arith.constant 1 : i32
      %add3A_270 = arith.addi %add3A_235, %add3A_269 : i32
      %lt3A_271 = arith.constant 80 : i32
      %lt3A_272 = arith.cmpi slt, %add3A_270, %lt3A_271 : i32
      %convert_element_type3A_273 = arith.extui %lt3A_272 : i1 to i32
      %cond3A_274 = arith.constant 0 : i32
      %cond3A_275 = arith.cmpi ne, %convert_element_type3A_273, %cond3A_274 : i32
      scf.if %cond3A_275 {
        %add3A_318 = arith.constant 1 : i32
        %add3A_319 = arith.addi %add3A_235, %add3A_318 : i32
        %dma_wait3A_320 = arith.constant 3 : i32
        %dma_wait3A_321 = arith.constant 0 : i32
        %dma_wait3A_322 = tpu.memref_slice %arg8[%dma_wait3A_320, %dma_wait3A_321] : memref<4x128xi32, #tpu.memory_space<vmem>> -> memref<1x128xi32, #tpu.memory_space<vmem>>
        %dma_wait3A_323 = tpu.memref_squeeze %dma_wait3A_322 : memref<1x128xi32, #tpu.memory_space<vmem>> -> memref<128xi32, #tpu.memory_space<vmem>>
        %dma_wait3A_324 = arith.constant 0 : i32
        %dma_wait3A_325 = tpu.memref_slice %arg3[%add3A, %add3A_319, %dma_wait3A_324] : memref<32x80x128xi32, #tpu.memory_space<hbm>> -> memref<1x1x128xi32, #tpu.memory_space<hbm>>
        %dma_wait3A_326 = tpu.memref_squeeze %dma_wait3A_325 : memref<1x1x128xi32, #tpu.memory_space<hbm>> -> memref<128xi32, #tpu.memory_space<hbm>>
        %dma_wait3A_327 = arith.constant 0 : i32
        %dma_wait3A_328 = tpu.memref_slice %arg8[%dma_wait3A_320, %dma_wait3A_327] : memref<4x128xi32, #tpu.memory_space<vmem>> -> memref<1x128xi32, #tpu.memory_space<vmem>>
        %dma_wait3A_329 = tpu.memref_squeeze %dma_wait3A_328 : memref<1x128xi32, #tpu.memory_space<vmem>> -> memref<128xi32, #tpu.memory_space<vmem>>
        %dma_wait3A_330 = arith.constant 0 : i32
        %dma_wait3A_331 = tpu.memref_slice %arg3[%add3A, %add3A_319, %dma_wait3A_330] : memref<32x80x128xi32, #tpu.memory_space<hbm>> -> memref<1x1x128xi32, #tpu.memory_space<hbm>>
        %dma_wait3A_332 = tpu.memref_squeeze %dma_wait3A_331 : memref<1x1x128xi32, #tpu.memory_space<hbm>> -> memref<128xi32, #tpu.memory_space<hbm>>
        tpu.wait_dma2 semaphore(%arg15 : memref<!tpu.dma_semaphore, #tpu.memory_space<semaphore_mem>>) src(%dma_wait3A_332 : memref<128xi32, #tpu.memory_space<hbm>>) dst(%dma_wait3A_329 : memref<128xi32, #tpu.memory_space<vmem>>)
        %ge3A = arith.constant 1 : i32
        %ge3A_333 = arith.cmpi sge, %add3A_235, %ge3A : i32
        %convert_element_type3A_334 = arith.extui %ge3A_333 : i1 to i32
        %cond3A_335 = arith.constant 0 : i32
        %cond3A_336 = arith.cmpi ne, %convert_element_type3A_334, %cond3A_335 : i32
        scf.if %cond3A_336 {
          %sub3A = arith.constant 1 : i32
          %sub3A_405 = arith.subi %add3A_235, %sub3A : i32
          %dma_wait3A_406 = arith.constant 1 : i32
          %dma_wait3A_407 = arith.constant 0 : i32
          %dma_wait3A_408 = arith.constant 0 : i32
          %dma_wait3A_409 = tpu.memref_slice %arg10[%dma_wait3A_406, %dma_wait3A_407, %dma_wait3A_408] : memref<2x128x128xf32, #tpu.memory_space<vmem>> -> memref<1x128x128xf32, #tpu.memory_space<vmem>>
          %dma_wait3A_410 = tpu.memref_squeeze %dma_wait3A_409 : memref<1x128x128xf32, #tpu.memory_space<vmem>> -> memref<128x128xf32, #tpu.memory_space<vmem>>
          %dma_wait3A_411 = arith.constant 0 : i32
          %dma_wait3A_412 = arith.constant 0 : i32
          %dma_wait3A_413 = tpu.memref_slice %dma_wait3A_410[%dma_wait3A_411, %dma_wait3A_412] : memref<128x128xf32, #tpu.memory_space<vmem>> -> memref<125x128xf32, #tpu.memory_space<vmem>>
          %dma_wait3A_414 = arith.constant 0 : i32
          %dma_wait3A_415 = tpu.memref_slice %arg9[%sub3A_405, %dma_wait3A_414] : memref<80x125xi32, #tpu.memory_space<vmem>> -> memref<1x125xi32, #tpu.memory_space<vmem>>
          %dma_wait3A_416 = tpu.memref_squeeze %dma_wait3A_415 : memref<1x125xi32, #tpu.memory_space<vmem>> -> memref<125xi32, #tpu.memory_space<vmem>>
          %dma_wait3A_417 = arith.constant 0 : i32
          %dma_wait3A_418 = arith.constant 0 : i32
          %dma_wait3A_419 = tpu.memref_slice %arg11[%dma_wait3A_417, %dma_wait3A_418] : memref<10000x128xf32, #tpu.memory_space<vmem_shared>> -> memref<10000x128xf32, #tpu.memory_space<vmem_shared>>
          tpu.wait_indirect_dma semaphore(%arg19 : memref<!tpu.dma_semaphore, #tpu.memory_space<semaphore_mem>>) src(%dma_wait3A_413 : memref<125x128xf32, #tpu.memory_space<vmem>>) dst(%dma_wait3A_419 : memref<10000x128xf32, #tpu.memory_space<vmem_shared>>)
        } else {
        }
        %dma_start3A_337 = arith.constant 3 : i32
        %dma_start3A_338 = arith.constant 1 : i32
        %dma_start3A_339 = arith.constant 0 : i32
        %dma_start3A_340 = arith.constant 0 : i32
        %dma_start3A_341 = tpu.memref_slice %arg10[%dma_start3A_338, %dma_start3A_339, %dma_start3A_340] : memref<2x128x128xf32, #tpu.memory_space<vmem>> -> memref<1x128x128xf32, #tpu.memory_space<vmem>>
        %dma_start3A_342 = tpu.memref_squeeze %dma_start3A_341 : memref<1x128x128xf32, #tpu.memory_space<vmem>> -> memref<128x128xf32, #tpu.memory_space<vmem>>
        %dma_start3A_343 = arith.constant 0 : i32
        %dma_start3A_344 = arith.constant 0 : i32
        %dma_start3A_345 = tpu.memref_slice %dma_start3A_342[%dma_start3A_343, %dma_start3A_344] : memref<128x128xf32, #tpu.memory_space<vmem>> -> memref<32x128xf32, #tpu.memory_space<vmem>>
        %dma_start3A_346 = arith.constant 0 : i32
        %dma_start3A_347 = tpu.memref_slice %arg8[%dma_start3A_337, %dma_start3A_346] : memref<4x128xi32, #tpu.memory_space<vmem>> -> memref<1x128xi32, #tpu.memory_space<vmem>>
        %dma_start3A_348 = tpu.memref_squeeze %dma_start3A_347 : memref<1x128xi32, #tpu.memory_space<vmem>> -> memref<128xi32, #tpu.memory_space<vmem>>
        %dma_start3A_349 = arith.constant 0 : i32
        %dma_start3A_350 = tpu.memref_slice %dma_start3A_348[%dma_start3A_349] : memref<128xi32, #tpu.memory_space<vmem>> -> memref<32xi32, #tpu.memory_space<vmem>>
        %dma_start3A_351 = arith.constant 0 : i32
        %dma_start3A_352 = arith.constant 0 : i32
        %dma_start3A_353 = tpu.memref_slice %arg2[%dma_start3A_351, %dma_start3A_352] : memref<10000x128xf32, #tpu.memory_space<hbm>> -> memref<10000x128xf32, #tpu.memory_space<hbm>>
        tpu.enqueue_indirect_dma source(%dma_start3A_353 : memref<10000x128xf32, #tpu.memory_space<hbm>>) target(%dma_start3A_345 : memref<32x128xf32, #tpu.memory_space<vmem>>) offsets(%dma_start3A_350 : memref<32xi32, #tpu.memory_space<vmem>>) semaphore(%arg17 : memref<!tpu.dma_semaphore, #tpu.memory_space<semaphore_mem>>)
        %dma_start3A_354 = arith.constant 3 : i32
        %dma_start3A_355 = arith.constant 1 : i32
        %dma_start3A_356 = arith.constant 0 : i32
        %dma_start3A_357 = arith.constant 0 : i32
        %dma_start3A_358 = tpu.memref_slice %arg10[%dma_start3A_355, %dma_start3A_356, %dma_start3A_357] : memref<2x128x128xf32, #tpu.memory_space<vmem>> -> memref<1x128x128xf32, #tpu.memory_space<vmem>>
        %dma_start3A_359 = tpu.memref_squeeze %dma_start3A_358 : memref<1x128x128xf32, #tpu.memory_space<vmem>> -> memref<128x128xf32, #tpu.memory_space<vmem>>
        %dma_start3A_360 = arith.constant 32 : i32
        %dma_start3A_361 = arith.constant 0 : i32
        %dma_start3A_362 = tpu.memref_slice %dma_start3A_359[%dma_start3A_360, %dma_start3A_361] : memref<128x128xf32, #tpu.memory_space<vmem>> -> memref<32x128xf32, #tpu.memory_space<vmem>>
        %dma_start3A_363 = arith.constant 0 : i32
        %dma_start3A_364 = tpu.memref_slice %arg8[%dma_start3A_354, %dma_start3A_363] : memref<4x128xi32, #tpu.memory_space<vmem>> -> memref<1x128xi32, #tpu.memory_space<vmem>>
        %dma_start3A_365 = tpu.memref_squeeze %dma_start3A_364 : memref<1x128xi32, #tpu.memory_space<vmem>> -> memref<128xi32, #tpu.memory_space<vmem>>
        %dma_start3A_366 = arith.constant 32 : i32
        %dma_start3A_367 = tpu.memref_slice %dma_start3A_365[%dma_start3A_366] : memref<128xi32, #tpu.memory_space<vmem>> -> memref<32xi32, #tpu.memory_space<vmem>>
        %dma_start3A_368 = arith.constant 0 : i32
        %dma_start3A_369 = arith.constant 0 : i32
        %dma_start3A_370 = tpu.memref_slice %arg2[%dma_start3A_368, %dma_start3A_369] : memref<10000x128xf32, #tpu.memory_space<hbm>> -> memref<10000x128xf32, #tpu.memory_space<hbm>>
        tpu.enqueue_indirect_dma source(%dma_start3A_370 : memref<10000x128xf32, #tpu.memory_space<hbm>>) target(%dma_start3A_362 : memref<32x128xf32, #tpu.memory_space<vmem>>) offsets(%dma_start3A_367 : memref<32xi32, #tpu.memory_space<vmem>>) semaphore(%arg17 : memref<!tpu.dma_semaphore, #tpu.memory_space<semaphore_mem>>)
        %dma_start3A_371 = arith.constant 3 : i32
        %dma_start3A_372 = arith.constant 1 : i32
        %dma_start3A_373 = arith.constant 0 : i32
        %dma_start3A_374 = arith.constant 0 : i32
        %dma_start3A_375 = tpu.memref_slice %arg10[%dma_start3A_372, %dma_start3A_373, %dma_start3A_374] : memref<2x128x128xf32, #tpu.memory_space<vmem>> -> memref<1x128x128xf32, #tpu.memory_space<vmem>>
        %dma_start3A_376 = tpu.memref_squeeze %dma_start3A_375 : memref<1x128x128xf32, #tpu.memory_space<vmem>> -> memref<128x128xf32, #tpu.memory_space<vmem>>
        %dma_start3A_377 = arith.constant 64 : i32
        %dma_start3A_378 = arith.constant 0 : i32
        %dma_start3A_379 = tpu.memref_slice %dma_start3A_376[%dma_start3A_377, %dma_start3A_378] : memref<128x128xf32, #tpu.memory_space<vmem>> -> memref<32x128xf32, #tpu.memory_space<vmem>>
        %dma_start3A_380 = arith.constant 0 : i32
        %dma_start3A_381 = tpu.memref_slice %arg8[%dma_start3A_371, %dma_start3A_380] : memref<4x128xi32, #tpu.memory_space<vmem>> -> memref<1x128xi32, #tpu.memory_space<vmem>>
        %dma_start3A_382 = tpu.memref_squeeze %dma_start3A_381 : memref<1x128xi32, #tpu.memory_space<vmem>> -> memref<128xi32, #tpu.memory_space<vmem>>
        %dma_start3A_383 = arith.constant 64 : i32
        %dma_start3A_384 = tpu.memref_slice %dma_start3A_382[%dma_start3A_383] : memref<128xi32, #tpu.memory_space<vmem>> -> memref<32xi32, #tpu.memory_space<vmem>>
        %dma_start3A_385 = arith.constant 0 : i32
        %dma_start3A_386 = arith.constant 0 : i32
        %dma_start3A_387 = tpu.memref_slice %arg2[%dma_start3A_385, %dma_start3A_386] : memref<10000x128xf32, #tpu.memory_space<hbm>> -> memref<10000x128xf32, #tpu.memory_space<hbm>>
        tpu.enqueue_indirect_dma source(%dma_start3A_387 : memref<10000x128xf32, #tpu.memory_space<hbm>>) target(%dma_start3A_379 : memref<32x128xf32, #tpu.memory_space<vmem>>) offsets(%dma_start3A_384 : memref<32xi32, #tpu.memory_space<vmem>>) semaphore(%arg17 : memref<!tpu.dma_semaphore, #tpu.memory_space<semaphore_mem>>)
        %dma_start3A_388 = arith.constant 3 : i32
        %dma_start3A_389 = arith.constant 1 : i32
        %dma_start3A_390 = arith.constant 0 : i32
        %dma_start3A_391 = arith.constant 0 : i32
        %dma_start3A_392 = tpu.memref_slice %arg10[%dma_start3A_389, %dma_start3A_390, %dma_start3A_391] : memref<2x128x128xf32, #tpu.memory_space<vmem>> -> memref<1x128x128xf32, #tpu.memory_space<vmem>>
        %dma_start3A_393 = tpu.memref_squeeze %dma_start3A_392 : memref<1x128x128xf32, #tpu.memory_space<vmem>> -> memref<128x128xf32, #tpu.memory_space<vmem>>
        %dma_start3A_394 = arith.constant 96 : i32
        %dma_start3A_395 = arith.constant 0 : i32
        %dma_start3A_396 = tpu.memref_slice %dma_start3A_393[%dma_start3A_394, %dma_start3A_395] : memref<128x128xf32, #tpu.memory_space<vmem>> -> memref<32x128xf32, #tpu.memory_space<vmem>>
        %dma_start3A_397 = arith.constant 0 : i32
        %dma_start3A_398 = tpu.memref_slice %arg8[%dma_start3A_388, %dma_start3A_397] : memref<4x128xi32, #tpu.memory_space<vmem>> -> memref<1x128xi32, #tpu.memory_space<vmem>>
        %dma_start3A_399 = tpu.memref_squeeze %dma_start3A_398 : memref<1x128xi32, #tpu.memory_space<vmem>> -> memref<128xi32, #tpu.memory_space<vmem>>
        %dma_start3A_400 = arith.constant 96 : i32
        %dma_start3A_401 = tpu.memref_slice %dma_start3A_399[%dma_start3A_400] : memref<128xi32, #tpu.memory_space<vmem>> -> memref<32xi32, #tpu.memory_space<vmem>>
        %dma_start3A_402 = arith.constant 0 : i32
        %dma_start3A_403 = arith.constant 0 : i32
        %dma_start3A_404 = tpu.memref_slice %arg2[%dma_start3A_402, %dma_start3A_403] : memref<10000x128xf32, #tpu.memory_space<hbm>> -> memref<10000x128xf32, #tpu.memory_space<hbm>>
        tpu.enqueue_indirect_dma source(%dma_start3A_404 : memref<10000x128xf32, #tpu.memory_space<hbm>>) target(%dma_start3A_396 : memref<32x128xf32, #tpu.memory_space<vmem>>) offsets(%dma_start3A_401 : memref<32xi32, #tpu.memory_space<vmem>>) semaphore(%arg17 : memref<!tpu.dma_semaphore, #tpu.memory_space<semaphore_mem>>)
      } else {
      }
      %add3A_276 = arith.constant 3 : i32
      %add3A_277 = arith.addi %add3A_149, %add3A_276 : i32
      %dma_wait3A_278 = arith.constant 3 : i32
      %dma_wait3A_279 = arith.constant 1 : i32
      %dma_wait3A_280 = arith.constant 0 : i32
      %dma_wait3A_281 = arith.constant 0 : i32
      %dma_wait3A_282 = tpu.memref_slice %arg10[%dma_wait3A_279, %dma_wait3A_280, %dma_wait3A_281] : memref<2x128x128xf32, #tpu.memory_space<vmem>> -> memref<1x128x128xf32, #tpu.memory_space<vmem>>
      %dma_wait3A_283 = tpu.memref_squeeze %dma_wait3A_282 : memref<1x128x128xf32, #tpu.memory_space<vmem>> -> memref<128x128xf32, #tpu.memory_space<vmem>>
      %dma_wait3A_284 = arith.constant 0 : i32
      %dma_wait3A_285 = tpu.memref_slice %arg8[%dma_wait3A_278, %dma_wait3A_284] : memref<4x128xi32, #tpu.memory_space<vmem>> -> memref<1x128xi32, #tpu.memory_space<vmem>>
      %dma_wait3A_286 = tpu.memref_squeeze %dma_wait3A_285 : memref<1x128xi32, #tpu.memory_space<vmem>> -> memref<128xi32, #tpu.memory_space<vmem>>
      %dma_wait3A_287 = arith.constant 0 : i32
      %dma_wait3A_288 = arith.constant 0 : i32
      %dma_wait3A_289 = tpu.memref_slice %arg2[%dma_wait3A_287, %dma_wait3A_288] : memref<10000x128xf32, #tpu.memory_space<hbm>> -> memref<10000x128xf32, #tpu.memory_space<hbm>>
      tpu.wait_indirect_dma semaphore(%arg17 : memref<!tpu.dma_semaphore, #tpu.memory_space<semaphore_mem>>) src(%dma_wait3A_289 : memref<10000x128xf32, #tpu.memory_space<hbm>>) dst(%dma_wait3A_283 : memref<128x128xf32, #tpu.memory_space<vmem>>)
      %add3A_290 = arith.constant 2 : i32
      %add3A_291 = arith.addi %add3A_277, %add3A_290 : i32
      %lt3A_292 = arith.constant 80 : i32
      %lt3A_293 = arith.cmpi slt, %add3A_291, %lt3A_292 : i32
      %convert_element_type3A_294 = arith.extui %lt3A_293 : i1 to i32
      %cond3A_295 = arith.constant 0 : i32
      %cond3A_296 = arith.cmpi ne, %convert_element_type3A_294, %cond3A_295 : i32
      scf.if %cond3A_296 {
        %add3A_318 = arith.constant 2 : i32
        %add3A_319 = arith.addi %add3A_277, %add3A_318 : i32
        %dma_start3A_320 = arith.constant 1 : i32
        %dma_start3A_321 = arith.constant 0 : i32
        %dma_start3A_322 = tpu.memref_slice %arg8[%dma_start3A_320, %dma_start3A_321] : memref<4x128xi32, #tpu.memory_space<vmem>> -> memref<1x128xi32, #tpu.memory_space<vmem>>
        %dma_start3A_323 = tpu.memref_squeeze %dma_start3A_322 : memref<1x128xi32, #tpu.memory_space<vmem>> -> memref<128xi32, #tpu.memory_space<vmem>>
        %dma_start3A_324 = arith.constant 0 : i32
        %dma_start3A_325 = tpu.memref_slice %arg3[%add3A, %add3A_319, %dma_start3A_324] : memref<32x80x128xi32, #tpu.memory_space<hbm>> -> memref<1x1x128xi32, #tpu.memory_space<hbm>>
        %dma_start3A_326 = tpu.memref_squeeze %dma_start3A_325 : memref<1x1x128xi32, #tpu.memory_space<hbm>> -> memref<128xi32, #tpu.memory_space<hbm>>
        %dma_start3A_327 = arith.constant 0 : i32
        %dma_start3A_328 = tpu.memref_slice %arg8[%dma_start3A_320, %dma_start3A_327] : memref<4x128xi32, #tpu.memory_space<vmem>> -> memref<1x128xi32, #tpu.memory_space<vmem>>
        %dma_start3A_329 = tpu.memref_squeeze %dma_start3A_328 : memref<1x128xi32, #tpu.memory_space<vmem>> -> memref<128xi32, #tpu.memory_space<vmem>>
        %dma_start3A_330 = arith.constant 0 : i32
        %dma_start3A_331 = tpu.memref_slice %arg3[%add3A, %add3A_319, %dma_start3A_330] : memref<32x80x128xi32, #tpu.memory_space<hbm>> -> memref<1x1x128xi32, #tpu.memory_space<hbm>>
        %dma_start3A_332 = tpu.memref_squeeze %dma_start3A_331 : memref<1x1x128xi32, #tpu.memory_space<hbm>> -> memref<128xi32, #tpu.memory_space<hbm>>
        tpu.enqueue_dma source(%dma_start3A_332 : memref<128xi32, #tpu.memory_space<hbm>>) target(%dma_start3A_329 : memref<128xi32, #tpu.memory_space<vmem>>) target_semaphore(%arg13 : memref<!tpu.dma_semaphore, #tpu.memory_space<semaphore_mem>>)
      } else {
      }
      %dma_start3A_297 = arith.constant 1 : i32
      %dma_start3A_298 = arith.constant 0 : i32
      %dma_start3A_299 = arith.constant 0 : i32
      %dma_start3A_300 = tpu.memref_slice %arg10[%dma_start3A_297, %dma_start3A_298, %dma_start3A_299] : memref<2x128x128xf32, #tpu.memory_space<vmem>> -> memref<1x128x128xf32, #tpu.memory_space<vmem>>
      %dma_start3A_301 = tpu.memref_squeeze %dma_start3A_300 : memref<1x128x128xf32, #tpu.memory_space<vmem>> -> memref<128x128xf32, #tpu.memory_space<vmem>>
      %dma_start3A_302 = arith.constant 0 : i32
      %dma_start3A_303 = arith.constant 0 : i32
      %dma_start3A_304 = tpu.memref_slice %dma_start3A_301[%dma_start3A_302, %dma_start3A_303] : memref<128x128xf32, #tpu.memory_space<vmem>> -> memref<125x128xf32, #tpu.memory_space<vmem>>
      %dma_start3A_305 = arith.constant 0 : i32
      %dma_start3A_306 = tpu.memref_slice %arg9[%add3A_277, %dma_start3A_305] : memref<80x125xi32, #tpu.memory_space<vmem>> -> memref<1x125xi32, #tpu.memory_space<vmem>>
      %dma_start3A_307 = tpu.memref_squeeze %dma_start3A_306 : memref<1x125xi32, #tpu.memory_space<vmem>> -> memref<125xi32, #tpu.memory_space<vmem>>
      %dma_start3A_308 = arith.constant 0 : i32
      %dma_start3A_309 = arith.constant 0 : i32
      %dma_start3A_310 = tpu.memref_slice %arg11[%dma_start3A_308, %dma_start3A_309] : memref<10000x128xf32, #tpu.memory_space<vmem_shared>> -> memref<10000x128xf32, #tpu.memory_space<vmem_shared>>
      tpu.enqueue_indirect_dma source(%dma_start3A_304 : memref<125x128xf32, #tpu.memory_space<vmem>>) target(%dma_start3A_310 : memref<10000x128xf32, #tpu.memory_space<vmem_shared>>) offsets(%dma_start3A_307 : memref<125xi32, #tpu.memory_space<vmem>>) semaphore(%arg19 : memref<!tpu.dma_semaphore, #tpu.memory_space<semaphore_mem>>) {add = true}
      %add3A_311 = arith.constant 1 : i32
      %add3A_312 = arith.addi %add3A_277, %add3A_311 : i32
      %lt3A_313 = arith.constant 80 : i32
      %lt3A_314 = arith.cmpi slt, %add3A_312, %lt3A_313 : i32
      %convert_element_type3A_315 = arith.extui %lt3A_314 : i1 to i32
      %cond3A_316 = arith.constant 0 : i32
      %cond3A_317 = arith.cmpi ne, %convert_element_type3A_315, %cond3A_316 : i32
      scf.if %cond3A_317 {
        %add3A_318 = arith.constant 1 : i32
        %add3A_319 = arith.addi %add3A_277, %add3A_318 : i32
        %dma_wait3A_320 = arith.constant 0 : i32
        %dma_wait3A_321 = arith.constant 0 : i32
        %dma_wait3A_322 = tpu.memref_slice %arg8[%dma_wait3A_320, %dma_wait3A_321] : memref<4x128xi32, #tpu.memory_space<vmem>> -> memref<1x128xi32, #tpu.memory_space<vmem>>
        %dma_wait3A_323 = tpu.memref_squeeze %dma_wait3A_322 : memref<1x128xi32, #tpu.memory_space<vmem>> -> memref<128xi32, #tpu.memory_space<vmem>>
        %dma_wait3A_324 = arith.constant 0 : i32
        %dma_wait3A_325 = tpu.memref_slice %arg3[%add3A, %add3A_319, %dma_wait3A_324] : memref<32x80x128xi32, #tpu.memory_space<hbm>> -> memref<1x1x128xi32, #tpu.memory_space<hbm>>
        %dma_wait3A_326 = tpu.memref_squeeze %dma_wait3A_325 : memref<1x1x128xi32, #tpu.memory_space<hbm>> -> memref<128xi32, #tpu.memory_space<hbm>>
        %dma_wait3A_327 = arith.constant 0 : i32
        %dma_wait3A_328 = tpu.memref_slice %arg8[%dma_wait3A_320, %dma_wait3A_327] : memref<4x128xi32, #tpu.memory_space<vmem>> -> memref<1x128xi32, #tpu.memory_space<vmem>>
        %dma_wait3A_329 = tpu.memref_squeeze %dma_wait3A_328 : memref<1x128xi32, #tpu.memory_space<vmem>> -> memref<128xi32, #tpu.memory_space<vmem>>
        %dma_wait3A_330 = arith.constant 0 : i32
        %dma_wait3A_331 = tpu.memref_slice %arg3[%add3A, %add3A_319, %dma_wait3A_330] : memref<32x80x128xi32, #tpu.memory_space<hbm>> -> memref<1x1x128xi32, #tpu.memory_space<hbm>>
        %dma_wait3A_332 = tpu.memref_squeeze %dma_wait3A_331 : memref<1x1x128xi32, #tpu.memory_space<hbm>> -> memref<128xi32, #tpu.memory_space<hbm>>
        tpu.wait_dma2 semaphore(%arg12 : memref<!tpu.dma_semaphore, #tpu.memory_space<semaphore_mem>>) src(%dma_wait3A_332 : memref<128xi32, #tpu.memory_space<hbm>>) dst(%dma_wait3A_329 : memref<128xi32, #tpu.memory_space<vmem>>)
        %ge3A = arith.constant 1 : i32
        %ge3A_333 = arith.cmpi sge, %add3A_277, %ge3A : i32
        %convert_element_type3A_334 = arith.extui %ge3A_333 : i1 to i32
        %cond3A_335 = arith.constant 0 : i32
        %cond3A_336 = arith.cmpi ne, %convert_element_type3A_334, %cond3A_335 : i32
        scf.if %cond3A_336 {
          %sub3A = arith.constant 1 : i32
          %sub3A_405 = arith.subi %add3A_277, %sub3A : i32
          %dma_wait3A_406 = arith.constant 0 : i32
          %dma_wait3A_407 = arith.constant 0 : i32
          %dma_wait3A_408 = arith.constant 0 : i32
          %dma_wait3A_409 = tpu.memref_slice %arg10[%dma_wait3A_406, %dma_wait3A_407, %dma_wait3A_408] : memref<2x128x128xf32, #tpu.memory_space<vmem>> -> memref<1x128x128xf32, #tpu.memory_space<vmem>>
          %dma_wait3A_410 = tpu.memref_squeeze %dma_wait3A_409 : memref<1x128x128xf32, #tpu.memory_space<vmem>> -> memref<128x128xf32, #tpu.memory_space<vmem>>
          %dma_wait3A_411 = arith.constant 0 : i32
          %dma_wait3A_412 = arith.constant 0 : i32
          %dma_wait3A_413 = tpu.memref_slice %dma_wait3A_410[%dma_wait3A_411, %dma_wait3A_412] : memref<128x128xf32, #tpu.memory_space<vmem>> -> memref<125x128xf32, #tpu.memory_space<vmem>>
          %dma_wait3A_414 = arith.constant 0 : i32
          %dma_wait3A_415 = tpu.memref_slice %arg9[%sub3A_405, %dma_wait3A_414] : memref<80x125xi32, #tpu.memory_space<vmem>> -> memref<1x125xi32, #tpu.memory_space<vmem>>
          %dma_wait3A_416 = tpu.memref_squeeze %dma_wait3A_415 : memref<1x125xi32, #tpu.memory_space<vmem>> -> memref<125xi32, #tpu.memory_space<vmem>>
          %dma_wait3A_417 = arith.constant 0 : i32
          %dma_wait3A_418 = arith.constant 0 : i32
          %dma_wait3A_419 = tpu.memref_slice %arg11[%dma_wait3A_417, %dma_wait3A_418] : memref<10000x128xf32, #tpu.memory_space<vmem_shared>> -> memref<10000x128xf32, #tpu.memory_space<vmem_shared>>
          tpu.wait_indirect_dma semaphore(%arg18 : memref<!tpu.dma_semaphore, #tpu.memory_space<semaphore_mem>>) src(%dma_wait3A_413 : memref<125x128xf32, #tpu.memory_space<vmem>>) dst(%dma_wait3A_419 : memref<10000x128xf32, #tpu.memory_space<vmem_shared>>)
        } else {
        }
        %dma_start3A_337 = arith.constant 0 : i32
        %dma_start3A_338 = arith.constant 0 : i32
        %dma_start3A_339 = arith.constant 0 : i32
        %dma_start3A_340 = arith.constant 0 : i32
        %dma_start3A_341 = tpu.memref_slice %arg10[%dma_start3A_338, %dma_start3A_339, %dma_start3A_340] : memref<2x128x128xf32, #tpu.memory_space<vmem>> -> memref<1x128x128xf32, #tpu.memory_space<vmem>>
        %dma_start3A_342 = tpu.memref_squeeze %dma_start3A_341 : memref<1x128x128xf32, #tpu.memory_space<vmem>> -> memref<128x128xf32, #tpu.memory_space<vmem>>
        %dma_start3A_343 = arith.constant 0 : i32
        %dma_start3A_344 = arith.constant 0 : i32
        %dma_start3A_345 = tpu.memref_slice %dma_start3A_342[%dma_start3A_343, %dma_start3A_344] : memref<128x128xf32, #tpu.memory_space<vmem>> -> memref<32x128xf32, #tpu.memory_space<vmem>>
        %dma_start3A_346 = arith.constant 0 : i32
        %dma_start3A_347 = tpu.memref_slice %arg8[%dma_start3A_337, %dma_start3A_346] : memref<4x128xi32, #tpu.memory_space<vmem>> -> memref<1x128xi32, #tpu.memory_space<vmem>>
        %dma_start3A_348 = tpu.memref_squeeze %dma_start3A_347 : memref<1x128xi32, #tpu.memory_space<vmem>> -> memref<128xi32, #tpu.memory_space<vmem>>
        %dma_start3A_349 = arith.constant 0 : i32
        %dma_start3A_350 = tpu.memref_slice %dma_start3A_348[%dma_start3A_349] : memref<128xi32, #tpu.memory_space<vmem>> -> memref<32xi32, #tpu.memory_space<vmem>>
        %dma_start3A_351 = arith.constant 0 : i32
        %dma_start3A_352 = arith.constant 0 : i32
        %dma_start3A_353 = tpu.memref_slice %arg2[%dma_start3A_351, %dma_start3A_352] : memref<10000x128xf32, #tpu.memory_space<hbm>> -> memref<10000x128xf32, #tpu.memory_space<hbm>>
        tpu.enqueue_indirect_dma source(%dma_start3A_353 : memref<10000x128xf32, #tpu.memory_space<hbm>>) target(%dma_start3A_345 : memref<32x128xf32, #tpu.memory_space<vmem>>) offsets(%dma_start3A_350 : memref<32xi32, #tpu.memory_space<vmem>>) semaphore(%arg16 : memref<!tpu.dma_semaphore, #tpu.memory_space<semaphore_mem>>)
        %dma_start3A_354 = arith.constant 0 : i32
        %dma_start3A_355 = arith.constant 0 : i32
        %dma_start3A_356 = arith.constant 0 : i32
        %dma_start3A_357 = arith.constant 0 : i32
        %dma_start3A_358 = tpu.memref_slice %arg10[%dma_start3A_355, %dma_start3A_356, %dma_start3A_357] : memref<2x128x128xf32, #tpu.memory_space<vmem>> -> memref<1x128x128xf32, #tpu.memory_space<vmem>>
        %dma_start3A_359 = tpu.memref_squeeze %dma_start3A_358 : memref<1x128x128xf32, #tpu.memory_space<vmem>> -> memref<128x128xf32, #tpu.memory_space<vmem>>
        %dma_start3A_360 = arith.constant 32 : i32
        %dma_start3A_361 = arith.constant 0 : i32
        %dma_start3A_362 = tpu.memref_slice %dma_start3A_359[%dma_start3A_360, %dma_start3A_361] : memref<128x128xf32, #tpu.memory_space<vmem>> -> memref<32x128xf32, #tpu.memory_space<vmem>>
        %dma_start3A_363 = arith.constant 0 : i32
        %dma_start3A_364 = tpu.memref_slice %arg8[%dma_start3A_354, %dma_start3A_363] : memref<4x128xi32, #tpu.memory_space<vmem>> -> memref<1x128xi32, #tpu.memory_space<vmem>>
        %dma_start3A_365 = tpu.memref_squeeze %dma_start3A_364 : memref<1x128xi32, #tpu.memory_space<vmem>> -> memref<128xi32, #tpu.memory_space<vmem>>
        %dma_start3A_366 = arith.constant 32 : i32
        %dma_start3A_367 = tpu.memref_slice %dma_start3A_365[%dma_start3A_366] : memref<128xi32, #tpu.memory_space<vmem>> -> memref<32xi32, #tpu.memory_space<vmem>>
        %dma_start3A_368 = arith.constant 0 : i32
        %dma_start3A_369 = arith.constant 0 : i32
        %dma_start3A_370 = tpu.memref_slice %arg2[%dma_start3A_368, %dma_start3A_369] : memref<10000x128xf32, #tpu.memory_space<hbm>> -> memref<10000x128xf32, #tpu.memory_space<hbm>>
        tpu.enqueue_indirect_dma source(%dma_start3A_370 : memref<10000x128xf32, #tpu.memory_space<hbm>>) target(%dma_start3A_362 : memref<32x128xf32, #tpu.memory_space<vmem>>) offsets(%dma_start3A_367 : memref<32xi32, #tpu.memory_space<vmem>>) semaphore(%arg16 : memref<!tpu.dma_semaphore, #tpu.memory_space<semaphore_mem>>)
        %dma_start3A_371 = arith.constant 0 : i32
        %dma_start3A_372 = arith.constant 0 : i32
        %dma_start3A_373 = arith.constant 0 : i32
        %dma_start3A_374 = arith.constant 0 : i32
        %dma_start3A_375 = tpu.memref_slice %arg10[%dma_start3A_372, %dma_start3A_373, %dma_start3A_374] : memref<2x128x128xf32, #tpu.memory_space<vmem>> -> memref<1x128x128xf32, #tpu.memory_space<vmem>>
        %dma_start3A_376 = tpu.memref_squeeze %dma_start3A_375 : memref<1x128x128xf32, #tpu.memory_space<vmem>> -> memref<128x128xf32, #tpu.memory_space<vmem>>
        %dma_start3A_377 = arith.constant 64 : i32
        %dma_start3A_378 = arith.constant 0 : i32
        %dma_start3A_379 = tpu.memref_slice %dma_start3A_376[%dma_start3A_377, %dma_start3A_378] : memref<128x128xf32, #tpu.memory_space<vmem>> -> memref<32x128xf32, #tpu.memory_space<vmem>>
        %dma_start3A_380 = arith.constant 0 : i32
        %dma_start3A_381 = tpu.memref_slice %arg8[%dma_start3A_371, %dma_start3A_380] : memref<4x128xi32, #tpu.memory_space<vmem>> -> memref<1x128xi32, #tpu.memory_space<vmem>>
        %dma_start3A_382 = tpu.memref_squeeze %dma_start3A_381 : memref<1x128xi32, #tpu.memory_space<vmem>> -> memref<128xi32, #tpu.memory_space<vmem>>
        %dma_start3A_383 = arith.constant 64 : i32
        %dma_start3A_384 = tpu.memref_slice %dma_start3A_382[%dma_start3A_383] : memref<128xi32, #tpu.memory_space<vmem>> -> memref<32xi32, #tpu.memory_space<vmem>>
        %dma_start3A_385 = arith.constant 0 : i32
        %dma_start3A_386 = arith.constant 0 : i32
        %dma_start3A_387 = tpu.memref_slice %arg2[%dma_start3A_385, %dma_start3A_386] : memref<10000x128xf32, #tpu.memory_space<hbm>> -> memref<10000x128xf32, #tpu.memory_space<hbm>>
        tpu.enqueue_indirect_dma source(%dma_start3A_387 : memref<10000x128xf32, #tpu.memory_space<hbm>>) target(%dma_start3A_379 : memref<32x128xf32, #tpu.memory_space<vmem>>) offsets(%dma_start3A_384 : memref<32xi32, #tpu.memory_space<vmem>>) semaphore(%arg16 : memref<!tpu.dma_semaphore, #tpu.memory_space<semaphore_mem>>)
        %dma_start3A_388 = arith.constant 0 : i32
        %dma_start3A_389 = arith.constant 0 : i32
        %dma_start3A_390 = arith.constant 0 : i32
        %dma_start3A_391 = arith.constant 0 : i32
        %dma_start3A_392 = tpu.memref_slice %arg10[%dma_start3A_389, %dma_start3A_390, %dma_start3A_391] : memref<2x128x128xf32, #tpu.memory_space<vmem>> -> memref<1x128x128xf32, #tpu.memory_space<vmem>>
        %dma_start3A_393 = tpu.memref_squeeze %dma_start3A_392 : memref<1x128x128xf32, #tpu.memory_space<vmem>> -> memref<128x128xf32, #tpu.memory_space<vmem>>
        %dma_start3A_394 = arith.constant 96 : i32
        %dma_start3A_395 = arith.constant 0 : i32
        %dma_start3A_396 = tpu.memref_slice %dma_start3A_393[%dma_start3A_394, %dma_start3A_395] : memref<128x128xf32, #tpu.memory_space<vmem>> -> memref<32x128xf32, #tpu.memory_space<vmem>>
        %dma_start3A_397 = arith.constant 0 : i32
        %dma_start3A_398 = tpu.memref_slice %arg8[%dma_start3A_388, %dma_start3A_397] : memref<4x128xi32, #tpu.memory_space<vmem>> -> memref<1x128xi32, #tpu.memory_space<vmem>>
        %dma_start3A_399 = tpu.memref_squeeze %dma_start3A_398 : memref<1x128xi32, #tpu.memory_space<vmem>> -> memref<128xi32, #tpu.memory_space<vmem>>
        %dma_start3A_400 = arith.constant 96 : i32
        %dma_start3A_401 = tpu.memref_slice %dma_start3A_399[%dma_start3A_400] : memref<128xi32, #tpu.memory_space<vmem>> -> memref<32xi32, #tpu.memory_space<vmem>>
        %dma_start3A_402 = arith.constant 0 : i32
        %dma_start3A_403 = arith.constant 0 : i32
        %dma_start3A_404 = tpu.memref_slice %arg2[%dma_start3A_402, %dma_start3A_403] : memref<10000x128xf32, #tpu.memory_space<hbm>> -> memref<10000x128xf32, #tpu.memory_space<hbm>>
        tpu.enqueue_indirect_dma source(%dma_start3A_404 : memref<10000x128xf32, #tpu.memory_space<hbm>>) target(%dma_start3A_396 : memref<32x128xf32, #tpu.memory_space<vmem>>) offsets(%dma_start3A_401 : memref<32xi32, #tpu.memory_space<vmem>>) semaphore(%arg16 : memref<!tpu.dma_semaphore, #tpu.memory_space<semaphore_mem>>)
      } else {
      }
    }
    %scan3A_118 = arith.constant 20 : i32
    %dma_wait3A_119 = arith.constant 1 : i32
    %dma_wait3A_120 = arith.constant 79 : i32
    %dma_wait3A_121 = arith.constant 0 : i32
    %dma_wait3A_122 = arith.constant 0 : i32
    %dma_wait3A_123 = tpu.memref_slice %arg10[%dma_wait3A_119, %dma_wait3A_121, %dma_wait3A_122] : memref<2x128x128xf32, #tpu.memory_space<vmem>> -> memref<1x128x128xf32, #tpu.memory_space<vmem>>
    %dma_wait3A_124 = tpu.memref_squeeze %dma_wait3A_123 : memref<1x128x128xf32, #tpu.memory_space<vmem>> -> memref<128x128xf32, #tpu.memory_space<vmem>>
    %dma_wait3A_125 = arith.constant 0 : i32
    %dma_wait3A_126 = arith.constant 0 : i32
    %dma_wait3A_127 = tpu.memref_slice %dma_wait3A_124[%dma_wait3A_125, %dma_wait3A_126] : memref<128x128xf32, #tpu.memory_space<vmem>> -> memref<125x128xf32, #tpu.memory_space<vmem>>
    %dma_wait3A_128 = arith.constant 0 : i32
    %dma_wait3A_129 = tpu.memref_slice %arg9[%dma_wait3A_120, %dma_wait3A_128] : memref<80x125xi32, #tpu.memory_space<vmem>> -> memref<1x125xi32, #tpu.memory_space<vmem>>
    %dma_wait3A_130 = tpu.memref_squeeze %dma_wait3A_129 : memref<1x125xi32, #tpu.memory_space<vmem>> -> memref<125xi32, #tpu.memory_space<vmem>>
    %dma_wait3A_131 = arith.constant 0 : i32
    %dma_wait3A_132 = arith.constant 0 : i32
    %dma_wait3A_133 = tpu.memref_slice %arg11[%dma_wait3A_131, %dma_wait3A_132] : memref<10000x128xf32, #tpu.memory_space<vmem_shared>> -> memref<10000x128xf32, #tpu.memory_space<vmem_shared>>
    tpu.wait_indirect_dma semaphore(%arg19 : memref<!tpu.dma_semaphore, #tpu.memory_space<semaphore_mem>>) src(%dma_wait3A_127 : memref<125x128xf32, #tpu.memory_space<vmem>>) dst(%dma_wait3A_133 : memref<10000x128xf32, #tpu.memory_space<vmem_shared>>)
    %barrier3A_134 = arith.constant 0 : index
    tpu.barrier barrier_id(%barrier3A_134)
    %eq3A_135 = arith.constant 0 : i32
    %eq3A_136 = arith.cmpi eq, %arg0, %eq3A_135 : i32
    %convert_element_type3A_137 = arith.extui %eq3A_136 : i1 to i32
    %cond3A_138 = arith.constant 0 : i32
    %cond3A_139 = arith.cmpi ne, %convert_element_type3A_137, %cond3A_138 : i32
    scf.if %cond3A_139 {
      %lt3A_145 = arith.constant 15 : i32
      %lt3A_146 = arith.cmpi slt, %arg1, %lt3A_145 : i32
      %convert_element_type3A_147 = arith.extui %lt3A_146 : i1 to i32
      %cond3A_148 = arith.constant 0 : i32
      %cond3A_149 = arith.cmpi ne, %convert_element_type3A_147, %cond3A_148 : i32
      scf.if %cond3A_149 {
        %mul3A_155 = arith.constant 632 : i32
        %mul3A_156 = arith.muli %arg1, %mul3A_155 : i32
        "tpu.region"() ({
          %run_scoped3A = tpu.sem_alloc : memref<!tpu.dma_semaphore, #tpu.memory_space<semaphore_mem>>
          %dma_start3A_157 = arith.constant 0 : i32
          %dma_start3A_158 = tpu.memref_slice %arg6[%mul3A_156, %dma_start3A_157] : memref<10000x128xf32, #tpu.memory_space<hbm>> -> memref<632x128xf32, #tpu.memory_space<hbm>>
          %dma_start3A_159 = arith.constant 0 : i32
          %dma_start3A_160 = tpu.memref_slice %arg11[%mul3A_156, %dma_start3A_159] : memref<10000x128xf32, #tpu.memory_space<vmem_shared>> -> memref<632x128xf32, #tpu.memory_space<vmem_shared>>
          tpu.enqueue_dma source(%dma_start3A_160 : memref<632x128xf32, #tpu.memory_space<vmem_shared>>) target(%dma_start3A_158 : memref<632x128xf32, #tpu.memory_space<hbm>>) target_semaphore(%run_scoped3A : memref<!tpu.dma_semaphore, #tpu.memory_space<semaphore_mem>>)
          %dma_wait3A_161 = arith.constant 0 : i32
          %dma_wait3A_162 = tpu.memref_slice %arg6[%mul3A_156, %dma_wait3A_161] : memref<10000x128xf32, #tpu.memory_space<hbm>> -> memref<632x128xf32, #tpu.memory_space<hbm>>
          %dma_wait3A_163 = arith.constant 0 : i32
          %dma_wait3A_164 = tpu.memref_slice %arg11[%mul3A_156, %dma_wait3A_163] : memref<10000x128xf32, #tpu.memory_space<vmem_shared>> -> memref<632x128xf32, #tpu.memory_space<vmem_shared>>
          tpu.wait_dma2 semaphore(%run_scoped3A : memref<!tpu.dma_semaphore, #tpu.memory_space<semaphore_mem>>) src(%dma_wait3A_164 : memref<632x128xf32, #tpu.memory_space<vmem_shared>>) dst(%dma_wait3A_162 : memref<632x128xf32, #tpu.memory_space<hbm>>)
          tpu.yield
        }) : () -> ()
      } else {
      }
      %eq3A_150 = arith.constant 15 : i32
      %eq3A_151 = arith.cmpi eq, %arg1, %eq3A_150 : i32
      %convert_element_type3A_152 = arith.extui %eq3A_151 : i1 to i32
      %cond3A_153 = arith.constant 0 : i32
      %cond3A_154 = arith.cmpi ne, %convert_element_type3A_152, %cond3A_153 : i32
      scf.if %cond3A_154 {
        "tpu.region"() ({
          %run_scoped3A = tpu.sem_alloc : memref<!tpu.dma_semaphore, #tpu.memory_space<semaphore_mem>>
          %dma_start3A_155 = arith.constant 9480 : i32
          %dma_start3A_156 = arith.constant 0 : i32
          %dma_start3A_157 = tpu.memref_slice %arg6[%dma_start3A_155, %dma_start3A_156] : memref<10000x128xf32, #tpu.memory_space<hbm>> -> memref<520x128xf32, #tpu.memory_space<hbm>>
          %dma_start3A_158 = arith.constant 9480 : i32
          %dma_start3A_159 = arith.constant 0 : i32
          %dma_start3A_160 = tpu.memref_slice %arg11[%dma_start3A_158, %dma_start3A_159] : memref<10000x128xf32, #tpu.memory_space<vmem_shared>> -> memref<520x128xf32, #tpu.memory_space<vmem_shared>>
          tpu.enqueue_dma source(%dma_start3A_160 : memref<520x128xf32, #tpu.memory_space<vmem_shared>>) target(%dma_start3A_157 : memref<520x128xf32, #tpu.memory_space<hbm>>) target_semaphore(%run_scoped3A : memref<!tpu.dma_semaphore, #tpu.memory_space<semaphore_mem>>)
          %dma_wait3A_161 = arith.constant 9480 : i32
          %dma_wait3A_162 = arith.constant 0 : i32
          %dma_wait3A_163 = tpu.memref_slice %arg6[%dma_wait3A_161, %dma_wait3A_162] : memref<10000x128xf32, #tpu.memory_space<hbm>> -> memref<520x128xf32, #tpu.memory_space<hbm>>
          %dma_wait3A_164 = arith.constant 9480 : i32
          %dma_wait3A_165 = arith.constant 0 : i32
          %dma_wait3A_166 = tpu.memref_slice %arg11[%dma_wait3A_164, %dma_wait3A_165] : memref<10000x128xf32, #tpu.memory_space<vmem_shared>> -> memref<520x128xf32, #tpu.memory_space<vmem_shared>>
          tpu.wait_dma2 semaphore(%run_scoped3A : memref<!tpu.dma_semaphore, #tpu.memory_space<semaphore_mem>>) src(%dma_wait3A_166 : memref<520x128xf32, #tpu.memory_space<vmem_shared>>) dst(%dma_wait3A_163 : memref<520x128xf32, #tpu.memory_space<hbm>>)
          tpu.yield
        }) : () -> ()
      } else {
      }
    } else {
    }
    %eq3A_140 = arith.constant 1 : i32
    %eq3A_141 = arith.cmpi eq, %arg0, %eq3A_140 : i32
    %convert_element_type3A_142 = arith.extui %eq3A_141 : i1 to i32
    %cond3A_143 = arith.constant 0 : i32
    %cond3A_144 = arith.cmpi ne, %convert_element_type3A_142, %cond3A_143 : i32
    scf.if %cond3A_144 {
      %lt3A_145 = arith.constant 15 : i32
      %lt3A_146 = arith.cmpi slt, %arg1, %lt3A_145 : i32
      %convert_element_type3A_147 = arith.extui %lt3A_146 : i1 to i32
      %cond3A_148 = arith.constant 0 : i32
      %cond3A_149 = arith.cmpi ne, %convert_element_type3A_147, %cond3A_148 : i32
      scf.if %cond3A_149 {
        %mul3A_155 = arith.constant 632 : i32
        %mul3A_156 = arith.muli %arg1, %mul3A_155 : i32
        "tpu.region"() ({
          %run_scoped3A = tpu.sem_alloc : memref<!tpu.dma_semaphore, #tpu.memory_space<semaphore_mem>>
          %dma_start3A_157 = arith.constant 0 : i32
          %dma_start3A_158 = tpu.memref_slice %arg7[%mul3A_156, %dma_start3A_157] : memref<10000x128xf32, #tpu.memory_space<hbm>> -> memref<632x128xf32, #tpu.memory_space<hbm>>
          %dma_start3A_159 = arith.constant 0 : i32
          %dma_start3A_160 = tpu.memref_slice %arg11[%mul3A_156, %dma_start3A_159] : memref<10000x128xf32, #tpu.memory_space<vmem_shared>> -> memref<632x128xf32, #tpu.memory_space<vmem_shared>>
          tpu.enqueue_dma source(%dma_start3A_160 : memref<632x128xf32, #tpu.memory_space<vmem_shared>>) target(%dma_start3A_158 : memref<632x128xf32, #tpu.memory_space<hbm>>) target_semaphore(%run_scoped3A : memref<!tpu.dma_semaphore, #tpu.memory_space<semaphore_mem>>)
          %dma_wait3A_161 = arith.constant 0 : i32
          %dma_wait3A_162 = tpu.memref_slice %arg7[%mul3A_156, %dma_wait3A_161] : memref<10000x128xf32, #tpu.memory_space<hbm>> -> memref<632x128xf32, #tpu.memory_space<hbm>>
          %dma_wait3A_163 = arith.constant 0 : i32
          %dma_wait3A_164 = tpu.memref_slice %arg11[%mul3A_156, %dma_wait3A_163] : memref<10000x128xf32, #tpu.memory_space<vmem_shared>> -> memref<632x128xf32, #tpu.memory_space<vmem_shared>>
          tpu.wait_dma2 semaphore(%run_scoped3A : memref<!tpu.dma_semaphore, #tpu.memory_space<semaphore_mem>>) src(%dma_wait3A_164 : memref<632x128xf32, #tpu.memory_space<vmem_shared>>) dst(%dma_wait3A_162 : memref<632x128xf32, #tpu.memory_space<hbm>>)
          tpu.yield
        }) : () -> ()
      } else {
      }
      %eq3A_150 = arith.constant 15 : i32
      %eq3A_151 = arith.cmpi eq, %arg1, %eq3A_150 : i32
      %convert_element_type3A_152 = arith.extui %eq3A_151 : i1 to i32
      %cond3A_153 = arith.constant 0 : i32
      %cond3A_154 = arith.cmpi ne, %convert_element_type3A_152, %cond3A_153 : i32
      scf.if %cond3A_154 {
        "tpu.region"() ({
          %run_scoped3A = tpu.sem_alloc : memref<!tpu.dma_semaphore, #tpu.memory_space<semaphore_mem>>
          %dma_start3A_155 = arith.constant 9480 : i32
          %dma_start3A_156 = arith.constant 0 : i32
          %dma_start3A_157 = tpu.memref_slice %arg7[%dma_start3A_155, %dma_start3A_156] : memref<10000x128xf32, #tpu.memory_space<hbm>> -> memref<520x128xf32, #tpu.memory_space<hbm>>
          %dma_start3A_158 = arith.constant 9480 : i32
          %dma_start3A_159 = arith.constant 0 : i32
          %dma_start3A_160 = tpu.memref_slice %arg11[%dma_start3A_158, %dma_start3A_159] : memref<10000x128xf32, #tpu.memory_space<vmem_shared>> -> memref<520x128xf32, #tpu.memory_space<vmem_shared>>
          tpu.enqueue_dma source(%dma_start3A_160 : memref<520x128xf32, #tpu.memory_space<vmem_shared>>) target(%dma_start3A_157 : memref<520x128xf32, #tpu.memory_space<hbm>>) target_semaphore(%run_scoped3A : memref<!tpu.dma_semaphore, #tpu.memory_space<semaphore_mem>>)
          %dma_wait3A_161 = arith.constant 9480 : i32
          %dma_wait3A_162 = arith.constant 0 : i32
          %dma_wait3A_163 = tpu.memref_slice %arg7[%dma_wait3A_161, %dma_wait3A_162] : memref<10000x128xf32, #tpu.memory_space<hbm>> -> memref<520x128xf32, #tpu.memory_space<hbm>>
          %dma_wait3A_164 = arith.constant 9480 : i32
          %dma_wait3A_165 = arith.constant 0 : i32
          %dma_wait3A_166 = tpu.memref_slice %arg11[%dma_wait3A_164, %dma_wait3A_165] : memref<10000x128xf32, #tpu.memory_space<vmem_shared>> -> memref<520x128xf32, #tpu.memory_space<vmem_shared>>
          tpu.wait_dma2 semaphore(%run_scoped3A : memref<!tpu.dma_semaphore, #tpu.memory_space<semaphore_mem>>) src(%dma_wait3A_166 : memref<520x128xf32, #tpu.memory_space<vmem_shared>>) dst(%dma_wait3A_163 : memref<520x128xf32, #tpu.memory_space<hbm>>)
          tpu.yield
        }) : () -> ()
      } else {
      }
    } else {
    }
    return
  }
}

#map = affine_map<(d0, d1) -> (0, 0)>
#map1 = affine_map<(d0, d1) -> (0, 0, 0)>
module attributes {stable_mosaic.version = 14 : i64} {
  func.func @sc_segment_sum(%arg0: i32, %arg1: i32, %arg2: memref<10000x128xf32, #tpu.memory_space<hbm>>, %arg3: memref<32x80x128xi32, #tpu.memory_space<hbm>>, %arg4: memref<32x80x125xi32, #tpu.memory_space<hbm>>, %arg5: memref<632x128xf32, #tpu.memory_space<hbm>>, %arg6: memref<10000x128xf32, #tpu.memory_space<hbm>>, %arg7: memref<10000x128xf32, #tpu.memory_space<hbm>>, %arg8: memref<4x128xi32, #tpu.memory_space<vmem>>, %arg9: memref<80x125xi32, #tpu.memory_space<vmem>>, %arg10: memref<2x128x128xf32, #tpu.memory_space<vmem>>, %arg11: memref<10000x128xf32, #tpu.memory_space<vmem_shared>>, %arg12: memref<!tpu.dma_semaphore, #tpu.memory_space<semaphore_mem>>, %arg13: memref<!tpu.dma_semaphore, #tpu.memory_space<semaphore_mem>>, %arg14: memref<!tpu.dma_semaphore, #tpu.memory_space<semaphore_mem>>, %arg15: memref<!tpu.dma_semaphore, #tpu.memory_space<semaphore_mem>>, %arg16: memref<!tpu.dma_semaphore, #tpu.memory_space<semaphore_mem>>, %arg17: memref<!tpu.dma_semaphore, #tpu.memory_space<semaphore_mem>>, %arg18: memref<!tpu.dma_semaphore, #tpu.memory_space<semaphore_mem>>, %arg19: memref<!tpu.dma_semaphore, #tpu.memory_space<semaphore_mem>>) attributes {dimension_semantics = [#tpu.dimension_semantics<core_parallel>, #tpu.dimension_semantics<subcore_parallel>], iteration_bounds = array<i64: 2, 16>, scalar_prefetch = 0 : i64, scratch_operands = 12 : i64, tpu.core_type = #tpu.core_type<sc_vector_subcore>, window_params = [{transform_indices = #map}, {transform_indices = #map1}, {transform_indices = #map1}, {transform_indices = #map}, {transform_indices = #map}, {transform_indices = #map}]} {
    %mul3A = arith.constant 16 : i32
    %mul3A_0 = arith.muli %arg0, %mul3A : i32
    %add3A = arith.addi %mul3A_0, %arg1 : i32
    %dma_start3A = arith.constant 0 : i32
    %dma_start3A_1 = arith.constant 0 : i32
    %dma_start3A_2 = arith.constant 0 : i32
    %dma_start3A_3 = tpu.memref_slice %arg8[%dma_start3A_1, %dma_start3A_2] : memref<4x128xi32, #tpu.memory_space<vmem>> -> memref<1x128xi32, #tpu.memory_space<vmem>>
    %dma_start3A_4 = tpu.memref_squeeze %dma_start3A_3 : memref<1x128xi32, #tpu.memory_space<vmem>> -> memref<128xi32, #tpu.memory_space<vmem>>
    %dma_start3A_5 = arith.constant 0 : i32
    %dma_start3A_6 = tpu.memref_slice %arg3[%add3A, %dma_start3A, %dma_start3A_5] : memref<32x80x128xi32, #tpu.memory_space<hbm>> -> memref<1x1x128xi32, #tpu.memory_space<hbm>>
    %dma_start3A_7 = tpu.memref_squeeze %dma_start3A_6 : memref<1x1x128xi32, #tpu.memory_space<hbm>> -> memref<128xi32, #tpu.memory_space<hbm>>
    %dma_start3A_8 = arith.constant 0 : i32
    %dma_start3A_9 = tpu.memref_slice %arg8[%dma_start3A_1, %dma_start3A_8] : memref<4x128xi32, #tpu.memory_space<vmem>> -> memref<1x128xi32, #tpu.memory_space<vmem>>
    %dma_start3A_10 = tpu.memref_squeeze %dma_start3A_9 : memref<1x128xi32, #tpu.memory_space<vmem>> -> memref<128xi32, #tpu.memory_space<vmem>>
    %dma_start3A_11 = arith.constant 0 : i32
    %dma_start3A_12 = tpu.memref_slice %arg3[%add3A, %dma_start3A, %dma_start3A_11] : memref<32x80x128xi32, #tpu.memory_space<hbm>> -> memref<1x1x128xi32, #tpu.memory_space<hbm>>
    %dma_start3A_13 = tpu.memref_squeeze %dma_start3A_12 : memref<1x1x128xi32, #tpu.memory_space<hbm>> -> memref<128xi32, #tpu.memory_space<hbm>>
    tpu.enqueue_dma source(%dma_start3A_13 : memref<128xi32, #tpu.memory_space<hbm>>) target(%dma_start3A_10 : memref<128xi32, #tpu.memory_space<vmem>>) target_semaphore(%arg12 : memref<!tpu.dma_semaphore, #tpu.memory_space<semaphore_mem>>)
    %dma_start3A_14 = arith.constant 1 : i32
    %dma_start3A_15 = arith.constant 1 : i32
    %dma_start3A_16 = arith.constant 0 : i32
    %dma_start3A_17 = tpu.memref_slice %arg8[%dma_start3A_15, %dma_start3A_16] : memref<4x128xi32, #tpu.memory_space<vmem>> -> memref<1x128xi32, #tpu.memory_space<vmem>>
    %dma_start3A_18 = tpu.memref_squeeze %dma_start3A_17 : memref<1x128xi32, #tpu.memory_space<vmem>> -> memref<128xi32, #tpu.memory_space<vmem>>
    %dma_start3A_19 = arith.constant 0 : i32
    %dma_start3A_20 = tpu.memref_slice %arg3[%add3A, %dma_start3A_14, %dma_start3A_19] : memref<32x80x128xi32, #tpu.memory_space<hbm>> -> memref<1x1x128xi32, #tpu.memory_space<hbm>>
    %dma_start3A_21 = tpu.memref_squeeze %dma_start3A_20 : memref<1x1x128xi32, #tpu.memory_space<hbm>> -> memref<128xi32, #tpu.memory_space<hbm>>
    %dma_start3A_22 = arith.constant 0 : i32
    %dma_start3A_23 = tpu.memref_slice %arg8[%dma_start3A_15, %dma_start3A_22] : memref<4x128xi32, #tpu.memory_space<vmem>> -> memref<1x128xi32, #tpu.memory_space<vmem>>
    %dma_start3A_24 = tpu.memref_squeeze %dma_start3A_23 : memref<1x128xi32, #tpu.memory_space<vmem>> -> memref<128xi32, #tpu.memory_space<vmem>>
    %dma_start3A_25 = arith.constant 0 : i32
    %dma_start3A_26 = tpu.memref_slice %arg3[%add3A, %dma_start3A_14, %dma_start3A_25] : memref<32x80x128xi32, #tpu.memory_space<hbm>> -> memref<1x1x128xi32, #tpu.memory_space<hbm>>
    %dma_start3A_27 = tpu.memref_squeeze %dma_start3A_26 : memref<1x1x128xi32, #tpu.memory_space<hbm>> -> memref<128xi32, #tpu.memory_space<hbm>>
    tpu.enqueue_dma source(%dma_start3A_27 : memref<128xi32, #tpu.memory_space<hbm>>) target(%dma_start3A_24 : memref<128xi32, #tpu.memory_space<vmem>>) target_semaphore(%arg13 : memref<!tpu.dma_semaphore, #tpu.memory_space<semaphore_mem>>)
    "tpu.region"() ({
      %run_scoped3A = tpu.sem_alloc : memref<!tpu.dma_semaphore, #tpu.memory_space<semaphore_mem>>
      %dma_start3A_145 = arith.constant 0 : i32
      %dma_start3A_146 = arith.constant 0 : i32
      %dma_start3A_147 = tpu.memref_slice %arg4[%add3A, %dma_start3A_145, %dma_start3A_146] : memref<32x80x125xi32, #tpu.memory_space<hbm>> -> memref<1x80x125xi32, #tpu.memory_space<hbm>>
      %dma_start3A_148 = tpu.memref_squeeze %dma_start3A_147 : memref<1x80x125xi32, #tpu.memory_space<hbm>> -> memref<80x125xi32, #tpu.memory_space<hbm>>
      %dma_start3A_149 = arith.constant 0 : i32
      %dma_start3A_150 = arith.constant 0 : i32
      %dma_start3A_151 = tpu.memref_slice %arg4[%add3A, %dma_start3A_149, %dma_start3A_150] : memref<32x80x125xi32, #tpu.memory_space<hbm>> -> memref<1x80x125xi32, #tpu.memory_space<hbm>>
      %dma_start3A_152 = tpu.memref_squeeze %dma_start3A_151 : memref<1x80x125xi32, #tpu.memory_space<hbm>> -> memref<80x125xi32, #tpu.memory_space<hbm>>
      tpu.enqueue_dma source(%dma_start3A_152 : memref<80x125xi32, #tpu.memory_space<hbm>>) target(%arg9 : memref<80x125xi32, #tpu.memory_space<vmem>>) target_semaphore(%run_scoped3A : memref<!tpu.dma_semaphore, #tpu.memory_space<semaphore_mem>>)
      %dma_wait3A_153 = arith.constant 0 : i32
      %dma_wait3A_154 = arith.constant 0 : i32
      %dma_wait3A_155 = tpu.memref_slice %arg4[%add3A, %dma_wait3A_153, %dma_wait3A_154] : memref<32x80x125xi32, #tpu.memory_space<hbm>> -> memref<1x80x125xi32, #tpu.memory_space<hbm>>
      %dma_wait3A_156 = tpu.memref_squeeze %dma_wait3A_155 : memref<1x80x125xi32, #tpu.memory_space<hbm>> -> memref<80x125xi32, #tpu.memory_space<hbm>>
      %dma_wait3A_157 = arith.constant 0 : i32
      %dma_wait3A_158 = arith.constant 0 : i32
      %dma_wait3A_159 = tpu.memref_slice %arg4[%add3A, %dma_wait3A_157, %dma_wait3A_158] : memref<32x80x125xi32, #tpu.memory_space<hbm>> -> memref<1x80x125xi32, #tpu.memory_space<hbm>>
      %dma_wait3A_160 = tpu.memref_squeeze %dma_wait3A_159 : memref<1x80x125xi32, #tpu.memory_space<hbm>> -> memref<80x125xi32, #tpu.memory_space<hbm>>
      tpu.wait_dma2 semaphore(%run_scoped3A : memref<!tpu.dma_semaphore, #tpu.memory_space<semaphore_mem>>) src(%dma_wait3A_160 : memref<80x125xi32, #tpu.memory_space<hbm>>) dst(%arg9 : memref<80x125xi32, #tpu.memory_space<vmem>>)
      tpu.yield
    }) : () -> ()
    %dma_wait3A = arith.constant 0 : i32
    %dma_wait3A_28 = arith.constant 0 : i32
    %dma_wait3A_29 = arith.constant 0 : i32
    %dma_wait3A_30 = tpu.memref_slice %arg8[%dma_wait3A_28, %dma_wait3A_29] : memref<4x128xi32, #tpu.memory_space<vmem>> -> memref<1x128xi32, #tpu.memory_space<vmem>>
    %dma_wait3A_31 = tpu.memref_squeeze %dma_wait3A_30 : memref<1x128xi32, #tpu.memory_space<vmem>> -> memref<128xi32, #tpu.memory_space<vmem>>
    %dma_wait3A_32 = arith.constant 0 : i32
    %dma_wait3A_33 = tpu.memref_slice %arg3[%add3A, %dma_wait3A, %dma_wait3A_32] : memref<32x80x128xi32, #tpu.memory_space<hbm>> -> memref<1x1x128xi32, #tpu.memory_space<hbm>>
    %dma_wait3A_34 = tpu.memref_squeeze %dma_wait3A_33 : memref<1x1x128xi32, #tpu.memory_space<hbm>> -> memref<128xi32, #tpu.memory_space<hbm>>
    %dma_wait3A_35 = arith.constant 0 : i32
    %dma_wait3A_36 = tpu.memref_slice %arg8[%dma_wait3A_28, %dma_wait3A_35] : memref<4x128xi32, #tpu.memory_space<vmem>> -> memref<1x128xi32, #tpu.memory_space<vmem>>
    %dma_wait3A_37 = tpu.memref_squeeze %dma_wait3A_36 : memref<1x128xi32, #tpu.memory_space<vmem>> -> memref<128xi32, #tpu.memory_space<vmem>>
    %dma_wait3A_38 = arith.constant 0 : i32
    %dma_wait3A_39 = tpu.memref_slice %arg3[%add3A, %dma_wait3A, %dma_wait3A_38] : memref<32x80x128xi32, #tpu.memory_space<hbm>> -> memref<1x1x128xi32, #tpu.memory_space<hbm>>
    %dma_wait3A_40 = tpu.memref_squeeze %dma_wait3A_39 : memref<1x1x128xi32, #tpu.memory_space<hbm>> -> memref<128xi32, #tpu.memory_space<hbm>>
    tpu.wait_dma2 semaphore(%arg12 : memref<!tpu.dma_semaphore, #tpu.memory_space<semaphore_mem>>) src(%dma_wait3A_40 : memref<128xi32, #tpu.memory_space<hbm>>) dst(%dma_wait3A_37 : memref<128xi32, #tpu.memory_space<vmem>>)
    %dma_start3A_41 = arith.constant 0 : i32
    %dma_start3A_42 = arith.constant 0 : i32
    %dma_start3A_43 = arith.constant 0 : i32
    %dma_start3A_44 = arith.constant 0 : i32
    %dma_start3A_45 = tpu.memref_slice %arg10[%dma_start3A_42, %dma_start3A_43, %dma_start3A_44] : memref<2x128x128xf32, #tpu.memory_space<vmem>> -> memref<1x128x128xf32, #tpu.memory_space<vmem>>
    %dma_start3A_46 = tpu.memref_squeeze %dma_start3A_45 : memref<1x128x128xf32, #tpu.memory_space<vmem>> -> memref<128x128xf32, #tpu.memory_space<vmem>>
    %dma_start3A_47 = arith.constant 0 : i32
    %dma_start3A_48 = arith.constant 0 : i32
    %dma_start3A_49 = tpu.memref_slice %dma_start3A_46[%dma_start3A_47, %dma_start3A_48] : memref<128x128xf32, #tpu.memory_space<vmem>> -> memref<32x128xf32, #tpu.memory_space<vmem>>
    %dma_start3A_50 = arith.constant 0 : i32
    %dma_start3A_51 = tpu.memref_slice %arg8[%dma_start3A_41, %dma_start3A_50] : memref<4x128xi32, #tpu.memory_space<vmem>> -> memref<1x128xi32, #tpu.memory_space<vmem>>
    %dma_start3A_52 = tpu.memref_squeeze %dma_start3A_51 : memref<1x128xi32, #tpu.memory_space<vmem>> -> memref<128xi32, #tpu.memory_space<vmem>>
    %dma_start3A_53 = arith.constant 0 : i32
    %dma_start3A_54 = tpu.memref_slice %dma_start3A_52[%dma_start3A_53] : memref<128xi32, #tpu.memory_space<vmem>> -> memref<32xi32, #tpu.memory_space<vmem>>
    %dma_start3A_55 = arith.constant 0 : i32
    %dma_start3A_56 = arith.constant 0 : i32
    %dma_start3A_57 = tpu.memref_slice %arg2[%dma_start3A_55, %dma_start3A_56] : memref<10000x128xf32, #tpu.memory_space<hbm>> -> memref<10000x128xf32, #tpu.memory_space<hbm>>
    tpu.enqueue_indirect_dma source(%dma_start3A_57 : memref<10000x128xf32, #tpu.memory_space<hbm>>) target(%dma_start3A_49 : memref<32x128xf32, #tpu.memory_space<vmem>>) offsets(%dma_start3A_54 : memref<32xi32, #tpu.memory_space<vmem>>) semaphore(%arg16 : memref<!tpu.dma_semaphore, #tpu.memory_space<semaphore_mem>>)
    %dma_start3A_58 = arith.constant 0 : i32
    %dma_start3A_59 = arith.constant 0 : i32
    %dma_start3A_60 = arith.constant 0 : i32
    %dma_start3A_61 = arith.constant 0 : i32
    %dma_start3A_62 = tpu.memref_slice %arg10[%dma_start3A_59, %dma_start3A_60, %dma_start3A_61] : memref<2x128x128xf32, #tpu.memory_space<vmem>> -> memref<1x128x128xf32, #tpu.memory_space<vmem>>
    %dma_start3A_63 = tpu.memref_squeeze %dma_start3A_62 : memref<1x128x128xf32, #tpu.memory_space<vmem>> -> memref<128x128xf32, #tpu.memory_space<vmem>>
    %dma_start3A_64 = arith.constant 32 : i32
    %dma_start3A_65 = arith.constant 0 : i32
    %dma_start3A_66 = tpu.memref_slice %dma_start3A_63[%dma_start3A_64, %dma_start3A_65] : memref<128x128xf32, #tpu.memory_space<vmem>> -> memref<32x128xf32, #tpu.memory_space<vmem>>
    %dma_start3A_67 = arith.constant 0 : i32
    %dma_start3A_68 = tpu.memref_slice %arg8[%dma_start3A_58, %dma_start3A_67] : memref<4x128xi32, #tpu.memory_space<vmem>> -> memref<1x128xi32, #tpu.memory_space<vmem>>
    %dma_start3A_69 = tpu.memref_squeeze %dma_start3A_68 : memref<1x128xi32, #tpu.memory_space<vmem>> -> memref<128xi32, #tpu.memory_space<vmem>>
    %dma_start3A_70 = arith.constant 32 : i32
    %dma_start3A_71 = tpu.memref_slice %dma_start3A_69[%dma_start3A_70] : memref<128xi32, #tpu.memory_space<vmem>> -> memref<32xi32, #tpu.memory_space<vmem>>
    %dma_start3A_72 = arith.constant 0 : i32
    %dma_start3A_73 = arith.constant 0 : i32
    %dma_start3A_74 = tpu.memref_slice %arg2[%dma_start3A_72, %dma_start3A_73] : memref<10000x128xf32, #tpu.memory_space<hbm>> -> memref<10000x128xf32, #tpu.memory_space<hbm>>
    tpu.enqueue_indirect_dma source(%dma_start3A_74 : memref<10000x128xf32, #tpu.memory_space<hbm>>) target(%dma_start3A_66 : memref<32x128xf32, #tpu.memory_space<vmem>>) offsets(%dma_start3A_71 : memref<32xi32, #tpu.memory_space<vmem>>) semaphore(%arg16 : memref<!tpu.dma_semaphore, #tpu.memory_space<semaphore_mem>>)
    %dma_start3A_75 = arith.constant 0 : i32
    %dma_start3A_76 = arith.constant 0 : i32
    %dma_start3A_77 = arith.constant 0 : i32
    %dma_start3A_78 = arith.constant 0 : i32
    %dma_start3A_79 = tpu.memref_slice %arg10[%dma_start3A_76, %dma_start3A_77, %dma_start3A_78] : memref<2x128x128xf32, #tpu.memory_space<vmem>> -> memref<1x128x128xf32, #tpu.memory_space<vmem>>
    %dma_start3A_80 = tpu.memref_squeeze %dma_start3A_79 : memref<1x128x128xf32, #tpu.memory_space<vmem>> -> memref<128x128xf32, #tpu.memory_space<vmem>>
    %dma_start3A_81 = arith.constant 64 : i32
    %dma_start3A_82 = arith.constant 0 : i32
    %dma_start3A_83 = tpu.memref_slice %dma_start3A_80[%dma_start3A_81, %dma_start3A_82] : memref<128x128xf32, #tpu.memory_space<vmem>> -> memref<32x128xf32, #tpu.memory_space<vmem>>
    %dma_start3A_84 = arith.constant 0 : i32
    %dma_start3A_85 = tpu.memref_slice %arg8[%dma_start3A_75, %dma_start3A_84] : memref<4x128xi32, #tpu.memory_space<vmem>> -> memref<1x128xi32, #tpu.memory_space<vmem>>
    %dma_start3A_86 = tpu.memref_squeeze %dma_start3A_85 : memref<1x128xi32, #tpu.memory_space<vmem>> -> memref<128xi32, #tpu.memory_space<vmem>>
    %dma_start3A_87 = arith.constant 64 : i32
    %dma_start3A_88 = tpu.memref_slice %dma_start3A_86[%dma_start3A_87] : memref<128xi32, #tpu.memory_space<vmem>> -> memref<32xi32, #tpu.memory_space<vmem>>
    %dma_start3A_89 = arith.constant 0 : i32
    %dma_start3A_90 = arith.constant 0 : i32
    %dma_start3A_91 = tpu.memref_slice %arg2[%dma_start3A_89, %dma_start3A_90] : memref<10000x128xf32, #tpu.memory_space<hbm>> -> memref<10000x128xf32, #tpu.memory_space<hbm>>
    tpu.enqueue_indirect_dma source(%dma_start3A_91 : memref<10000x128xf32, #tpu.memory_space<hbm>>) target(%dma_start3A_83 : memref<32x128xf32, #tpu.memory_space<vmem>>) offsets(%dma_start3A_88 : memref<32xi32, #tpu.memory_space<vmem>>) semaphore(%arg16 : memref<!tpu.dma_semaphore, #tpu.memory_space<semaphore_mem>>)
    %dma_start3A_92 = arith.constant 0 : i32
    %dma_start3A_93 = arith.constant 0 : i32
    %dma_start3A_94 = arith.constant 0 : i32
    %dma_start3A_95 = arith.constant 0 : i32
    %dma_start3A_96 = tpu.memref_slice %arg10[%dma_start3A_93, %dma_start3A_94, %dma_start3A_95] : memref<2x128x128xf32, #tpu.memory_space<vmem>> -> memref<1x128x128xf32, #tpu.memory_space<vmem>>
    %dma_start3A_97 = tpu.memref_squeeze %dma_start3A_96 : memref<1x128x128xf32, #tpu.memory_space<vmem>> -> memref<128x128xf32, #tpu.memory_space<vmem>>
    %dma_start3A_98 = arith.constant 96 : i32
    %dma_start3A_99 = arith.constant 0 : i32
    %dma_start3A_100 = tpu.memref_slice %dma_start3A_97[%dma_start3A_98, %dma_start3A_99] : memref<128x128xf32, #tpu.memory_space<vmem>> -> memref<32x128xf32, #tpu.memory_space<vmem>>
    %dma_start3A_101 = arith.constant 0 : i32
    %dma_start3A_102 = tpu.memref_slice %arg8[%dma_start3A_92, %dma_start3A_101] : memref<4x128xi32, #tpu.memory_space<vmem>> -> memref<1x128xi32, #tpu.memory_space<vmem>>
    %dma_start3A_103 = tpu.memref_squeeze %dma_start3A_102 : memref<1x128xi32, #tpu.memory_space<vmem>> -> memref<128xi32, #tpu.memory_space<vmem>>
    %dma_start3A_104 = arith.constant 96 : i32
    %dma_start3A_105 = tpu.memref_slice %dma_start3A_103[%dma_start3A_104] : memref<128xi32, #tpu.memory_space<vmem>> -> memref<32xi32, #tpu.memory_space<vmem>>
    %dma_start3A_106 = arith.constant 0 : i32
    %dma_start3A_107 = arith.constant 0 : i32
    %dma_start3A_108 = tpu.memref_slice %arg2[%dma_start3A_106, %dma_start3A_107] : memref<10000x128xf32, #tpu.memory_space<hbm>> -> memref<10000x128xf32, #tpu.memory_space<hbm>>
    tpu.enqueue_indirect_dma source(%dma_start3A_108 : memref<10000x128xf32, #tpu.memory_space<hbm>>) target(%dma_start3A_100 : memref<32x128xf32, #tpu.memory_space<vmem>>) offsets(%dma_start3A_105 : memref<32xi32, #tpu.memory_space<vmem>>) semaphore(%arg16 : memref<!tpu.dma_semaphore, #tpu.memory_space<semaphore_mem>>)
    %lt3A = arith.constant 15 : i32
    %lt3A_109 = arith.cmpi slt, %arg1, %lt3A : i32
    %convert_element_type3A = arith.extui %lt3A_109 : i1 to i32
    %cond3A = arith.constant 0 : i32
    %cond3A_110 = arith.cmpi ne, %convert_element_type3A, %cond3A : i32
    scf.if %cond3A_110 {
      %mul3A_145 = arith.constant 632 : i32
      %mul3A_146 = arith.muli %arg1, %mul3A_145 : i32
      "tpu.region"() ({
        %run_scoped3A = tpu.sem_alloc : memref<!tpu.dma_semaphore, #tpu.memory_space<semaphore_mem>>
        %dma_start3A_147 = arith.constant 0 : i32
        %dma_start3A_148 = tpu.memref_slice %arg11[%mul3A_146, %dma_start3A_147] : memref<10000x128xf32, #tpu.memory_space<vmem_shared>> -> memref<632x128xf32, #tpu.memory_space<vmem_shared>>
        tpu.enqueue_dma source(%arg5 : memref<632x128xf32, #tpu.memory_space<hbm>>) target(%dma_start3A_148 : memref<632x128xf32, #tpu.memory_space<vmem_shared>>) target_semaphore(%run_scoped3A : memref<!tpu.dma_semaphore, #tpu.memory_space<semaphore_mem>>)
        %dma_wait3A_149 = arith.constant 0 : i32
        %dma_wait3A_150 = tpu.memref_slice %arg11[%mul3A_146, %dma_wait3A_149] : memref<10000x128xf32, #tpu.memory_space<vmem_shared>> -> memref<632x128xf32, #tpu.memory_space<vmem_shared>>
        tpu.wait_dma2 semaphore(%run_scoped3A : memref<!tpu.dma_semaphore, #tpu.memory_space<semaphore_mem>>) src(%arg5 : memref<632x128xf32, #tpu.memory_space<hbm>>) dst(%dma_wait3A_150 : memref<632x128xf32, #tpu.memory_space<vmem_shared>>)
        tpu.yield
      }) : () -> ()
    } else {
    }
    %eq3A = arith.constant 15 : i32
    %eq3A_111 = arith.cmpi eq, %arg1, %eq3A : i32
    %convert_element_type3A_112 = arith.extui %eq3A_111 : i1 to i32
    %cond3A_113 = arith.constant 0 : i32
    %cond3A_114 = arith.cmpi ne, %convert_element_type3A_112, %cond3A_113 : i32
    scf.if %cond3A_114 {
      "tpu.region"() ({
        %run_scoped3A = tpu.sem_alloc : memref<!tpu.dma_semaphore, #tpu.memory_space<semaphore_mem>>
        %dma_start3A_145 = arith.constant 9480 : i32
        %dma_start3A_146 = arith.constant 0 : i32
        %dma_start3A_147 = tpu.memref_slice %arg11[%dma_start3A_145, %dma_start3A_146] : memref<10000x128xf32, #tpu.memory_space<vmem_shared>> -> memref<520x128xf32, #tpu.memory_space<vmem_shared>>
        %dma_start3A_148 = arith.constant 0 : i32
        %dma_start3A_149 = arith.constant 0 : i32
        %dma_start3A_150 = tpu.memref_slice %arg5[%dma_start3A_148, %dma_start3A_149] : memref<632x128xf32, #tpu.memory_space<hbm>> -> memref<520x128xf32, #tpu.memory_space<hbm>>
        tpu.enqueue_dma source(%dma_start3A_150 : memref<520x128xf32, #tpu.memory_space<hbm>>) target(%dma_start3A_147 : memref<520x128xf32, #tpu.memory_space<vmem_shared>>) target_semaphore(%run_scoped3A : memref<!tpu.dma_semaphore, #tpu.memory_space<semaphore_mem>>)
        %dma_wait3A_151 = arith.constant 9480 : i32
        %dma_wait3A_152 = arith.constant 0 : i32
        %dma_wait3A_153 = tpu.memref_slice %arg11[%dma_wait3A_151, %dma_wait3A_152] : memref<10000x128xf32, #tpu.memory_space<vmem_shared>> -> memref<520x128xf32, #tpu.memory_space<vmem_shared>>
        %dma_wait3A_154 = arith.constant 0 : i32
        %dma_wait3A_155 = arith.constant 0 : i32
        %dma_wait3A_156 = tpu.memref_slice %arg5[%dma_wait3A_154, %dma_wait3A_155] : memref<632x128xf32, #tpu.memory_space<hbm>> -> memref<520x128xf32, #tpu.memory_space<hbm>>
        tpu.wait_dma2 semaphore(%run_scoped3A : memref<!tpu.dma_semaphore, #tpu.memory_space<semaphore_mem>>) src(%dma_wait3A_156 : memref<520x128xf32, #tpu.memory_space<hbm>>) dst(%dma_wait3A_153 : memref<520x128xf32, #tpu.memory_space<vmem_shared>>)
        tpu.yield
      }) : () -> ()
    } else {
    }
    %barrier3A = arith.constant 0 : index
    tpu.barrier barrier_id(%barrier3A)
    %scan3A = arith.constant 0 : i32
    %scan3A_115 = arith.constant 20 : i32
    %scan3A_116 = arith.addi %scan3A, %scan3A_115 : i32
    %scan3A_117 = arith.constant 1 : i32
    scf.for %scan3A_145 = %scan3A to %scan3A_116 step %scan3A_117  : i32 {
      %mul3A_146 = arith.constant 4 : i32
      %mul3A_147 = arith.muli %scan3A_145, %mul3A_146 : i32
      %add3A_148 = arith.constant 0 : i32
      %add3A_149 = arith.addi %add3A_148, %mul3A_147 : i32
      %add3A_150 = arith.constant 0 : i32
      %add3A_151 = arith.addi %add3A_149, %add3A_150 : i32
      %dma_wait3A_152 = arith.constant 0 : i32
      %dma_wait3A_153 = arith.constant 0 : i32
      %dma_wait3A_154 = arith.constant 0 : i32
      %dma_wait3A_155 = arith.constant 0 : i32
      %dma_wait3A_156 = tpu.memref_slice %arg10[%dma_wait3A_153, %dma_wait3A_154, %dma_wait3A_155] : memref<2x128x128xf32, #tpu.memory_space<vmem>> -> memref<1x128x128xf32, #tpu.memory_space<vmem>>
      %dma_wait3A_157 = tpu.memref_squeeze %dma_wait3A_156 : memref<1x128x128xf32, #tpu.memory_space<vmem>> -> memref<128x128xf32, #tpu.memory_space<vmem>>
      %dma_wait3A_158 = arith.constant 0 : i32
      %dma_wait3A_159 = tpu.memref_slice %arg8[%dma_wait3A_152, %dma_wait3A_158] : memref<4x128xi32, #tpu.memory_space<vmem>> -> memref<1x128xi32, #tpu.memory_space<vmem>>
      %dma_wait3A_160 = tpu.memref_squeeze %dma_wait3A_159 : memref<1x128xi32, #tpu.memory_space<vmem>> -> memref<128xi32, #tpu.memory_space<vmem>>
      %dma_wait3A_161 = arith.constant 0 : i32
      %dma_wait3A_162 = arith.constant 0 : i32
      %dma_wait3A_163 = tpu.memref_slice %arg2[%dma_wait3A_161, %dma_wait3A_162] : memref<10000x128xf32, #tpu.memory_space<hbm>> -> memref<10000x128xf32, #tpu.memory_space<hbm>>
      tpu.wait_indirect_dma semaphore(%arg16 : memref<!tpu.dma_semaphore, #tpu.memory_space<semaphore_mem>>) src(%dma_wait3A_163 : memref<10000x128xf32, #tpu.memory_space<hbm>>) dst(%dma_wait3A_157 : memref<128x128xf32, #tpu.memory_space<vmem>>)
      %add3A_164 = arith.constant 2 : i32
      %add3A_165 = arith.addi %add3A_151, %add3A_164 : i32
      %lt3A_166 = arith.constant 80 : i32
      %lt3A_167 = arith.cmpi slt, %add3A_165, %lt3A_166 : i32
      %convert_element_type3A_168 = arith.extui %lt3A_167 : i1 to i32
      %cond3A_169 = arith.constant 0 : i32
      %cond3A_170 = arith.cmpi ne, %convert_element_type3A_168, %cond3A_169 : i32
      scf.if %cond3A_170 {
        %add3A_318 = arith.constant 2 : i32
        %add3A_319 = arith.addi %add3A_151, %add3A_318 : i32
        %dma_start3A_320 = arith.constant 2 : i32
        %dma_start3A_321 = arith.constant 0 : i32
        %dma_start3A_322 = tpu.memref_slice %arg8[%dma_start3A_320, %dma_start3A_321] : memref<4x128xi32, #tpu.memory_space<vmem>> -> memref<1x128xi32, #tpu.memory_space<vmem>>
        %dma_start3A_323 = tpu.memref_squeeze %dma_start3A_322 : memref<1x128xi32, #tpu.memory_space<vmem>> -> memref<128xi32, #tpu.memory_space<vmem>>
        %dma_start3A_324 = arith.constant 0 : i32
        %dma_start3A_325 = tpu.memref_slice %arg3[%add3A, %add3A_319, %dma_start3A_324] : memref<32x80x128xi32, #tpu.memory_space<hbm>> -> memref<1x1x128xi32, #tpu.memory_space<hbm>>
        %dma_start3A_326 = tpu.memref_squeeze %dma_start3A_325 : memref<1x1x128xi32, #tpu.memory_space<hbm>> -> memref<128xi32, #tpu.memory_space<hbm>>
        %dma_start3A_327 = arith.constant 0 : i32
        %dma_start3A_328 = tpu.memref_slice %arg8[%dma_start3A_320, %dma_start3A_327] : memref<4x128xi32, #tpu.memory_space<vmem>> -> memref<1x128xi32, #tpu.memory_space<vmem>>
        %dma_start3A_329 = tpu.memref_squeeze %dma_start3A_328 : memref<1x128xi32, #tpu.memory_space<vmem>> -> memref<128xi32, #tpu.memory_space<vmem>>
        %dma_start3A_330 = arith.constant 0 : i32
        %dma_start3A_331 = tpu.memref_slice %arg3[%add3A, %add3A_319, %dma_start3A_330] : memref<32x80x128xi32, #tpu.memory_space<hbm>> -> memref<1x1x128xi32, #tpu.memory_space<hbm>>
        %dma_start3A_332 = tpu.memref_squeeze %dma_start3A_331 : memref<1x1x128xi32, #tpu.memory_space<hbm>> -> memref<128xi32, #tpu.memory_space<hbm>>
        tpu.enqueue_dma source(%dma_start3A_332 : memref<128xi32, #tpu.memory_space<hbm>>) target(%dma_start3A_329 : memref<128xi32, #tpu.memory_space<vmem>>) target_semaphore(%arg14 : memref<!tpu.dma_semaphore, #tpu.memory_space<semaphore_mem>>)
      } else {
      }
      %dma_start3A_171 = arith.constant 0 : i32
      %dma_start3A_172 = arith.constant 0 : i32
      %dma_start3A_173 = arith.constant 0 : i32
      %dma_start3A_174 = tpu.memref_slice %arg10[%dma_start3A_171, %dma_start3A_172, %dma_start3A_173] : memref<2x128x128xf32, #tpu.memory_space<vmem>> -> memref<1x128x128xf32, #tpu.memory_space<vmem>>
      %dma_start3A_175 = tpu.memref_squeeze %dma_start3A_174 : memref<1x128x128xf32, #tpu.memory_space<vmem>> -> memref<128x128xf32, #tpu.memory_space<vmem>>
      %dma_start3A_176 = arith.constant 0 : i32
      %dma_start3A_177 = arith.constant 0 : i32
      %dma_start3A_178 = tpu.memref_slice %dma_start3A_175[%dma_start3A_176, %dma_start3A_177] : memref<128x128xf32, #tpu.memory_space<vmem>> -> memref<125x128xf32, #tpu.memory_space<vmem>>
      %dma_start3A_179 = arith.constant 0 : i32
      %dma_start3A_180 = tpu.memref_slice %arg9[%add3A_151, %dma_start3A_179] : memref<80x125xi32, #tpu.memory_space<vmem>> -> memref<1x125xi32, #tpu.memory_space<vmem>>
      %dma_start3A_181 = tpu.memref_squeeze %dma_start3A_180 : memref<1x125xi32, #tpu.memory_space<vmem>> -> memref<125xi32, #tpu.memory_space<vmem>>
      %dma_start3A_182 = arith.constant 0 : i32
      %dma_start3A_183 = arith.constant 0 : i32
      %dma_start3A_184 = tpu.memref_slice %arg11[%dma_start3A_182, %dma_start3A_183] : memref<10000x128xf32, #tpu.memory_space<vmem_shared>> -> memref<10000x128xf32, #tpu.memory_space<vmem_shared>>
      tpu.enqueue_indirect_dma source(%dma_start3A_178 : memref<125x128xf32, #tpu.memory_space<vmem>>) target(%dma_start3A_184 : memref<10000x128xf32, #tpu.memory_space<vmem_shared>>) offsets(%dma_start3A_181 : memref<125xi32, #tpu.memory_space<vmem>>) semaphore(%arg18 : memref<!tpu.dma_semaphore, #tpu.memory_space<semaphore_mem>>) {add = true}
      %add3A_185 = arith.constant 1 : i32
      %add3A_186 = arith.addi %add3A_151, %add3A_185 : i32
      %lt3A_187 = arith.constant 80 : i32
      %lt3A_188 = arith.cmpi slt, %add3A_186, %lt3A_187 : i32
      %convert_element_type3A_189 = arith.extui %lt3A_188 : i1 to i32
      %cond3A_190 = arith.constant 0 : i32
      %cond3A_191 = arith.cmpi ne, %convert_element_type3A_189, %cond3A_190 : i32
      scf.if %cond3A_191 {
        %add3A_318 = arith.constant 1 : i32
        %add3A_319 = arith.addi %add3A_151, %add3A_318 : i32
        %dma_wait3A_320 = arith.constant 1 : i32
        %dma_wait3A_321 = arith.constant 0 : i32
        %dma_wait3A_322 = tpu.memref_slice %arg8[%dma_wait3A_320, %dma_wait3A_321] : memref<4x128xi32, #tpu.memory_space<vmem>> -> memref<1x128xi32, #tpu.memory_space<vmem>>
        %dma_wait3A_323 = tpu.memref_squeeze %dma_wait3A_322 : memref<1x128xi32, #tpu.memory_space<vmem>> -> memref<128xi32, #tpu.memory_space<vmem>>
        %dma_wait3A_324 = arith.constant 0 : i32
        %dma_wait3A_325 = tpu.memref_slice %arg3[%add3A, %add3A_319, %dma_wait3A_324] : memref<32x80x128xi32, #tpu.memory_space<hbm>> -> memref<1x1x128xi32, #tpu.memory_space<hbm>>
        %dma_wait3A_326 = tpu.memref_squeeze %dma_wait3A_325 : memref<1x1x128xi32, #tpu.memory_space<hbm>> -> memref<128xi32, #tpu.memory_space<hbm>>
        %dma_wait3A_327 = arith.constant 0 : i32
        %dma_wait3A_328 = tpu.memref_slice %arg8[%dma_wait3A_320, %dma_wait3A_327] : memref<4x128xi32, #tpu.memory_space<vmem>> -> memref<1x128xi32, #tpu.memory_space<vmem>>
        %dma_wait3A_329 = tpu.memref_squeeze %dma_wait3A_328 : memref<1x128xi32, #tpu.memory_space<vmem>> -> memref<128xi32, #tpu.memory_space<vmem>>
        %dma_wait3A_330 = arith.constant 0 : i32
        %dma_wait3A_331 = tpu.memref_slice %arg3[%add3A, %add3A_319, %dma_wait3A_330] : memref<32x80x128xi32, #tpu.memory_space<hbm>> -> memref<1x1x128xi32, #tpu.memory_space<hbm>>
        %dma_wait3A_332 = tpu.memref_squeeze %dma_wait3A_331 : memref<1x1x128xi32, #tpu.memory_space<hbm>> -> memref<128xi32, #tpu.memory_space<hbm>>
        tpu.wait_dma2 semaphore(%arg13 : memref<!tpu.dma_semaphore, #tpu.memory_space<semaphore_mem>>) src(%dma_wait3A_332 : memref<128xi32, #tpu.memory_space<hbm>>) dst(%dma_wait3A_329 : memref<128xi32, #tpu.memory_space<vmem>>)
        %ge3A = arith.constant 1 : i32
        %ge3A_333 = arith.cmpi sge, %add3A_151, %ge3A : i32
        %convert_element_type3A_334 = arith.extui %ge3A_333 : i1 to i32
        %cond3A_335 = arith.constant 0 : i32
        %cond3A_336 = arith.cmpi ne, %convert_element_type3A_334, %cond3A_335 : i32
        scf.if %cond3A_336 {
          %sub3A = arith.constant 1 : i32
          %sub3A_405 = arith.subi %add3A_151, %sub3A : i32
          %dma_wait3A_406 = arith.constant 1 : i32
          %dma_wait3A_407 = arith.constant 0 : i32
          %dma_wait3A_408 = arith.constant 0 : i32
          %dma_wait3A_409 = tpu.memref_slice %arg10[%dma_wait3A_406, %dma_wait3A_407, %dma_wait3A_408] : memref<2x128x128xf32, #tpu.memory_space<vmem>> -> memref<1x128x128xf32, #tpu.memory_space<vmem>>
          %dma_wait3A_410 = tpu.memref_squeeze %dma_wait3A_409 : memref<1x128x128xf32, #tpu.memory_space<vmem>> -> memref<128x128xf32, #tpu.memory_space<vmem>>
          %dma_wait3A_411 = arith.constant 0 : i32
          %dma_wait3A_412 = arith.constant 0 : i32
          %dma_wait3A_413 = tpu.memref_slice %dma_wait3A_410[%dma_wait3A_411, %dma_wait3A_412] : memref<128x128xf32, #tpu.memory_space<vmem>> -> memref<125x128xf32, #tpu.memory_space<vmem>>
          %dma_wait3A_414 = arith.constant 0 : i32
          %dma_wait3A_415 = tpu.memref_slice %arg9[%sub3A_405, %dma_wait3A_414] : memref<80x125xi32, #tpu.memory_space<vmem>> -> memref<1x125xi32, #tpu.memory_space<vmem>>
          %dma_wait3A_416 = tpu.memref_squeeze %dma_wait3A_415 : memref<1x125xi32, #tpu.memory_space<vmem>> -> memref<125xi32, #tpu.memory_space<vmem>>
          %dma_wait3A_417 = arith.constant 0 : i32
          %dma_wait3A_418 = arith.constant 0 : i32
          %dma_wait3A_419 = tpu.memref_slice %arg11[%dma_wait3A_417, %dma_wait3A_418] : memref<10000x128xf32, #tpu.memory_space<vmem_shared>> -> memref<10000x128xf32, #tpu.memory_space<vmem_shared>>
          tpu.wait_indirect_dma semaphore(%arg19 : memref<!tpu.dma_semaphore, #tpu.memory_space<semaphore_mem>>) src(%dma_wait3A_413 : memref<125x128xf32, #tpu.memory_space<vmem>>) dst(%dma_wait3A_419 : memref<10000x128xf32, #tpu.memory_space<vmem_shared>>)
        } else {
        }
        %dma_start3A_337 = arith.constant 1 : i32
        %dma_start3A_338 = arith.constant 1 : i32
        %dma_start3A_339 = arith.constant 0 : i32
        %dma_start3A_340 = arith.constant 0 : i32
        %dma_start3A_341 = tpu.memref_slice %arg10[%dma_start3A_338, %dma_start3A_339, %dma_start3A_340] : memref<2x128x128xf32, #tpu.memory_space<vmem>> -> memref<1x128x128xf32, #tpu.memory_space<vmem>>
        %dma_start3A_342 = tpu.memref_squeeze %dma_start3A_341 : memref<1x128x128xf32, #tpu.memory_space<vmem>> -> memref<128x128xf32, #tpu.memory_space<vmem>>
        %dma_start3A_343 = arith.constant 0 : i32
        %dma_start3A_344 = arith.constant 0 : i32
        %dma_start3A_345 = tpu.memref_slice %dma_start3A_342[%dma_start3A_343, %dma_start3A_344] : memref<128x128xf32, #tpu.memory_space<vmem>> -> memref<32x128xf32, #tpu.memory_space<vmem>>
        %dma_start3A_346 = arith.constant 0 : i32
        %dma_start3A_347 = tpu.memref_slice %arg8[%dma_start3A_337, %dma_start3A_346] : memref<4x128xi32, #tpu.memory_space<vmem>> -> memref<1x128xi32, #tpu.memory_space<vmem>>
        %dma_start3A_348 = tpu.memref_squeeze %dma_start3A_347 : memref<1x128xi32, #tpu.memory_space<vmem>> -> memref<128xi32, #tpu.memory_space<vmem>>
        %dma_start3A_349 = arith.constant 0 : i32
        %dma_start3A_350 = tpu.memref_slice %dma_start3A_348[%dma_start3A_349] : memref<128xi32, #tpu.memory_space<vmem>> -> memref<32xi32, #tpu.memory_space<vmem>>
        %dma_start3A_351 = arith.constant 0 : i32
        %dma_start3A_352 = arith.constant 0 : i32
        %dma_start3A_353 = tpu.memref_slice %arg2[%dma_start3A_351, %dma_start3A_352] : memref<10000x128xf32, #tpu.memory_space<hbm>> -> memref<10000x128xf32, #tpu.memory_space<hbm>>
        tpu.enqueue_indirect_dma source(%dma_start3A_353 : memref<10000x128xf32, #tpu.memory_space<hbm>>) target(%dma_start3A_345 : memref<32x128xf32, #tpu.memory_space<vmem>>) offsets(%dma_start3A_350 : memref<32xi32, #tpu.memory_space<vmem>>) semaphore(%arg17 : memref<!tpu.dma_semaphore, #tpu.memory_space<semaphore_mem>>)
        %dma_start3A_354 = arith.constant 1 : i32
        %dma_start3A_355 = arith.constant 1 : i32
        %dma_start3A_356 = arith.constant 0 : i32
        %dma_start3A_357 = arith.constant 0 : i32
        %dma_start3A_358 = tpu.memref_slice %arg10[%dma_start3A_355, %dma_start3A_356, %dma_start3A_357] : memref<2x128x128xf32, #tpu.memory_space<vmem>> -> memref<1x128x128xf32, #tpu.memory_space<vmem>>
        %dma_start3A_359 = tpu.memref_squeeze %dma_start3A_358 : memref<1x128x128xf32, #tpu.memory_space<vmem>> -> memref<128x128xf32, #tpu.memory_space<vmem>>
        %dma_start3A_360 = arith.constant 32 : i32
        %dma_start3A_361 = arith.constant 0 : i32
        %dma_start3A_362 = tpu.memref_slice %dma_start3A_359[%dma_start3A_360, %dma_start3A_361] : memref<128x128xf32, #tpu.memory_space<vmem>> -> memref<32x128xf32, #tpu.memory_space<vmem>>
        %dma_start3A_363 = arith.constant 0 : i32
        %dma_start3A_364 = tpu.memref_slice %arg8[%dma_start3A_354, %dma_start3A_363] : memref<4x128xi32, #tpu.memory_space<vmem>> -> memref<1x128xi32, #tpu.memory_space<vmem>>
        %dma_start3A_365 = tpu.memref_squeeze %dma_start3A_364 : memref<1x128xi32, #tpu.memory_space<vmem>> -> memref<128xi32, #tpu.memory_space<vmem>>
        %dma_start3A_366 = arith.constant 32 : i32
        %dma_start3A_367 = tpu.memref_slice %dma_start3A_365[%dma_start3A_366] : memref<128xi32, #tpu.memory_space<vmem>> -> memref<32xi32, #tpu.memory_space<vmem>>
        %dma_start3A_368 = arith.constant 0 : i32
        %dma_start3A_369 = arith.constant 0 : i32
        %dma_start3A_370 = tpu.memref_slice %arg2[%dma_start3A_368, %dma_start3A_369] : memref<10000x128xf32, #tpu.memory_space<hbm>> -> memref<10000x128xf32, #tpu.memory_space<hbm>>
        tpu.enqueue_indirect_dma source(%dma_start3A_370 : memref<10000x128xf32, #tpu.memory_space<hbm>>) target(%dma_start3A_362 : memref<32x128xf32, #tpu.memory_space<vmem>>) offsets(%dma_start3A_367 : memref<32xi32, #tpu.memory_space<vmem>>) semaphore(%arg17 : memref<!tpu.dma_semaphore, #tpu.memory_space<semaphore_mem>>)
        %dma_start3A_371 = arith.constant 1 : i32
        %dma_start3A_372 = arith.constant 1 : i32
        %dma_start3A_373 = arith.constant 0 : i32
        %dma_start3A_374 = arith.constant 0 : i32
        %dma_start3A_375 = tpu.memref_slice %arg10[%dma_start3A_372, %dma_start3A_373, %dma_start3A_374] : memref<2x128x128xf32, #tpu.memory_space<vmem>> -> memref<1x128x128xf32, #tpu.memory_space<vmem>>
        %dma_start3A_376 = tpu.memref_squeeze %dma_start3A_375 : memref<1x128x128xf32, #tpu.memory_space<vmem>> -> memref<128x128xf32, #tpu.memory_space<vmem>>
        %dma_start3A_377 = arith.constant 64 : i32
        %dma_start3A_378 = arith.constant 0 : i32
        %dma_start3A_379 = tpu.memref_slice %dma_start3A_376[%dma_start3A_377, %dma_start3A_378] : memref<128x128xf32, #tpu.memory_space<vmem>> -> memref<32x128xf32, #tpu.memory_space<vmem>>
        %dma_start3A_380 = arith.constant 0 : i32
        %dma_start3A_381 = tpu.memref_slice %arg8[%dma_start3A_371, %dma_start3A_380] : memref<4x128xi32, #tpu.memory_space<vmem>> -> memref<1x128xi32, #tpu.memory_space<vmem>>
        %dma_start3A_382 = tpu.memref_squeeze %dma_start3A_381 : memref<1x128xi32, #tpu.memory_space<vmem>> -> memref<128xi32, #tpu.memory_space<vmem>>
        %dma_start3A_383 = arith.constant 64 : i32
        %dma_start3A_384 = tpu.memref_slice %dma_start3A_382[%dma_start3A_383] : memref<128xi32, #tpu.memory_space<vmem>> -> memref<32xi32, #tpu.memory_space<vmem>>
        %dma_start3A_385 = arith.constant 0 : i32
        %dma_start3A_386 = arith.constant 0 : i32
        %dma_start3A_387 = tpu.memref_slice %arg2[%dma_start3A_385, %dma_start3A_386] : memref<10000x128xf32, #tpu.memory_space<hbm>> -> memref<10000x128xf32, #tpu.memory_space<hbm>>
        tpu.enqueue_indirect_dma source(%dma_start3A_387 : memref<10000x128xf32, #tpu.memory_space<hbm>>) target(%dma_start3A_379 : memref<32x128xf32, #tpu.memory_space<vmem>>) offsets(%dma_start3A_384 : memref<32xi32, #tpu.memory_space<vmem>>) semaphore(%arg17 : memref<!tpu.dma_semaphore, #tpu.memory_space<semaphore_mem>>)
        %dma_start3A_388 = arith.constant 1 : i32
        %dma_start3A_389 = arith.constant 1 : i32
        %dma_start3A_390 = arith.constant 0 : i32
        %dma_start3A_391 = arith.constant 0 : i32
        %dma_start3A_392 = tpu.memref_slice %arg10[%dma_start3A_389, %dma_start3A_390, %dma_start3A_391] : memref<2x128x128xf32, #tpu.memory_space<vmem>> -> memref<1x128x128xf32, #tpu.memory_space<vmem>>
        %dma_start3A_393 = tpu.memref_squeeze %dma_start3A_392 : memref<1x128x128xf32, #tpu.memory_space<vmem>> -> memref<128x128xf32, #tpu.memory_space<vmem>>
        %dma_start3A_394 = arith.constant 96 : i32
        %dma_start3A_395 = arith.constant 0 : i32
        %dma_start3A_396 = tpu.memref_slice %dma_start3A_393[%dma_start3A_394, %dma_start3A_395] : memref<128x128xf32, #tpu.memory_space<vmem>> -> memref<32x128xf32, #tpu.memory_space<vmem>>
        %dma_start3A_397 = arith.constant 0 : i32
        %dma_start3A_398 = tpu.memref_slice %arg8[%dma_start3A_388, %dma_start3A_397] : memref<4x128xi32, #tpu.memory_space<vmem>> -> memref<1x128xi32, #tpu.memory_space<vmem>>
        %dma_start3A_399 = tpu.memref_squeeze %dma_start3A_398 : memref<1x128xi32, #tpu.memory_space<vmem>> -> memref<128xi32, #tpu.memory_space<vmem>>
        %dma_start3A_400 = arith.constant 96 : i32
        %dma_start3A_401 = tpu.memref_slice %dma_start3A_399[%dma_start3A_400] : memref<128xi32, #tpu.memory_space<vmem>> -> memref<32xi32, #tpu.memory_space<vmem>>
        %dma_start3A_402 = arith.constant 0 : i32
        %dma_start3A_403 = arith.constant 0 : i32
        %dma_start3A_404 = tpu.memref_slice %arg2[%dma_start3A_402, %dma_start3A_403] : memref<10000x128xf32, #tpu.memory_space<hbm>> -> memref<10000x128xf32, #tpu.memory_space<hbm>>
        tpu.enqueue_indirect_dma source(%dma_start3A_404 : memref<10000x128xf32, #tpu.memory_space<hbm>>) target(%dma_start3A_396 : memref<32x128xf32, #tpu.memory_space<vmem>>) offsets(%dma_start3A_401 : memref<32xi32, #tpu.memory_space<vmem>>) semaphore(%arg17 : memref<!tpu.dma_semaphore, #tpu.memory_space<semaphore_mem>>)
      } else {
      }
      %add3A_192 = arith.constant 1 : i32
      %add3A_193 = arith.addi %add3A_149, %add3A_192 : i32
      %dma_wait3A_194 = arith.constant 1 : i32
      %dma_wait3A_195 = arith.constant 1 : i32
      %dma_wait3A_196 = arith.constant 0 : i32
      %dma_wait3A_197 = arith.constant 0 : i32
      %dma_wait3A_198 = tpu.memref_slice %arg10[%dma_wait3A_195, %dma_wait3A_196, %dma_wait3A_197] : memref<2x128x128xf32, #tpu.memory_space<vmem>> -> memref<1x128x128xf32, #tpu.memory_space<vmem>>
      %dma_wait3A_199 = tpu.memref_squeeze %dma_wait3A_198 : memref<1x128x128xf32, #tpu.memory_space<vmem>> -> memref<128x128xf32, #tpu.memory_space<vmem>>
      %dma_wait3A_200 = arith.constant 0 : i32
      %dma_wait3A_201 = tpu.memref_slice %arg8[%dma_wait3A_194, %dma_wait3A_200] : memref<4x128xi32, #tpu.memory_space<vmem>> -> memref<1x128xi32, #tpu.memory_space<vmem>>
      %dma_wait3A_202 = tpu.memref_squeeze %dma_wait3A_201 : memref<1x128xi32, #tpu.memory_space<vmem>> -> memref<128xi32, #tpu.memory_space<vmem>>
      %dma_wait3A_203 = arith.constant 0 : i32
      %dma_wait3A_204 = arith.constant 0 : i32
      %dma_wait3A_205 = tpu.memref_slice %arg2[%dma_wait3A_203, %dma_wait3A_204] : memref<10000x128xf32, #tpu.memory_space<hbm>> -> memref<10000x128xf32, #tpu.memory_space<hbm>>
      tpu.wait_indirect_dma semaphore(%arg17 : memref<!tpu.dma_semaphore, #tpu.memory_space<semaphore_mem>>) src(%dma_wait3A_205 : memref<10000x128xf32, #tpu.memory_space<hbm>>) dst(%dma_wait3A_199 : memref<128x128xf32, #tpu.memory_space<vmem>>)
      %add3A_206 = arith.constant 2 : i32
      %add3A_207 = arith.addi %add3A_193, %add3A_206 : i32
      %lt3A_208 = arith.constant 80 : i32
      %lt3A_209 = arith.cmpi slt, %add3A_207, %lt3A_208 : i32
      %convert_element_type3A_210 = arith.extui %lt3A_209 : i1 to i32
      %cond3A_211 = arith.constant 0 : i32
      %cond3A_212 = arith.cmpi ne, %convert_element_type3A_210, %cond3A_211 : i32
      scf.if %cond3A_212 {
        %add3A_318 = arith.constant 2 : i32
        %add3A_319 = arith.addi %add3A_193, %add3A_318 : i32
        %dma_start3A_320 = arith.constant 3 : i32
        %dma_start3A_321 = arith.constant 0 : i32
        %dma_start3A_322 = tpu.memref_slice %arg8[%dma_start3A_320, %dma_start3A_321] : memref<4x128xi32, #tpu.memory_space<vmem>> -> memref<1x128xi32, #tpu.memory_space<vmem>>
        %dma_start3A_323 = tpu.memref_squeeze %dma_start3A_322 : memref<1x128xi32, #tpu.memory_space<vmem>> -> memref<128xi32, #tpu.memory_space<vmem>>
        %dma_start3A_324 = arith.constant 0 : i32
        %dma_start3A_325 = tpu.memref_slice %arg3[%add3A, %add3A_319, %dma_start3A_324] : memref<32x80x128xi32, #tpu.memory_space<hbm>> -> memref<1x1x128xi32, #tpu.memory_space<hbm>>
        %dma_start3A_326 = tpu.memref_squeeze %dma_start3A_325 : memref<1x1x128xi32, #tpu.memory_space<hbm>> -> memref<128xi32, #tpu.memory_space<hbm>>
        %dma_start3A_327 = arith.constant 0 : i32
        %dma_start3A_328 = tpu.memref_slice %arg8[%dma_start3A_320, %dma_start3A_327] : memref<4x128xi32, #tpu.memory_space<vmem>> -> memref<1x128xi32, #tpu.memory_space<vmem>>
        %dma_start3A_329 = tpu.memref_squeeze %dma_start3A_328 : memref<1x128xi32, #tpu.memory_space<vmem>> -> memref<128xi32, #tpu.memory_space<vmem>>
        %dma_start3A_330 = arith.constant 0 : i32
        %dma_start3A_331 = tpu.memref_slice %arg3[%add3A, %add3A_319, %dma_start3A_330] : memref<32x80x128xi32, #tpu.memory_space<hbm>> -> memref<1x1x128xi32, #tpu.memory_space<hbm>>
        %dma_start3A_332 = tpu.memref_squeeze %dma_start3A_331 : memref<1x1x128xi32, #tpu.memory_space<hbm>> -> memref<128xi32, #tpu.memory_space<hbm>>
        tpu.enqueue_dma source(%dma_start3A_332 : memref<128xi32, #tpu.memory_space<hbm>>) target(%dma_start3A_329 : memref<128xi32, #tpu.memory_space<vmem>>) target_semaphore(%arg15 : memref<!tpu.dma_semaphore, #tpu.memory_space<semaphore_mem>>)
      } else {
      }
      %dma_start3A_213 = arith.constant 1 : i32
      %dma_start3A_214 = arith.constant 0 : i32
      %dma_start3A_215 = arith.constant 0 : i32
      %dma_start3A_216 = tpu.memref_slice %arg10[%dma_start3A_213, %dma_start3A_214, %dma_start3A_215] : memref<2x128x128xf32, #tpu.memory_space<vmem>> -> memref<1x128x128xf32, #tpu.memory_space<vmem>>
      %dma_start3A_217 = tpu.memref_squeeze %dma_start3A_216 : memref<1x128x128xf32, #tpu.memory_space<vmem>> -> memref<128x128xf32, #tpu.memory_space<vmem>>
      %dma_start3A_218 = arith.constant 0 : i32
      %dma_start3A_219 = arith.constant 0 : i32
      %dma_start3A_220 = tpu.memref_slice %dma_start3A_217[%dma_start3A_218, %dma_start3A_219] : memref<128x128xf32, #tpu.memory_space<vmem>> -> memref<125x128xf32, #tpu.memory_space<vmem>>
      %dma_start3A_221 = arith.constant 0 : i32
      %dma_start3A_222 = tpu.memref_slice %arg9[%add3A_193, %dma_start3A_221] : memref<80x125xi32, #tpu.memory_space<vmem>> -> memref<1x125xi32, #tpu.memory_space<vmem>>
      %dma_start3A_223 = tpu.memref_squeeze %dma_start3A_222 : memref<1x125xi32, #tpu.memory_space<vmem>> -> memref<125xi32, #tpu.memory_space<vmem>>
      %dma_start3A_224 = arith.constant 0 : i32
      %dma_start3A_225 = arith.constant 0 : i32
      %dma_start3A_226 = tpu.memref_slice %arg11[%dma_start3A_224, %dma_start3A_225] : memref<10000x128xf32, #tpu.memory_space<vmem_shared>> -> memref<10000x128xf32, #tpu.memory_space<vmem_shared>>
      tpu.enqueue_indirect_dma source(%dma_start3A_220 : memref<125x128xf32, #tpu.memory_space<vmem>>) target(%dma_start3A_226 : memref<10000x128xf32, #tpu.memory_space<vmem_shared>>) offsets(%dma_start3A_223 : memref<125xi32, #tpu.memory_space<vmem>>) semaphore(%arg19 : memref<!tpu.dma_semaphore, #tpu.memory_space<semaphore_mem>>) {add = true}
      %add3A_227 = arith.constant 1 : i32
      %add3A_228 = arith.addi %add3A_193, %add3A_227 : i32
      %lt3A_229 = arith.constant 80 : i32
      %lt3A_230 = arith.cmpi slt, %add3A_228, %lt3A_229 : i32
      %convert_element_type3A_231 = arith.extui %lt3A_230 : i1 to i32
      %cond3A_232 = arith.constant 0 : i32
      %cond3A_233 = arith.cmpi ne, %convert_element_type3A_231, %cond3A_232 : i32
      scf.if %cond3A_233 {
        %add3A_318 = arith.constant 1 : i32
        %add3A_319 = arith.addi %add3A_193, %add3A_318 : i32
        %dma_wait3A_320 = arith.constant 2 : i32
        %dma_wait3A_321 = arith.constant 0 : i32
        %dma_wait3A_322 = tpu.memref_slice %arg8[%dma_wait3A_320, %dma_wait3A_321] : memref<4x128xi32, #tpu.memory_space<vmem>> -> memref<1x128xi32, #tpu.memory_space<vmem>>
        %dma_wait3A_323 = tpu.memref_squeeze %dma_wait3A_322 : memref<1x128xi32, #tpu.memory_space<vmem>> -> memref<128xi32, #tpu.memory_space<vmem>>
        %dma_wait3A_324 = arith.constant 0 : i32
        %dma_wait3A_325 = tpu.memref_slice %arg3[%add3A, %add3A_319, %dma_wait3A_324] : memref<32x80x128xi32, #tpu.memory_space<hbm>> -> memref<1x1x128xi32, #tpu.memory_space<hbm>>
        %dma_wait3A_326 = tpu.memref_squeeze %dma_wait3A_325 : memref<1x1x128xi32, #tpu.memory_space<hbm>> -> memref<128xi32, #tpu.memory_space<hbm>>
        %dma_wait3A_327 = arith.constant 0 : i32
        %dma_wait3A_328 = tpu.memref_slice %arg8[%dma_wait3A_320, %dma_wait3A_327] : memref<4x128xi32, #tpu.memory_space<vmem>> -> memref<1x128xi32, #tpu.memory_space<vmem>>
        %dma_wait3A_329 = tpu.memref_squeeze %dma_wait3A_328 : memref<1x128xi32, #tpu.memory_space<vmem>> -> memref<128xi32, #tpu.memory_space<vmem>>
        %dma_wait3A_330 = arith.constant 0 : i32
        %dma_wait3A_331 = tpu.memref_slice %arg3[%add3A, %add3A_319, %dma_wait3A_330] : memref<32x80x128xi32, #tpu.memory_space<hbm>> -> memref<1x1x128xi32, #tpu.memory_space<hbm>>
        %dma_wait3A_332 = tpu.memref_squeeze %dma_wait3A_331 : memref<1x1x128xi32, #tpu.memory_space<hbm>> -> memref<128xi32, #tpu.memory_space<hbm>>
        tpu.wait_dma2 semaphore(%arg14 : memref<!tpu.dma_semaphore, #tpu.memory_space<semaphore_mem>>) src(%dma_wait3A_332 : memref<128xi32, #tpu.memory_space<hbm>>) dst(%dma_wait3A_329 : memref<128xi32, #tpu.memory_space<vmem>>)
        %ge3A = arith.constant 1 : i32
        %ge3A_333 = arith.cmpi sge, %add3A_193, %ge3A : i32
        %convert_element_type3A_334 = arith.extui %ge3A_333 : i1 to i32
        %cond3A_335 = arith.constant 0 : i32
        %cond3A_336 = arith.cmpi ne, %convert_element_type3A_334, %cond3A_335 : i32
        scf.if %cond3A_336 {
          %sub3A = arith.constant 1 : i32
          %sub3A_405 = arith.subi %add3A_193, %sub3A : i32
          %dma_wait3A_406 = arith.constant 0 : i32
          %dma_wait3A_407 = arith.constant 0 : i32
          %dma_wait3A_408 = arith.constant 0 : i32
          %dma_wait3A_409 = tpu.memref_slice %arg10[%dma_wait3A_406, %dma_wait3A_407, %dma_wait3A_408] : memref<2x128x128xf32, #tpu.memory_space<vmem>> -> memref<1x128x128xf32, #tpu.memory_space<vmem>>
          %dma_wait3A_410 = tpu.memref_squeeze %dma_wait3A_409 : memref<1x128x128xf32, #tpu.memory_space<vmem>> -> memref<128x128xf32, #tpu.memory_space<vmem>>
          %dma_wait3A_411 = arith.constant 0 : i32
          %dma_wait3A_412 = arith.constant 0 : i32
          %dma_wait3A_413 = tpu.memref_slice %dma_wait3A_410[%dma_wait3A_411, %dma_wait3A_412] : memref<128x128xf32, #tpu.memory_space<vmem>> -> memref<125x128xf32, #tpu.memory_space<vmem>>
          %dma_wait3A_414 = arith.constant 0 : i32
          %dma_wait3A_415 = tpu.memref_slice %arg9[%sub3A_405, %dma_wait3A_414] : memref<80x125xi32, #tpu.memory_space<vmem>> -> memref<1x125xi32, #tpu.memory_space<vmem>>
          %dma_wait3A_416 = tpu.memref_squeeze %dma_wait3A_415 : memref<1x125xi32, #tpu.memory_space<vmem>> -> memref<125xi32, #tpu.memory_space<vmem>>
          %dma_wait3A_417 = arith.constant 0 : i32
          %dma_wait3A_418 = arith.constant 0 : i32
          %dma_wait3A_419 = tpu.memref_slice %arg11[%dma_wait3A_417, %dma_wait3A_418] : memref<10000x128xf32, #tpu.memory_space<vmem_shared>> -> memref<10000x128xf32, #tpu.memory_space<vmem_shared>>
          tpu.wait_indirect_dma semaphore(%arg18 : memref<!tpu.dma_semaphore, #tpu.memory_space<semaphore_mem>>) src(%dma_wait3A_413 : memref<125x128xf32, #tpu.memory_space<vmem>>) dst(%dma_wait3A_419 : memref<10000x128xf32, #tpu.memory_space<vmem_shared>>)
        } else {
        }
        %dma_start3A_337 = arith.constant 2 : i32
        %dma_start3A_338 = arith.constant 0 : i32
        %dma_start3A_339 = arith.constant 0 : i32
        %dma_start3A_340 = arith.constant 0 : i32
        %dma_start3A_341 = tpu.memref_slice %arg10[%dma_start3A_338, %dma_start3A_339, %dma_start3A_340] : memref<2x128x128xf32, #tpu.memory_space<vmem>> -> memref<1x128x128xf32, #tpu.memory_space<vmem>>
        %dma_start3A_342 = tpu.memref_squeeze %dma_start3A_341 : memref<1x128x128xf32, #tpu.memory_space<vmem>> -> memref<128x128xf32, #tpu.memory_space<vmem>>
        %dma_start3A_343 = arith.constant 0 : i32
        %dma_start3A_344 = arith.constant 0 : i32
        %dma_start3A_345 = tpu.memref_slice %dma_start3A_342[%dma_start3A_343, %dma_start3A_344] : memref<128x128xf32, #tpu.memory_space<vmem>> -> memref<32x128xf32, #tpu.memory_space<vmem>>
        %dma_start3A_346 = arith.constant 0 : i32
        %dma_start3A_347 = tpu.memref_slice %arg8[%dma_start3A_337, %dma_start3A_346] : memref<4x128xi32, #tpu.memory_space<vmem>> -> memref<1x128xi32, #tpu.memory_space<vmem>>
        %dma_start3A_348 = tpu.memref_squeeze %dma_start3A_347 : memref<1x128xi32, #tpu.memory_space<vmem>> -> memref<128xi32, #tpu.memory_space<vmem>>
        %dma_start3A_349 = arith.constant 0 : i32
        %dma_start3A_350 = tpu.memref_slice %dma_start3A_348[%dma_start3A_349] : memref<128xi32, #tpu.memory_space<vmem>> -> memref<32xi32, #tpu.memory_space<vmem>>
        %dma_start3A_351 = arith.constant 0 : i32
        %dma_start3A_352 = arith.constant 0 : i32
        %dma_start3A_353 = tpu.memref_slice %arg2[%dma_start3A_351, %dma_start3A_352] : memref<10000x128xf32, #tpu.memory_space<hbm>> -> memref<10000x128xf32, #tpu.memory_space<hbm>>
        tpu.enqueue_indirect_dma source(%dma_start3A_353 : memref<10000x128xf32, #tpu.memory_space<hbm>>) target(%dma_start3A_345 : memref<32x128xf32, #tpu.memory_space<vmem>>) offsets(%dma_start3A_350 : memref<32xi32, #tpu.memory_space<vmem>>) semaphore(%arg16 : memref<!tpu.dma_semaphore, #tpu.memory_space<semaphore_mem>>)
        %dma_start3A_354 = arith.constant 2 : i32
        %dma_start3A_355 = arith.constant 0 : i32
        %dma_start3A_356 = arith.constant 0 : i32
        %dma_start3A_357 = arith.constant 0 : i32
        %dma_start3A_358 = tpu.memref_slice %arg10[%dma_start3A_355, %dma_start3A_356, %dma_start3A_357] : memref<2x128x128xf32, #tpu.memory_space<vmem>> -> memref<1x128x128xf32, #tpu.memory_space<vmem>>
        %dma_start3A_359 = tpu.memref_squeeze %dma_start3A_358 : memref<1x128x128xf32, #tpu.memory_space<vmem>> -> memref<128x128xf32, #tpu.memory_space<vmem>>
        %dma_start3A_360 = arith.constant 32 : i32
        %dma_start3A_361 = arith.constant 0 : i32
        %dma_start3A_362 = tpu.memref_slice %dma_start3A_359[%dma_start3A_360, %dma_start3A_361] : memref<128x128xf32, #tpu.memory_space<vmem>> -> memref<32x128xf32, #tpu.memory_space<vmem>>
        %dma_start3A_363 = arith.constant 0 : i32
        %dma_start3A_364 = tpu.memref_slice %arg8[%dma_start3A_354, %dma_start3A_363] : memref<4x128xi32, #tpu.memory_space<vmem>> -> memref<1x128xi32, #tpu.memory_space<vmem>>
        %dma_start3A_365 = tpu.memref_squeeze %dma_start3A_364 : memref<1x128xi32, #tpu.memory_space<vmem>> -> memref<128xi32, #tpu.memory_space<vmem>>
        %dma_start3A_366 = arith.constant 32 : i32
        %dma_start3A_367 = tpu.memref_slice %dma_start3A_365[%dma_start3A_366] : memref<128xi32, #tpu.memory_space<vmem>> -> memref<32xi32, #tpu.memory_space<vmem>>
        %dma_start3A_368 = arith.constant 0 : i32
        %dma_start3A_369 = arith.constant 0 : i32
        %dma_start3A_370 = tpu.memref_slice %arg2[%dma_start3A_368, %dma_start3A_369] : memref<10000x128xf32, #tpu.memory_space<hbm>> -> memref<10000x128xf32, #tpu.memory_space<hbm>>
        tpu.enqueue_indirect_dma source(%dma_start3A_370 : memref<10000x128xf32, #tpu.memory_space<hbm>>) target(%dma_start3A_362 : memref<32x128xf32, #tpu.memory_space<vmem>>) offsets(%dma_start3A_367 : memref<32xi32, #tpu.memory_space<vmem>>) semaphore(%arg16 : memref<!tpu.dma_semaphore, #tpu.memory_space<semaphore_mem>>)
        %dma_start3A_371 = arith.constant 2 : i32
        %dma_start3A_372 = arith.constant 0 : i32
        %dma_start3A_373 = arith.constant 0 : i32
        %dma_start3A_374 = arith.constant 0 : i32
        %dma_start3A_375 = tpu.memref_slice %arg10[%dma_start3A_372, %dma_start3A_373, %dma_start3A_374] : memref<2x128x128xf32, #tpu.memory_space<vmem>> -> memref<1x128x128xf32, #tpu.memory_space<vmem>>
        %dma_start3A_376 = tpu.memref_squeeze %dma_start3A_375 : memref<1x128x128xf32, #tpu.memory_space<vmem>> -> memref<128x128xf32, #tpu.memory_space<vmem>>
        %dma_start3A_377 = arith.constant 64 : i32
        %dma_start3A_378 = arith.constant 0 : i32
        %dma_start3A_379 = tpu.memref_slice %dma_start3A_376[%dma_start3A_377, %dma_start3A_378] : memref<128x128xf32, #tpu.memory_space<vmem>> -> memref<32x128xf32, #tpu.memory_space<vmem>>
        %dma_start3A_380 = arith.constant 0 : i32
        %dma_start3A_381 = tpu.memref_slice %arg8[%dma_start3A_371, %dma_start3A_380] : memref<4x128xi32, #tpu.memory_space<vmem>> -> memref<1x128xi32, #tpu.memory_space<vmem>>
        %dma_start3A_382 = tpu.memref_squeeze %dma_start3A_381 : memref<1x128xi32, #tpu.memory_space<vmem>> -> memref<128xi32, #tpu.memory_space<vmem>>
        %dma_start3A_383 = arith.constant 64 : i32
        %dma_start3A_384 = tpu.memref_slice %dma_start3A_382[%dma_start3A_383] : memref<128xi32, #tpu.memory_space<vmem>> -> memref<32xi32, #tpu.memory_space<vmem>>
        %dma_start3A_385 = arith.constant 0 : i32
        %dma_start3A_386 = arith.constant 0 : i32
        %dma_start3A_387 = tpu.memref_slice %arg2[%dma_start3A_385, %dma_start3A_386] : memref<10000x128xf32, #tpu.memory_space<hbm>> -> memref<10000x128xf32, #tpu.memory_space<hbm>>
        tpu.enqueue_indirect_dma source(%dma_start3A_387 : memref<10000x128xf32, #tpu.memory_space<hbm>>) target(%dma_start3A_379 : memref<32x128xf32, #tpu.memory_space<vmem>>) offsets(%dma_start3A_384 : memref<32xi32, #tpu.memory_space<vmem>>) semaphore(%arg16 : memref<!tpu.dma_semaphore, #tpu.memory_space<semaphore_mem>>)
        %dma_start3A_388 = arith.constant 2 : i32
        %dma_start3A_389 = arith.constant 0 : i32
        %dma_start3A_390 = arith.constant 0 : i32
        %dma_start3A_391 = arith.constant 0 : i32
        %dma_start3A_392 = tpu.memref_slice %arg10[%dma_start3A_389, %dma_start3A_390, %dma_start3A_391] : memref<2x128x128xf32, #tpu.memory_space<vmem>> -> memref<1x128x128xf32, #tpu.memory_space<vmem>>
        %dma_start3A_393 = tpu.memref_squeeze %dma_start3A_392 : memref<1x128x128xf32, #tpu.memory_space<vmem>> -> memref<128x128xf32, #tpu.memory_space<vmem>>
        %dma_start3A_394 = arith.constant 96 : i32
        %dma_start3A_395 = arith.constant 0 : i32
        %dma_start3A_396 = tpu.memref_slice %dma_start3A_393[%dma_start3A_394, %dma_start3A_395] : memref<128x128xf32, #tpu.memory_space<vmem>> -> memref<32x128xf32, #tpu.memory_space<vmem>>
        %dma_start3A_397 = arith.constant 0 : i32
        %dma_start3A_398 = tpu.memref_slice %arg8[%dma_start3A_388, %dma_start3A_397] : memref<4x128xi32, #tpu.memory_space<vmem>> -> memref<1x128xi32, #tpu.memory_space<vmem>>
        %dma_start3A_399 = tpu.memref_squeeze %dma_start3A_398 : memref<1x128xi32, #tpu.memory_space<vmem>> -> memref<128xi32, #tpu.memory_space<vmem>>
        %dma_start3A_400 = arith.constant 96 : i32
        %dma_start3A_401 = tpu.memref_slice %dma_start3A_399[%dma_start3A_400] : memref<128xi32, #tpu.memory_space<vmem>> -> memref<32xi32, #tpu.memory_space<vmem>>
        %dma_start3A_402 = arith.constant 0 : i32
        %dma_start3A_403 = arith.constant 0 : i32
        %dma_start3A_404 = tpu.memref_slice %arg2[%dma_start3A_402, %dma_start3A_403] : memref<10000x128xf32, #tpu.memory_space<hbm>> -> memref<10000x128xf32, #tpu.memory_space<hbm>>
        tpu.enqueue_indirect_dma source(%dma_start3A_404 : memref<10000x128xf32, #tpu.memory_space<hbm>>) target(%dma_start3A_396 : memref<32x128xf32, #tpu.memory_space<vmem>>) offsets(%dma_start3A_401 : memref<32xi32, #tpu.memory_space<vmem>>) semaphore(%arg16 : memref<!tpu.dma_semaphore, #tpu.memory_space<semaphore_mem>>)
      } else {
      }
      %add3A_234 = arith.constant 2 : i32
      %add3A_235 = arith.addi %add3A_149, %add3A_234 : i32
      %dma_wait3A_236 = arith.constant 2 : i32
      %dma_wait3A_237 = arith.constant 0 : i32
      %dma_wait3A_238 = arith.constant 0 : i32
      %dma_wait3A_239 = arith.constant 0 : i32
      %dma_wait3A_240 = tpu.memref_slice %arg10[%dma_wait3A_237, %dma_wait3A_238, %dma_wait3A_239] : memref<2x128x128xf32, #tpu.memory_space<vmem>> -> memref<1x128x128xf32, #tpu.memory_space<vmem>>
      %dma_wait3A_241 = tpu.memref_squeeze %dma_wait3A_240 : memref<1x128x128xf32, #tpu.memory_space<vmem>> -> memref<128x128xf32, #tpu.memory_space<vmem>>
      %dma_wait3A_242 = arith.constant 0 : i32
      %dma_wait3A_243 = tpu.memref_slice %arg8[%dma_wait3A_236, %dma_wait3A_242] : memref<4x128xi32, #tpu.memory_space<vmem>> -> memref<1x128xi32, #tpu.memory_space<vmem>>
      %dma_wait3A_244 = tpu.memref_squeeze %dma_wait3A_243 : memref<1x128xi32, #tpu.memory_space<vmem>> -> memref<128xi32, #tpu.memory_space<vmem>>
      %dma_wait3A_245 = arith.constant 0 : i32
      %dma_wait3A_246 = arith.constant 0 : i32
      %dma_wait3A_247 = tpu.memref_slice %arg2[%dma_wait3A_245, %dma_wait3A_246] : memref<10000x128xf32, #tpu.memory_space<hbm>> -> memref<10000x128xf32, #tpu.memory_space<hbm>>
      tpu.wait_indirect_dma semaphore(%arg16 : memref<!tpu.dma_semaphore, #tpu.memory_space<semaphore_mem>>) src(%dma_wait3A_247 : memref<10000x128xf32, #tpu.memory_space<hbm>>) dst(%dma_wait3A_241 : memref<128x128xf32, #tpu.memory_space<vmem>>)
      %add3A_248 = arith.constant 2 : i32
      %add3A_249 = arith.addi %add3A_235, %add3A_248 : i32
      %lt3A_250 = arith.constant 80 : i32
      %lt3A_251 = arith.cmpi slt, %add3A_249, %lt3A_250 : i32
      %convert_element_type3A_252 = arith.extui %lt3A_251 : i1 to i32
      %cond3A_253 = arith.constant 0 : i32
      %cond3A_254 = arith.cmpi ne, %convert_element_type3A_252, %cond3A_253 : i32
      scf.if %cond3A_254 {
        %add3A_318 = arith.constant 2 : i32
        %add3A_319 = arith.addi %add3A_235, %add3A_318 : i32
        %dma_start3A_320 = arith.constant 0 : i32
        %dma_start3A_321 = arith.constant 0 : i32
        %dma_start3A_322 = tpu.memref_slice %arg8[%dma_start3A_320, %dma_start3A_321] : memref<4x128xi32, #tpu.memory_space<vmem>> -> memref<1x128xi32, #tpu.memory_space<vmem>>
        %dma_start3A_323 = tpu.memref_squeeze %dma_start3A_322 : memref<1x128xi32, #tpu.memory_space<vmem>> -> memref<128xi32, #tpu.memory_space<vmem>>
        %dma_start3A_324 = arith.constant 0 : i32
        %dma_start3A_325 = tpu.memref_slice %arg3[%add3A, %add3A_319, %dma_start3A_324] : memref<32x80x128xi32, #tpu.memory_space<hbm>> -> memref<1x1x128xi32, #tpu.memory_space<hbm>>
        %dma_start3A_326 = tpu.memref_squeeze %dma_start3A_325 : memref<1x1x128xi32, #tpu.memory_space<hbm>> -> memref<128xi32, #tpu.memory_space<hbm>>
        %dma_start3A_327 = arith.constant 0 : i32
        %dma_start3A_328 = tpu.memref_slice %arg8[%dma_start3A_320, %dma_start3A_327] : memref<4x128xi32, #tpu.memory_space<vmem>> -> memref<1x128xi32, #tpu.memory_space<vmem>>
        %dma_start3A_329 = tpu.memref_squeeze %dma_start3A_328 : memref<1x128xi32, #tpu.memory_space<vmem>> -> memref<128xi32, #tpu.memory_space<vmem>>
        %dma_start3A_330 = arith.constant 0 : i32
        %dma_start3A_331 = tpu.memref_slice %arg3[%add3A, %add3A_319, %dma_start3A_330] : memref<32x80x128xi32, #tpu.memory_space<hbm>> -> memref<1x1x128xi32, #tpu.memory_space<hbm>>
        %dma_start3A_332 = tpu.memref_squeeze %dma_start3A_331 : memref<1x1x128xi32, #tpu.memory_space<hbm>> -> memref<128xi32, #tpu.memory_space<hbm>>
        tpu.enqueue_dma source(%dma_start3A_332 : memref<128xi32, #tpu.memory_space<hbm>>) target(%dma_start3A_329 : memref<128xi32, #tpu.memory_space<vmem>>) target_semaphore(%arg12 : memref<!tpu.dma_semaphore, #tpu.memory_space<semaphore_mem>>)
      } else {
      }
      %dma_start3A_255 = arith.constant 0 : i32
      %dma_start3A_256 = arith.constant 0 : i32
      %dma_start3A_257 = arith.constant 0 : i32
      %dma_start3A_258 = tpu.memref_slice %arg10[%dma_start3A_255, %dma_start3A_256, %dma_start3A_257] : memref<2x128x128xf32, #tpu.memory_space<vmem>> -> memref<1x128x128xf32, #tpu.memory_space<vmem>>
      %dma_start3A_259 = tpu.memref_squeeze %dma_start3A_258 : memref<1x128x128xf32, #tpu.memory_space<vmem>> -> memref<128x128xf32, #tpu.memory_space<vmem>>
      %dma_start3A_260 = arith.constant 0 : i32
      %dma_start3A_261 = arith.constant 0 : i32
      %dma_start3A_262 = tpu.memref_slice %dma_start3A_259[%dma_start3A_260, %dma_start3A_261] : memref<128x128xf32, #tpu.memory_space<vmem>> -> memref<125x128xf32, #tpu.memory_space<vmem>>
      %dma_start3A_263 = arith.constant 0 : i32
      %dma_start3A_264 = tpu.memref_slice %arg9[%add3A_235, %dma_start3A_263] : memref<80x125xi32, #tpu.memory_space<vmem>> -> memref<1x125xi32, #tpu.memory_space<vmem>>
      %dma_start3A_265 = tpu.memref_squeeze %dma_start3A_264 : memref<1x125xi32, #tpu.memory_space<vmem>> -> memref<125xi32, #tpu.memory_space<vmem>>
      %dma_start3A_266 = arith.constant 0 : i32
      %dma_start3A_267 = arith.constant 0 : i32
      %dma_start3A_268 = tpu.memref_slice %arg11[%dma_start3A_266, %dma_start3A_267] : memref<10000x128xf32, #tpu.memory_space<vmem_shared>> -> memref<10000x128xf32, #tpu.memory_space<vmem_shared>>
      tpu.enqueue_indirect_dma source(%dma_start3A_262 : memref<125x128xf32, #tpu.memory_space<vmem>>) target(%dma_start3A_268 : memref<10000x128xf32, #tpu.memory_space<vmem_shared>>) offsets(%dma_start3A_265 : memref<125xi32, #tpu.memory_space<vmem>>) semaphore(%arg18 : memref<!tpu.dma_semaphore, #tpu.memory_space<semaphore_mem>>) {add = true}
      %add3A_269 = arith.constant 1 : i32
      %add3A_270 = arith.addi %add3A_235, %add3A_269 : i32
      %lt3A_271 = arith.constant 80 : i32
      %lt3A_272 = arith.cmpi slt, %add3A_270, %lt3A_271 : i32
      %convert_element_type3A_273 = arith.extui %lt3A_272 : i1 to i32
      %cond3A_274 = arith.constant 0 : i32
      %cond3A_275 = arith.cmpi ne, %convert_element_type3A_273, %cond3A_274 : i32
      scf.if %cond3A_275 {
        %add3A_318 = arith.constant 1 : i32
        %add3A_319 = arith.addi %add3A_235, %add3A_318 : i32
        %dma_wait3A_320 = arith.constant 3 : i32
        %dma_wait3A_321 = arith.constant 0 : i32
        %dma_wait3A_322 = tpu.memref_slice %arg8[%dma_wait3A_320, %dma_wait3A_321] : memref<4x128xi32, #tpu.memory_space<vmem>> -> memref<1x128xi32, #tpu.memory_space<vmem>>
        %dma_wait3A_323 = tpu.memref_squeeze %dma_wait3A_322 : memref<1x128xi32, #tpu.memory_space<vmem>> -> memref<128xi32, #tpu.memory_space<vmem>>
        %dma_wait3A_324 = arith.constant 0 : i32
        %dma_wait3A_325 = tpu.memref_slice %arg3[%add3A, %add3A_319, %dma_wait3A_324] : memref<32x80x128xi32, #tpu.memory_space<hbm>> -> memref<1x1x128xi32, #tpu.memory_space<hbm>>
        %dma_wait3A_326 = tpu.memref_squeeze %dma_wait3A_325 : memref<1x1x128xi32, #tpu.memory_space<hbm>> -> memref<128xi32, #tpu.memory_space<hbm>>
        %dma_wait3A_327 = arith.constant 0 : i32
        %dma_wait3A_328 = tpu.memref_slice %arg8[%dma_wait3A_320, %dma_wait3A_327] : memref<4x128xi32, #tpu.memory_space<vmem>> -> memref<1x128xi32, #tpu.memory_space<vmem>>
        %dma_wait3A_329 = tpu.memref_squeeze %dma_wait3A_328 : memref<1x128xi32, #tpu.memory_space<vmem>> -> memref<128xi32, #tpu.memory_space<vmem>>
        %dma_wait3A_330 = arith.constant 0 : i32
        %dma_wait3A_331 = tpu.memref_slice %arg3[%add3A, %add3A_319, %dma_wait3A_330] : memref<32x80x128xi32, #tpu.memory_space<hbm>> -> memref<1x1x128xi32, #tpu.memory_space<hbm>>
        %dma_wait3A_332 = tpu.memref_squeeze %dma_wait3A_331 : memref<1x1x128xi32, #tpu.memory_space<hbm>> -> memref<128xi32, #tpu.memory_space<hbm>>
        tpu.wait_dma2 semaphore(%arg15 : memref<!tpu.dma_semaphore, #tpu.memory_space<semaphore_mem>>) src(%dma_wait3A_332 : memref<128xi32, #tpu.memory_space<hbm>>) dst(%dma_wait3A_329 : memref<128xi32, #tpu.memory_space<vmem>>)
        %ge3A = arith.constant 1 : i32
        %ge3A_333 = arith.cmpi sge, %add3A_235, %ge3A : i32
        %convert_element_type3A_334 = arith.extui %ge3A_333 : i1 to i32
        %cond3A_335 = arith.constant 0 : i32
        %cond3A_336 = arith.cmpi ne, %convert_element_type3A_334, %cond3A_335 : i32
        scf.if %cond3A_336 {
          %sub3A = arith.constant 1 : i32
          %sub3A_405 = arith.subi %add3A_235, %sub3A : i32
          %dma_wait3A_406 = arith.constant 1 : i32
          %dma_wait3A_407 = arith.constant 0 : i32
          %dma_wait3A_408 = arith.constant 0 : i32
          %dma_wait3A_409 = tpu.memref_slice %arg10[%dma_wait3A_406, %dma_wait3A_407, %dma_wait3A_408] : memref<2x128x128xf32, #tpu.memory_space<vmem>> -> memref<1x128x128xf32, #tpu.memory_space<vmem>>
          %dma_wait3A_410 = tpu.memref_squeeze %dma_wait3A_409 : memref<1x128x128xf32, #tpu.memory_space<vmem>> -> memref<128x128xf32, #tpu.memory_space<vmem>>
          %dma_wait3A_411 = arith.constant 0 : i32
          %dma_wait3A_412 = arith.constant 0 : i32
          %dma_wait3A_413 = tpu.memref_slice %dma_wait3A_410[%dma_wait3A_411, %dma_wait3A_412] : memref<128x128xf32, #tpu.memory_space<vmem>> -> memref<125x128xf32, #tpu.memory_space<vmem>>
          %dma_wait3A_414 = arith.constant 0 : i32
          %dma_wait3A_415 = tpu.memref_slice %arg9[%sub3A_405, %dma_wait3A_414] : memref<80x125xi32, #tpu.memory_space<vmem>> -> memref<1x125xi32, #tpu.memory_space<vmem>>
          %dma_wait3A_416 = tpu.memref_squeeze %dma_wait3A_415 : memref<1x125xi32, #tpu.memory_space<vmem>> -> memref<125xi32, #tpu.memory_space<vmem>>
          %dma_wait3A_417 = arith.constant 0 : i32
          %dma_wait3A_418 = arith.constant 0 : i32
          %dma_wait3A_419 = tpu.memref_slice %arg11[%dma_wait3A_417, %dma_wait3A_418] : memref<10000x128xf32, #tpu.memory_space<vmem_shared>> -> memref<10000x128xf32, #tpu.memory_space<vmem_shared>>
          tpu.wait_indirect_dma semaphore(%arg19 : memref<!tpu.dma_semaphore, #tpu.memory_space<semaphore_mem>>) src(%dma_wait3A_413 : memref<125x128xf32, #tpu.memory_space<vmem>>) dst(%dma_wait3A_419 : memref<10000x128xf32, #tpu.memory_space<vmem_shared>>)
        } else {
        }
        %dma_start3A_337 = arith.constant 3 : i32
        %dma_start3A_338 = arith.constant 1 : i32
        %dma_start3A_339 = arith.constant 0 : i32
        %dma_start3A_340 = arith.constant 0 : i32
        %dma_start3A_341 = tpu.memref_slice %arg10[%dma_start3A_338, %dma_start3A_339, %dma_start3A_340] : memref<2x128x128xf32, #tpu.memory_space<vmem>> -> memref<1x128x128xf32, #tpu.memory_space<vmem>>
        %dma_start3A_342 = tpu.memref_squeeze %dma_start3A_341 : memref<1x128x128xf32, #tpu.memory_space<vmem>> -> memref<128x128xf32, #tpu.memory_space<vmem>>
        %dma_start3A_343 = arith.constant 0 : i32
        %dma_start3A_344 = arith.constant 0 : i32
        %dma_start3A_345 = tpu.memref_slice %dma_start3A_342[%dma_start3A_343, %dma_start3A_344] : memref<128x128xf32, #tpu.memory_space<vmem>> -> memref<32x128xf32, #tpu.memory_space<vmem>>
        %dma_start3A_346 = arith.constant 0 : i32
        %dma_start3A_347 = tpu.memref_slice %arg8[%dma_start3A_337, %dma_start3A_346] : memref<4x128xi32, #tpu.memory_space<vmem>> -> memref<1x128xi32, #tpu.memory_space<vmem>>
        %dma_start3A_348 = tpu.memref_squeeze %dma_start3A_347 : memref<1x128xi32, #tpu.memory_space<vmem>> -> memref<128xi32, #tpu.memory_space<vmem>>
        %dma_start3A_349 = arith.constant 0 : i32
        %dma_start3A_350 = tpu.memref_slice %dma_start3A_348[%dma_start3A_349] : memref<128xi32, #tpu.memory_space<vmem>> -> memref<32xi32, #tpu.memory_space<vmem>>
        %dma_start3A_351 = arith.constant 0 : i32
        %dma_start3A_352 = arith.constant 0 : i32
        %dma_start3A_353 = tpu.memref_slice %arg2[%dma_start3A_351, %dma_start3A_352] : memref<10000x128xf32, #tpu.memory_space<hbm>> -> memref<10000x128xf32, #tpu.memory_space<hbm>>
        tpu.enqueue_indirect_dma source(%dma_start3A_353 : memref<10000x128xf32, #tpu.memory_space<hbm>>) target(%dma_start3A_345 : memref<32x128xf32, #tpu.memory_space<vmem>>) offsets(%dma_start3A_350 : memref<32xi32, #tpu.memory_space<vmem>>) semaphore(%arg17 : memref<!tpu.dma_semaphore, #tpu.memory_space<semaphore_mem>>)
        %dma_start3A_354 = arith.constant 3 : i32
        %dma_start3A_355 = arith.constant 1 : i32
        %dma_start3A_356 = arith.constant 0 : i32
        %dma_start3A_357 = arith.constant 0 : i32
        %dma_start3A_358 = tpu.memref_slice %arg10[%dma_start3A_355, %dma_start3A_356, %dma_start3A_357] : memref<2x128x128xf32, #tpu.memory_space<vmem>> -> memref<1x128x128xf32, #tpu.memory_space<vmem>>
        %dma_start3A_359 = tpu.memref_squeeze %dma_start3A_358 : memref<1x128x128xf32, #tpu.memory_space<vmem>> -> memref<128x128xf32, #tpu.memory_space<vmem>>
        %dma_start3A_360 = arith.constant 32 : i32
        %dma_start3A_361 = arith.constant 0 : i32
        %dma_start3A_362 = tpu.memref_slice %dma_start3A_359[%dma_start3A_360, %dma_start3A_361] : memref<128x128xf32, #tpu.memory_space<vmem>> -> memref<32x128xf32, #tpu.memory_space<vmem>>
        %dma_start3A_363 = arith.constant 0 : i32
        %dma_start3A_364 = tpu.memref_slice %arg8[%dma_start3A_354, %dma_start3A_363] : memref<4x128xi32, #tpu.memory_space<vmem>> -> memref<1x128xi32, #tpu.memory_space<vmem>>
        %dma_start3A_365 = tpu.memref_squeeze %dma_start3A_364 : memref<1x128xi32, #tpu.memory_space<vmem>> -> memref<128xi32, #tpu.memory_space<vmem>>
        %dma_start3A_366 = arith.constant 32 : i32
        %dma_start3A_367 = tpu.memref_slice %dma_start3A_365[%dma_start3A_366] : memref<128xi32, #tpu.memory_space<vmem>> -> memref<32xi32, #tpu.memory_space<vmem>>
        %dma_start3A_368 = arith.constant 0 : i32
        %dma_start3A_369 = arith.constant 0 : i32
        %dma_start3A_370 = tpu.memref_slice %arg2[%dma_start3A_368, %dma_start3A_369] : memref<10000x128xf32, #tpu.memory_space<hbm>> -> memref<10000x128xf32, #tpu.memory_space<hbm>>
        tpu.enqueue_indirect_dma source(%dma_start3A_370 : memref<10000x128xf32, #tpu.memory_space<hbm>>) target(%dma_start3A_362 : memref<32x128xf32, #tpu.memory_space<vmem>>) offsets(%dma_start3A_367 : memref<32xi32, #tpu.memory_space<vmem>>) semaphore(%arg17 : memref<!tpu.dma_semaphore, #tpu.memory_space<semaphore_mem>>)
        %dma_start3A_371 = arith.constant 3 : i32
        %dma_start3A_372 = arith.constant 1 : i32
        %dma_start3A_373 = arith.constant 0 : i32
        %dma_start3A_374 = arith.constant 0 : i32
        %dma_start3A_375 = tpu.memref_slice %arg10[%dma_start3A_372, %dma_start3A_373, %dma_start3A_374] : memref<2x128x128xf32, #tpu.memory_space<vmem>> -> memref<1x128x128xf32, #tpu.memory_space<vmem>>
        %dma_start3A_376 = tpu.memref_squeeze %dma_start3A_375 : memref<1x128x128xf32, #tpu.memory_space<vmem>> -> memref<128x128xf32, #tpu.memory_space<vmem>>
        %dma_start3A_377 = arith.constant 64 : i32
        %dma_start3A_378 = arith.constant 0 : i32
        %dma_start3A_379 = tpu.memref_slice %dma_start3A_376[%dma_start3A_377, %dma_start3A_378] : memref<128x128xf32, #tpu.memory_space<vmem>> -> memref<32x128xf32, #tpu.memory_space<vmem>>
        %dma_start3A_380 = arith.constant 0 : i32
        %dma_start3A_381 = tpu.memref_slice %arg8[%dma_start3A_371, %dma_start3A_380] : memref<4x128xi32, #tpu.memory_space<vmem>> -> memref<1x128xi32, #tpu.memory_space<vmem>>
        %dma_start3A_382 = tpu.memref_squeeze %dma_start3A_381 : memref<1x128xi32, #tpu.memory_space<vmem>> -> memref<128xi32, #tpu.memory_space<vmem>>
        %dma_start3A_383 = arith.constant 64 : i32
        %dma_start3A_384 = tpu.memref_slice %dma_start3A_382[%dma_start3A_383] : memref<128xi32, #tpu.memory_space<vmem>> -> memref<32xi32, #tpu.memory_space<vmem>>
        %dma_start3A_385 = arith.constant 0 : i32
        %dma_start3A_386 = arith.constant 0 : i32
        %dma_start3A_387 = tpu.memref_slice %arg2[%dma_start3A_385, %dma_start3A_386] : memref<10000x128xf32, #tpu.memory_space<hbm>> -> memref<10000x128xf32, #tpu.memory_space<hbm>>
        tpu.enqueue_indirect_dma source(%dma_start3A_387 : memref<10000x128xf32, #tpu.memory_space<hbm>>) target(%dma_start3A_379 : memref<32x128xf32, #tpu.memory_space<vmem>>) offsets(%dma_start3A_384 : memref<32xi32, #tpu.memory_space<vmem>>) semaphore(%arg17 : memref<!tpu.dma_semaphore, #tpu.memory_space<semaphore_mem>>)
        %dma_start3A_388 = arith.constant 3 : i32
        %dma_start3A_389 = arith.constant 1 : i32
        %dma_start3A_390 = arith.constant 0 : i32
        %dma_start3A_391 = arith.constant 0 : i32
        %dma_start3A_392 = tpu.memref_slice %arg10[%dma_start3A_389, %dma_start3A_390, %dma_start3A_391] : memref<2x128x128xf32, #tpu.memory_space<vmem>> -> memref<1x128x128xf32, #tpu.memory_space<vmem>>
        %dma_start3A_393 = tpu.memref_squeeze %dma_start3A_392 : memref<1x128x128xf32, #tpu.memory_space<vmem>> -> memref<128x128xf32, #tpu.memory_space<vmem>>
        %dma_start3A_394 = arith.constant 96 : i32
        %dma_start3A_395 = arith.constant 0 : i32
        %dma_start3A_396 = tpu.memref_slice %dma_start3A_393[%dma_start3A_394, %dma_start3A_395] : memref<128x128xf32, #tpu.memory_space<vmem>> -> memref<32x128xf32, #tpu.memory_space<vmem>>
        %dma_start3A_397 = arith.constant 0 : i32
        %dma_start3A_398 = tpu.memref_slice %arg8[%dma_start3A_388, %dma_start3A_397] : memref<4x128xi32, #tpu.memory_space<vmem>> -> memref<1x128xi32, #tpu.memory_space<vmem>>
        %dma_start3A_399 = tpu.memref_squeeze %dma_start3A_398 : memref<1x128xi32, #tpu.memory_space<vmem>> -> memref<128xi32, #tpu.memory_space<vmem>>
        %dma_start3A_400 = arith.constant 96 : i32
        %dma_start3A_401 = tpu.memref_slice %dma_start3A_399[%dma_start3A_400] : memref<128xi32, #tpu.memory_space<vmem>> -> memref<32xi32, #tpu.memory_space<vmem>>
        %dma_start3A_402 = arith.constant 0 : i32
        %dma_start3A_403 = arith.constant 0 : i32
        %dma_start3A_404 = tpu.memref_slice %arg2[%dma_start3A_402, %dma_start3A_403] : memref<10000x128xf32, #tpu.memory_space<hbm>> -> memref<10000x128xf32, #tpu.memory_space<hbm>>
        tpu.enqueue_indirect_dma source(%dma_start3A_404 : memref<10000x128xf32, #tpu.memory_space<hbm>>) target(%dma_start3A_396 : memref<32x128xf32, #tpu.memory_space<vmem>>) offsets(%dma_start3A_401 : memref<32xi32, #tpu.memory_space<vmem>>) semaphore(%arg17 : memref<!tpu.dma_semaphore, #tpu.memory_space<semaphore_mem>>)
      } else {
      }
      %add3A_276 = arith.constant 3 : i32
      %add3A_277 = arith.addi %add3A_149, %add3A_276 : i32
      %dma_wait3A_278 = arith.constant 3 : i32
      %dma_wait3A_279 = arith.constant 1 : i32
      %dma_wait3A_280 = arith.constant 0 : i32
      %dma_wait3A_281 = arith.constant 0 : i32
      %dma_wait3A_282 = tpu.memref_slice %arg10[%dma_wait3A_279, %dma_wait3A_280, %dma_wait3A_281] : memref<2x128x128xf32, #tpu.memory_space<vmem>> -> memref<1x128x128xf32, #tpu.memory_space<vmem>>
      %dma_wait3A_283 = tpu.memref_squeeze %dma_wait3A_282 : memref<1x128x128xf32, #tpu.memory_space<vmem>> -> memref<128x128xf32, #tpu.memory_space<vmem>>
      %dma_wait3A_284 = arith.constant 0 : i32
      %dma_wait3A_285 = tpu.memref_slice %arg8[%dma_wait3A_278, %dma_wait3A_284] : memref<4x128xi32, #tpu.memory_space<vmem>> -> memref<1x128xi32, #tpu.memory_space<vmem>>
      %dma_wait3A_286 = tpu.memref_squeeze %dma_wait3A_285 : memref<1x128xi32, #tpu.memory_space<vmem>> -> memref<128xi32, #tpu.memory_space<vmem>>
      %dma_wait3A_287 = arith.constant 0 : i32
      %dma_wait3A_288 = arith.constant 0 : i32
      %dma_wait3A_289 = tpu.memref_slice %arg2[%dma_wait3A_287, %dma_wait3A_288] : memref<10000x128xf32, #tpu.memory_space<hbm>> -> memref<10000x128xf32, #tpu.memory_space<hbm>>
      tpu.wait_indirect_dma semaphore(%arg17 : memref<!tpu.dma_semaphore, #tpu.memory_space<semaphore_mem>>) src(%dma_wait3A_289 : memref<10000x128xf32, #tpu.memory_space<hbm>>) dst(%dma_wait3A_283 : memref<128x128xf32, #tpu.memory_space<vmem>>)
      %add3A_290 = arith.constant 2 : i32
      %add3A_291 = arith.addi %add3A_277, %add3A_290 : i32
      %lt3A_292 = arith.constant 80 : i32
      %lt3A_293 = arith.cmpi slt, %add3A_291, %lt3A_292 : i32
      %convert_element_type3A_294 = arith.extui %lt3A_293 : i1 to i32
      %cond3A_295 = arith.constant 0 : i32
      %cond3A_296 = arith.cmpi ne, %convert_element_type3A_294, %cond3A_295 : i32
      scf.if %cond3A_296 {
        %add3A_318 = arith.constant 2 : i32
        %add3A_319 = arith.addi %add3A_277, %add3A_318 : i32
        %dma_start3A_320 = arith.constant 1 : i32
        %dma_start3A_321 = arith.constant 0 : i32
        %dma_start3A_322 = tpu.memref_slice %arg8[%dma_start3A_320, %dma_start3A_321] : memref<4x128xi32, #tpu.memory_space<vmem>> -> memref<1x128xi32, #tpu.memory_space<vmem>>
        %dma_start3A_323 = tpu.memref_squeeze %dma_start3A_322 : memref<1x128xi32, #tpu.memory_space<vmem>> -> memref<128xi32, #tpu.memory_space<vmem>>
        %dma_start3A_324 = arith.constant 0 : i32
        %dma_start3A_325 = tpu.memref_slice %arg3[%add3A, %add3A_319, %dma_start3A_324] : memref<32x80x128xi32, #tpu.memory_space<hbm>> -> memref<1x1x128xi32, #tpu.memory_space<hbm>>
        %dma_start3A_326 = tpu.memref_squeeze %dma_start3A_325 : memref<1x1x128xi32, #tpu.memory_space<hbm>> -> memref<128xi32, #tpu.memory_space<hbm>>
        %dma_start3A_327 = arith.constant 0 : i32
        %dma_start3A_328 = tpu.memref_slice %arg8[%dma_start3A_320, %dma_start3A_327] : memref<4x128xi32, #tpu.memory_space<vmem>> -> memref<1x128xi32, #tpu.memory_space<vmem>>
        %dma_start3A_329 = tpu.memref_squeeze %dma_start3A_328 : memref<1x128xi32, #tpu.memory_space<vmem>> -> memref<128xi32, #tpu.memory_space<vmem>>
        %dma_start3A_330 = arith.constant 0 : i32
        %dma_start3A_331 = tpu.memref_slice %arg3[%add3A, %add3A_319, %dma_start3A_330] : memref<32x80x128xi32, #tpu.memory_space<hbm>> -> memref<1x1x128xi32, #tpu.memory_space<hbm>>
        %dma_start3A_332 = tpu.memref_squeeze %dma_start3A_331 : memref<1x1x128xi32, #tpu.memory_space<hbm>> -> memref<128xi32, #tpu.memory_space<hbm>>
        tpu.enqueue_dma source(%dma_start3A_332 : memref<128xi32, #tpu.memory_space<hbm>>) target(%dma_start3A_329 : memref<128xi32, #tpu.memory_space<vmem>>) target_semaphore(%arg13 : memref<!tpu.dma_semaphore, #tpu.memory_space<semaphore_mem>>)
      } else {
      }
      %dma_start3A_297 = arith.constant 1 : i32
      %dma_start3A_298 = arith.constant 0 : i32
      %dma_start3A_299 = arith.constant 0 : i32
      %dma_start3A_300 = tpu.memref_slice %arg10[%dma_start3A_297, %dma_start3A_298, %dma_start3A_299] : memref<2x128x128xf32, #tpu.memory_space<vmem>> -> memref<1x128x128xf32, #tpu.memory_space<vmem>>
      %dma_start3A_301 = tpu.memref_squeeze %dma_start3A_300 : memref<1x128x128xf32, #tpu.memory_space<vmem>> -> memref<128x128xf32, #tpu.memory_space<vmem>>
      %dma_start3A_302 = arith.constant 0 : i32
      %dma_start3A_303 = arith.constant 0 : i32
      %dma_start3A_304 = tpu.memref_slice %dma_start3A_301[%dma_start3A_302, %dma_start3A_303] : memref<128x128xf32, #tpu.memory_space<vmem>> -> memref<125x128xf32, #tpu.memory_space<vmem>>
      %dma_start3A_305 = arith.constant 0 : i32
      %dma_start3A_306 = tpu.memref_slice %arg9[%add3A_277, %dma_start3A_305] : memref<80x125xi32, #tpu.memory_space<vmem>> -> memref<1x125xi32, #tpu.memory_space<vmem>>
      %dma_start3A_307 = tpu.memref_squeeze %dma_start3A_306 : memref<1x125xi32, #tpu.memory_space<vmem>> -> memref<125xi32, #tpu.memory_space<vmem>>
      %dma_start3A_308 = arith.constant 0 : i32
      %dma_start3A_309 = arith.constant 0 : i32
      %dma_start3A_310 = tpu.memref_slice %arg11[%dma_start3A_308, %dma_start3A_309] : memref<10000x128xf32, #tpu.memory_space<vmem_shared>> -> memref<10000x128xf32, #tpu.memory_space<vmem_shared>>
      tpu.enqueue_indirect_dma source(%dma_start3A_304 : memref<125x128xf32, #tpu.memory_space<vmem>>) target(%dma_start3A_310 : memref<10000x128xf32, #tpu.memory_space<vmem_shared>>) offsets(%dma_start3A_307 : memref<125xi32, #tpu.memory_space<vmem>>) semaphore(%arg19 : memref<!tpu.dma_semaphore, #tpu.memory_space<semaphore_mem>>) {add = true}
      %add3A_311 = arith.constant 1 : i32
      %add3A_312 = arith.addi %add3A_277, %add3A_311 : i32
      %lt3A_313 = arith.constant 80 : i32
      %lt3A_314 = arith.cmpi slt, %add3A_312, %lt3A_313 : i32
      %convert_element_type3A_315 = arith.extui %lt3A_314 : i1 to i32
      %cond3A_316 = arith.constant 0 : i32
      %cond3A_317 = arith.cmpi ne, %convert_element_type3A_315, %cond3A_316 : i32
      scf.if %cond3A_317 {
        %add3A_318 = arith.constant 1 : i32
        %add3A_319 = arith.addi %add3A_277, %add3A_318 : i32
        %dma_wait3A_320 = arith.constant 0 : i32
        %dma_wait3A_321 = arith.constant 0 : i32
        %dma_wait3A_322 = tpu.memref_slice %arg8[%dma_wait3A_320, %dma_wait3A_321] : memref<4x128xi32, #tpu.memory_space<vmem>> -> memref<1x128xi32, #tpu.memory_space<vmem>>
        %dma_wait3A_323 = tpu.memref_squeeze %dma_wait3A_322 : memref<1x128xi32, #tpu.memory_space<vmem>> -> memref<128xi32, #tpu.memory_space<vmem>>
        %dma_wait3A_324 = arith.constant 0 : i32
        %dma_wait3A_325 = tpu.memref_slice %arg3[%add3A, %add3A_319, %dma_wait3A_324] : memref<32x80x128xi32, #tpu.memory_space<hbm>> -> memref<1x1x128xi32, #tpu.memory_space<hbm>>
        %dma_wait3A_326 = tpu.memref_squeeze %dma_wait3A_325 : memref<1x1x128xi32, #tpu.memory_space<hbm>> -> memref<128xi32, #tpu.memory_space<hbm>>
        %dma_wait3A_327 = arith.constant 0 : i32
        %dma_wait3A_328 = tpu.memref_slice %arg8[%dma_wait3A_320, %dma_wait3A_327] : memref<4x128xi32, #tpu.memory_space<vmem>> -> memref<1x128xi32, #tpu.memory_space<vmem>>
        %dma_wait3A_329 = tpu.memref_squeeze %dma_wait3A_328 : memref<1x128xi32, #tpu.memory_space<vmem>> -> memref<128xi32, #tpu.memory_space<vmem>>
        %dma_wait3A_330 = arith.constant 0 : i32
        %dma_wait3A_331 = tpu.memref_slice %arg3[%add3A, %add3A_319, %dma_wait3A_330] : memref<32x80x128xi32, #tpu.memory_space<hbm>> -> memref<1x1x128xi32, #tpu.memory_space<hbm>>
        %dma_wait3A_332 = tpu.memref_squeeze %dma_wait3A_331 : memref<1x1x128xi32, #tpu.memory_space<hbm>> -> memref<128xi32, #tpu.memory_space<hbm>>
        tpu.wait_dma2 semaphore(%arg12 : memref<!tpu.dma_semaphore, #tpu.memory_space<semaphore_mem>>) src(%dma_wait3A_332 : memref<128xi32, #tpu.memory_space<hbm>>) dst(%dma_wait3A_329 : memref<128xi32, #tpu.memory_space<vmem>>)
        %ge3A = arith.constant 1 : i32
        %ge3A_333 = arith.cmpi sge, %add3A_277, %ge3A : i32
        %convert_element_type3A_334 = arith.extui %ge3A_333 : i1 to i32
        %cond3A_335 = arith.constant 0 : i32
        %cond3A_336 = arith.cmpi ne, %convert_element_type3A_334, %cond3A_335 : i32
        scf.if %cond3A_336 {
          %sub3A = arith.constant 1 : i32
          %sub3A_405 = arith.subi %add3A_277, %sub3A : i32
          %dma_wait3A_406 = arith.constant 0 : i32
          %dma_wait3A_407 = arith.constant 0 : i32
          %dma_wait3A_408 = arith.constant 0 : i32
          %dma_wait3A_409 = tpu.memref_slice %arg10[%dma_wait3A_406, %dma_wait3A_407, %dma_wait3A_408] : memref<2x128x128xf32, #tpu.memory_space<vmem>> -> memref<1x128x128xf32, #tpu.memory_space<vmem>>
          %dma_wait3A_410 = tpu.memref_squeeze %dma_wait3A_409 : memref<1x128x128xf32, #tpu.memory_space<vmem>> -> memref<128x128xf32, #tpu.memory_space<vmem>>
          %dma_wait3A_411 = arith.constant 0 : i32
          %dma_wait3A_412 = arith.constant 0 : i32
          %dma_wait3A_413 = tpu.memref_slice %dma_wait3A_410[%dma_wait3A_411, %dma_wait3A_412] : memref<128x128xf32, #tpu.memory_space<vmem>> -> memref<125x128xf32, #tpu.memory_space<vmem>>
          %dma_wait3A_414 = arith.constant 0 : i32
          %dma_wait3A_415 = tpu.memref_slice %arg9[%sub3A_405, %dma_wait3A_414] : memref<80x125xi32, #tpu.memory_space<vmem>> -> memref<1x125xi32, #tpu.memory_space<vmem>>
          %dma_wait3A_416 = tpu.memref_squeeze %dma_wait3A_415 : memref<1x125xi32, #tpu.memory_space<vmem>> -> memref<125xi32, #tpu.memory_space<vmem>>
          %dma_wait3A_417 = arith.constant 0 : i32
          %dma_wait3A_418 = arith.constant 0 : i32
          %dma_wait3A_419 = tpu.memref_slice %arg11[%dma_wait3A_417, %dma_wait3A_418] : memref<10000x128xf32, #tpu.memory_space<vmem_shared>> -> memref<10000x128xf32, #tpu.memory_space<vmem_shared>>
          tpu.wait_indirect_dma semaphore(%arg18 : memref<!tpu.dma_semaphore, #tpu.memory_space<semaphore_mem>>) src(%dma_wait3A_413 : memref<125x128xf32, #tpu.memory_space<vmem>>) dst(%dma_wait3A_419 : memref<10000x128xf32, #tpu.memory_space<vmem_shared>>)
        } else {
        }
        %dma_start3A_337 = arith.constant 0 : i32
        %dma_start3A_338 = arith.constant 0 : i32
        %dma_start3A_339 = arith.constant 0 : i32
        %dma_start3A_340 = arith.constant 0 : i32
        %dma_start3A_341 = tpu.memref_slice %arg10[%dma_start3A_338, %dma_start3A_339, %dma_start3A_340] : memref<2x128x128xf32, #tpu.memory_space<vmem>> -> memref<1x128x128xf32, #tpu.memory_space<vmem>>
        %dma_start3A_342 = tpu.memref_squeeze %dma_start3A_341 : memref<1x128x128xf32, #tpu.memory_space<vmem>> -> memref<128x128xf32, #tpu.memory_space<vmem>>
        %dma_start3A_343 = arith.constant 0 : i32
        %dma_start3A_344 = arith.constant 0 : i32
        %dma_start3A_345 = tpu.memref_slice %dma_start3A_342[%dma_start3A_343, %dma_start3A_344] : memref<128x128xf32, #tpu.memory_space<vmem>> -> memref<32x128xf32, #tpu.memory_space<vmem>>
        %dma_start3A_346 = arith.constant 0 : i32
        %dma_start3A_347 = tpu.memref_slice %arg8[%dma_start3A_337, %dma_start3A_346] : memref<4x128xi32, #tpu.memory_space<vmem>> -> memref<1x128xi32, #tpu.memory_space<vmem>>
        %dma_start3A_348 = tpu.memref_squeeze %dma_start3A_347 : memref<1x128xi32, #tpu.memory_space<vmem>> -> memref<128xi32, #tpu.memory_space<vmem>>
        %dma_start3A_349 = arith.constant 0 : i32
        %dma_start3A_350 = tpu.memref_slice %dma_start3A_348[%dma_start3A_349] : memref<128xi32, #tpu.memory_space<vmem>> -> memref<32xi32, #tpu.memory_space<vmem>>
        %dma_start3A_351 = arith.constant 0 : i32
        %dma_start3A_352 = arith.constant 0 : i32
        %dma_start3A_353 = tpu.memref_slice %arg2[%dma_start3A_351, %dma_start3A_352] : memref<10000x128xf32, #tpu.memory_space<hbm>> -> memref<10000x128xf32, #tpu.memory_space<hbm>>
        tpu.enqueue_indirect_dma source(%dma_start3A_353 : memref<10000x128xf32, #tpu.memory_space<hbm>>) target(%dma_start3A_345 : memref<32x128xf32, #tpu.memory_space<vmem>>) offsets(%dma_start3A_350 : memref<32xi32, #tpu.memory_space<vmem>>) semaphore(%arg16 : memref<!tpu.dma_semaphore, #tpu.memory_space<semaphore_mem>>)
        %dma_start3A_354 = arith.constant 0 : i32
        %dma_start3A_355 = arith.constant 0 : i32
        %dma_start3A_356 = arith.constant 0 : i32
        %dma_start3A_357 = arith.constant 0 : i32
        %dma_start3A_358 = tpu.memref_slice %arg10[%dma_start3A_355, %dma_start3A_356, %dma_start3A_357] : memref<2x128x128xf32, #tpu.memory_space<vmem>> -> memref<1x128x128xf32, #tpu.memory_space<vmem>>
        %dma_start3A_359 = tpu.memref_squeeze %dma_start3A_358 : memref<1x128x128xf32, #tpu.memory_space<vmem>> -> memref<128x128xf32, #tpu.memory_space<vmem>>
        %dma_start3A_360 = arith.constant 32 : i32
        %dma_start3A_361 = arith.constant 0 : i32
        %dma_start3A_362 = tpu.memref_slice %dma_start3A_359[%dma_start3A_360, %dma_start3A_361] : memref<128x128xf32, #tpu.memory_space<vmem>> -> memref<32x128xf32, #tpu.memory_space<vmem>>
        %dma_start3A_363 = arith.constant 0 : i32
        %dma_start3A_364 = tpu.memref_slice %arg8[%dma_start3A_354, %dma_start3A_363] : memref<4x128xi32, #tpu.memory_space<vmem>> -> memref<1x128xi32, #tpu.memory_space<vmem>>
        %dma_start3A_365 = tpu.memref_squeeze %dma_start3A_364 : memref<1x128xi32, #tpu.memory_space<vmem>> -> memref<128xi32, #tpu.memory_space<vmem>>
        %dma_start3A_366 = arith.constant 32 : i32
        %dma_start3A_367 = tpu.memref_slice %dma_start3A_365[%dma_start3A_366] : memref<128xi32, #tpu.memory_space<vmem>> -> memref<32xi32, #tpu.memory_space<vmem>>
        %dma_start3A_368 = arith.constant 0 : i32
        %dma_start3A_369 = arith.constant 0 : i32
        %dma_start3A_370 = tpu.memref_slice %arg2[%dma_start3A_368, %dma_start3A_369] : memref<10000x128xf32, #tpu.memory_space<hbm>> -> memref<10000x128xf32, #tpu.memory_space<hbm>>
        tpu.enqueue_indirect_dma source(%dma_start3A_370 : memref<10000x128xf32, #tpu.memory_space<hbm>>) target(%dma_start3A_362 : memref<32x128xf32, #tpu.memory_space<vmem>>) offsets(%dma_start3A_367 : memref<32xi32, #tpu.memory_space<vmem>>) semaphore(%arg16 : memref<!tpu.dma_semaphore, #tpu.memory_space<semaphore_mem>>)
        %dma_start3A_371 = arith.constant 0 : i32
        %dma_start3A_372 = arith.constant 0 : i32
        %dma_start3A_373 = arith.constant 0 : i32
        %dma_start3A_374 = arith.constant 0 : i32
        %dma_start3A_375 = tpu.memref_slice %arg10[%dma_start3A_372, %dma_start3A_373, %dma_start3A_374] : memref<2x128x128xf32, #tpu.memory_space<vmem>> -> memref<1x128x128xf32, #tpu.memory_space<vmem>>
        %dma_start3A_376 = tpu.memref_squeeze %dma_start3A_375 : memref<1x128x128xf32, #tpu.memory_space<vmem>> -> memref<128x128xf32, #tpu.memory_space<vmem>>
        %dma_start3A_377 = arith.constant 64 : i32
        %dma_start3A_378 = arith.constant 0 : i32
        %dma_start3A_379 = tpu.memref_slice %dma_start3A_376[%dma_start3A_377, %dma_start3A_378] : memref<128x128xf32, #tpu.memory_space<vmem>> -> memref<32x128xf32, #tpu.memory_space<vmem>>
        %dma_start3A_380 = arith.constant 0 : i32
        %dma_start3A_381 = tpu.memref_slice %arg8[%dma_start3A_371, %dma_start3A_380] : memref<4x128xi32, #tpu.memory_space<vmem>> -> memref<1x128xi32, #tpu.memory_space<vmem>>
        %dma_start3A_382 = tpu.memref_squeeze %dma_start3A_381 : memref<1x128xi32, #tpu.memory_space<vmem>> -> memref<128xi32, #tpu.memory_space<vmem>>
        %dma_start3A_383 = arith.constant 64 : i32
        %dma_start3A_384 = tpu.memref_slice %dma_start3A_382[%dma_start3A_383] : memref<128xi32, #tpu.memory_space<vmem>> -> memref<32xi32, #tpu.memory_space<vmem>>
        %dma_start3A_385 = arith.constant 0 : i32
        %dma_start3A_386 = arith.constant 0 : i32
        %dma_start3A_387 = tpu.memref_slice %arg2[%dma_start3A_385, %dma_start3A_386] : memref<10000x128xf32, #tpu.memory_space<hbm>> -> memref<10000x128xf32, #tpu.memory_space<hbm>>
        tpu.enqueue_indirect_dma source(%dma_start3A_387 : memref<10000x128xf32, #tpu.memory_space<hbm>>) target(%dma_start3A_379 : memref<32x128xf32, #tpu.memory_space<vmem>>) offsets(%dma_start3A_384 : memref<32xi32, #tpu.memory_space<vmem>>) semaphore(%arg16 : memref<!tpu.dma_semaphore, #tpu.memory_space<semaphore_mem>>)
        %dma_start3A_388 = arith.constant 0 : i32
        %dma_start3A_389 = arith.constant 0 : i32
        %dma_start3A_390 = arith.constant 0 : i32
        %dma_start3A_391 = arith.constant 0 : i32
        %dma_start3A_392 = tpu.memref_slice %arg10[%dma_start3A_389, %dma_start3A_390, %dma_start3A_391] : memref<2x128x128xf32, #tpu.memory_space<vmem>> -> memref<1x128x128xf32, #tpu.memory_space<vmem>>
        %dma_start3A_393 = tpu.memref_squeeze %dma_start3A_392 : memref<1x128x128xf32, #tpu.memory_space<vmem>> -> memref<128x128xf32, #tpu.memory_space<vmem>>
        %dma_start3A_394 = arith.constant 96 : i32
        %dma_start3A_395 = arith.constant 0 : i32
        %dma_start3A_396 = tpu.memref_slice %dma_start3A_393[%dma_start3A_394, %dma_start3A_395] : memref<128x128xf32, #tpu.memory_space<vmem>> -> memref<32x128xf32, #tpu.memory_space<vmem>>
        %dma_start3A_397 = arith.constant 0 : i32
        %dma_start3A_398 = tpu.memref_slice %arg8[%dma_start3A_388, %dma_start3A_397] : memref<4x128xi32, #tpu.memory_space<vmem>> -> memref<1x128xi32, #tpu.memory_space<vmem>>
        %dma_start3A_399 = tpu.memref_squeeze %dma_start3A_398 : memref<1x128xi32, #tpu.memory_space<vmem>> -> memref<128xi32, #tpu.memory_space<vmem>>
        %dma_start3A_400 = arith.constant 96 : i32
        %dma_start3A_401 = tpu.memref_slice %dma_start3A_399[%dma_start3A_400] : memref<128xi32, #tpu.memory_space<vmem>> -> memref<32xi32, #tpu.memory_space<vmem>>
        %dma_start3A_402 = arith.constant 0 : i32
        %dma_start3A_403 = arith.constant 0 : i32
        %dma_start3A_404 = tpu.memref_slice %arg2[%dma_start3A_402, %dma_start3A_403] : memref<10000x128xf32, #tpu.memory_space<hbm>> -> memref<10000x128xf32, #tpu.memory_space<hbm>>
        tpu.enqueue_indirect_dma source(%dma_start3A_404 : memref<10000x128xf32, #tpu.memory_space<hbm>>) target(%dma_start3A_396 : memref<32x128xf32, #tpu.memory_space<vmem>>) offsets(%dma_start3A_401 : memref<32xi32, #tpu.memory_space<vmem>>) semaphore(%arg16 : memref<!tpu.dma_semaphore, #tpu.memory_space<semaphore_mem>>)
      } else {
      }
    }
    %scan3A_118 = arith.constant 20 : i32
    %dma_wait3A_119 = arith.constant 1 : i32
    %dma_wait3A_120 = arith.constant 79 : i32
    %dma_wait3A_121 = arith.constant 0 : i32
    %dma_wait3A_122 = arith.constant 0 : i32
    %dma_wait3A_123 = tpu.memref_slice %arg10[%dma_wait3A_119, %dma_wait3A_121, %dma_wait3A_122] : memref<2x128x128xf32, #tpu.memory_space<vmem>> -> memref<1x128x128xf32, #tpu.memory_space<vmem>>
    %dma_wait3A_124 = tpu.memref_squeeze %dma_wait3A_123 : memref<1x128x128xf32, #tpu.memory_space<vmem>> -> memref<128x128xf32, #tpu.memory_space<vmem>>
    %dma_wait3A_125 = arith.constant 0 : i32
    %dma_wait3A_126 = arith.constant 0 : i32
    %dma_wait3A_127 = tpu.memref_slice %dma_wait3A_124[%dma_wait3A_125, %dma_wait3A_126] : memref<128x128xf32, #tpu.memory_space<vmem>> -> memref<125x128xf32, #tpu.memory_space<vmem>>
    %dma_wait3A_128 = arith.constant 0 : i32
    %dma_wait3A_129 = tpu.memref_slice %arg9[%dma_wait3A_120, %dma_wait3A_128] : memref<80x125xi32, #tpu.memory_space<vmem>> -> memref<1x125xi32, #tpu.memory_space<vmem>>
    %dma_wait3A_130 = tpu.memref_squeeze %dma_wait3A_129 : memref<1x125xi32, #tpu.memory_space<vmem>> -> memref<125xi32, #tpu.memory_space<vmem>>
    %dma_wait3A_131 = arith.constant 0 : i32
    %dma_wait3A_132 = arith.constant 0 : i32
    %dma_wait3A_133 = tpu.memref_slice %arg11[%dma_wait3A_131, %dma_wait3A_132] : memref<10000x128xf32, #tpu.memory_space<vmem_shared>> -> memref<10000x128xf32, #tpu.memory_space<vmem_shared>>
    tpu.wait_indirect_dma semaphore(%arg19 : memref<!tpu.dma_semaphore, #tpu.memory_space<semaphore_mem>>) src(%dma_wait3A_127 : memref<125x128xf32, #tpu.memory_space<vmem>>) dst(%dma_wait3A_133 : memref<10000x128xf32, #tpu.memory_space<vmem_shared>>)
    %barrier3A_134 = arith.constant 0 : index
    tpu.barrier barrier_id(%barrier3A_134)
    %eq3A_135 = arith.constant 0 : i32
    %eq3A_136 = arith.cmpi eq, %arg0, %eq3A_135 : i32
    %convert_element_type3A_137 = arith.extui %eq3A_136 : i1 to i32
    %cond3A_138 = arith.constant 0 : i32
    %cond3A_139 = arith.cmpi ne, %convert_element_type3A_137, %cond3A_138 : i32
    scf.if %cond3A_139 {
      %lt3A_145 = arith.constant 15 : i32
      %lt3A_146 = arith.cmpi slt, %arg1, %lt3A_145 : i32
      %convert_element_type3A_147 = arith.extui %lt3A_146 : i1 to i32
      %cond3A_148 = arith.constant 0 : i32
      %cond3A_149 = arith.cmpi ne, %convert_element_type3A_147, %cond3A_148 : i32
      scf.if %cond3A_149 {
        %mul3A_155 = arith.constant 632 : i32
        %mul3A_156 = arith.muli %arg1, %mul3A_155 : i32
        "tpu.region"() ({
          %run_scoped3A = tpu.sem_alloc : memref<!tpu.dma_semaphore, #tpu.memory_space<semaphore_mem>>
          %dma_start3A_157 = arith.constant 0 : i32
          %dma_start3A_158 = tpu.memref_slice %arg6[%mul3A_156, %dma_start3A_157] : memref<10000x128xf32, #tpu.memory_space<hbm>> -> memref<632x128xf32, #tpu.memory_space<hbm>>
          %dma_start3A_159 = arith.constant 0 : i32
          %dma_start3A_160 = tpu.memref_slice %arg11[%mul3A_156, %dma_start3A_159] : memref<10000x128xf32, #tpu.memory_space<vmem_shared>> -> memref<632x128xf32, #tpu.memory_space<vmem_shared>>
          tpu.enqueue_dma source(%dma_start3A_160 : memref<632x128xf32, #tpu.memory_space<vmem_shared>>) target(%dma_start3A_158 : memref<632x128xf32, #tpu.memory_space<hbm>>) target_semaphore(%run_scoped3A : memref<!tpu.dma_semaphore, #tpu.memory_space<semaphore_mem>>)
          %dma_wait3A_161 = arith.constant 0 : i32
          %dma_wait3A_162 = tpu.memref_slice %arg6[%mul3A_156, %dma_wait3A_161] : memref<10000x128xf32, #tpu.memory_space<hbm>> -> memref<632x128xf32, #tpu.memory_space<hbm>>
          %dma_wait3A_163 = arith.constant 0 : i32
          %dma_wait3A_164 = tpu.memref_slice %arg11[%mul3A_156, %dma_wait3A_163] : memref<10000x128xf32, #tpu.memory_space<vmem_shared>> -> memref<632x128xf32, #tpu.memory_space<vmem_shared>>
          tpu.wait_dma2 semaphore(%run_scoped3A : memref<!tpu.dma_semaphore, #tpu.memory_space<semaphore_mem>>) src(%dma_wait3A_164 : memref<632x128xf32, #tpu.memory_space<vmem_shared>>) dst(%dma_wait3A_162 : memref<632x128xf32, #tpu.memory_space<hbm>>)
          tpu.yield
        }) : () -> ()
      } else {
      }
      %eq3A_150 = arith.constant 15 : i32
      %eq3A_151 = arith.cmpi eq, %arg1, %eq3A_150 : i32
      %convert_element_type3A_152 = arith.extui %eq3A_151 : i1 to i32
      %cond3A_153 = arith.constant 0 : i32
      %cond3A_154 = arith.cmpi ne, %convert_element_type3A_152, %cond3A_153 : i32
      scf.if %cond3A_154 {
        "tpu.region"() ({
          %run_scoped3A = tpu.sem_alloc : memref<!tpu.dma_semaphore, #tpu.memory_space<semaphore_mem>>
          %dma_start3A_155 = arith.constant 9480 : i32
          %dma_start3A_156 = arith.constant 0 : i32
          %dma_start3A_157 = tpu.memref_slice %arg6[%dma_start3A_155, %dma_start3A_156] : memref<10000x128xf32, #tpu.memory_space<hbm>> -> memref<520x128xf32, #tpu.memory_space<hbm>>
          %dma_start3A_158 = arith.constant 9480 : i32
          %dma_start3A_159 = arith.constant 0 : i32
          %dma_start3A_160 = tpu.memref_slice %arg11[%dma_start3A_158, %dma_start3A_159] : memref<10000x128xf32, #tpu.memory_space<vmem_shared>> -> memref<520x128xf32, #tpu.memory_space<vmem_shared>>
          tpu.enqueue_dma source(%dma_start3A_160 : memref<520x128xf32, #tpu.memory_space<vmem_shared>>) target(%dma_start3A_157 : memref<520x128xf32, #tpu.memory_space<hbm>>) target_semaphore(%run_scoped3A : memref<!tpu.dma_semaphore, #tpu.memory_space<semaphore_mem>>)
          %dma_wait3A_161 = arith.constant 9480 : i32
          %dma_wait3A_162 = arith.constant 0 : i32
          %dma_wait3A_163 = tpu.memref_slice %arg6[%dma_wait3A_161, %dma_wait3A_162] : memref<10000x128xf32, #tpu.memory_space<hbm>> -> memref<520x128xf32, #tpu.memory_space<hbm>>
          %dma_wait3A_164 = arith.constant 9480 : i32
          %dma_wait3A_165 = arith.constant 0 : i32
          %dma_wait3A_166 = tpu.memref_slice %arg11[%dma_wait3A_164, %dma_wait3A_165] : memref<10000x128xf32, #tpu.memory_space<vmem_shared>> -> memref<520x128xf32, #tpu.memory_space<vmem_shared>>
          tpu.wait_dma2 semaphore(%run_scoped3A : memref<!tpu.dma_semaphore, #tpu.memory_space<semaphore_mem>>) src(%dma_wait3A_166 : memref<520x128xf32, #tpu.memory_space<vmem_shared>>) dst(%dma_wait3A_163 : memref<520x128xf32, #tpu.memory_space<hbm>>)
          tpu.yield
        }) : () -> ()
      } else {
      }
    } else {
    }
    %eq3A_140 = arith.constant 1 : i32
    %eq3A_141 = arith.cmpi eq, %arg0, %eq3A_140 : i32
    %convert_element_type3A_142 = arith.extui %eq3A_141 : i1 to i32
    %cond3A_143 = arith.constant 0 : i32
    %cond3A_144 = arith.cmpi ne, %convert_element_type3A_142, %cond3A_143 : i32
    scf.if %cond3A_144 {
      %lt3A_145 = arith.constant 15 : i32
      %lt3A_146 = arith.cmpi slt, %arg1, %lt3A_145 : i32
      %convert_element_type3A_147 = arith.extui %lt3A_146 : i1 to i32
      %cond3A_148 = arith.constant 0 : i32
      %cond3A_149 = arith.cmpi ne, %convert_element_type3A_147, %cond3A_148 : i32
      scf.if %cond3A_149 {
        %mul3A_155 = arith.constant 632 : i32
        %mul3A_156 = arith.muli %arg1, %mul3A_155 : i32
        "tpu.region"() ({
          %run_scoped3A = tpu.sem_alloc : memref<!tpu.dma_semaphore, #tpu.memory_space<semaphore_mem>>
          %dma_start3A_157 = arith.constant 0 : i32
          %dma_start3A_158 = tpu.memref_slice %arg7[%mul3A_156, %dma_start3A_157] : memref<10000x128xf32, #tpu.memory_space<hbm>> -> memref<632x128xf32, #tpu.memory_space<hbm>>
          %dma_start3A_159 = arith.constant 0 : i32
          %dma_start3A_160 = tpu.memref_slice %arg11[%mul3A_156, %dma_start3A_159] : memref<10000x128xf32, #tpu.memory_space<vmem_shared>> -> memref<632x128xf32, #tpu.memory_space<vmem_shared>>
          tpu.enqueue_dma source(%dma_start3A_160 : memref<632x128xf32, #tpu.memory_space<vmem_shared>>) target(%dma_start3A_158 : memref<632x128xf32, #tpu.memory_space<hbm>>) target_semaphore(%run_scoped3A : memref<!tpu.dma_semaphore, #tpu.memory_space<semaphore_mem>>)
          %dma_wait3A_161 = arith.constant 0 : i32
          %dma_wait3A_162 = tpu.memref_slice %arg7[%mul3A_156, %dma_wait3A_161] : memref<10000x128xf32, #tpu.memory_space<hbm>> -> memref<632x128xf32, #tpu.memory_space<hbm>>
          %dma_wait3A_163 = arith.constant 0 : i32
          %dma_wait3A_164 = tpu.memref_slice %arg11[%mul3A_156, %dma_wait3A_163] : memref<10000x128xf32, #tpu.memory_space<vmem_shared>> -> memref<632x128xf32, #tpu.memory_space<vmem_shared>>
          tpu.wait_dma2 semaphore(%run_scoped3A : memref<!tpu.dma_semaphore, #tpu.memory_space<semaphore_mem>>) src(%dma_wait3A_164 : memref<632x128xf32, #tpu.memory_space<vmem_shared>>) dst(%dma_wait3A_162 : memref<632x128xf32, #tpu.memory_space<hbm>>)
          tpu.yield
        }) : () -> ()
      } else {
      }
      %eq3A_150 = arith.constant 15 : i32
      %eq3A_151 = arith.cmpi eq, %arg1, %eq3A_150 : i32
      %convert_element_type3A_152 = arith.extui %eq3A_151 : i1 to i32
      %cond3A_153 = arith.constant 0 : i32
      %cond3A_154 = arith.cmpi ne, %convert_element_type3A_152, %cond3A_153 : i32
      scf.if %cond3A_154 {
        "tpu.region"() ({
          %run_scoped3A = tpu.sem_alloc : memref<!tpu.dma_semaphore, #tpu.memory_space<semaphore_mem>>
          %dma_start3A_155 = arith.constant 9480 : i32
          %dma_start3A_156 = arith.constant 0 : i32
          %dma_start3A_157 = tpu.memref_slice %arg7[%dma_start3A_155, %dma_start3A_156] : memref<10000x128xf32, #tpu.memory_space<hbm>> -> memref<520x128xf32, #tpu.memory_space<hbm>>
          %dma_start3A_158 = arith.constant 9480 : i32
          %dma_start3A_159 = arith.constant 0 : i32
          %dma_start3A_160 = tpu.memref_slice %arg11[%dma_start3A_158, %dma_start3A_159] : memref<10000x128xf32, #tpu.memory_space<vmem_shared>> -> memref<520x128xf32, #tpu.memory_space<vmem_shared>>
          tpu.enqueue_dma source(%dma_start3A_160 : memref<520x128xf32, #tpu.memory_space<vmem_shared>>) target(%dma_start3A_157 : memref<520x128xf32, #tpu.memory_space<hbm>>) target_semaphore(%run_scoped3A : memref<!tpu.dma_semaphore, #tpu.memory_space<semaphore_mem>>)
          %dma_wait3A_161 = arith.constant 9480 : i32
          %dma_wait3A_162 = arith.constant 0 : i32
          %dma_wait3A_163 = tpu.memref_slice %arg7[%dma_wait3A_161, %dma_wait3A_162] : memref<10000x128xf32, #tpu.memory_space<hbm>> -> memref<520x128xf32, #tpu.memory_space<hbm>>
          %dma_wait3A_164 = arith.constant 9480 : i32
          %dma_wait3A_165 = arith.constant 0 : i32
          %dma_wait3A_166 = tpu.memref_slice %arg11[%dma_wait3A_164, %dma_wait3A_165] : memref<10000x128xf32, #tpu.memory_space<vmem_shared>> -> memref<520x128xf32, #tpu.memory_space<vmem_shared>>
          tpu.wait_dma2 semaphore(%run_scoped3A : memref<!tpu.dma_semaphore, #tpu.memory_space<semaphore_mem>>) src(%dma_wait3A_166 : memref<520x128xf32, #tpu.memory_space<vmem_shared>>) dst(%dma_wait3A_163 : memref<520x128xf32, #tpu.memory_space<hbm>>)
          tpu.yield
        }) : () -> ()
      } else {
      }
    } else {
    }
    return
  }
}

#map = affine_map<(d0, d1) -> (0, 0)>
#map1 = affine_map<(d0, d1) -> (0, 0, 0)>
module attributes {stable_mosaic.version = 14 : i64} {
  func.func @sc_segment_sum(%arg0: i32, %arg1: i32, %arg2: memref<10000x128xf32, #tpu.memory_space<hbm>>, %arg3: memref<32x80x128xi32, #tpu.memory_space<hbm>>, %arg4: memref<32x80x125xi32, #tpu.memory_space<hbm>>, %arg5: memref<632x128xf32, #tpu.memory_space<hbm>>, %arg6: memref<10000x128xf32, #tpu.memory_space<hbm>>, %arg7: memref<10000x128xf32, #tpu.memory_space<hbm>>, %arg8: memref<4x128xi32, #tpu.memory_space<vmem>>, %arg9: memref<80x125xi32, #tpu.memory_space<vmem>>, %arg10: memref<2x128x128xf32, #tpu.memory_space<vmem>>, %arg11: memref<10000x128xf32, #tpu.memory_space<vmem_shared>>, %arg12: memref<!tpu.dma_semaphore, #tpu.memory_space<semaphore_mem>>, %arg13: memref<!tpu.dma_semaphore, #tpu.memory_space<semaphore_mem>>, %arg14: memref<!tpu.dma_semaphore, #tpu.memory_space<semaphore_mem>>, %arg15: memref<!tpu.dma_semaphore, #tpu.memory_space<semaphore_mem>>, %arg16: memref<!tpu.dma_semaphore, #tpu.memory_space<semaphore_mem>>, %arg17: memref<!tpu.dma_semaphore, #tpu.memory_space<semaphore_mem>>, %arg18: memref<!tpu.dma_semaphore, #tpu.memory_space<semaphore_mem>>, %arg19: memref<!tpu.dma_semaphore, #tpu.memory_space<semaphore_mem>>) attributes {dimension_semantics = [#tpu.dimension_semantics<core_parallel>, #tpu.dimension_semantics<subcore_parallel>], iteration_bounds = array<i64: 2, 16>, scalar_prefetch = 0 : i64, scratch_operands = 12 : i64, tpu.core_type = #tpu.core_type<sc_vector_subcore>, window_params = [{transform_indices = #map}, {transform_indices = #map1}, {transform_indices = #map1}, {transform_indices = #map}, {transform_indices = #map}, {transform_indices = #map}]} {
    %mul3A = arith.constant 16 : i32
    %mul3A_0 = arith.muli %arg0, %mul3A : i32
    %add3A = arith.addi %mul3A_0, %arg1 : i32
    %dma_start3A = arith.constant 0 : i32
    %dma_start3A_1 = arith.constant 0 : i32
    %dma_start3A_2 = arith.constant 0 : i32
    %dma_start3A_3 = tpu.memref_slice %arg8[%dma_start3A_1, %dma_start3A_2] : memref<4x128xi32, #tpu.memory_space<vmem>> -> memref<1x128xi32, #tpu.memory_space<vmem>>
    %dma_start3A_4 = tpu.memref_squeeze %dma_start3A_3 : memref<1x128xi32, #tpu.memory_space<vmem>> -> memref<128xi32, #tpu.memory_space<vmem>>
    %dma_start3A_5 = arith.constant 0 : i32
    %dma_start3A_6 = tpu.memref_slice %arg3[%add3A, %dma_start3A, %dma_start3A_5] : memref<32x80x128xi32, #tpu.memory_space<hbm>> -> memref<1x1x128xi32, #tpu.memory_space<hbm>>
    %dma_start3A_7 = tpu.memref_squeeze %dma_start3A_6 : memref<1x1x128xi32, #tpu.memory_space<hbm>> -> memref<128xi32, #tpu.memory_space<hbm>>
    %dma_start3A_8 = arith.constant 0 : i32
    %dma_start3A_9 = tpu.memref_slice %arg8[%dma_start3A_1, %dma_start3A_8] : memref<4x128xi32, #tpu.memory_space<vmem>> -> memref<1x128xi32, #tpu.memory_space<vmem>>
    %dma_start3A_10 = tpu.memref_squeeze %dma_start3A_9 : memref<1x128xi32, #tpu.memory_space<vmem>> -> memref<128xi32, #tpu.memory_space<vmem>>
    %dma_start3A_11 = arith.constant 0 : i32
    %dma_start3A_12 = tpu.memref_slice %arg3[%add3A, %dma_start3A, %dma_start3A_11] : memref<32x80x128xi32, #tpu.memory_space<hbm>> -> memref<1x1x128xi32, #tpu.memory_space<hbm>>
    %dma_start3A_13 = tpu.memref_squeeze %dma_start3A_12 : memref<1x1x128xi32, #tpu.memory_space<hbm>> -> memref<128xi32, #tpu.memory_space<hbm>>
    tpu.enqueue_dma source(%dma_start3A_13 : memref<128xi32, #tpu.memory_space<hbm>>) target(%dma_start3A_10 : memref<128xi32, #tpu.memory_space<vmem>>) target_semaphore(%arg12 : memref<!tpu.dma_semaphore, #tpu.memory_space<semaphore_mem>>)
    %dma_start3A_14 = arith.constant 1 : i32
    %dma_start3A_15 = arith.constant 1 : i32
    %dma_start3A_16 = arith.constant 0 : i32
    %dma_start3A_17 = tpu.memref_slice %arg8[%dma_start3A_15, %dma_start3A_16] : memref<4x128xi32, #tpu.memory_space<vmem>> -> memref<1x128xi32, #tpu.memory_space<vmem>>
    %dma_start3A_18 = tpu.memref_squeeze %dma_start3A_17 : memref<1x128xi32, #tpu.memory_space<vmem>> -> memref<128xi32, #tpu.memory_space<vmem>>
    %dma_start3A_19 = arith.constant 0 : i32
    %dma_start3A_20 = tpu.memref_slice %arg3[%add3A, %dma_start3A_14, %dma_start3A_19] : memref<32x80x128xi32, #tpu.memory_space<hbm>> -> memref<1x1x128xi32, #tpu.memory_space<hbm>>
    %dma_start3A_21 = tpu.memref_squeeze %dma_start3A_20 : memref<1x1x128xi32, #tpu.memory_space<hbm>> -> memref<128xi32, #tpu.memory_space<hbm>>
    %dma_start3A_22 = arith.constant 0 : i32
    %dma_start3A_23 = tpu.memref_slice %arg8[%dma_start3A_15, %dma_start3A_22] : memref<4x128xi32, #tpu.memory_space<vmem>> -> memref<1x128xi32, #tpu.memory_space<vmem>>
    %dma_start3A_24 = tpu.memref_squeeze %dma_start3A_23 : memref<1x128xi32, #tpu.memory_space<vmem>> -> memref<128xi32, #tpu.memory_space<vmem>>
    %dma_start3A_25 = arith.constant 0 : i32
    %dma_start3A_26 = tpu.memref_slice %arg3[%add3A, %dma_start3A_14, %dma_start3A_25] : memref<32x80x128xi32, #tpu.memory_space<hbm>> -> memref<1x1x128xi32, #tpu.memory_space<hbm>>
    %dma_start3A_27 = tpu.memref_squeeze %dma_start3A_26 : memref<1x1x128xi32, #tpu.memory_space<hbm>> -> memref<128xi32, #tpu.memory_space<hbm>>
    tpu.enqueue_dma source(%dma_start3A_27 : memref<128xi32, #tpu.memory_space<hbm>>) target(%dma_start3A_24 : memref<128xi32, #tpu.memory_space<vmem>>) target_semaphore(%arg13 : memref<!tpu.dma_semaphore, #tpu.memory_space<semaphore_mem>>)
    "tpu.region"() ({
      %run_scoped3A = tpu.sem_alloc : memref<!tpu.dma_semaphore, #tpu.memory_space<semaphore_mem>>
      %dma_start3A_145 = arith.constant 0 : i32
      %dma_start3A_146 = arith.constant 0 : i32
      %dma_start3A_147 = tpu.memref_slice %arg4[%add3A, %dma_start3A_145, %dma_start3A_146] : memref<32x80x125xi32, #tpu.memory_space<hbm>> -> memref<1x80x125xi32, #tpu.memory_space<hbm>>
      %dma_start3A_148 = tpu.memref_squeeze %dma_start3A_147 : memref<1x80x125xi32, #tpu.memory_space<hbm>> -> memref<80x125xi32, #tpu.memory_space<hbm>>
      %dma_start3A_149 = arith.constant 0 : i32
      %dma_start3A_150 = arith.constant 0 : i32
      %dma_start3A_151 = tpu.memref_slice %arg4[%add3A, %dma_start3A_149, %dma_start3A_150] : memref<32x80x125xi32, #tpu.memory_space<hbm>> -> memref<1x80x125xi32, #tpu.memory_space<hbm>>
      %dma_start3A_152 = tpu.memref_squeeze %dma_start3A_151 : memref<1x80x125xi32, #tpu.memory_space<hbm>> -> memref<80x125xi32, #tpu.memory_space<hbm>>
      tpu.enqueue_dma source(%dma_start3A_152 : memref<80x125xi32, #tpu.memory_space<hbm>>) target(%arg9 : memref<80x125xi32, #tpu.memory_space<vmem>>) target_semaphore(%run_scoped3A : memref<!tpu.dma_semaphore, #tpu.memory_space<semaphore_mem>>)
      %dma_wait3A_153 = arith.constant 0 : i32
      %dma_wait3A_154 = arith.constant 0 : i32
      %dma_wait3A_155 = tpu.memref_slice %arg4[%add3A, %dma_wait3A_153, %dma_wait3A_154] : memref<32x80x125xi32, #tpu.memory_space<hbm>> -> memref<1x80x125xi32, #tpu.memory_space<hbm>>
      %dma_wait3A_156 = tpu.memref_squeeze %dma_wait3A_155 : memref<1x80x125xi32, #tpu.memory_space<hbm>> -> memref<80x125xi32, #tpu.memory_space<hbm>>
      %dma_wait3A_157 = arith.constant 0 : i32
      %dma_wait3A_158 = arith.constant 0 : i32
      %dma_wait3A_159 = tpu.memref_slice %arg4[%add3A, %dma_wait3A_157, %dma_wait3A_158] : memref<32x80x125xi32, #tpu.memory_space<hbm>> -> memref<1x80x125xi32, #tpu.memory_space<hbm>>
      %dma_wait3A_160 = tpu.memref_squeeze %dma_wait3A_159 : memref<1x80x125xi32, #tpu.memory_space<hbm>> -> memref<80x125xi32, #tpu.memory_space<hbm>>
      tpu.wait_dma2 semaphore(%run_scoped3A : memref<!tpu.dma_semaphore, #tpu.memory_space<semaphore_mem>>) src(%dma_wait3A_160 : memref<80x125xi32, #tpu.memory_space<hbm>>) dst(%arg9 : memref<80x125xi32, #tpu.memory_space<vmem>>)
      tpu.yield
    }) : () -> ()
    %dma_wait3A = arith.constant 0 : i32
    %dma_wait3A_28 = arith.constant 0 : i32
    %dma_wait3A_29 = arith.constant 0 : i32
    %dma_wait3A_30 = tpu.memref_slice %arg8[%dma_wait3A_28, %dma_wait3A_29] : memref<4x128xi32, #tpu.memory_space<vmem>> -> memref<1x128xi32, #tpu.memory_space<vmem>>
    %dma_wait3A_31 = tpu.memref_squeeze %dma_wait3A_30 : memref<1x128xi32, #tpu.memory_space<vmem>> -> memref<128xi32, #tpu.memory_space<vmem>>
    %dma_wait3A_32 = arith.constant 0 : i32
    %dma_wait3A_33 = tpu.memref_slice %arg3[%add3A, %dma_wait3A, %dma_wait3A_32] : memref<32x80x128xi32, #tpu.memory_space<hbm>> -> memref<1x1x128xi32, #tpu.memory_space<hbm>>
    %dma_wait3A_34 = tpu.memref_squeeze %dma_wait3A_33 : memref<1x1x128xi32, #tpu.memory_space<hbm>> -> memref<128xi32, #tpu.memory_space<hbm>>
    %dma_wait3A_35 = arith.constant 0 : i32
    %dma_wait3A_36 = tpu.memref_slice %arg8[%dma_wait3A_28, %dma_wait3A_35] : memref<4x128xi32, #tpu.memory_space<vmem>> -> memref<1x128xi32, #tpu.memory_space<vmem>>
    %dma_wait3A_37 = tpu.memref_squeeze %dma_wait3A_36 : memref<1x128xi32, #tpu.memory_space<vmem>> -> memref<128xi32, #tpu.memory_space<vmem>>
    %dma_wait3A_38 = arith.constant 0 : i32
    %dma_wait3A_39 = tpu.memref_slice %arg3[%add3A, %dma_wait3A, %dma_wait3A_38] : memref<32x80x128xi32, #tpu.memory_space<hbm>> -> memref<1x1x128xi32, #tpu.memory_space<hbm>>
    %dma_wait3A_40 = tpu.memref_squeeze %dma_wait3A_39 : memref<1x1x128xi32, #tpu.memory_space<hbm>> -> memref<128xi32, #tpu.memory_space<hbm>>
    tpu.wait_dma2 semaphore(%arg12 : memref<!tpu.dma_semaphore, #tpu.memory_space<semaphore_mem>>) src(%dma_wait3A_40 : memref<128xi32, #tpu.memory_space<hbm>>) dst(%dma_wait3A_37 : memref<128xi32, #tpu.memory_space<vmem>>)
    %dma_start3A_41 = arith.constant 0 : i32
    %dma_start3A_42 = arith.constant 0 : i32
    %dma_start3A_43 = arith.constant 0 : i32
    %dma_start3A_44 = arith.constant 0 : i32
    %dma_start3A_45 = tpu.memref_slice %arg10[%dma_start3A_42, %dma_start3A_43, %dma_start3A_44] : memref<2x128x128xf32, #tpu.memory_space<vmem>> -> memref<1x128x128xf32, #tpu.memory_space<vmem>>
    %dma_start3A_46 = tpu.memref_squeeze %dma_start3A_45 : memref<1x128x128xf32, #tpu.memory_space<vmem>> -> memref<128x128xf32, #tpu.memory_space<vmem>>
    %dma_start3A_47 = arith.constant 0 : i32
    %dma_start3A_48 = arith.constant 0 : i32
    %dma_start3A_49 = tpu.memref_slice %dma_start3A_46[%dma_start3A_47, %dma_start3A_48] : memref<128x128xf32, #tpu.memory_space<vmem>> -> memref<32x128xf32, #tpu.memory_space<vmem>>
    %dma_start3A_50 = arith.constant 0 : i32
    %dma_start3A_51 = tpu.memref_slice %arg8[%dma_start3A_41, %dma_start3A_50] : memref<4x128xi32, #tpu.memory_space<vmem>> -> memref<1x128xi32, #tpu.memory_space<vmem>>
    %dma_start3A_52 = tpu.memref_squeeze %dma_start3A_51 : memref<1x128xi32, #tpu.memory_space<vmem>> -> memref<128xi32, #tpu.memory_space<vmem>>
    %dma_start3A_53 = arith.constant 0 : i32
    %dma_start3A_54 = tpu.memref_slice %dma_start3A_52[%dma_start3A_53] : memref<128xi32, #tpu.memory_space<vmem>> -> memref<32xi32, #tpu.memory_space<vmem>>
    %dma_start3A_55 = arith.constant 0 : i32
    %dma_start3A_56 = arith.constant 0 : i32
    %dma_start3A_57 = tpu.memref_slice %arg2[%dma_start3A_55, %dma_start3A_56] : memref<10000x128xf32, #tpu.memory_space<hbm>> -> memref<10000x128xf32, #tpu.memory_space<hbm>>
    tpu.enqueue_indirect_dma source(%dma_start3A_57 : memref<10000x128xf32, #tpu.memory_space<hbm>>) target(%dma_start3A_49 : memref<32x128xf32, #tpu.memory_space<vmem>>) offsets(%dma_start3A_54 : memref<32xi32, #tpu.memory_space<vmem>>) semaphore(%arg16 : memref<!tpu.dma_semaphore, #tpu.memory_space<semaphore_mem>>)
    %dma_start3A_58 = arith.constant 0 : i32
    %dma_start3A_59 = arith.constant 0 : i32
    %dma_start3A_60 = arith.constant 0 : i32
    %dma_start3A_61 = arith.constant 0 : i32
    %dma_start3A_62 = tpu.memref_slice %arg10[%dma_start3A_59, %dma_start3A_60, %dma_start3A_61] : memref<2x128x128xf32, #tpu.memory_space<vmem>> -> memref<1x128x128xf32, #tpu.memory_space<vmem>>
    %dma_start3A_63 = tpu.memref_squeeze %dma_start3A_62 : memref<1x128x128xf32, #tpu.memory_space<vmem>> -> memref<128x128xf32, #tpu.memory_space<vmem>>
    %dma_start3A_64 = arith.constant 32 : i32
    %dma_start3A_65 = arith.constant 0 : i32
    %dma_start3A_66 = tpu.memref_slice %dma_start3A_63[%dma_start3A_64, %dma_start3A_65] : memref<128x128xf32, #tpu.memory_space<vmem>> -> memref<32x128xf32, #tpu.memory_space<vmem>>
    %dma_start3A_67 = arith.constant 0 : i32
    %dma_start3A_68 = tpu.memref_slice %arg8[%dma_start3A_58, %dma_start3A_67] : memref<4x128xi32, #tpu.memory_space<vmem>> -> memref<1x128xi32, #tpu.memory_space<vmem>>
    %dma_start3A_69 = tpu.memref_squeeze %dma_start3A_68 : memref<1x128xi32, #tpu.memory_space<vmem>> -> memref<128xi32, #tpu.memory_space<vmem>>
    %dma_start3A_70 = arith.constant 32 : i32
    %dma_start3A_71 = tpu.memref_slice %dma_start3A_69[%dma_start3A_70] : memref<128xi32, #tpu.memory_space<vmem>> -> memref<32xi32, #tpu.memory_space<vmem>>
    %dma_start3A_72 = arith.constant 0 : i32
    %dma_start3A_73 = arith.constant 0 : i32
    %dma_start3A_74 = tpu.memref_slice %arg2[%dma_start3A_72, %dma_start3A_73] : memref<10000x128xf32, #tpu.memory_space<hbm>> -> memref<10000x128xf32, #tpu.memory_space<hbm>>
    tpu.enqueue_indirect_dma source(%dma_start3A_74 : memref<10000x128xf32, #tpu.memory_space<hbm>>) target(%dma_start3A_66 : memref<32x128xf32, #tpu.memory_space<vmem>>) offsets(%dma_start3A_71 : memref<32xi32, #tpu.memory_space<vmem>>) semaphore(%arg16 : memref<!tpu.dma_semaphore, #tpu.memory_space<semaphore_mem>>)
    %dma_start3A_75 = arith.constant 0 : i32
    %dma_start3A_76 = arith.constant 0 : i32
    %dma_start3A_77 = arith.constant 0 : i32
    %dma_start3A_78 = arith.constant 0 : i32
    %dma_start3A_79 = tpu.memref_slice %arg10[%dma_start3A_76, %dma_start3A_77, %dma_start3A_78] : memref<2x128x128xf32, #tpu.memory_space<vmem>> -> memref<1x128x128xf32, #tpu.memory_space<vmem>>
    %dma_start3A_80 = tpu.memref_squeeze %dma_start3A_79 : memref<1x128x128xf32, #tpu.memory_space<vmem>> -> memref<128x128xf32, #tpu.memory_space<vmem>>
    %dma_start3A_81 = arith.constant 64 : i32
    %dma_start3A_82 = arith.constant 0 : i32
    %dma_start3A_83 = tpu.memref_slice %dma_start3A_80[%dma_start3A_81, %dma_start3A_82] : memref<128x128xf32, #tpu.memory_space<vmem>> -> memref<32x128xf32, #tpu.memory_space<vmem>>
    %dma_start3A_84 = arith.constant 0 : i32
    %dma_start3A_85 = tpu.memref_slice %arg8[%dma_start3A_75, %dma_start3A_84] : memref<4x128xi32, #tpu.memory_space<vmem>> -> memref<1x128xi32, #tpu.memory_space<vmem>>
    %dma_start3A_86 = tpu.memref_squeeze %dma_start3A_85 : memref<1x128xi32, #tpu.memory_space<vmem>> -> memref<128xi32, #tpu.memory_space<vmem>>
    %dma_start3A_87 = arith.constant 64 : i32
    %dma_start3A_88 = tpu.memref_slice %dma_start3A_86[%dma_start3A_87] : memref<128xi32, #tpu.memory_space<vmem>> -> memref<32xi32, #tpu.memory_space<vmem>>
    %dma_start3A_89 = arith.constant 0 : i32
    %dma_start3A_90 = arith.constant 0 : i32
    %dma_start3A_91 = tpu.memref_slice %arg2[%dma_start3A_89, %dma_start3A_90] : memref<10000x128xf32, #tpu.memory_space<hbm>> -> memref<10000x128xf32, #tpu.memory_space<hbm>>
    tpu.enqueue_indirect_dma source(%dma_start3A_91 : memref<10000x128xf32, #tpu.memory_space<hbm>>) target(%dma_start3A_83 : memref<32x128xf32, #tpu.memory_space<vmem>>) offsets(%dma_start3A_88 : memref<32xi32, #tpu.memory_space<vmem>>) semaphore(%arg16 : memref<!tpu.dma_semaphore, #tpu.memory_space<semaphore_mem>>)
    %dma_start3A_92 = arith.constant 0 : i32
    %dma_start3A_93 = arith.constant 0 : i32
    %dma_start3A_94 = arith.constant 0 : i32
    %dma_start3A_95 = arith.constant 0 : i32
    %dma_start3A_96 = tpu.memref_slice %arg10[%dma_start3A_93, %dma_start3A_94, %dma_start3A_95] : memref<2x128x128xf32, #tpu.memory_space<vmem>> -> memref<1x128x128xf32, #tpu.memory_space<vmem>>
    %dma_start3A_97 = tpu.memref_squeeze %dma_start3A_96 : memref<1x128x128xf32, #tpu.memory_space<vmem>> -> memref<128x128xf32, #tpu.memory_space<vmem>>
    %dma_start3A_98 = arith.constant 96 : i32
    %dma_start3A_99 = arith.constant 0 : i32
    %dma_start3A_100 = tpu.memref_slice %dma_start3A_97[%dma_start3A_98, %dma_start3A_99] : memref<128x128xf32, #tpu.memory_space<vmem>> -> memref<32x128xf32, #tpu.memory_space<vmem>>
    %dma_start3A_101 = arith.constant 0 : i32
    %dma_start3A_102 = tpu.memref_slice %arg8[%dma_start3A_92, %dma_start3A_101] : memref<4x128xi32, #tpu.memory_space<vmem>> -> memref<1x128xi32, #tpu.memory_space<vmem>>
    %dma_start3A_103 = tpu.memref_squeeze %dma_start3A_102 : memref<1x128xi32, #tpu.memory_space<vmem>> -> memref<128xi32, #tpu.memory_space<vmem>>
    %dma_start3A_104 = arith.constant 96 : i32
    %dma_start3A_105 = tpu.memref_slice %dma_start3A_103[%dma_start3A_104] : memref<128xi32, #tpu.memory_space<vmem>> -> memref<32xi32, #tpu.memory_space<vmem>>
    %dma_start3A_106 = arith.constant 0 : i32
    %dma_start3A_107 = arith.constant 0 : i32
    %dma_start3A_108 = tpu.memref_slice %arg2[%dma_start3A_106, %dma_start3A_107] : memref<10000x128xf32, #tpu.memory_space<hbm>> -> memref<10000x128xf32, #tpu.memory_space<hbm>>
    tpu.enqueue_indirect_dma source(%dma_start3A_108 : memref<10000x128xf32, #tpu.memory_space<hbm>>) target(%dma_start3A_100 : memref<32x128xf32, #tpu.memory_space<vmem>>) offsets(%dma_start3A_105 : memref<32xi32, #tpu.memory_space<vmem>>) semaphore(%arg16 : memref<!tpu.dma_semaphore, #tpu.memory_space<semaphore_mem>>)
    %lt3A = arith.constant 15 : i32
    %lt3A_109 = arith.cmpi slt, %arg1, %lt3A : i32
    %convert_element_type3A = arith.extui %lt3A_109 : i1 to i32
    %cond3A = arith.constant 0 : i32
    %cond3A_110 = arith.cmpi ne, %convert_element_type3A, %cond3A : i32
    scf.if %cond3A_110 {
      %mul3A_145 = arith.constant 632 : i32
      %mul3A_146 = arith.muli %arg1, %mul3A_145 : i32
      "tpu.region"() ({
        %run_scoped3A = tpu.sem_alloc : memref<!tpu.dma_semaphore, #tpu.memory_space<semaphore_mem>>
        %dma_start3A_147 = arith.constant 0 : i32
        %dma_start3A_148 = tpu.memref_slice %arg11[%mul3A_146, %dma_start3A_147] : memref<10000x128xf32, #tpu.memory_space<vmem_shared>> -> memref<632x128xf32, #tpu.memory_space<vmem_shared>>
        tpu.enqueue_dma source(%arg5 : memref<632x128xf32, #tpu.memory_space<hbm>>) target(%dma_start3A_148 : memref<632x128xf32, #tpu.memory_space<vmem_shared>>) target_semaphore(%run_scoped3A : memref<!tpu.dma_semaphore, #tpu.memory_space<semaphore_mem>>)
        %dma_wait3A_149 = arith.constant 0 : i32
        %dma_wait3A_150 = tpu.memref_slice %arg11[%mul3A_146, %dma_wait3A_149] : memref<10000x128xf32, #tpu.memory_space<vmem_shared>> -> memref<632x128xf32, #tpu.memory_space<vmem_shared>>
        tpu.wait_dma2 semaphore(%run_scoped3A : memref<!tpu.dma_semaphore, #tpu.memory_space<semaphore_mem>>) src(%arg5 : memref<632x128xf32, #tpu.memory_space<hbm>>) dst(%dma_wait3A_150 : memref<632x128xf32, #tpu.memory_space<vmem_shared>>)
        tpu.yield
      }) : () -> ()
    } else {
    }
    %eq3A = arith.constant 15 : i32
    %eq3A_111 = arith.cmpi eq, %arg1, %eq3A : i32
    %convert_element_type3A_112 = arith.extui %eq3A_111 : i1 to i32
    %cond3A_113 = arith.constant 0 : i32
    %cond3A_114 = arith.cmpi ne, %convert_element_type3A_112, %cond3A_113 : i32
    scf.if %cond3A_114 {
      "tpu.region"() ({
        %run_scoped3A = tpu.sem_alloc : memref<!tpu.dma_semaphore, #tpu.memory_space<semaphore_mem>>
        %dma_start3A_145 = arith.constant 9480 : i32
        %dma_start3A_146 = arith.constant 0 : i32
        %dma_start3A_147 = tpu.memref_slice %arg11[%dma_start3A_145, %dma_start3A_146] : memref<10000x128xf32, #tpu.memory_space<vmem_shared>> -> memref<520x128xf32, #tpu.memory_space<vmem_shared>>
        %dma_start3A_148 = arith.constant 0 : i32
        %dma_start3A_149 = arith.constant 0 : i32
        %dma_start3A_150 = tpu.memref_slice %arg5[%dma_start3A_148, %dma_start3A_149] : memref<632x128xf32, #tpu.memory_space<hbm>> -> memref<520x128xf32, #tpu.memory_space<hbm>>
        tpu.enqueue_dma source(%dma_start3A_150 : memref<520x128xf32, #tpu.memory_space<hbm>>) target(%dma_start3A_147 : memref<520x128xf32, #tpu.memory_space<vmem_shared>>) target_semaphore(%run_scoped3A : memref<!tpu.dma_semaphore, #tpu.memory_space<semaphore_mem>>)
        %dma_wait3A_151 = arith.constant 9480 : i32
        %dma_wait3A_152 = arith.constant 0 : i32
        %dma_wait3A_153 = tpu.memref_slice %arg11[%dma_wait3A_151, %dma_wait3A_152] : memref<10000x128xf32, #tpu.memory_space<vmem_shared>> -> memref<520x128xf32, #tpu.memory_space<vmem_shared>>
        %dma_wait3A_154 = arith.constant 0 : i32
        %dma_wait3A_155 = arith.constant 0 : i32
        %dma_wait3A_156 = tpu.memref_slice %arg5[%dma_wait3A_154, %dma_wait3A_155] : memref<632x128xf32, #tpu.memory_space<hbm>> -> memref<520x128xf32, #tpu.memory_space<hbm>>
        tpu.wait_dma2 semaphore(%run_scoped3A : memref<!tpu.dma_semaphore, #tpu.memory_space<semaphore_mem>>) src(%dma_wait3A_156 : memref<520x128xf32, #tpu.memory_space<hbm>>) dst(%dma_wait3A_153 : memref<520x128xf32, #tpu.memory_space<vmem_shared>>)
        tpu.yield
      }) : () -> ()
    } else {
    }
    %barrier3A = arith.constant 0 : index
    tpu.barrier barrier_id(%barrier3A)
    %scan3A = arith.constant 0 : i32
    %scan3A_115 = arith.constant 20 : i32
    %scan3A_116 = arith.addi %scan3A, %scan3A_115 : i32
    %scan3A_117 = arith.constant 1 : i32
    scf.for %scan3A_145 = %scan3A to %scan3A_116 step %scan3A_117  : i32 {
      %mul3A_146 = arith.constant 4 : i32
      %mul3A_147 = arith.muli %scan3A_145, %mul3A_146 : i32
      %add3A_148 = arith.constant 0 : i32
      %add3A_149 = arith.addi %add3A_148, %mul3A_147 : i32
      %add3A_150 = arith.constant 0 : i32
      %add3A_151 = arith.addi %add3A_149, %add3A_150 : i32
      %dma_wait3A_152 = arith.constant 0 : i32
      %dma_wait3A_153 = arith.constant 0 : i32
      %dma_wait3A_154 = arith.constant 0 : i32
      %dma_wait3A_155 = arith.constant 0 : i32
      %dma_wait3A_156 = tpu.memref_slice %arg10[%dma_wait3A_153, %dma_wait3A_154, %dma_wait3A_155] : memref<2x128x128xf32, #tpu.memory_space<vmem>> -> memref<1x128x128xf32, #tpu.memory_space<vmem>>
      %dma_wait3A_157 = tpu.memref_squeeze %dma_wait3A_156 : memref<1x128x128xf32, #tpu.memory_space<vmem>> -> memref<128x128xf32, #tpu.memory_space<vmem>>
      %dma_wait3A_158 = arith.constant 0 : i32
      %dma_wait3A_159 = tpu.memref_slice %arg8[%dma_wait3A_152, %dma_wait3A_158] : memref<4x128xi32, #tpu.memory_space<vmem>> -> memref<1x128xi32, #tpu.memory_space<vmem>>
      %dma_wait3A_160 = tpu.memref_squeeze %dma_wait3A_159 : memref<1x128xi32, #tpu.memory_space<vmem>> -> memref<128xi32, #tpu.memory_space<vmem>>
      %dma_wait3A_161 = arith.constant 0 : i32
      %dma_wait3A_162 = arith.constant 0 : i32
      %dma_wait3A_163 = tpu.memref_slice %arg2[%dma_wait3A_161, %dma_wait3A_162] : memref<10000x128xf32, #tpu.memory_space<hbm>> -> memref<10000x128xf32, #tpu.memory_space<hbm>>
      tpu.wait_indirect_dma semaphore(%arg16 : memref<!tpu.dma_semaphore, #tpu.memory_space<semaphore_mem>>) src(%dma_wait3A_163 : memref<10000x128xf32, #tpu.memory_space<hbm>>) dst(%dma_wait3A_157 : memref<128x128xf32, #tpu.memory_space<vmem>>)
      %add3A_164 = arith.constant 2 : i32
      %add3A_165 = arith.addi %add3A_151, %add3A_164 : i32
      %lt3A_166 = arith.constant 80 : i32
      %lt3A_167 = arith.cmpi slt, %add3A_165, %lt3A_166 : i32
      %convert_element_type3A_168 = arith.extui %lt3A_167 : i1 to i32
      %cond3A_169 = arith.constant 0 : i32
      %cond3A_170 = arith.cmpi ne, %convert_element_type3A_168, %cond3A_169 : i32
      scf.if %cond3A_170 {
        %add3A_318 = arith.constant 2 : i32
        %add3A_319 = arith.addi %add3A_151, %add3A_318 : i32
        %dma_start3A_320 = arith.constant 2 : i32
        %dma_start3A_321 = arith.constant 0 : i32
        %dma_start3A_322 = tpu.memref_slice %arg8[%dma_start3A_320, %dma_start3A_321] : memref<4x128xi32, #tpu.memory_space<vmem>> -> memref<1x128xi32, #tpu.memory_space<vmem>>
        %dma_start3A_323 = tpu.memref_squeeze %dma_start3A_322 : memref<1x128xi32, #tpu.memory_space<vmem>> -> memref<128xi32, #tpu.memory_space<vmem>>
        %dma_start3A_324 = arith.constant 0 : i32
        %dma_start3A_325 = tpu.memref_slice %arg3[%add3A, %add3A_319, %dma_start3A_324] : memref<32x80x128xi32, #tpu.memory_space<hbm>> -> memref<1x1x128xi32, #tpu.memory_space<hbm>>
        %dma_start3A_326 = tpu.memref_squeeze %dma_start3A_325 : memref<1x1x128xi32, #tpu.memory_space<hbm>> -> memref<128xi32, #tpu.memory_space<hbm>>
        %dma_start3A_327 = arith.constant 0 : i32
        %dma_start3A_328 = tpu.memref_slice %arg8[%dma_start3A_320, %dma_start3A_327] : memref<4x128xi32, #tpu.memory_space<vmem>> -> memref<1x128xi32, #tpu.memory_space<vmem>>
        %dma_start3A_329 = tpu.memref_squeeze %dma_start3A_328 : memref<1x128xi32, #tpu.memory_space<vmem>> -> memref<128xi32, #tpu.memory_space<vmem>>
        %dma_start3A_330 = arith.constant 0 : i32
        %dma_start3A_331 = tpu.memref_slice %arg3[%add3A, %add3A_319, %dma_start3A_330] : memref<32x80x128xi32, #tpu.memory_space<hbm>> -> memref<1x1x128xi32, #tpu.memory_space<hbm>>
        %dma_start3A_332 = tpu.memref_squeeze %dma_start3A_331 : memref<1x1x128xi32, #tpu.memory_space<hbm>> -> memref<128xi32, #tpu.memory_space<hbm>>
        tpu.enqueue_dma source(%dma_start3A_332 : memref<128xi32, #tpu.memory_space<hbm>>) target(%dma_start3A_329 : memref<128xi32, #tpu.memory_space<vmem>>) target_semaphore(%arg14 : memref<!tpu.dma_semaphore, #tpu.memory_space<semaphore_mem>>)
      } else {
      }
      %dma_start3A_171 = arith.constant 0 : i32
      %dma_start3A_172 = arith.constant 0 : i32
      %dma_start3A_173 = arith.constant 0 : i32
      %dma_start3A_174 = tpu.memref_slice %arg10[%dma_start3A_171, %dma_start3A_172, %dma_start3A_173] : memref<2x128x128xf32, #tpu.memory_space<vmem>> -> memref<1x128x128xf32, #tpu.memory_space<vmem>>
      %dma_start3A_175 = tpu.memref_squeeze %dma_start3A_174 : memref<1x128x128xf32, #tpu.memory_space<vmem>> -> memref<128x128xf32, #tpu.memory_space<vmem>>
      %dma_start3A_176 = arith.constant 0 : i32
      %dma_start3A_177 = arith.constant 0 : i32
      %dma_start3A_178 = tpu.memref_slice %dma_start3A_175[%dma_start3A_176, %dma_start3A_177] : memref<128x128xf32, #tpu.memory_space<vmem>> -> memref<125x128xf32, #tpu.memory_space<vmem>>
      %dma_start3A_179 = arith.constant 0 : i32
      %dma_start3A_180 = tpu.memref_slice %arg9[%add3A_151, %dma_start3A_179] : memref<80x125xi32, #tpu.memory_space<vmem>> -> memref<1x125xi32, #tpu.memory_space<vmem>>
      %dma_start3A_181 = tpu.memref_squeeze %dma_start3A_180 : memref<1x125xi32, #tpu.memory_space<vmem>> -> memref<125xi32, #tpu.memory_space<vmem>>
      %dma_start3A_182 = arith.constant 0 : i32
      %dma_start3A_183 = arith.constant 0 : i32
      %dma_start3A_184 = tpu.memref_slice %arg11[%dma_start3A_182, %dma_start3A_183] : memref<10000x128xf32, #tpu.memory_space<vmem_shared>> -> memref<10000x128xf32, #tpu.memory_space<vmem_shared>>
      tpu.enqueue_indirect_dma source(%dma_start3A_178 : memref<125x128xf32, #tpu.memory_space<vmem>>) target(%dma_start3A_184 : memref<10000x128xf32, #tpu.memory_space<vmem_shared>>) offsets(%dma_start3A_181 : memref<125xi32, #tpu.memory_space<vmem>>) semaphore(%arg18 : memref<!tpu.dma_semaphore, #tpu.memory_space<semaphore_mem>>) {add = true}
      %add3A_185 = arith.constant 1 : i32
      %add3A_186 = arith.addi %add3A_151, %add3A_185 : i32
      %lt3A_187 = arith.constant 80 : i32
      %lt3A_188 = arith.cmpi slt, %add3A_186, %lt3A_187 : i32
      %convert_element_type3A_189 = arith.extui %lt3A_188 : i1 to i32
      %cond3A_190 = arith.constant 0 : i32
      %cond3A_191 = arith.cmpi ne, %convert_element_type3A_189, %cond3A_190 : i32
      scf.if %cond3A_191 {
        %add3A_318 = arith.constant 1 : i32
        %add3A_319 = arith.addi %add3A_151, %add3A_318 : i32
        %dma_wait3A_320 = arith.constant 1 : i32
        %dma_wait3A_321 = arith.constant 0 : i32
        %dma_wait3A_322 = tpu.memref_slice %arg8[%dma_wait3A_320, %dma_wait3A_321] : memref<4x128xi32, #tpu.memory_space<vmem>> -> memref<1x128xi32, #tpu.memory_space<vmem>>
        %dma_wait3A_323 = tpu.memref_squeeze %dma_wait3A_322 : memref<1x128xi32, #tpu.memory_space<vmem>> -> memref<128xi32, #tpu.memory_space<vmem>>
        %dma_wait3A_324 = arith.constant 0 : i32
        %dma_wait3A_325 = tpu.memref_slice %arg3[%add3A, %add3A_319, %dma_wait3A_324] : memref<32x80x128xi32, #tpu.memory_space<hbm>> -> memref<1x1x128xi32, #tpu.memory_space<hbm>>
        %dma_wait3A_326 = tpu.memref_squeeze %dma_wait3A_325 : memref<1x1x128xi32, #tpu.memory_space<hbm>> -> memref<128xi32, #tpu.memory_space<hbm>>
        %dma_wait3A_327 = arith.constant 0 : i32
        %dma_wait3A_328 = tpu.memref_slice %arg8[%dma_wait3A_320, %dma_wait3A_327] : memref<4x128xi32, #tpu.memory_space<vmem>> -> memref<1x128xi32, #tpu.memory_space<vmem>>
        %dma_wait3A_329 = tpu.memref_squeeze %dma_wait3A_328 : memref<1x128xi32, #tpu.memory_space<vmem>> -> memref<128xi32, #tpu.memory_space<vmem>>
        %dma_wait3A_330 = arith.constant 0 : i32
        %dma_wait3A_331 = tpu.memref_slice %arg3[%add3A, %add3A_319, %dma_wait3A_330] : memref<32x80x128xi32, #tpu.memory_space<hbm>> -> memref<1x1x128xi32, #tpu.memory_space<hbm>>
        %dma_wait3A_332 = tpu.memref_squeeze %dma_wait3A_331 : memref<1x1x128xi32, #tpu.memory_space<hbm>> -> memref<128xi32, #tpu.memory_space<hbm>>
        tpu.wait_dma2 semaphore(%arg13 : memref<!tpu.dma_semaphore, #tpu.memory_space<semaphore_mem>>) src(%dma_wait3A_332 : memref<128xi32, #tpu.memory_space<hbm>>) dst(%dma_wait3A_329 : memref<128xi32, #tpu.memory_space<vmem>>)
        %ge3A = arith.constant 1 : i32
        %ge3A_333 = arith.cmpi sge, %add3A_151, %ge3A : i32
        %convert_element_type3A_334 = arith.extui %ge3A_333 : i1 to i32
        %cond3A_335 = arith.constant 0 : i32
        %cond3A_336 = arith.cmpi ne, %convert_element_type3A_334, %cond3A_335 : i32
        scf.if %cond3A_336 {
          %sub3A = arith.constant 1 : i32
          %sub3A_405 = arith.subi %add3A_151, %sub3A : i32
          %dma_wait3A_406 = arith.constant 1 : i32
          %dma_wait3A_407 = arith.constant 0 : i32
          %dma_wait3A_408 = arith.constant 0 : i32
          %dma_wait3A_409 = tpu.memref_slice %arg10[%dma_wait3A_406, %dma_wait3A_407, %dma_wait3A_408] : memref<2x128x128xf32, #tpu.memory_space<vmem>> -> memref<1x128x128xf32, #tpu.memory_space<vmem>>
          %dma_wait3A_410 = tpu.memref_squeeze %dma_wait3A_409 : memref<1x128x128xf32, #tpu.memory_space<vmem>> -> memref<128x128xf32, #tpu.memory_space<vmem>>
          %dma_wait3A_411 = arith.constant 0 : i32
          %dma_wait3A_412 = arith.constant 0 : i32
          %dma_wait3A_413 = tpu.memref_slice %dma_wait3A_410[%dma_wait3A_411, %dma_wait3A_412] : memref<128x128xf32, #tpu.memory_space<vmem>> -> memref<125x128xf32, #tpu.memory_space<vmem>>
          %dma_wait3A_414 = arith.constant 0 : i32
          %dma_wait3A_415 = tpu.memref_slice %arg9[%sub3A_405, %dma_wait3A_414] : memref<80x125xi32, #tpu.memory_space<vmem>> -> memref<1x125xi32, #tpu.memory_space<vmem>>
          %dma_wait3A_416 = tpu.memref_squeeze %dma_wait3A_415 : memref<1x125xi32, #tpu.memory_space<vmem>> -> memref<125xi32, #tpu.memory_space<vmem>>
          %dma_wait3A_417 = arith.constant 0 : i32
          %dma_wait3A_418 = arith.constant 0 : i32
          %dma_wait3A_419 = tpu.memref_slice %arg11[%dma_wait3A_417, %dma_wait3A_418] : memref<10000x128xf32, #tpu.memory_space<vmem_shared>> -> memref<10000x128xf32, #tpu.memory_space<vmem_shared>>
          tpu.wait_indirect_dma semaphore(%arg19 : memref<!tpu.dma_semaphore, #tpu.memory_space<semaphore_mem>>) src(%dma_wait3A_413 : memref<125x128xf32, #tpu.memory_space<vmem>>) dst(%dma_wait3A_419 : memref<10000x128xf32, #tpu.memory_space<vmem_shared>>)
        } else {
        }
        %dma_start3A_337 = arith.constant 1 : i32
        %dma_start3A_338 = arith.constant 1 : i32
        %dma_start3A_339 = arith.constant 0 : i32
        %dma_start3A_340 = arith.constant 0 : i32
        %dma_start3A_341 = tpu.memref_slice %arg10[%dma_start3A_338, %dma_start3A_339, %dma_start3A_340] : memref<2x128x128xf32, #tpu.memory_space<vmem>> -> memref<1x128x128xf32, #tpu.memory_space<vmem>>
        %dma_start3A_342 = tpu.memref_squeeze %dma_start3A_341 : memref<1x128x128xf32, #tpu.memory_space<vmem>> -> memref<128x128xf32, #tpu.memory_space<vmem>>
        %dma_start3A_343 = arith.constant 0 : i32
        %dma_start3A_344 = arith.constant 0 : i32
        %dma_start3A_345 = tpu.memref_slice %dma_start3A_342[%dma_start3A_343, %dma_start3A_344] : memref<128x128xf32, #tpu.memory_space<vmem>> -> memref<32x128xf32, #tpu.memory_space<vmem>>
        %dma_start3A_346 = arith.constant 0 : i32
        %dma_start3A_347 = tpu.memref_slice %arg8[%dma_start3A_337, %dma_start3A_346] : memref<4x128xi32, #tpu.memory_space<vmem>> -> memref<1x128xi32, #tpu.memory_space<vmem>>
        %dma_start3A_348 = tpu.memref_squeeze %dma_start3A_347 : memref<1x128xi32, #tpu.memory_space<vmem>> -> memref<128xi32, #tpu.memory_space<vmem>>
        %dma_start3A_349 = arith.constant 0 : i32
        %dma_start3A_350 = tpu.memref_slice %dma_start3A_348[%dma_start3A_349] : memref<128xi32, #tpu.memory_space<vmem>> -> memref<32xi32, #tpu.memory_space<vmem>>
        %dma_start3A_351 = arith.constant 0 : i32
        %dma_start3A_352 = arith.constant 0 : i32
        %dma_start3A_353 = tpu.memref_slice %arg2[%dma_start3A_351, %dma_start3A_352] : memref<10000x128xf32, #tpu.memory_space<hbm>> -> memref<10000x128xf32, #tpu.memory_space<hbm>>
        tpu.enqueue_indirect_dma source(%dma_start3A_353 : memref<10000x128xf32, #tpu.memory_space<hbm>>) target(%dma_start3A_345 : memref<32x128xf32, #tpu.memory_space<vmem>>) offsets(%dma_start3A_350 : memref<32xi32, #tpu.memory_space<vmem>>) semaphore(%arg17 : memref<!tpu.dma_semaphore, #tpu.memory_space<semaphore_mem>>)
        %dma_start3A_354 = arith.constant 1 : i32
        %dma_start3A_355 = arith.constant 1 : i32
        %dma_start3A_356 = arith.constant 0 : i32
        %dma_start3A_357 = arith.constant 0 : i32
        %dma_start3A_358 = tpu.memref_slice %arg10[%dma_start3A_355, %dma_start3A_356, %dma_start3A_357] : memref<2x128x128xf32, #tpu.memory_space<vmem>> -> memref<1x128x128xf32, #tpu.memory_space<vmem>>
        %dma_start3A_359 = tpu.memref_squeeze %dma_start3A_358 : memref<1x128x128xf32, #tpu.memory_space<vmem>> -> memref<128x128xf32, #tpu.memory_space<vmem>>
        %dma_start3A_360 = arith.constant 32 : i32
        %dma_start3A_361 = arith.constant 0 : i32
        %dma_start3A_362 = tpu.memref_slice %dma_start3A_359[%dma_start3A_360, %dma_start3A_361] : memref<128x128xf32, #tpu.memory_space<vmem>> -> memref<32x128xf32, #tpu.memory_space<vmem>>
        %dma_start3A_363 = arith.constant 0 : i32
        %dma_start3A_364 = tpu.memref_slice %arg8[%dma_start3A_354, %dma_start3A_363] : memref<4x128xi32, #tpu.memory_space<vmem>> -> memref<1x128xi32, #tpu.memory_space<vmem>>
        %dma_start3A_365 = tpu.memref_squeeze %dma_start3A_364 : memref<1x128xi32, #tpu.memory_space<vmem>> -> memref<128xi32, #tpu.memory_space<vmem>>
        %dma_start3A_366 = arith.constant 32 : i32
        %dma_start3A_367 = tpu.memref_slice %dma_start3A_365[%dma_start3A_366] : memref<128xi32, #tpu.memory_space<vmem>> -> memref<32xi32, #tpu.memory_space<vmem>>
        %dma_start3A_368 = arith.constant 0 : i32
        %dma_start3A_369 = arith.constant 0 : i32
        %dma_start3A_370 = tpu.memref_slice %arg2[%dma_start3A_368, %dma_start3A_369] : memref<10000x128xf32, #tpu.memory_space<hbm>> -> memref<10000x128xf32, #tpu.memory_space<hbm>>
        tpu.enqueue_indirect_dma source(%dma_start3A_370 : memref<10000x128xf32, #tpu.memory_space<hbm>>) target(%dma_start3A_362 : memref<32x128xf32, #tpu.memory_space<vmem>>) offsets(%dma_start3A_367 : memref<32xi32, #tpu.memory_space<vmem>>) semaphore(%arg17 : memref<!tpu.dma_semaphore, #tpu.memory_space<semaphore_mem>>)
        %dma_start3A_371 = arith.constant 1 : i32
        %dma_start3A_372 = arith.constant 1 : i32
        %dma_start3A_373 = arith.constant 0 : i32
        %dma_start3A_374 = arith.constant 0 : i32
        %dma_start3A_375 = tpu.memref_slice %arg10[%dma_start3A_372, %dma_start3A_373, %dma_start3A_374] : memref<2x128x128xf32, #tpu.memory_space<vmem>> -> memref<1x128x128xf32, #tpu.memory_space<vmem>>
        %dma_start3A_376 = tpu.memref_squeeze %dma_start3A_375 : memref<1x128x128xf32, #tpu.memory_space<vmem>> -> memref<128x128xf32, #tpu.memory_space<vmem>>
        %dma_start3A_377 = arith.constant 64 : i32
        %dma_start3A_378 = arith.constant 0 : i32
        %dma_start3A_379 = tpu.memref_slice %dma_start3A_376[%dma_start3A_377, %dma_start3A_378] : memref<128x128xf32, #tpu.memory_space<vmem>> -> memref<32x128xf32, #tpu.memory_space<vmem>>
        %dma_start3A_380 = arith.constant 0 : i32
        %dma_start3A_381 = tpu.memref_slice %arg8[%dma_start3A_371, %dma_start3A_380] : memref<4x128xi32, #tpu.memory_space<vmem>> -> memref<1x128xi32, #tpu.memory_space<vmem>>
        %dma_start3A_382 = tpu.memref_squeeze %dma_start3A_381 : memref<1x128xi32, #tpu.memory_space<vmem>> -> memref<128xi32, #tpu.memory_space<vmem>>
        %dma_start3A_383 = arith.constant 64 : i32
        %dma_start3A_384 = tpu.memref_slice %dma_start3A_382[%dma_start3A_383] : memref<128xi32, #tpu.memory_space<vmem>> -> memref<32xi32, #tpu.memory_space<vmem>>
        %dma_start3A_385 = arith.constant 0 : i32
        %dma_start3A_386 = arith.constant 0 : i32
        %dma_start3A_387 = tpu.memref_slice %arg2[%dma_start3A_385, %dma_start3A_386] : memref<10000x128xf32, #tpu.memory_space<hbm>> -> memref<10000x128xf32, #tpu.memory_space<hbm>>
        tpu.enqueue_indirect_dma source(%dma_start3A_387 : memref<10000x128xf32, #tpu.memory_space<hbm>>) target(%dma_start3A_379 : memref<32x128xf32, #tpu.memory_space<vmem>>) offsets(%dma_start3A_384 : memref<32xi32, #tpu.memory_space<vmem>>) semaphore(%arg17 : memref<!tpu.dma_semaphore, #tpu.memory_space<semaphore_mem>>)
        %dma_start3A_388 = arith.constant 1 : i32
        %dma_start3A_389 = arith.constant 1 : i32
        %dma_start3A_390 = arith.constant 0 : i32
        %dma_start3A_391 = arith.constant 0 : i32
        %dma_start3A_392 = tpu.memref_slice %arg10[%dma_start3A_389, %dma_start3A_390, %dma_start3A_391] : memref<2x128x128xf32, #tpu.memory_space<vmem>> -> memref<1x128x128xf32, #tpu.memory_space<vmem>>
        %dma_start3A_393 = tpu.memref_squeeze %dma_start3A_392 : memref<1x128x128xf32, #tpu.memory_space<vmem>> -> memref<128x128xf32, #tpu.memory_space<vmem>>
        %dma_start3A_394 = arith.constant 96 : i32
        %dma_start3A_395 = arith.constant 0 : i32
        %dma_start3A_396 = tpu.memref_slice %dma_start3A_393[%dma_start3A_394, %dma_start3A_395] : memref<128x128xf32, #tpu.memory_space<vmem>> -> memref<32x128xf32, #tpu.memory_space<vmem>>
        %dma_start3A_397 = arith.constant 0 : i32
        %dma_start3A_398 = tpu.memref_slice %arg8[%dma_start3A_388, %dma_start3A_397] : memref<4x128xi32, #tpu.memory_space<vmem>> -> memref<1x128xi32, #tpu.memory_space<vmem>>
        %dma_start3A_399 = tpu.memref_squeeze %dma_start3A_398 : memref<1x128xi32, #tpu.memory_space<vmem>> -> memref<128xi32, #tpu.memory_space<vmem>>
        %dma_start3A_400 = arith.constant 96 : i32
        %dma_start3A_401 = tpu.memref_slice %dma_start3A_399[%dma_start3A_400] : memref<128xi32, #tpu.memory_space<vmem>> -> memref<32xi32, #tpu.memory_space<vmem>>
        %dma_start3A_402 = arith.constant 0 : i32
        %dma_start3A_403 = arith.constant 0 : i32
        %dma_start3A_404 = tpu.memref_slice %arg2[%dma_start3A_402, %dma_start3A_403] : memref<10000x128xf32, #tpu.memory_space<hbm>> -> memref<10000x128xf32, #tpu.memory_space<hbm>>
        tpu.enqueue_indirect_dma source(%dma_start3A_404 : memref<10000x128xf32, #tpu.memory_space<hbm>>) target(%dma_start3A_396 : memref<32x128xf32, #tpu.memory_space<vmem>>) offsets(%dma_start3A_401 : memref<32xi32, #tpu.memory_space<vmem>>) semaphore(%arg17 : memref<!tpu.dma_semaphore, #tpu.memory_space<semaphore_mem>>)
      } else {
      }
      %add3A_192 = arith.constant 1 : i32
      %add3A_193 = arith.addi %add3A_149, %add3A_192 : i32
      %dma_wait3A_194 = arith.constant 1 : i32
      %dma_wait3A_195 = arith.constant 1 : i32
      %dma_wait3A_196 = arith.constant 0 : i32
      %dma_wait3A_197 = arith.constant 0 : i32
      %dma_wait3A_198 = tpu.memref_slice %arg10[%dma_wait3A_195, %dma_wait3A_196, %dma_wait3A_197] : memref<2x128x128xf32, #tpu.memory_space<vmem>> -> memref<1x128x128xf32, #tpu.memory_space<vmem>>
      %dma_wait3A_199 = tpu.memref_squeeze %dma_wait3A_198 : memref<1x128x128xf32, #tpu.memory_space<vmem>> -> memref<128x128xf32, #tpu.memory_space<vmem>>
      %dma_wait3A_200 = arith.constant 0 : i32
      %dma_wait3A_201 = tpu.memref_slice %arg8[%dma_wait3A_194, %dma_wait3A_200] : memref<4x128xi32, #tpu.memory_space<vmem>> -> memref<1x128xi32, #tpu.memory_space<vmem>>
      %dma_wait3A_202 = tpu.memref_squeeze %dma_wait3A_201 : memref<1x128xi32, #tpu.memory_space<vmem>> -> memref<128xi32, #tpu.memory_space<vmem>>
      %dma_wait3A_203 = arith.constant 0 : i32
      %dma_wait3A_204 = arith.constant 0 : i32
      %dma_wait3A_205 = tpu.memref_slice %arg2[%dma_wait3A_203, %dma_wait3A_204] : memref<10000x128xf32, #tpu.memory_space<hbm>> -> memref<10000x128xf32, #tpu.memory_space<hbm>>
      tpu.wait_indirect_dma semaphore(%arg17 : memref<!tpu.dma_semaphore, #tpu.memory_space<semaphore_mem>>) src(%dma_wait3A_205 : memref<10000x128xf32, #tpu.memory_space<hbm>>) dst(%dma_wait3A_199 : memref<128x128xf32, #tpu.memory_space<vmem>>)
      %add3A_206 = arith.constant 2 : i32
      %add3A_207 = arith.addi %add3A_193, %add3A_206 : i32
      %lt3A_208 = arith.constant 80 : i32
      %lt3A_209 = arith.cmpi slt, %add3A_207, %lt3A_208 : i32
      %convert_element_type3A_210 = arith.extui %lt3A_209 : i1 to i32
      %cond3A_211 = arith.constant 0 : i32
      %cond3A_212 = arith.cmpi ne, %convert_element_type3A_210, %cond3A_211 : i32
      scf.if %cond3A_212 {
        %add3A_318 = arith.constant 2 : i32
        %add3A_319 = arith.addi %add3A_193, %add3A_318 : i32
        %dma_start3A_320 = arith.constant 3 : i32
        %dma_start3A_321 = arith.constant 0 : i32
        %dma_start3A_322 = tpu.memref_slice %arg8[%dma_start3A_320, %dma_start3A_321] : memref<4x128xi32, #tpu.memory_space<vmem>> -> memref<1x128xi32, #tpu.memory_space<vmem>>
        %dma_start3A_323 = tpu.memref_squeeze %dma_start3A_322 : memref<1x128xi32, #tpu.memory_space<vmem>> -> memref<128xi32, #tpu.memory_space<vmem>>
        %dma_start3A_324 = arith.constant 0 : i32
        %dma_start3A_325 = tpu.memref_slice %arg3[%add3A, %add3A_319, %dma_start3A_324] : memref<32x80x128xi32, #tpu.memory_space<hbm>> -> memref<1x1x128xi32, #tpu.memory_space<hbm>>
        %dma_start3A_326 = tpu.memref_squeeze %dma_start3A_325 : memref<1x1x128xi32, #tpu.memory_space<hbm>> -> memref<128xi32, #tpu.memory_space<hbm>>
        %dma_start3A_327 = arith.constant 0 : i32
        %dma_start3A_328 = tpu.memref_slice %arg8[%dma_start3A_320, %dma_start3A_327] : memref<4x128xi32, #tpu.memory_space<vmem>> -> memref<1x128xi32, #tpu.memory_space<vmem>>
        %dma_start3A_329 = tpu.memref_squeeze %dma_start3A_328 : memref<1x128xi32, #tpu.memory_space<vmem>> -> memref<128xi32, #tpu.memory_space<vmem>>
        %dma_start3A_330 = arith.constant 0 : i32
        %dma_start3A_331 = tpu.memref_slice %arg3[%add3A, %add3A_319, %dma_start3A_330] : memref<32x80x128xi32, #tpu.memory_space<hbm>> -> memref<1x1x128xi32, #tpu.memory_space<hbm>>
        %dma_start3A_332 = tpu.memref_squeeze %dma_start3A_331 : memref<1x1x128xi32, #tpu.memory_space<hbm>> -> memref<128xi32, #tpu.memory_space<hbm>>
        tpu.enqueue_dma source(%dma_start3A_332 : memref<128xi32, #tpu.memory_space<hbm>>) target(%dma_start3A_329 : memref<128xi32, #tpu.memory_space<vmem>>) target_semaphore(%arg15 : memref<!tpu.dma_semaphore, #tpu.memory_space<semaphore_mem>>)
      } else {
      }
      %dma_start3A_213 = arith.constant 1 : i32
      %dma_start3A_214 = arith.constant 0 : i32
      %dma_start3A_215 = arith.constant 0 : i32
      %dma_start3A_216 = tpu.memref_slice %arg10[%dma_start3A_213, %dma_start3A_214, %dma_start3A_215] : memref<2x128x128xf32, #tpu.memory_space<vmem>> -> memref<1x128x128xf32, #tpu.memory_space<vmem>>
      %dma_start3A_217 = tpu.memref_squeeze %dma_start3A_216 : memref<1x128x128xf32, #tpu.memory_space<vmem>> -> memref<128x128xf32, #tpu.memory_space<vmem>>
      %dma_start3A_218 = arith.constant 0 : i32
      %dma_start3A_219 = arith.constant 0 : i32
      %dma_start3A_220 = tpu.memref_slice %dma_start3A_217[%dma_start3A_218, %dma_start3A_219] : memref<128x128xf32, #tpu.memory_space<vmem>> -> memref<125x128xf32, #tpu.memory_space<vmem>>
      %dma_start3A_221 = arith.constant 0 : i32
      %dma_start3A_222 = tpu.memref_slice %arg9[%add3A_193, %dma_start3A_221] : memref<80x125xi32, #tpu.memory_space<vmem>> -> memref<1x125xi32, #tpu.memory_space<vmem>>
      %dma_start3A_223 = tpu.memref_squeeze %dma_start3A_222 : memref<1x125xi32, #tpu.memory_space<vmem>> -> memref<125xi32, #tpu.memory_space<vmem>>
      %dma_start3A_224 = arith.constant 0 : i32
      %dma_start3A_225 = arith.constant 0 : i32
      %dma_start3A_226 = tpu.memref_slice %arg11[%dma_start3A_224, %dma_start3A_225] : memref<10000x128xf32, #tpu.memory_space<vmem_shared>> -> memref<10000x128xf32, #tpu.memory_space<vmem_shared>>
      tpu.enqueue_indirect_dma source(%dma_start3A_220 : memref<125x128xf32, #tpu.memory_space<vmem>>) target(%dma_start3A_226 : memref<10000x128xf32, #tpu.memory_space<vmem_shared>>) offsets(%dma_start3A_223 : memref<125xi32, #tpu.memory_space<vmem>>) semaphore(%arg19 : memref<!tpu.dma_semaphore, #tpu.memory_space<semaphore_mem>>) {add = true}
      %add3A_227 = arith.constant 1 : i32
      %add3A_228 = arith.addi %add3A_193, %add3A_227 : i32
      %lt3A_229 = arith.constant 80 : i32
      %lt3A_230 = arith.cmpi slt, %add3A_228, %lt3A_229 : i32
      %convert_element_type3A_231 = arith.extui %lt3A_230 : i1 to i32
      %cond3A_232 = arith.constant 0 : i32
      %cond3A_233 = arith.cmpi ne, %convert_element_type3A_231, %cond3A_232 : i32
      scf.if %cond3A_233 {
        %add3A_318 = arith.constant 1 : i32
        %add3A_319 = arith.addi %add3A_193, %add3A_318 : i32
        %dma_wait3A_320 = arith.constant 2 : i32
        %dma_wait3A_321 = arith.constant 0 : i32
        %dma_wait3A_322 = tpu.memref_slice %arg8[%dma_wait3A_320, %dma_wait3A_321] : memref<4x128xi32, #tpu.memory_space<vmem>> -> memref<1x128xi32, #tpu.memory_space<vmem>>
        %dma_wait3A_323 = tpu.memref_squeeze %dma_wait3A_322 : memref<1x128xi32, #tpu.memory_space<vmem>> -> memref<128xi32, #tpu.memory_space<vmem>>
        %dma_wait3A_324 = arith.constant 0 : i32
        %dma_wait3A_325 = tpu.memref_slice %arg3[%add3A, %add3A_319, %dma_wait3A_324] : memref<32x80x128xi32, #tpu.memory_space<hbm>> -> memref<1x1x128xi32, #tpu.memory_space<hbm>>
        %dma_wait3A_326 = tpu.memref_squeeze %dma_wait3A_325 : memref<1x1x128xi32, #tpu.memory_space<hbm>> -> memref<128xi32, #tpu.memory_space<hbm>>
        %dma_wait3A_327 = arith.constant 0 : i32
        %dma_wait3A_328 = tpu.memref_slice %arg8[%dma_wait3A_320, %dma_wait3A_327] : memref<4x128xi32, #tpu.memory_space<vmem>> -> memref<1x128xi32, #tpu.memory_space<vmem>>
        %dma_wait3A_329 = tpu.memref_squeeze %dma_wait3A_328 : memref<1x128xi32, #tpu.memory_space<vmem>> -> memref<128xi32, #tpu.memory_space<vmem>>
        %dma_wait3A_330 = arith.constant 0 : i32
        %dma_wait3A_331 = tpu.memref_slice %arg3[%add3A, %add3A_319, %dma_wait3A_330] : memref<32x80x128xi32, #tpu.memory_space<hbm>> -> memref<1x1x128xi32, #tpu.memory_space<hbm>>
        %dma_wait3A_332 = tpu.memref_squeeze %dma_wait3A_331 : memref<1x1x128xi32, #tpu.memory_space<hbm>> -> memref<128xi32, #tpu.memory_space<hbm>>
        tpu.wait_dma2 semaphore(%arg14 : memref<!tpu.dma_semaphore, #tpu.memory_space<semaphore_mem>>) src(%dma_wait3A_332 : memref<128xi32, #tpu.memory_space<hbm>>) dst(%dma_wait3A_329 : memref<128xi32, #tpu.memory_space<vmem>>)
        %ge3A = arith.constant 1 : i32
        %ge3A_333 = arith.cmpi sge, %add3A_193, %ge3A : i32
        %convert_element_type3A_334 = arith.extui %ge3A_333 : i1 to i32
        %cond3A_335 = arith.constant 0 : i32
        %cond3A_336 = arith.cmpi ne, %convert_element_type3A_334, %cond3A_335 : i32
        scf.if %cond3A_336 {
          %sub3A = arith.constant 1 : i32
          %sub3A_405 = arith.subi %add3A_193, %sub3A : i32
          %dma_wait3A_406 = arith.constant 0 : i32
          %dma_wait3A_407 = arith.constant 0 : i32
          %dma_wait3A_408 = arith.constant 0 : i32
          %dma_wait3A_409 = tpu.memref_slice %arg10[%dma_wait3A_406, %dma_wait3A_407, %dma_wait3A_408] : memref<2x128x128xf32, #tpu.memory_space<vmem>> -> memref<1x128x128xf32, #tpu.memory_space<vmem>>
          %dma_wait3A_410 = tpu.memref_squeeze %dma_wait3A_409 : memref<1x128x128xf32, #tpu.memory_space<vmem>> -> memref<128x128xf32, #tpu.memory_space<vmem>>
          %dma_wait3A_411 = arith.constant 0 : i32
          %dma_wait3A_412 = arith.constant 0 : i32
          %dma_wait3A_413 = tpu.memref_slice %dma_wait3A_410[%dma_wait3A_411, %dma_wait3A_412] : memref<128x128xf32, #tpu.memory_space<vmem>> -> memref<125x128xf32, #tpu.memory_space<vmem>>
          %dma_wait3A_414 = arith.constant 0 : i32
          %dma_wait3A_415 = tpu.memref_slice %arg9[%sub3A_405, %dma_wait3A_414] : memref<80x125xi32, #tpu.memory_space<vmem>> -> memref<1x125xi32, #tpu.memory_space<vmem>>
          %dma_wait3A_416 = tpu.memref_squeeze %dma_wait3A_415 : memref<1x125xi32, #tpu.memory_space<vmem>> -> memref<125xi32, #tpu.memory_space<vmem>>
          %dma_wait3A_417 = arith.constant 0 : i32
          %dma_wait3A_418 = arith.constant 0 : i32
          %dma_wait3A_419 = tpu.memref_slice %arg11[%dma_wait3A_417, %dma_wait3A_418] : memref<10000x128xf32, #tpu.memory_space<vmem_shared>> -> memref<10000x128xf32, #tpu.memory_space<vmem_shared>>
          tpu.wait_indirect_dma semaphore(%arg18 : memref<!tpu.dma_semaphore, #tpu.memory_space<semaphore_mem>>) src(%dma_wait3A_413 : memref<125x128xf32, #tpu.memory_space<vmem>>) dst(%dma_wait3A_419 : memref<10000x128xf32, #tpu.memory_space<vmem_shared>>)
        } else {
        }
        %dma_start3A_337 = arith.constant 2 : i32
        %dma_start3A_338 = arith.constant 0 : i32
        %dma_start3A_339 = arith.constant 0 : i32
        %dma_start3A_340 = arith.constant 0 : i32
        %dma_start3A_341 = tpu.memref_slice %arg10[%dma_start3A_338, %dma_start3A_339, %dma_start3A_340] : memref<2x128x128xf32, #tpu.memory_space<vmem>> -> memref<1x128x128xf32, #tpu.memory_space<vmem>>
        %dma_start3A_342 = tpu.memref_squeeze %dma_start3A_341 : memref<1x128x128xf32, #tpu.memory_space<vmem>> -> memref<128x128xf32, #tpu.memory_space<vmem>>
        %dma_start3A_343 = arith.constant 0 : i32
        %dma_start3A_344 = arith.constant 0 : i32
        %dma_start3A_345 = tpu.memref_slice %dma_start3A_342[%dma_start3A_343, %dma_start3A_344] : memref<128x128xf32, #tpu.memory_space<vmem>> -> memref<32x128xf32, #tpu.memory_space<vmem>>
        %dma_start3A_346 = arith.constant 0 : i32
        %dma_start3A_347 = tpu.memref_slice %arg8[%dma_start3A_337, %dma_start3A_346] : memref<4x128xi32, #tpu.memory_space<vmem>> -> memref<1x128xi32, #tpu.memory_space<vmem>>
        %dma_start3A_348 = tpu.memref_squeeze %dma_start3A_347 : memref<1x128xi32, #tpu.memory_space<vmem>> -> memref<128xi32, #tpu.memory_space<vmem>>
        %dma_start3A_349 = arith.constant 0 : i32
        %dma_start3A_350 = tpu.memref_slice %dma_start3A_348[%dma_start3A_349] : memref<128xi32, #tpu.memory_space<vmem>> -> memref<32xi32, #tpu.memory_space<vmem>>
        %dma_start3A_351 = arith.constant 0 : i32
        %dma_start3A_352 = arith.constant 0 : i32
        %dma_start3A_353 = tpu.memref_slice %arg2[%dma_start3A_351, %dma_start3A_352] : memref<10000x128xf32, #tpu.memory_space<hbm>> -> memref<10000x128xf32, #tpu.memory_space<hbm>>
        tpu.enqueue_indirect_dma source(%dma_start3A_353 : memref<10000x128xf32, #tpu.memory_space<hbm>>) target(%dma_start3A_345 : memref<32x128xf32, #tpu.memory_space<vmem>>) offsets(%dma_start3A_350 : memref<32xi32, #tpu.memory_space<vmem>>) semaphore(%arg16 : memref<!tpu.dma_semaphore, #tpu.memory_space<semaphore_mem>>)
        %dma_start3A_354 = arith.constant 2 : i32
        %dma_start3A_355 = arith.constant 0 : i32
        %dma_start3A_356 = arith.constant 0 : i32
        %dma_start3A_357 = arith.constant 0 : i32
        %dma_start3A_358 = tpu.memref_slice %arg10[%dma_start3A_355, %dma_start3A_356, %dma_start3A_357] : memref<2x128x128xf32, #tpu.memory_space<vmem>> -> memref<1x128x128xf32, #tpu.memory_space<vmem>>
        %dma_start3A_359 = tpu.memref_squeeze %dma_start3A_358 : memref<1x128x128xf32, #tpu.memory_space<vmem>> -> memref<128x128xf32, #tpu.memory_space<vmem>>
        %dma_start3A_360 = arith.constant 32 : i32
        %dma_start3A_361 = arith.constant 0 : i32
        %dma_start3A_362 = tpu.memref_slice %dma_start3A_359[%dma_start3A_360, %dma_start3A_361] : memref<128x128xf32, #tpu.memory_space<vmem>> -> memref<32x128xf32, #tpu.memory_space<vmem>>
        %dma_start3A_363 = arith.constant 0 : i32
        %dma_start3A_364 = tpu.memref_slice %arg8[%dma_start3A_354, %dma_start3A_363] : memref<4x128xi32, #tpu.memory_space<vmem>> -> memref<1x128xi32, #tpu.memory_space<vmem>>
        %dma_start3A_365 = tpu.memref_squeeze %dma_start3A_364 : memref<1x128xi32, #tpu.memory_space<vmem>> -> memref<128xi32, #tpu.memory_space<vmem>>
        %dma_start3A_366 = arith.constant 32 : i32
        %dma_start3A_367 = tpu.memref_slice %dma_start3A_365[%dma_start3A_366] : memref<128xi32, #tpu.memory_space<vmem>> -> memref<32xi32, #tpu.memory_space<vmem>>
        %dma_start3A_368 = arith.constant 0 : i32
        %dma_start3A_369 = arith.constant 0 : i32
        %dma_start3A_370 = tpu.memref_slice %arg2[%dma_start3A_368, %dma_start3A_369] : memref<10000x128xf32, #tpu.memory_space<hbm>> -> memref<10000x128xf32, #tpu.memory_space<hbm>>
        tpu.enqueue_indirect_dma source(%dma_start3A_370 : memref<10000x128xf32, #tpu.memory_space<hbm>>) target(%dma_start3A_362 : memref<32x128xf32, #tpu.memory_space<vmem>>) offsets(%dma_start3A_367 : memref<32xi32, #tpu.memory_space<vmem>>) semaphore(%arg16 : memref<!tpu.dma_semaphore, #tpu.memory_space<semaphore_mem>>)
        %dma_start3A_371 = arith.constant 2 : i32
        %dma_start3A_372 = arith.constant 0 : i32
        %dma_start3A_373 = arith.constant 0 : i32
        %dma_start3A_374 = arith.constant 0 : i32
        %dma_start3A_375 = tpu.memref_slice %arg10[%dma_start3A_372, %dma_start3A_373, %dma_start3A_374] : memref<2x128x128xf32, #tpu.memory_space<vmem>> -> memref<1x128x128xf32, #tpu.memory_space<vmem>>
        %dma_start3A_376 = tpu.memref_squeeze %dma_start3A_375 : memref<1x128x128xf32, #tpu.memory_space<vmem>> -> memref<128x128xf32, #tpu.memory_space<vmem>>
        %dma_start3A_377 = arith.constant 64 : i32
        %dma_start3A_378 = arith.constant 0 : i32
        %dma_start3A_379 = tpu.memref_slice %dma_start3A_376[%dma_start3A_377, %dma_start3A_378] : memref<128x128xf32, #tpu.memory_space<vmem>> -> memref<32x128xf32, #tpu.memory_space<vmem>>
        %dma_start3A_380 = arith.constant 0 : i32
        %dma_start3A_381 = tpu.memref_slice %arg8[%dma_start3A_371, %dma_start3A_380] : memref<4x128xi32, #tpu.memory_space<vmem>> -> memref<1x128xi32, #tpu.memory_space<vmem>>
        %dma_start3A_382 = tpu.memref_squeeze %dma_start3A_381 : memref<1x128xi32, #tpu.memory_space<vmem>> -> memref<128xi32, #tpu.memory_space<vmem>>
        %dma_start3A_383 = arith.constant 64 : i32
        %dma_start3A_384 = tpu.memref_slice %dma_start3A_382[%dma_start3A_383] : memref<128xi32, #tpu.memory_space<vmem>> -> memref<32xi32, #tpu.memory_space<vmem>>
        %dma_start3A_385 = arith.constant 0 : i32
        %dma_start3A_386 = arith.constant 0 : i32
        %dma_start3A_387 = tpu.memref_slice %arg2[%dma_start3A_385, %dma_start3A_386] : memref<10000x128xf32, #tpu.memory_space<hbm>> -> memref<10000x128xf32, #tpu.memory_space<hbm>>
        tpu.enqueue_indirect_dma source(%dma_start3A_387 : memref<10000x128xf32, #tpu.memory_space<hbm>>) target(%dma_start3A_379 : memref<32x128xf32, #tpu.memory_space<vmem>>) offsets(%dma_start3A_384 : memref<32xi32, #tpu.memory_space<vmem>>) semaphore(%arg16 : memref<!tpu.dma_semaphore, #tpu.memory_space<semaphore_mem>>)
        %dma_start3A_388 = arith.constant 2 : i32
        %dma_start3A_389 = arith.constant 0 : i32
        %dma_start3A_390 = arith.constant 0 : i32
        %dma_start3A_391 = arith.constant 0 : i32
        %dma_start3A_392 = tpu.memref_slice %arg10[%dma_start3A_389, %dma_start3A_390, %dma_start3A_391] : memref<2x128x128xf32, #tpu.memory_space<vmem>> -> memref<1x128x128xf32, #tpu.memory_space<vmem>>
        %dma_start3A_393 = tpu.memref_squeeze %dma_start3A_392 : memref<1x128x128xf32, #tpu.memory_space<vmem>> -> memref<128x128xf32, #tpu.memory_space<vmem>>
        %dma_start3A_394 = arith.constant 96 : i32
        %dma_start3A_395 = arith.constant 0 : i32
        %dma_start3A_396 = tpu.memref_slice %dma_start3A_393[%dma_start3A_394, %dma_start3A_395] : memref<128x128xf32, #tpu.memory_space<vmem>> -> memref<32x128xf32, #tpu.memory_space<vmem>>
        %dma_start3A_397 = arith.constant 0 : i32
        %dma_start3A_398 = tpu.memref_slice %arg8[%dma_start3A_388, %dma_start3A_397] : memref<4x128xi32, #tpu.memory_space<vmem>> -> memref<1x128xi32, #tpu.memory_space<vmem>>
        %dma_start3A_399 = tpu.memref_squeeze %dma_start3A_398 : memref<1x128xi32, #tpu.memory_space<vmem>> -> memref<128xi32, #tpu.memory_space<vmem>>
        %dma_start3A_400 = arith.constant 96 : i32
        %dma_start3A_401 = tpu.memref_slice %dma_start3A_399[%dma_start3A_400] : memref<128xi32, #tpu.memory_space<vmem>> -> memref<32xi32, #tpu.memory_space<vmem>>
        %dma_start3A_402 = arith.constant 0 : i32
        %dma_start3A_403 = arith.constant 0 : i32
        %dma_start3A_404 = tpu.memref_slice %arg2[%dma_start3A_402, %dma_start3A_403] : memref<10000x128xf32, #tpu.memory_space<hbm>> -> memref<10000x128xf32, #tpu.memory_space<hbm>>
        tpu.enqueue_indirect_dma source(%dma_start3A_404 : memref<10000x128xf32, #tpu.memory_space<hbm>>) target(%dma_start3A_396 : memref<32x128xf32, #tpu.memory_space<vmem>>) offsets(%dma_start3A_401 : memref<32xi32, #tpu.memory_space<vmem>>) semaphore(%arg16 : memref<!tpu.dma_semaphore, #tpu.memory_space<semaphore_mem>>)
      } else {
      }
      %add3A_234 = arith.constant 2 : i32
      %add3A_235 = arith.addi %add3A_149, %add3A_234 : i32
      %dma_wait3A_236 = arith.constant 2 : i32
      %dma_wait3A_237 = arith.constant 0 : i32
      %dma_wait3A_238 = arith.constant 0 : i32
      %dma_wait3A_239 = arith.constant 0 : i32
      %dma_wait3A_240 = tpu.memref_slice %arg10[%dma_wait3A_237, %dma_wait3A_238, %dma_wait3A_239] : memref<2x128x128xf32, #tpu.memory_space<vmem>> -> memref<1x128x128xf32, #tpu.memory_space<vmem>>
      %dma_wait3A_241 = tpu.memref_squeeze %dma_wait3A_240 : memref<1x128x128xf32, #tpu.memory_space<vmem>> -> memref<128x128xf32, #tpu.memory_space<vmem>>
      %dma_wait3A_242 = arith.constant 0 : i32
      %dma_wait3A_243 = tpu.memref_slice %arg8[%dma_wait3A_236, %dma_wait3A_242] : memref<4x128xi32, #tpu.memory_space<vmem>> -> memref<1x128xi32, #tpu.memory_space<vmem>>
      %dma_wait3A_244 = tpu.memref_squeeze %dma_wait3A_243 : memref<1x128xi32, #tpu.memory_space<vmem>> -> memref<128xi32, #tpu.memory_space<vmem>>
      %dma_wait3A_245 = arith.constant 0 : i32
      %dma_wait3A_246 = arith.constant 0 : i32
      %dma_wait3A_247 = tpu.memref_slice %arg2[%dma_wait3A_245, %dma_wait3A_246] : memref<10000x128xf32, #tpu.memory_space<hbm>> -> memref<10000x128xf32, #tpu.memory_space<hbm>>
      tpu.wait_indirect_dma semaphore(%arg16 : memref<!tpu.dma_semaphore, #tpu.memory_space<semaphore_mem>>) src(%dma_wait3A_247 : memref<10000x128xf32, #tpu.memory_space<hbm>>) dst(%dma_wait3A_241 : memref<128x128xf32, #tpu.memory_space<vmem>>)
      %add3A_248 = arith.constant 2 : i32
      %add3A_249 = arith.addi %add3A_235, %add3A_248 : i32
      %lt3A_250 = arith.constant 80 : i32
      %lt3A_251 = arith.cmpi slt, %add3A_249, %lt3A_250 : i32
      %convert_element_type3A_252 = arith.extui %lt3A_251 : i1 to i32
      %cond3A_253 = arith.constant 0 : i32
      %cond3A_254 = arith.cmpi ne, %convert_element_type3A_252, %cond3A_253 : i32
      scf.if %cond3A_254 {
        %add3A_318 = arith.constant 2 : i32
        %add3A_319 = arith.addi %add3A_235, %add3A_318 : i32
        %dma_start3A_320 = arith.constant 0 : i32
        %dma_start3A_321 = arith.constant 0 : i32
        %dma_start3A_322 = tpu.memref_slice %arg8[%dma_start3A_320, %dma_start3A_321] : memref<4x128xi32, #tpu.memory_space<vmem>> -> memref<1x128xi32, #tpu.memory_space<vmem>>
        %dma_start3A_323 = tpu.memref_squeeze %dma_start3A_322 : memref<1x128xi32, #tpu.memory_space<vmem>> -> memref<128xi32, #tpu.memory_space<vmem>>
        %dma_start3A_324 = arith.constant 0 : i32
        %dma_start3A_325 = tpu.memref_slice %arg3[%add3A, %add3A_319, %dma_start3A_324] : memref<32x80x128xi32, #tpu.memory_space<hbm>> -> memref<1x1x128xi32, #tpu.memory_space<hbm>>
        %dma_start3A_326 = tpu.memref_squeeze %dma_start3A_325 : memref<1x1x128xi32, #tpu.memory_space<hbm>> -> memref<128xi32, #tpu.memory_space<hbm>>
        %dma_start3A_327 = arith.constant 0 : i32
        %dma_start3A_328 = tpu.memref_slice %arg8[%dma_start3A_320, %dma_start3A_327] : memref<4x128xi32, #tpu.memory_space<vmem>> -> memref<1x128xi32, #tpu.memory_space<vmem>>
        %dma_start3A_329 = tpu.memref_squeeze %dma_start3A_328 : memref<1x128xi32, #tpu.memory_space<vmem>> -> memref<128xi32, #tpu.memory_space<vmem>>
        %dma_start3A_330 = arith.constant 0 : i32
        %dma_start3A_331 = tpu.memref_slice %arg3[%add3A, %add3A_319, %dma_start3A_330] : memref<32x80x128xi32, #tpu.memory_space<hbm>> -> memref<1x1x128xi32, #tpu.memory_space<hbm>>
        %dma_start3A_332 = tpu.memref_squeeze %dma_start3A_331 : memref<1x1x128xi32, #tpu.memory_space<hbm>> -> memref<128xi32, #tpu.memory_space<hbm>>
        tpu.enqueue_dma source(%dma_start3A_332 : memref<128xi32, #tpu.memory_space<hbm>>) target(%dma_start3A_329 : memref<128xi32, #tpu.memory_space<vmem>>) target_semaphore(%arg12 : memref<!tpu.dma_semaphore, #tpu.memory_space<semaphore_mem>>)
      } else {
      }
      %dma_start3A_255 = arith.constant 0 : i32
      %dma_start3A_256 = arith.constant 0 : i32
      %dma_start3A_257 = arith.constant 0 : i32
      %dma_start3A_258 = tpu.memref_slice %arg10[%dma_start3A_255, %dma_start3A_256, %dma_start3A_257] : memref<2x128x128xf32, #tpu.memory_space<vmem>> -> memref<1x128x128xf32, #tpu.memory_space<vmem>>
      %dma_start3A_259 = tpu.memref_squeeze %dma_start3A_258 : memref<1x128x128xf32, #tpu.memory_space<vmem>> -> memref<128x128xf32, #tpu.memory_space<vmem>>
      %dma_start3A_260 = arith.constant 0 : i32
      %dma_start3A_261 = arith.constant 0 : i32
      %dma_start3A_262 = tpu.memref_slice %dma_start3A_259[%dma_start3A_260, %dma_start3A_261] : memref<128x128xf32, #tpu.memory_space<vmem>> -> memref<125x128xf32, #tpu.memory_space<vmem>>
      %dma_start3A_263 = arith.constant 0 : i32
      %dma_start3A_264 = tpu.memref_slice %arg9[%add3A_235, %dma_start3A_263] : memref<80x125xi32, #tpu.memory_space<vmem>> -> memref<1x125xi32, #tpu.memory_space<vmem>>
      %dma_start3A_265 = tpu.memref_squeeze %dma_start3A_264 : memref<1x125xi32, #tpu.memory_space<vmem>> -> memref<125xi32, #tpu.memory_space<vmem>>
      %dma_start3A_266 = arith.constant 0 : i32
      %dma_start3A_267 = arith.constant 0 : i32
      %dma_start3A_268 = tpu.memref_slice %arg11[%dma_start3A_266, %dma_start3A_267] : memref<10000x128xf32, #tpu.memory_space<vmem_shared>> -> memref<10000x128xf32, #tpu.memory_space<vmem_shared>>
      tpu.enqueue_indirect_dma source(%dma_start3A_262 : memref<125x128xf32, #tpu.memory_space<vmem>>) target(%dma_start3A_268 : memref<10000x128xf32, #tpu.memory_space<vmem_shared>>) offsets(%dma_start3A_265 : memref<125xi32, #tpu.memory_space<vmem>>) semaphore(%arg18 : memref<!tpu.dma_semaphore, #tpu.memory_space<semaphore_mem>>) {add = true}
      %add3A_269 = arith.constant 1 : i32
      %add3A_270 = arith.addi %add3A_235, %add3A_269 : i32
      %lt3A_271 = arith.constant 80 : i32
      %lt3A_272 = arith.cmpi slt, %add3A_270, %lt3A_271 : i32
      %convert_element_type3A_273 = arith.extui %lt3A_272 : i1 to i32
      %cond3A_274 = arith.constant 0 : i32
      %cond3A_275 = arith.cmpi ne, %convert_element_type3A_273, %cond3A_274 : i32
      scf.if %cond3A_275 {
        %add3A_318 = arith.constant 1 : i32
        %add3A_319 = arith.addi %add3A_235, %add3A_318 : i32
        %dma_wait3A_320 = arith.constant 3 : i32
        %dma_wait3A_321 = arith.constant 0 : i32
        %dma_wait3A_322 = tpu.memref_slice %arg8[%dma_wait3A_320, %dma_wait3A_321] : memref<4x128xi32, #tpu.memory_space<vmem>> -> memref<1x128xi32, #tpu.memory_space<vmem>>
        %dma_wait3A_323 = tpu.memref_squeeze %dma_wait3A_322 : memref<1x128xi32, #tpu.memory_space<vmem>> -> memref<128xi32, #tpu.memory_space<vmem>>
        %dma_wait3A_324 = arith.constant 0 : i32
        %dma_wait3A_325 = tpu.memref_slice %arg3[%add3A, %add3A_319, %dma_wait3A_324] : memref<32x80x128xi32, #tpu.memory_space<hbm>> -> memref<1x1x128xi32, #tpu.memory_space<hbm>>
        %dma_wait3A_326 = tpu.memref_squeeze %dma_wait3A_325 : memref<1x1x128xi32, #tpu.memory_space<hbm>> -> memref<128xi32, #tpu.memory_space<hbm>>
        %dma_wait3A_327 = arith.constant 0 : i32
        %dma_wait3A_328 = tpu.memref_slice %arg8[%dma_wait3A_320, %dma_wait3A_327] : memref<4x128xi32, #tpu.memory_space<vmem>> -> memref<1x128xi32, #tpu.memory_space<vmem>>
        %dma_wait3A_329 = tpu.memref_squeeze %dma_wait3A_328 : memref<1x128xi32, #tpu.memory_space<vmem>> -> memref<128xi32, #tpu.memory_space<vmem>>
        %dma_wait3A_330 = arith.constant 0 : i32
        %dma_wait3A_331 = tpu.memref_slice %arg3[%add3A, %add3A_319, %dma_wait3A_330] : memref<32x80x128xi32, #tpu.memory_space<hbm>> -> memref<1x1x128xi32, #tpu.memory_space<hbm>>
        %dma_wait3A_332 = tpu.memref_squeeze %dma_wait3A_331 : memref<1x1x128xi32, #tpu.memory_space<hbm>> -> memref<128xi32, #tpu.memory_space<hbm>>
        tpu.wait_dma2 semaphore(%arg15 : memref<!tpu.dma_semaphore, #tpu.memory_space<semaphore_mem>>) src(%dma_wait3A_332 : memref<128xi32, #tpu.memory_space<hbm>>) dst(%dma_wait3A_329 : memref<128xi32, #tpu.memory_space<vmem>>)
        %ge3A = arith.constant 1 : i32
        %ge3A_333 = arith.cmpi sge, %add3A_235, %ge3A : i32
        %convert_element_type3A_334 = arith.extui %ge3A_333 : i1 to i32
        %cond3A_335 = arith.constant 0 : i32
        %cond3A_336 = arith.cmpi ne, %convert_element_type3A_334, %cond3A_335 : i32
        scf.if %cond3A_336 {
          %sub3A = arith.constant 1 : i32
          %sub3A_405 = arith.subi %add3A_235, %sub3A : i32
          %dma_wait3A_406 = arith.constant 1 : i32
          %dma_wait3A_407 = arith.constant 0 : i32
          %dma_wait3A_408 = arith.constant 0 : i32
          %dma_wait3A_409 = tpu.memref_slice %arg10[%dma_wait3A_406, %dma_wait3A_407, %dma_wait3A_408] : memref<2x128x128xf32, #tpu.memory_space<vmem>> -> memref<1x128x128xf32, #tpu.memory_space<vmem>>
          %dma_wait3A_410 = tpu.memref_squeeze %dma_wait3A_409 : memref<1x128x128xf32, #tpu.memory_space<vmem>> -> memref<128x128xf32, #tpu.memory_space<vmem>>
          %dma_wait3A_411 = arith.constant 0 : i32
          %dma_wait3A_412 = arith.constant 0 : i32
          %dma_wait3A_413 = tpu.memref_slice %dma_wait3A_410[%dma_wait3A_411, %dma_wait3A_412] : memref<128x128xf32, #tpu.memory_space<vmem>> -> memref<125x128xf32, #tpu.memory_space<vmem>>
          %dma_wait3A_414 = arith.constant 0 : i32
          %dma_wait3A_415 = tpu.memref_slice %arg9[%sub3A_405, %dma_wait3A_414] : memref<80x125xi32, #tpu.memory_space<vmem>> -> memref<1x125xi32, #tpu.memory_space<vmem>>
          %dma_wait3A_416 = tpu.memref_squeeze %dma_wait3A_415 : memref<1x125xi32, #tpu.memory_space<vmem>> -> memref<125xi32, #tpu.memory_space<vmem>>
          %dma_wait3A_417 = arith.constant 0 : i32
          %dma_wait3A_418 = arith.constant 0 : i32
          %dma_wait3A_419 = tpu.memref_slice %arg11[%dma_wait3A_417, %dma_wait3A_418] : memref<10000x128xf32, #tpu.memory_space<vmem_shared>> -> memref<10000x128xf32, #tpu.memory_space<vmem_shared>>
          tpu.wait_indirect_dma semaphore(%arg19 : memref<!tpu.dma_semaphore, #tpu.memory_space<semaphore_mem>>) src(%dma_wait3A_413 : memref<125x128xf32, #tpu.memory_space<vmem>>) dst(%dma_wait3A_419 : memref<10000x128xf32, #tpu.memory_space<vmem_shared>>)
        } else {
        }
        %dma_start3A_337 = arith.constant 3 : i32
        %dma_start3A_338 = arith.constant 1 : i32
        %dma_start3A_339 = arith.constant 0 : i32
        %dma_start3A_340 = arith.constant 0 : i32
        %dma_start3A_341 = tpu.memref_slice %arg10[%dma_start3A_338, %dma_start3A_339, %dma_start3A_340] : memref<2x128x128xf32, #tpu.memory_space<vmem>> -> memref<1x128x128xf32, #tpu.memory_space<vmem>>
        %dma_start3A_342 = tpu.memref_squeeze %dma_start3A_341 : memref<1x128x128xf32, #tpu.memory_space<vmem>> -> memref<128x128xf32, #tpu.memory_space<vmem>>
        %dma_start3A_343 = arith.constant 0 : i32
        %dma_start3A_344 = arith.constant 0 : i32
        %dma_start3A_345 = tpu.memref_slice %dma_start3A_342[%dma_start3A_343, %dma_start3A_344] : memref<128x128xf32, #tpu.memory_space<vmem>> -> memref<32x128xf32, #tpu.memory_space<vmem>>
        %dma_start3A_346 = arith.constant 0 : i32
        %dma_start3A_347 = tpu.memref_slice %arg8[%dma_start3A_337, %dma_start3A_346] : memref<4x128xi32, #tpu.memory_space<vmem>> -> memref<1x128xi32, #tpu.memory_space<vmem>>
        %dma_start3A_348 = tpu.memref_squeeze %dma_start3A_347 : memref<1x128xi32, #tpu.memory_space<vmem>> -> memref<128xi32, #tpu.memory_space<vmem>>
        %dma_start3A_349 = arith.constant 0 : i32
        %dma_start3A_350 = tpu.memref_slice %dma_start3A_348[%dma_start3A_349] : memref<128xi32, #tpu.memory_space<vmem>> -> memref<32xi32, #tpu.memory_space<vmem>>
        %dma_start3A_351 = arith.constant 0 : i32
        %dma_start3A_352 = arith.constant 0 : i32
        %dma_start3A_353 = tpu.memref_slice %arg2[%dma_start3A_351, %dma_start3A_352] : memref<10000x128xf32, #tpu.memory_space<hbm>> -> memref<10000x128xf32, #tpu.memory_space<hbm>>
        tpu.enqueue_indirect_dma source(%dma_start3A_353 : memref<10000x128xf32, #tpu.memory_space<hbm>>) target(%dma_start3A_345 : memref<32x128xf32, #tpu.memory_space<vmem>>) offsets(%dma_start3A_350 : memref<32xi32, #tpu.memory_space<vmem>>) semaphore(%arg17 : memref<!tpu.dma_semaphore, #tpu.memory_space<semaphore_mem>>)
        %dma_start3A_354 = arith.constant 3 : i32
        %dma_start3A_355 = arith.constant 1 : i32
        %dma_start3A_356 = arith.constant 0 : i32
        %dma_start3A_357 = arith.constant 0 : i32
        %dma_start3A_358 = tpu.memref_slice %arg10[%dma_start3A_355, %dma_start3A_356, %dma_start3A_357] : memref<2x128x128xf32, #tpu.memory_space<vmem>> -> memref<1x128x128xf32, #tpu.memory_space<vmem>>
        %dma_start3A_359 = tpu.memref_squeeze %dma_start3A_358 : memref<1x128x128xf32, #tpu.memory_space<vmem>> -> memref<128x128xf32, #tpu.memory_space<vmem>>
        %dma_start3A_360 = arith.constant 32 : i32
        %dma_start3A_361 = arith.constant 0 : i32
        %dma_start3A_362 = tpu.memref_slice %dma_start3A_359[%dma_start3A_360, %dma_start3A_361] : memref<128x128xf32, #tpu.memory_space<vmem>> -> memref<32x128xf32, #tpu.memory_space<vmem>>
        %dma_start3A_363 = arith.constant 0 : i32
        %dma_start3A_364 = tpu.memref_slice %arg8[%dma_start3A_354, %dma_start3A_363] : memref<4x128xi32, #tpu.memory_space<vmem>> -> memref<1x128xi32, #tpu.memory_space<vmem>>
        %dma_start3A_365 = tpu.memref_squeeze %dma_start3A_364 : memref<1x128xi32, #tpu.memory_space<vmem>> -> memref<128xi32, #tpu.memory_space<vmem>>
        %dma_start3A_366 = arith.constant 32 : i32
        %dma_start3A_367 = tpu.memref_slice %dma_start3A_365[%dma_start3A_366] : memref<128xi32, #tpu.memory_space<vmem>> -> memref<32xi32, #tpu.memory_space<vmem>>
        %dma_start3A_368 = arith.constant 0 : i32
        %dma_start3A_369 = arith.constant 0 : i32
        %dma_start3A_370 = tpu.memref_slice %arg2[%dma_start3A_368, %dma_start3A_369] : memref<10000x128xf32, #tpu.memory_space<hbm>> -> memref<10000x128xf32, #tpu.memory_space<hbm>>
        tpu.enqueue_indirect_dma source(%dma_start3A_370 : memref<10000x128xf32, #tpu.memory_space<hbm>>) target(%dma_start3A_362 : memref<32x128xf32, #tpu.memory_space<vmem>>) offsets(%dma_start3A_367 : memref<32xi32, #tpu.memory_space<vmem>>) semaphore(%arg17 : memref<!tpu.dma_semaphore, #tpu.memory_space<semaphore_mem>>)
        %dma_start3A_371 = arith.constant 3 : i32
        %dma_start3A_372 = arith.constant 1 : i32
        %dma_start3A_373 = arith.constant 0 : i32
        %dma_start3A_374 = arith.constant 0 : i32
        %dma_start3A_375 = tpu.memref_slice %arg10[%dma_start3A_372, %dma_start3A_373, %dma_start3A_374] : memref<2x128x128xf32, #tpu.memory_space<vmem>> -> memref<1x128x128xf32, #tpu.memory_space<vmem>>
        %dma_start3A_376 = tpu.memref_squeeze %dma_start3A_375 : memref<1x128x128xf32, #tpu.memory_space<vmem>> -> memref<128x128xf32, #tpu.memory_space<vmem>>
        %dma_start3A_377 = arith.constant 64 : i32
        %dma_start3A_378 = arith.constant 0 : i32
        %dma_start3A_379 = tpu.memref_slice %dma_start3A_376[%dma_start3A_377, %dma_start3A_378] : memref<128x128xf32, #tpu.memory_space<vmem>> -> memref<32x128xf32, #tpu.memory_space<vmem>>
        %dma_start3A_380 = arith.constant 0 : i32
        %dma_start3A_381 = tpu.memref_slice %arg8[%dma_start3A_371, %dma_start3A_380] : memref<4x128xi32, #tpu.memory_space<vmem>> -> memref<1x128xi32, #tpu.memory_space<vmem>>
        %dma_start3A_382 = tpu.memref_squeeze %dma_start3A_381 : memref<1x128xi32, #tpu.memory_space<vmem>> -> memref<128xi32, #tpu.memory_space<vmem>>
        %dma_start3A_383 = arith.constant 64 : i32
        %dma_start3A_384 = tpu.memref_slice %dma_start3A_382[%dma_start3A_383] : memref<128xi32, #tpu.memory_space<vmem>> -> memref<32xi32, #tpu.memory_space<vmem>>
        %dma_start3A_385 = arith.constant 0 : i32
        %dma_start3A_386 = arith.constant 0 : i32
        %dma_start3A_387 = tpu.memref_slice %arg2[%dma_start3A_385, %dma_start3A_386] : memref<10000x128xf32, #tpu.memory_space<hbm>> -> memref<10000x128xf32, #tpu.memory_space<hbm>>
        tpu.enqueue_indirect_dma source(%dma_start3A_387 : memref<10000x128xf32, #tpu.memory_space<hbm>>) target(%dma_start3A_379 : memref<32x128xf32, #tpu.memory_space<vmem>>) offsets(%dma_start3A_384 : memref<32xi32, #tpu.memory_space<vmem>>) semaphore(%arg17 : memref<!tpu.dma_semaphore, #tpu.memory_space<semaphore_mem>>)
        %dma_start3A_388 = arith.constant 3 : i32
        %dma_start3A_389 = arith.constant 1 : i32
        %dma_start3A_390 = arith.constant 0 : i32
        %dma_start3A_391 = arith.constant 0 : i32
        %dma_start3A_392 = tpu.memref_slice %arg10[%dma_start3A_389, %dma_start3A_390, %dma_start3A_391] : memref<2x128x128xf32, #tpu.memory_space<vmem>> -> memref<1x128x128xf32, #tpu.memory_space<vmem>>
        %dma_start3A_393 = tpu.memref_squeeze %dma_start3A_392 : memref<1x128x128xf32, #tpu.memory_space<vmem>> -> memref<128x128xf32, #tpu.memory_space<vmem>>
        %dma_start3A_394 = arith.constant 96 : i32
        %dma_start3A_395 = arith.constant 0 : i32
        %dma_start3A_396 = tpu.memref_slice %dma_start3A_393[%dma_start3A_394, %dma_start3A_395] : memref<128x128xf32, #tpu.memory_space<vmem>> -> memref<32x128xf32, #tpu.memory_space<vmem>>
        %dma_start3A_397 = arith.constant 0 : i32
        %dma_start3A_398 = tpu.memref_slice %arg8[%dma_start3A_388, %dma_start3A_397] : memref<4x128xi32, #tpu.memory_space<vmem>> -> memref<1x128xi32, #tpu.memory_space<vmem>>
        %dma_start3A_399 = tpu.memref_squeeze %dma_start3A_398 : memref<1x128xi32, #tpu.memory_space<vmem>> -> memref<128xi32, #tpu.memory_space<vmem>>
        %dma_start3A_400 = arith.constant 96 : i32
        %dma_start3A_401 = tpu.memref_slice %dma_start3A_399[%dma_start3A_400] : memref<128xi32, #tpu.memory_space<vmem>> -> memref<32xi32, #tpu.memory_space<vmem>>
        %dma_start3A_402 = arith.constant 0 : i32
        %dma_start3A_403 = arith.constant 0 : i32
        %dma_start3A_404 = tpu.memref_slice %arg2[%dma_start3A_402, %dma_start3A_403] : memref<10000x128xf32, #tpu.memory_space<hbm>> -> memref<10000x128xf32, #tpu.memory_space<hbm>>
        tpu.enqueue_indirect_dma source(%dma_start3A_404 : memref<10000x128xf32, #tpu.memory_space<hbm>>) target(%dma_start3A_396 : memref<32x128xf32, #tpu.memory_space<vmem>>) offsets(%dma_start3A_401 : memref<32xi32, #tpu.memory_space<vmem>>) semaphore(%arg17 : memref<!tpu.dma_semaphore, #tpu.memory_space<semaphore_mem>>)
      } else {
      }
      %add3A_276 = arith.constant 3 : i32
      %add3A_277 = arith.addi %add3A_149, %add3A_276 : i32
      %dma_wait3A_278 = arith.constant 3 : i32
      %dma_wait3A_279 = arith.constant 1 : i32
      %dma_wait3A_280 = arith.constant 0 : i32
      %dma_wait3A_281 = arith.constant 0 : i32
      %dma_wait3A_282 = tpu.memref_slice %arg10[%dma_wait3A_279, %dma_wait3A_280, %dma_wait3A_281] : memref<2x128x128xf32, #tpu.memory_space<vmem>> -> memref<1x128x128xf32, #tpu.memory_space<vmem>>
      %dma_wait3A_283 = tpu.memref_squeeze %dma_wait3A_282 : memref<1x128x128xf32, #tpu.memory_space<vmem>> -> memref<128x128xf32, #tpu.memory_space<vmem>>
      %dma_wait3A_284 = arith.constant 0 : i32
      %dma_wait3A_285 = tpu.memref_slice %arg8[%dma_wait3A_278, %dma_wait3A_284] : memref<4x128xi32, #tpu.memory_space<vmem>> -> memref<1x128xi32, #tpu.memory_space<vmem>>
      %dma_wait3A_286 = tpu.memref_squeeze %dma_wait3A_285 : memref<1x128xi32, #tpu.memory_space<vmem>> -> memref<128xi32, #tpu.memory_space<vmem>>
      %dma_wait3A_287 = arith.constant 0 : i32
      %dma_wait3A_288 = arith.constant 0 : i32
      %dma_wait3A_289 = tpu.memref_slice %arg2[%dma_wait3A_287, %dma_wait3A_288] : memref<10000x128xf32, #tpu.memory_space<hbm>> -> memref<10000x128xf32, #tpu.memory_space<hbm>>
      tpu.wait_indirect_dma semaphore(%arg17 : memref<!tpu.dma_semaphore, #tpu.memory_space<semaphore_mem>>) src(%dma_wait3A_289 : memref<10000x128xf32, #tpu.memory_space<hbm>>) dst(%dma_wait3A_283 : memref<128x128xf32, #tpu.memory_space<vmem>>)
      %add3A_290 = arith.constant 2 : i32
      %add3A_291 = arith.addi %add3A_277, %add3A_290 : i32
      %lt3A_292 = arith.constant 80 : i32
      %lt3A_293 = arith.cmpi slt, %add3A_291, %lt3A_292 : i32
      %convert_element_type3A_294 = arith.extui %lt3A_293 : i1 to i32
      %cond3A_295 = arith.constant 0 : i32
      %cond3A_296 = arith.cmpi ne, %convert_element_type3A_294, %cond3A_295 : i32
      scf.if %cond3A_296 {
        %add3A_318 = arith.constant 2 : i32
        %add3A_319 = arith.addi %add3A_277, %add3A_318 : i32
        %dma_start3A_320 = arith.constant 1 : i32
        %dma_start3A_321 = arith.constant 0 : i32
        %dma_start3A_322 = tpu.memref_slice %arg8[%dma_start3A_320, %dma_start3A_321] : memref<4x128xi32, #tpu.memory_space<vmem>> -> memref<1x128xi32, #tpu.memory_space<vmem>>
        %dma_start3A_323 = tpu.memref_squeeze %dma_start3A_322 : memref<1x128xi32, #tpu.memory_space<vmem>> -> memref<128xi32, #tpu.memory_space<vmem>>
        %dma_start3A_324 = arith.constant 0 : i32
        %dma_start3A_325 = tpu.memref_slice %arg3[%add3A, %add3A_319, %dma_start3A_324] : memref<32x80x128xi32, #tpu.memory_space<hbm>> -> memref<1x1x128xi32, #tpu.memory_space<hbm>>
        %dma_start3A_326 = tpu.memref_squeeze %dma_start3A_325 : memref<1x1x128xi32, #tpu.memory_space<hbm>> -> memref<128xi32, #tpu.memory_space<hbm>>
        %dma_start3A_327 = arith.constant 0 : i32
        %dma_start3A_328 = tpu.memref_slice %arg8[%dma_start3A_320, %dma_start3A_327] : memref<4x128xi32, #tpu.memory_space<vmem>> -> memref<1x128xi32, #tpu.memory_space<vmem>>
        %dma_start3A_329 = tpu.memref_squeeze %dma_start3A_328 : memref<1x128xi32, #tpu.memory_space<vmem>> -> memref<128xi32, #tpu.memory_space<vmem>>
        %dma_start3A_330 = arith.constant 0 : i32
        %dma_start3A_331 = tpu.memref_slice %arg3[%add3A, %add3A_319, %dma_start3A_330] : memref<32x80x128xi32, #tpu.memory_space<hbm>> -> memref<1x1x128xi32, #tpu.memory_space<hbm>>
        %dma_start3A_332 = tpu.memref_squeeze %dma_start3A_331 : memref<1x1x128xi32, #tpu.memory_space<hbm>> -> memref<128xi32, #tpu.memory_space<hbm>>
        tpu.enqueue_dma source(%dma_start3A_332 : memref<128xi32, #tpu.memory_space<hbm>>) target(%dma_start3A_329 : memref<128xi32, #tpu.memory_space<vmem>>) target_semaphore(%arg13 : memref<!tpu.dma_semaphore, #tpu.memory_space<semaphore_mem>>)
      } else {
      }
      %dma_start3A_297 = arith.constant 1 : i32
      %dma_start3A_298 = arith.constant 0 : i32
      %dma_start3A_299 = arith.constant 0 : i32
      %dma_start3A_300 = tpu.memref_slice %arg10[%dma_start3A_297, %dma_start3A_298, %dma_start3A_299] : memref<2x128x128xf32, #tpu.memory_space<vmem>> -> memref<1x128x128xf32, #tpu.memory_space<vmem>>
      %dma_start3A_301 = tpu.memref_squeeze %dma_start3A_300 : memref<1x128x128xf32, #tpu.memory_space<vmem>> -> memref<128x128xf32, #tpu.memory_space<vmem>>
      %dma_start3A_302 = arith.constant 0 : i32
      %dma_start3A_303 = arith.constant 0 : i32
      %dma_start3A_304 = tpu.memref_slice %dma_start3A_301[%dma_start3A_302, %dma_start3A_303] : memref<128x128xf32, #tpu.memory_space<vmem>> -> memref<125x128xf32, #tpu.memory_space<vmem>>
      %dma_start3A_305 = arith.constant 0 : i32
      %dma_start3A_306 = tpu.memref_slice %arg9[%add3A_277, %dma_start3A_305] : memref<80x125xi32, #tpu.memory_space<vmem>> -> memref<1x125xi32, #tpu.memory_space<vmem>>
      %dma_start3A_307 = tpu.memref_squeeze %dma_start3A_306 : memref<1x125xi32, #tpu.memory_space<vmem>> -> memref<125xi32, #tpu.memory_space<vmem>>
      %dma_start3A_308 = arith.constant 0 : i32
      %dma_start3A_309 = arith.constant 0 : i32
      %dma_start3A_310 = tpu.memref_slice %arg11[%dma_start3A_308, %dma_start3A_309] : memref<10000x128xf32, #tpu.memory_space<vmem_shared>> -> memref<10000x128xf32, #tpu.memory_space<vmem_shared>>
      tpu.enqueue_indirect_dma source(%dma_start3A_304 : memref<125x128xf32, #tpu.memory_space<vmem>>) target(%dma_start3A_310 : memref<10000x128xf32, #tpu.memory_space<vmem_shared>>) offsets(%dma_start3A_307 : memref<125xi32, #tpu.memory_space<vmem>>) semaphore(%arg19 : memref<!tpu.dma_semaphore, #tpu.memory_space<semaphore_mem>>) {add = true}
      %add3A_311 = arith.constant 1 : i32
      %add3A_312 = arith.addi %add3A_277, %add3A_311 : i32
      %lt3A_313 = arith.constant 80 : i32
      %lt3A_314 = arith.cmpi slt, %add3A_312, %lt3A_313 : i32
      %convert_element_type3A_315 = arith.extui %lt3A_314 : i1 to i32
      %cond3A_316 = arith.constant 0 : i32
      %cond3A_317 = arith.cmpi ne, %convert_element_type3A_315, %cond3A_316 : i32
      scf.if %cond3A_317 {
        %add3A_318 = arith.constant 1 : i32
        %add3A_319 = arith.addi %add3A_277, %add3A_318 : i32
        %dma_wait3A_320 = arith.constant 0 : i32
        %dma_wait3A_321 = arith.constant 0 : i32
        %dma_wait3A_322 = tpu.memref_slice %arg8[%dma_wait3A_320, %dma_wait3A_321] : memref<4x128xi32, #tpu.memory_space<vmem>> -> memref<1x128xi32, #tpu.memory_space<vmem>>
        %dma_wait3A_323 = tpu.memref_squeeze %dma_wait3A_322 : memref<1x128xi32, #tpu.memory_space<vmem>> -> memref<128xi32, #tpu.memory_space<vmem>>
        %dma_wait3A_324 = arith.constant 0 : i32
        %dma_wait3A_325 = tpu.memref_slice %arg3[%add3A, %add3A_319, %dma_wait3A_324] : memref<32x80x128xi32, #tpu.memory_space<hbm>> -> memref<1x1x128xi32, #tpu.memory_space<hbm>>
        %dma_wait3A_326 = tpu.memref_squeeze %dma_wait3A_325 : memref<1x1x128xi32, #tpu.memory_space<hbm>> -> memref<128xi32, #tpu.memory_space<hbm>>
        %dma_wait3A_327 = arith.constant 0 : i32
        %dma_wait3A_328 = tpu.memref_slice %arg8[%dma_wait3A_320, %dma_wait3A_327] : memref<4x128xi32, #tpu.memory_space<vmem>> -> memref<1x128xi32, #tpu.memory_space<vmem>>
        %dma_wait3A_329 = tpu.memref_squeeze %dma_wait3A_328 : memref<1x128xi32, #tpu.memory_space<vmem>> -> memref<128xi32, #tpu.memory_space<vmem>>
        %dma_wait3A_330 = arith.constant 0 : i32
        %dma_wait3A_331 = tpu.memref_slice %arg3[%add3A, %add3A_319, %dma_wait3A_330] : memref<32x80x128xi32, #tpu.memory_space<hbm>> -> memref<1x1x128xi32, #tpu.memory_space<hbm>>
        %dma_wait3A_332 = tpu.memref_squeeze %dma_wait3A_331 : memref<1x1x128xi32, #tpu.memory_space<hbm>> -> memref<128xi32, #tpu.memory_space<hbm>>
        tpu.wait_dma2 semaphore(%arg12 : memref<!tpu.dma_semaphore, #tpu.memory_space<semaphore_mem>>) src(%dma_wait3A_332 : memref<128xi32, #tpu.memory_space<hbm>>) dst(%dma_wait3A_329 : memref<128xi32, #tpu.memory_space<vmem>>)
        %ge3A = arith.constant 1 : i32
        %ge3A_333 = arith.cmpi sge, %add3A_277, %ge3A : i32
        %convert_element_type3A_334 = arith.extui %ge3A_333 : i1 to i32
        %cond3A_335 = arith.constant 0 : i32
        %cond3A_336 = arith.cmpi ne, %convert_element_type3A_334, %cond3A_335 : i32
        scf.if %cond3A_336 {
          %sub3A = arith.constant 1 : i32
          %sub3A_405 = arith.subi %add3A_277, %sub3A : i32
          %dma_wait3A_406 = arith.constant 0 : i32
          %dma_wait3A_407 = arith.constant 0 : i32
          %dma_wait3A_408 = arith.constant 0 : i32
          %dma_wait3A_409 = tpu.memref_slice %arg10[%dma_wait3A_406, %dma_wait3A_407, %dma_wait3A_408] : memref<2x128x128xf32, #tpu.memory_space<vmem>> -> memref<1x128x128xf32, #tpu.memory_space<vmem>>
          %dma_wait3A_410 = tpu.memref_squeeze %dma_wait3A_409 : memref<1x128x128xf32, #tpu.memory_space<vmem>> -> memref<128x128xf32, #tpu.memory_space<vmem>>
          %dma_wait3A_411 = arith.constant 0 : i32
          %dma_wait3A_412 = arith.constant 0 : i32
          %dma_wait3A_413 = tpu.memref_slice %dma_wait3A_410[%dma_wait3A_411, %dma_wait3A_412] : memref<128x128xf32, #tpu.memory_space<vmem>> -> memref<125x128xf32, #tpu.memory_space<vmem>>
          %dma_wait3A_414 = arith.constant 0 : i32
          %dma_wait3A_415 = tpu.memref_slice %arg9[%sub3A_405, %dma_wait3A_414] : memref<80x125xi32, #tpu.memory_space<vmem>> -> memref<1x125xi32, #tpu.memory_space<vmem>>
          %dma_wait3A_416 = tpu.memref_squeeze %dma_wait3A_415 : memref<1x125xi32, #tpu.memory_space<vmem>> -> memref<125xi32, #tpu.memory_space<vmem>>
          %dma_wait3A_417 = arith.constant 0 : i32
          %dma_wait3A_418 = arith.constant 0 : i32
          %dma_wait3A_419 = tpu.memref_slice %arg11[%dma_wait3A_417, %dma_wait3A_418] : memref<10000x128xf32, #tpu.memory_space<vmem_shared>> -> memref<10000x128xf32, #tpu.memory_space<vmem_shared>>
          tpu.wait_indirect_dma semaphore(%arg18 : memref<!tpu.dma_semaphore, #tpu.memory_space<semaphore_mem>>) src(%dma_wait3A_413 : memref<125x128xf32, #tpu.memory_space<vmem>>) dst(%dma_wait3A_419 : memref<10000x128xf32, #tpu.memory_space<vmem_shared>>)
        } else {
        }
        %dma_start3A_337 = arith.constant 0 : i32
        %dma_start3A_338 = arith.constant 0 : i32
        %dma_start3A_339 = arith.constant 0 : i32
        %dma_start3A_340 = arith.constant 0 : i32
        %dma_start3A_341 = tpu.memref_slice %arg10[%dma_start3A_338, %dma_start3A_339, %dma_start3A_340] : memref<2x128x128xf32, #tpu.memory_space<vmem>> -> memref<1x128x128xf32, #tpu.memory_space<vmem>>
        %dma_start3A_342 = tpu.memref_squeeze %dma_start3A_341 : memref<1x128x128xf32, #tpu.memory_space<vmem>> -> memref<128x128xf32, #tpu.memory_space<vmem>>
        %dma_start3A_343 = arith.constant 0 : i32
        %dma_start3A_344 = arith.constant 0 : i32
        %dma_start3A_345 = tpu.memref_slice %dma_start3A_342[%dma_start3A_343, %dma_start3A_344] : memref<128x128xf32, #tpu.memory_space<vmem>> -> memref<32x128xf32, #tpu.memory_space<vmem>>
        %dma_start3A_346 = arith.constant 0 : i32
        %dma_start3A_347 = tpu.memref_slice %arg8[%dma_start3A_337, %dma_start3A_346] : memref<4x128xi32, #tpu.memory_space<vmem>> -> memref<1x128xi32, #tpu.memory_space<vmem>>
        %dma_start3A_348 = tpu.memref_squeeze %dma_start3A_347 : memref<1x128xi32, #tpu.memory_space<vmem>> -> memref<128xi32, #tpu.memory_space<vmem>>
        %dma_start3A_349 = arith.constant 0 : i32
        %dma_start3A_350 = tpu.memref_slice %dma_start3A_348[%dma_start3A_349] : memref<128xi32, #tpu.memory_space<vmem>> -> memref<32xi32, #tpu.memory_space<vmem>>
        %dma_start3A_351 = arith.constant 0 : i32
        %dma_start3A_352 = arith.constant 0 : i32
        %dma_start3A_353 = tpu.memref_slice %arg2[%dma_start3A_351, %dma_start3A_352] : memref<10000x128xf32, #tpu.memory_space<hbm>> -> memref<10000x128xf32, #tpu.memory_space<hbm>>
        tpu.enqueue_indirect_dma source(%dma_start3A_353 : memref<10000x128xf32, #tpu.memory_space<hbm>>) target(%dma_start3A_345 : memref<32x128xf32, #tpu.memory_space<vmem>>) offsets(%dma_start3A_350 : memref<32xi32, #tpu.memory_space<vmem>>) semaphore(%arg16 : memref<!tpu.dma_semaphore, #tpu.memory_space<semaphore_mem>>)
        %dma_start3A_354 = arith.constant 0 : i32
        %dma_start3A_355 = arith.constant 0 : i32
        %dma_start3A_356 = arith.constant 0 : i32
        %dma_start3A_357 = arith.constant 0 : i32
        %dma_start3A_358 = tpu.memref_slice %arg10[%dma_start3A_355, %dma_start3A_356, %dma_start3A_357] : memref<2x128x128xf32, #tpu.memory_space<vmem>> -> memref<1x128x128xf32, #tpu.memory_space<vmem>>
        %dma_start3A_359 = tpu.memref_squeeze %dma_start3A_358 : memref<1x128x128xf32, #tpu.memory_space<vmem>> -> memref<128x128xf32, #tpu.memory_space<vmem>>
        %dma_start3A_360 = arith.constant 32 : i32
        %dma_start3A_361 = arith.constant 0 : i32
        %dma_start3A_362 = tpu.memref_slice %dma_start3A_359[%dma_start3A_360, %dma_start3A_361] : memref<128x128xf32, #tpu.memory_space<vmem>> -> memref<32x128xf32, #tpu.memory_space<vmem>>
        %dma_start3A_363 = arith.constant 0 : i32
        %dma_start3A_364 = tpu.memref_slice %arg8[%dma_start3A_354, %dma_start3A_363] : memref<4x128xi32, #tpu.memory_space<vmem>> -> memref<1x128xi32, #tpu.memory_space<vmem>>
        %dma_start3A_365 = tpu.memref_squeeze %dma_start3A_364 : memref<1x128xi32, #tpu.memory_space<vmem>> -> memref<128xi32, #tpu.memory_space<vmem>>
        %dma_start3A_366 = arith.constant 32 : i32
        %dma_start3A_367 = tpu.memref_slice %dma_start3A_365[%dma_start3A_366] : memref<128xi32, #tpu.memory_space<vmem>> -> memref<32xi32, #tpu.memory_space<vmem>>
        %dma_start3A_368 = arith.constant 0 : i32
        %dma_start3A_369 = arith.constant 0 : i32
        %dma_start3A_370 = tpu.memref_slice %arg2[%dma_start3A_368, %dma_start3A_369] : memref<10000x128xf32, #tpu.memory_space<hbm>> -> memref<10000x128xf32, #tpu.memory_space<hbm>>
        tpu.enqueue_indirect_dma source(%dma_start3A_370 : memref<10000x128xf32, #tpu.memory_space<hbm>>) target(%dma_start3A_362 : memref<32x128xf32, #tpu.memory_space<vmem>>) offsets(%dma_start3A_367 : memref<32xi32, #tpu.memory_space<vmem>>) semaphore(%arg16 : memref<!tpu.dma_semaphore, #tpu.memory_space<semaphore_mem>>)
        %dma_start3A_371 = arith.constant 0 : i32
        %dma_start3A_372 = arith.constant 0 : i32
        %dma_start3A_373 = arith.constant 0 : i32
        %dma_start3A_374 = arith.constant 0 : i32
        %dma_start3A_375 = tpu.memref_slice %arg10[%dma_start3A_372, %dma_start3A_373, %dma_start3A_374] : memref<2x128x128xf32, #tpu.memory_space<vmem>> -> memref<1x128x128xf32, #tpu.memory_space<vmem>>
        %dma_start3A_376 = tpu.memref_squeeze %dma_start3A_375 : memref<1x128x128xf32, #tpu.memory_space<vmem>> -> memref<128x128xf32, #tpu.memory_space<vmem>>
        %dma_start3A_377 = arith.constant 64 : i32
        %dma_start3A_378 = arith.constant 0 : i32
        %dma_start3A_379 = tpu.memref_slice %dma_start3A_376[%dma_start3A_377, %dma_start3A_378] : memref<128x128xf32, #tpu.memory_space<vmem>> -> memref<32x128xf32, #tpu.memory_space<vmem>>
        %dma_start3A_380 = arith.constant 0 : i32
        %dma_start3A_381 = tpu.memref_slice %arg8[%dma_start3A_371, %dma_start3A_380] : memref<4x128xi32, #tpu.memory_space<vmem>> -> memref<1x128xi32, #tpu.memory_space<vmem>>
        %dma_start3A_382 = tpu.memref_squeeze %dma_start3A_381 : memref<1x128xi32, #tpu.memory_space<vmem>> -> memref<128xi32, #tpu.memory_space<vmem>>
        %dma_start3A_383 = arith.constant 64 : i32
        %dma_start3A_384 = tpu.memref_slice %dma_start3A_382[%dma_start3A_383] : memref<128xi32, #tpu.memory_space<vmem>> -> memref<32xi32, #tpu.memory_space<vmem>>
        %dma_start3A_385 = arith.constant 0 : i32
        %dma_start3A_386 = arith.constant 0 : i32
        %dma_start3A_387 = tpu.memref_slice %arg2[%dma_start3A_385, %dma_start3A_386] : memref<10000x128xf32, #tpu.memory_space<hbm>> -> memref<10000x128xf32, #tpu.memory_space<hbm>>
        tpu.enqueue_indirect_dma source(%dma_start3A_387 : memref<10000x128xf32, #tpu.memory_space<hbm>>) target(%dma_start3A_379 : memref<32x128xf32, #tpu.memory_space<vmem>>) offsets(%dma_start3A_384 : memref<32xi32, #tpu.memory_space<vmem>>) semaphore(%arg16 : memref<!tpu.dma_semaphore, #tpu.memory_space<semaphore_mem>>)
        %dma_start3A_388 = arith.constant 0 : i32
        %dma_start3A_389 = arith.constant 0 : i32
        %dma_start3A_390 = arith.constant 0 : i32
        %dma_start3A_391 = arith.constant 0 : i32
        %dma_start3A_392 = tpu.memref_slice %arg10[%dma_start3A_389, %dma_start3A_390, %dma_start3A_391] : memref<2x128x128xf32, #tpu.memory_space<vmem>> -> memref<1x128x128xf32, #tpu.memory_space<vmem>>
        %dma_start3A_393 = tpu.memref_squeeze %dma_start3A_392 : memref<1x128x128xf32, #tpu.memory_space<vmem>> -> memref<128x128xf32, #tpu.memory_space<vmem>>
        %dma_start3A_394 = arith.constant 96 : i32
        %dma_start3A_395 = arith.constant 0 : i32
        %dma_start3A_396 = tpu.memref_slice %dma_start3A_393[%dma_start3A_394, %dma_start3A_395] : memref<128x128xf32, #tpu.memory_space<vmem>> -> memref<32x128xf32, #tpu.memory_space<vmem>>
        %dma_start3A_397 = arith.constant 0 : i32
        %dma_start3A_398 = tpu.memref_slice %arg8[%dma_start3A_388, %dma_start3A_397] : memref<4x128xi32, #tpu.memory_space<vmem>> -> memref<1x128xi32, #tpu.memory_space<vmem>>
        %dma_start3A_399 = tpu.memref_squeeze %dma_start3A_398 : memref<1x128xi32, #tpu.memory_space<vmem>> -> memref<128xi32, #tpu.memory_space<vmem>>
        %dma_start3A_400 = arith.constant 96 : i32
        %dma_start3A_401 = tpu.memref_slice %dma_start3A_399[%dma_start3A_400] : memref<128xi32, #tpu.memory_space<vmem>> -> memref<32xi32, #tpu.memory_space<vmem>>
        %dma_start3A_402 = arith.constant 0 : i32
        %dma_start3A_403 = arith.constant 0 : i32
        %dma_start3A_404 = tpu.memref_slice %arg2[%dma_start3A_402, %dma_start3A_403] : memref<10000x128xf32, #tpu.memory_space<hbm>> -> memref<10000x128xf32, #tpu.memory_space<hbm>>
        tpu.enqueue_indirect_dma source(%dma_start3A_404 : memref<10000x128xf32, #tpu.memory_space<hbm>>) target(%dma_start3A_396 : memref<32x128xf32, #tpu.memory_space<vmem>>) offsets(%dma_start3A_401 : memref<32xi32, #tpu.memory_space<vmem>>) semaphore(%arg16 : memref<!tpu.dma_semaphore, #tpu.memory_space<semaphore_mem>>)
      } else {
      }
    }
    %scan3A_118 = arith.constant 20 : i32
    %dma_wait3A_119 = arith.constant 1 : i32
    %dma_wait3A_120 = arith.constant 79 : i32
    %dma_wait3A_121 = arith.constant 0 : i32
    %dma_wait3A_122 = arith.constant 0 : i32
    %dma_wait3A_123 = tpu.memref_slice %arg10[%dma_wait3A_119, %dma_wait3A_121, %dma_wait3A_122] : memref<2x128x128xf32, #tpu.memory_space<vmem>> -> memref<1x128x128xf32, #tpu.memory_space<vmem>>
    %dma_wait3A_124 = tpu.memref_squeeze %dma_wait3A_123 : memref<1x128x128xf32, #tpu.memory_space<vmem>> -> memref<128x128xf32, #tpu.memory_space<vmem>>
    %dma_wait3A_125 = arith.constant 0 : i32
    %dma_wait3A_126 = arith.constant 0 : i32
    %dma_wait3A_127 = tpu.memref_slice %dma_wait3A_124[%dma_wait3A_125, %dma_wait3A_126] : memref<128x128xf32, #tpu.memory_space<vmem>> -> memref<125x128xf32, #tpu.memory_space<vmem>>
    %dma_wait3A_128 = arith.constant 0 : i32
    %dma_wait3A_129 = tpu.memref_slice %arg9[%dma_wait3A_120, %dma_wait3A_128] : memref<80x125xi32, #tpu.memory_space<vmem>> -> memref<1x125xi32, #tpu.memory_space<vmem>>
    %dma_wait3A_130 = tpu.memref_squeeze %dma_wait3A_129 : memref<1x125xi32, #tpu.memory_space<vmem>> -> memref<125xi32, #tpu.memory_space<vmem>>
    %dma_wait3A_131 = arith.constant 0 : i32
    %dma_wait3A_132 = arith.constant 0 : i32
    %dma_wait3A_133 = tpu.memref_slice %arg11[%dma_wait3A_131, %dma_wait3A_132] : memref<10000x128xf32, #tpu.memory_space<vmem_shared>> -> memref<10000x128xf32, #tpu.memory_space<vmem_shared>>
    tpu.wait_indirect_dma semaphore(%arg19 : memref<!tpu.dma_semaphore, #tpu.memory_space<semaphore_mem>>) src(%dma_wait3A_127 : memref<125x128xf32, #tpu.memory_space<vmem>>) dst(%dma_wait3A_133 : memref<10000x128xf32, #tpu.memory_space<vmem_shared>>)
    %barrier3A_134 = arith.constant 0 : index
    tpu.barrier barrier_id(%barrier3A_134)
    %eq3A_135 = arith.constant 0 : i32
    %eq3A_136 = arith.cmpi eq, %arg0, %eq3A_135 : i32
    %convert_element_type3A_137 = arith.extui %eq3A_136 : i1 to i32
    %cond3A_138 = arith.constant 0 : i32
    %cond3A_139 = arith.cmpi ne, %convert_element_type3A_137, %cond3A_138 : i32
    scf.if %cond3A_139 {
      %lt3A_145 = arith.constant 15 : i32
      %lt3A_146 = arith.cmpi slt, %arg1, %lt3A_145 : i32
      %convert_element_type3A_147 = arith.extui %lt3A_146 : i1 to i32
      %cond3A_148 = arith.constant 0 : i32
      %cond3A_149 = arith.cmpi ne, %convert_element_type3A_147, %cond3A_148 : i32
      scf.if %cond3A_149 {
        %mul3A_155 = arith.constant 632 : i32
        %mul3A_156 = arith.muli %arg1, %mul3A_155 : i32
        "tpu.region"() ({
          %run_scoped3A = tpu.sem_alloc : memref<!tpu.dma_semaphore, #tpu.memory_space<semaphore_mem>>
          %dma_start3A_157 = arith.constant 0 : i32
          %dma_start3A_158 = tpu.memref_slice %arg6[%mul3A_156, %dma_start3A_157] : memref<10000x128xf32, #tpu.memory_space<hbm>> -> memref<632x128xf32, #tpu.memory_space<hbm>>
          %dma_start3A_159 = arith.constant 0 : i32
          %dma_start3A_160 = tpu.memref_slice %arg11[%mul3A_156, %dma_start3A_159] : memref<10000x128xf32, #tpu.memory_space<vmem_shared>> -> memref<632x128xf32, #tpu.memory_space<vmem_shared>>
          tpu.enqueue_dma source(%dma_start3A_160 : memref<632x128xf32, #tpu.memory_space<vmem_shared>>) target(%dma_start3A_158 : memref<632x128xf32, #tpu.memory_space<hbm>>) target_semaphore(%run_scoped3A : memref<!tpu.dma_semaphore, #tpu.memory_space<semaphore_mem>>)
          %dma_wait3A_161 = arith.constant 0 : i32
          %dma_wait3A_162 = tpu.memref_slice %arg6[%mul3A_156, %dma_wait3A_161] : memref<10000x128xf32, #tpu.memory_space<hbm>> -> memref<632x128xf32, #tpu.memory_space<hbm>>
          %dma_wait3A_163 = arith.constant 0 : i32
          %dma_wait3A_164 = tpu.memref_slice %arg11[%mul3A_156, %dma_wait3A_163] : memref<10000x128xf32, #tpu.memory_space<vmem_shared>> -> memref<632x128xf32, #tpu.memory_space<vmem_shared>>
          tpu.wait_dma2 semaphore(%run_scoped3A : memref<!tpu.dma_semaphore, #tpu.memory_space<semaphore_mem>>) src(%dma_wait3A_164 : memref<632x128xf32, #tpu.memory_space<vmem_shared>>) dst(%dma_wait3A_162 : memref<632x128xf32, #tpu.memory_space<hbm>>)
          tpu.yield
        }) : () -> ()
      } else {
      }
      %eq3A_150 = arith.constant 15 : i32
      %eq3A_151 = arith.cmpi eq, %arg1, %eq3A_150 : i32
      %convert_element_type3A_152 = arith.extui %eq3A_151 : i1 to i32
      %cond3A_153 = arith.constant 0 : i32
      %cond3A_154 = arith.cmpi ne, %convert_element_type3A_152, %cond3A_153 : i32
      scf.if %cond3A_154 {
        "tpu.region"() ({
          %run_scoped3A = tpu.sem_alloc : memref<!tpu.dma_semaphore, #tpu.memory_space<semaphore_mem>>
          %dma_start3A_155 = arith.constant 9480 : i32
          %dma_start3A_156 = arith.constant 0 : i32
          %dma_start3A_157 = tpu.memref_slice %arg6[%dma_start3A_155, %dma_start3A_156] : memref<10000x128xf32, #tpu.memory_space<hbm>> -> memref<520x128xf32, #tpu.memory_space<hbm>>
          %dma_start3A_158 = arith.constant 9480 : i32
          %dma_start3A_159 = arith.constant 0 : i32
          %dma_start3A_160 = tpu.memref_slice %arg11[%dma_start3A_158, %dma_start3A_159] : memref<10000x128xf32, #tpu.memory_space<vmem_shared>> -> memref<520x128xf32, #tpu.memory_space<vmem_shared>>
          tpu.enqueue_dma source(%dma_start3A_160 : memref<520x128xf32, #tpu.memory_space<vmem_shared>>) target(%dma_start3A_157 : memref<520x128xf32, #tpu.memory_space<hbm>>) target_semaphore(%run_scoped3A : memref<!tpu.dma_semaphore, #tpu.memory_space<semaphore_mem>>)
          %dma_wait3A_161 = arith.constant 9480 : i32
          %dma_wait3A_162 = arith.constant 0 : i32
          %dma_wait3A_163 = tpu.memref_slice %arg6[%dma_wait3A_161, %dma_wait3A_162] : memref<10000x128xf32, #tpu.memory_space<hbm>> -> memref<520x128xf32, #tpu.memory_space<hbm>>
          %dma_wait3A_164 = arith.constant 9480 : i32
          %dma_wait3A_165 = arith.constant 0 : i32
          %dma_wait3A_166 = tpu.memref_slice %arg11[%dma_wait3A_164, %dma_wait3A_165] : memref<10000x128xf32, #tpu.memory_space<vmem_shared>> -> memref<520x128xf32, #tpu.memory_space<vmem_shared>>
          tpu.wait_dma2 semaphore(%run_scoped3A : memref<!tpu.dma_semaphore, #tpu.memory_space<semaphore_mem>>) src(%dma_wait3A_166 : memref<520x128xf32, #tpu.memory_space<vmem_shared>>) dst(%dma_wait3A_163 : memref<520x128xf32, #tpu.memory_space<hbm>>)
          tpu.yield
        }) : () -> ()
      } else {
      }
    } else {
    }
    %eq3A_140 = arith.constant 1 : i32
    %eq3A_141 = arith.cmpi eq, %arg0, %eq3A_140 : i32
    %convert_element_type3A_142 = arith.extui %eq3A_141 : i1 to i32
    %cond3A_143 = arith.constant 0 : i32
    %cond3A_144 = arith.cmpi ne, %convert_element_type3A_142, %cond3A_143 : i32
    scf.if %cond3A_144 {
      %lt3A_145 = arith.constant 15 : i32
      %lt3A_146 = arith.cmpi slt, %arg1, %lt3A_145 : i32
      %convert_element_type3A_147 = arith.extui %lt3A_146 : i1 to i32
      %cond3A_148 = arith.constant 0 : i32
      %cond3A_149 = arith.cmpi ne, %convert_element_type3A_147, %cond3A_148 : i32
      scf.if %cond3A_149 {
        %mul3A_155 = arith.constant 632 : i32
        %mul3A_156 = arith.muli %arg1, %mul3A_155 : i32
        "tpu.region"() ({
          %run_scoped3A = tpu.sem_alloc : memref<!tpu.dma_semaphore, #tpu.memory_space<semaphore_mem>>
          %dma_start3A_157 = arith.constant 0 : i32
          %dma_start3A_158 = tpu.memref_slice %arg7[%mul3A_156, %dma_start3A_157] : memref<10000x128xf32, #tpu.memory_space<hbm>> -> memref<632x128xf32, #tpu.memory_space<hbm>>
          %dma_start3A_159 = arith.constant 0 : i32
          %dma_start3A_160 = tpu.memref_slice %arg11[%mul3A_156, %dma_start3A_159] : memref<10000x128xf32, #tpu.memory_space<vmem_shared>> -> memref<632x128xf32, #tpu.memory_space<vmem_shared>>
          tpu.enqueue_dma source(%dma_start3A_160 : memref<632x128xf32, #tpu.memory_space<vmem_shared>>) target(%dma_start3A_158 : memref<632x128xf32, #tpu.memory_space<hbm>>) target_semaphore(%run_scoped3A : memref<!tpu.dma_semaphore, #tpu.memory_space<semaphore_mem>>)
          %dma_wait3A_161 = arith.constant 0 : i32
          %dma_wait3A_162 = tpu.memref_slice %arg7[%mul3A_156, %dma_wait3A_161] : memref<10000x128xf32, #tpu.memory_space<hbm>> -> memref<632x128xf32, #tpu.memory_space<hbm>>
          %dma_wait3A_163 = arith.constant 0 : i32
          %dma_wait3A_164 = tpu.memref_slice %arg11[%mul3A_156, %dma_wait3A_163] : memref<10000x128xf32, #tpu.memory_space<vmem_shared>> -> memref<632x128xf32, #tpu.memory_space<vmem_shared>>
          tpu.wait_dma2 semaphore(%run_scoped3A : memref<!tpu.dma_semaphore, #tpu.memory_space<semaphore_mem>>) src(%dma_wait3A_164 : memref<632x128xf32, #tpu.memory_space<vmem_shared>>) dst(%dma_wait3A_162 : memref<632x128xf32, #tpu.memory_space<hbm>>)
          tpu.yield
        }) : () -> ()
      } else {
      }
      %eq3A_150 = arith.constant 15 : i32
      %eq3A_151 = arith.cmpi eq, %arg1, %eq3A_150 : i32
      %convert_element_type3A_152 = arith.extui %eq3A_151 : i1 to i32
      %cond3A_153 = arith.constant 0 : i32
      %cond3A_154 = arith.cmpi ne, %convert_element_type3A_152, %cond3A_153 : i32
      scf.if %cond3A_154 {
        "tpu.region"() ({
          %run_scoped3A = tpu.sem_alloc : memref<!tpu.dma_semaphore, #tpu.memory_space<semaphore_mem>>
          %dma_start3A_155 = arith.constant 9480 : i32
          %dma_start3A_156 = arith.constant 0 : i32
          %dma_start3A_157 = tpu.memref_slice %arg7[%dma_start3A_155, %dma_start3A_156] : memref<10000x128xf32, #tpu.memory_space<hbm>> -> memref<520x128xf32, #tpu.memory_space<hbm>>
          %dma_start3A_158 = arith.constant 9480 : i32
          %dma_start3A_159 = arith.constant 0 : i32
          %dma_start3A_160 = tpu.memref_slice %arg11[%dma_start3A_158, %dma_start3A_159] : memref<10000x128xf32, #tpu.memory_space<vmem_shared>> -> memref<520x128xf32, #tpu.memory_space<vmem_shared>>
          tpu.enqueue_dma source(%dma_start3A_160 : memref<520x128xf32, #tpu.memory_space<vmem_shared>>) target(%dma_start3A_157 : memref<520x128xf32, #tpu.memory_space<hbm>>) target_semaphore(%run_scoped3A : memref<!tpu.dma_semaphore, #tpu.memory_space<semaphore_mem>>)
          %dma_wait3A_161 = arith.constant 9480 : i32
          %dma_wait3A_162 = arith.constant 0 : i32
          %dma_wait3A_163 = tpu.memref_slice %arg7[%dma_wait3A_161, %dma_wait3A_162] : memref<10000x128xf32, #tpu.memory_space<hbm>> -> memref<520x128xf32, #tpu.memory_space<hbm>>
          %dma_wait3A_164 = arith.constant 9480 : i32
          %dma_wait3A_165 = arith.constant 0 : i32
          %dma_wait3A_166 = tpu.memref_slice %arg11[%dma_wait3A_164, %dma_wait3A_165] : memref<10000x128xf32, #tpu.memory_space<vmem_shared>> -> memref<520x128xf32, #tpu.memory_space<vmem_shared>>
          tpu.wait_dma2 semaphore(%run_scoped3A : memref<!tpu.dma_semaphore, #tpu.memory_space<semaphore_mem>>) src(%dma_wait3A_166 : memref<520x128xf32, #tpu.memory_space<vmem_shared>>) dst(%dma_wait3A_163 : memref<520x128xf32, #tpu.memory_space<hbm>>)
          tpu.yield
        }) : () -> ()
      } else {
      }
    } else {
    }
    return
  }
}

module attributes {stable_mosaic.version = 14 : i64} {
  func.func @_mlp_body(%arg0: i32, %arg1: memref<2000x128xf32, #tpu.memory_space<vmem>>, %arg2: memref<2000x128xf32, #tpu.memory_space<vmem>>, %arg3: memref<2000x128xf32, #tpu.memory_space<vmem>>, %arg4: memref<128x128xf32, #tpu.memory_space<vmem>>, %arg5: memref<1x128xf32, #tpu.memory_space<vmem>>, %arg6: memref<128x128xf32, #tpu.memory_space<vmem>>, %arg7: memref<1x128xf32, #tpu.memory_space<vmem>>, %arg8: memref<1x128xf32, #tpu.memory_space<vmem>>, %arg9: memref<1x128xf32, #tpu.memory_space<vmem>>, %arg10: memref<1x128xf32, #tpu.memory_space<vmem>>, %arg11: memref<1x128xf32, #tpu.memory_space<vmem>>, %arg12: memref<2000x128xf32, #tpu.memory_space<vmem>>) attributes {dimension_semantics = [#tpu.dimension_semantics<arbitrary>], iteration_bounds = array<i64: 5>, scalar_prefetch = 0 : i64, scratch_operands = 0 : i64, tpu.core_type = #tpu.core_type<tc>, window_params = [{transform_indices = @transform_0, window_bounds = array<i64: 2000, 128>}, {transform_indices = @transform_1, window_bounds = array<i64: 2000, 128>}, {transform_indices = @transform_2, window_bounds = array<i64: 2000, 128>}, {pipeline_mode = #tpu.pipeline_mode<synchronous>, transform_indices = @transform_3, window_bounds = array<i64: 128, 128>}, {pipeline_mode = #tpu.pipeline_mode<synchronous>, transform_indices = @transform_4, window_bounds = array<i64: 1, 128>}, {pipeline_mode = #tpu.pipeline_mode<synchronous>, transform_indices = @transform_5, window_bounds = array<i64: 128, 128>}, {pipeline_mode = #tpu.pipeline_mode<synchronous>, transform_indices = @transform_6, window_bounds = array<i64: 1, 128>}, {pipeline_mode = #tpu.pipeline_mode<synchronous>, transform_indices = @transform_7, window_bounds = array<i64: 1, 128>}, {pipeline_mode = #tpu.pipeline_mode<synchronous>, transform_indices = @transform_8, window_bounds = array<i64: 1, 128>}, {pipeline_mode = #tpu.pipeline_mode<synchronous>, transform_indices = @transform_9, window_bounds = array<i64: 1, 128>}, {pipeline_mode = #tpu.pipeline_mode<synchronous>, transform_indices = @transform_10, window_bounds = array<i64: 1, 128>}, {transform_indices = @transform_11, window_bounds = array<i64: 2000, 128>}]} {
    %get3A = arith.constant 0 : index
    %get3A_0 = arith.constant 0 : index
    %get3A_1 = vector.load %arg1[%get3A, %get3A_0] : memref<2000x128xf32, #tpu.memory_space<vmem>>, vector<2000x128xf32>
    %get3A_2 = arith.constant 0 : index
    %get3A_3 = arith.constant 0 : index
    %get3A_4 = vector.load %arg2[%get3A_2, %get3A_3] : memref<2000x128xf32, #tpu.memory_space<vmem>>, vector<2000x128xf32>
    %add3A = arith.addf %get3A_1, %get3A_4 : vector<2000x128xf32>
    %get3A_5 = arith.constant 0 : index
    %get3A_6 = arith.constant 0 : index
    %get3A_7 = vector.load %arg3[%get3A_5, %get3A_6] : memref<2000x128xf32, #tpu.memory_space<vmem>>, vector<2000x128xf32>
    %add3A_8 = arith.addf %add3A, %get3A_7 : vector<2000x128xf32>
    %get3A_9 = arith.constant 0 : index
    %get3A_10 = arith.constant 0 : index
    %get3A_11 = vector.load %arg4[%get3A_9, %get3A_10] : memref<128x128xf32, #tpu.memory_space<vmem>>, vector<128x128xf32>
    %dot_general3A = arith.constant dense<0.000000e+00> : vector<2000x128xf32>
    %dot_general3A_12 = tpu.matmul %add3A_8, %get3A_11, %dot_general3A {dimension_numbers = #tpu.dot_dimension_numbers<[1], [0], [0], [1], [0, 0, 1, 1], [], []>, transpose_lhs_hint = false} : vector<2000x128xf32>, vector<128x128xf32>, vector<2000x128xf32> -> vector<2000x128xf32>
    %get3A_13 = arith.constant 0 : index
    %get3A_14 = arith.constant 0 : index
    %get3A_15 = vector.load %arg5[%get3A_13, %get3A_14] : memref<1x128xf32, #tpu.memory_space<vmem>>, vector<1x128xf32>
    %add3A_16 = vector.broadcast %get3A_15 : vector<1x128xf32> to vector<2000x128xf32>
    %add3A_17 = arith.addf %dot_general3A_12, %add3A_16 : vector<2000x128xf32>
    %max3A = arith.constant 0.000000e+00 : f32
    %max3A_18 = vector.broadcast %max3A : f32 to vector<2000x128xf32>
    %max3A_19 = arith.maximumf %add3A_17, %max3A_18 : vector<2000x128xf32>
    %get3A_20 = arith.constant 0 : index
    %get3A_21 = arith.constant 0 : index
    %get3A_22 = vector.load %arg6[%get3A_20, %get3A_21] : memref<128x128xf32, #tpu.memory_space<vmem>>, vector<128x128xf32>
    %dot_general3A_23 = arith.constant dense<0.000000e+00> : vector<2000x128xf32>
    %dot_general3A_24 = tpu.matmul %max3A_19, %get3A_22, %dot_general3A_23 {dimension_numbers = #tpu.dot_dimension_numbers<[1], [0], [0], [1], [0, 0, 1, 1], [], []>, transpose_lhs_hint = false} : vector<2000x128xf32>, vector<128x128xf32>, vector<2000x128xf32> -> vector<2000x128xf32>
    %get3A_25 = arith.constant 0 : index
    %get3A_26 = arith.constant 0 : index
    %get3A_27 = vector.load %arg7[%get3A_25, %get3A_26] : memref<1x128xf32, #tpu.memory_space<vmem>>, vector<1x128xf32>
    %add3A_28 = vector.broadcast %get3A_27 : vector<1x128xf32> to vector<2000x128xf32>
    %add3A_29 = arith.addf %dot_general3A_24, %add3A_28 : vector<2000x128xf32>
    %get3A_30 = arith.constant 0 : index
    %get3A_31 = arith.constant 0 : index
    %get3A_32 = vector.load %arg10[%get3A_30, %get3A_31] : memref<1x128xf32, #tpu.memory_space<vmem>>, vector<1x128xf32>
    %sub3A = vector.broadcast %get3A_32 : vector<1x128xf32> to vector<2000x128xf32>
    %sub3A_33 = arith.subf %add3A_29, %sub3A : vector<2000x128xf32>
    %get3A_34 = arith.constant 0 : index
    %get3A_35 = arith.constant 0 : index
    %get3A_36 = vector.load %arg11[%get3A_34, %get3A_35] : memref<1x128xf32, #tpu.memory_space<vmem>>, vector<1x128xf32>
    %add3A_37 = arith.constant 9.99999974E-6 : f32
    %add3A_38 = vector.broadcast %add3A_37 : f32 to vector<1x128xf32>
    %add3A_39 = arith.addf %get3A_36, %add3A_38 : vector<1x128xf32>
    %rsqrt3A = math.rsqrt %add3A_39 : vector<1x128xf32>
    %mul3A = vector.broadcast %rsqrt3A : vector<1x128xf32> to vector<2000x128xf32>
    %mul3A_40 = arith.mulf %sub3A_33, %mul3A : vector<2000x128xf32>
    %get3A_41 = arith.constant 0 : index
    %get3A_42 = arith.constant 0 : index
    %get3A_43 = vector.load %arg8[%get3A_41, %get3A_42] : memref<1x128xf32, #tpu.memory_space<vmem>>, vector<1x128xf32>
    %mul3A_44 = vector.broadcast %get3A_43 : vector<1x128xf32> to vector<2000x128xf32>
    %mul3A_45 = arith.mulf %mul3A_40, %mul3A_44 : vector<2000x128xf32>
    %get3A_46 = arith.constant 0 : index
    %get3A_47 = arith.constant 0 : index
    %get3A_48 = vector.load %arg9[%get3A_46, %get3A_47] : memref<1x128xf32, #tpu.memory_space<vmem>>, vector<1x128xf32>
    %add3A_49 = vector.broadcast %get3A_48 : vector<1x128xf32> to vector<2000x128xf32>
    %add3A_50 = arith.addf %mul3A_45, %add3A_49 : vector<2000x128xf32>
    %max3A_51 = arith.constant 0.000000e+00 : f32
    %max3A_52 = vector.broadcast %max3A_51 : f32 to vector<2000x128xf32>
    %max3A_53 = arith.maximumf %add3A_50, %max3A_52 : vector<2000x128xf32>
    %swap3A = arith.constant 0 : index
    %swap3A_54 = arith.constant 0 : index
    %swap3A_55 = vector.load %arg12[%swap3A, %swap3A_54] : memref<2000x128xf32, #tpu.memory_space<vmem>>, vector<2000x128xf32>
    tpu.vector_store %arg12[%swap3A, %swap3A_54], %max3A_53 {strides = array<i32>} : memref<2000x128xf32, #tpu.memory_space<vmem>>, vector<2000x128xf32>,
    return
  }
  func.func @transform_0(%arg0: i32) -> (i32, i32) {
    %c0_i32 = arith.constant 0 : i32
    %c0_i32_0 = arith.constant 0 : i32
    return %arg0, %c0_i32 : i32, i32
  }
  func.func @transform_1(%arg0: i32) -> (i32, i32) {
    %c0_i32 = arith.constant 0 : i32
    %c0_i32_0 = arith.constant 0 : i32
    return %arg0, %c0_i32 : i32, i32
  }
  func.func @transform_2(%arg0: i32) -> (i32, i32) {
    %c0_i32 = arith.constant 0 : i32
    %c0_i32_0 = arith.constant 0 : i32
    return %arg0, %c0_i32 : i32, i32
  }
  func.func @transform_3(%arg0: i32) -> (i32, i32) {
    %c0_i32 = arith.constant 0 : i32
    %c0_i32_0 = arith.constant 0 : i32
    %c0_i32_1 = arith.constant 0 : i32
    return %c0_i32, %c0_i32_0 : i32, i32
  }
  func.func @transform_4(%arg0: i32) -> (i32, i32) {
    %c0_i32 = arith.constant 0 : i32
    %c0_i32_0 = arith.constant 0 : i32
    %c0_i32_1 = arith.constant 0 : i32
    return %c0_i32, %c0_i32_0 : i32, i32
  }
  func.func @transform_5(%arg0: i32) -> (i32, i32) {
    %c0_i32 = arith.constant 0 : i32
    %c0_i32_0 = arith.constant 0 : i32
    %c0_i32_1 = arith.constant 0 : i32
    return %c0_i32, %c0_i32_0 : i32, i32
  }
  func.func @transform_6(%arg0: i32) -> (i32, i32) {
    %c0_i32 = arith.constant 0 : i32
    %c0_i32_0 = arith.constant 0 : i32
    %c0_i32_1 = arith.constant 0 : i32
    return %c0_i32, %c0_i32_0 : i32, i32
  }
  func.func @transform_7(%arg0: i32) -> (i32, i32) {
    %c0_i32 = arith.constant 0 : i32
    %c0_i32_0 = arith.constant 0 : i32
    %c0_i32_1 = arith.constant 0 : i32
    return %c0_i32, %c0_i32_0 : i32, i32
  }
  func.func @transform_8(%arg0: i32) -> (i32, i32) {
    %c0_i32 = arith.constant 0 : i32
    %c0_i32_0 = arith.constant 0 : i32
    %c0_i32_1 = arith.constant 0 : i32
    return %c0_i32, %c0_i32_0 : i32, i32
  }
  func.func @transform_9(%arg0: i32) -> (i32, i32) {
    %c0_i32 = arith.constant 0 : i32
    %c0_i32_0 = arith.constant 0 : i32
    %c0_i32_1 = arith.constant 0 : i32
    return %c0_i32, %c0_i32_0 : i32, i32
  }
  func.func @transform_10(%arg0: i32) -> (i32, i32) {
    %c0_i32 = arith.constant 0 : i32
    %c0_i32_0 = arith.constant 0 : i32
    %c0_i32_1 = arith.constant 0 : i32
    return %c0_i32, %c0_i32_0 : i32, i32
  }
  func.func @transform_11(%arg0: i32) -> (i32, i32) {
    %c0_i32 = arith.constant 0 : i32
    %c0_i32_0 = arith.constant 0 : i32
    return %arg0, %c0_i32 : i32, i32
  }
}

module attributes {stable_mosaic.version = 14 : i64} {
  func.func @_mlp_pool_body(%arg0: i32, %arg1: memref<2000x128xf32, #tpu.memory_space<vmem>>, %arg2: memref<2000x128xf32, #tpu.memory_space<vmem>>, %arg3: memref<2000x128xf32, #tpu.memory_space<vmem>>, %arg4: memref<128x128xf32, #tpu.memory_space<vmem>>, %arg5: memref<1x128xf32, #tpu.memory_space<vmem>>, %arg6: memref<128x128xf32, #tpu.memory_space<vmem>>, %arg7: memref<1x128xf32, #tpu.memory_space<vmem>>, %arg8: memref<1x128xf32, #tpu.memory_space<vmem>>, %arg9: memref<1x128xf32, #tpu.memory_space<vmem>>, %arg10: memref<1x128xf32, #tpu.memory_space<vmem>>, %arg11: memref<1x128xf32, #tpu.memory_space<vmem>>, %arg12: memref<128x128xf32, #tpu.memory_space<vmem>>, %arg13: memref<1x128xf32, #tpu.memory_space<vmem>>, %arg14: memref<1x128xf32, #tpu.memory_space<vmem>>) attributes {dimension_semantics = [#tpu.dimension_semantics<arbitrary>], iteration_bounds = array<i64: 5>, scalar_prefetch = 0 : i64, scratch_operands = 0 : i64, tpu.core_type = #tpu.core_type<tc>, window_params = [{transform_indices = @transform_0, window_bounds = array<i64: 2000, 128>}, {transform_indices = @transform_1, window_bounds = array<i64: 2000, 128>}, {transform_indices = @transform_2, window_bounds = array<i64: 2000, 128>}, {pipeline_mode = #tpu.pipeline_mode<synchronous>, transform_indices = @transform_3, window_bounds = array<i64: 128, 128>}, {pipeline_mode = #tpu.pipeline_mode<synchronous>, transform_indices = @transform_4, window_bounds = array<i64: 1, 128>}, {pipeline_mode = #tpu.pipeline_mode<synchronous>, transform_indices = @transform_5, window_bounds = array<i64: 128, 128>}, {pipeline_mode = #tpu.pipeline_mode<synchronous>, transform_indices = @transform_6, window_bounds = array<i64: 1, 128>}, {pipeline_mode = #tpu.pipeline_mode<synchronous>, transform_indices = @transform_7, window_bounds = array<i64: 1, 128>}, {pipeline_mode = #tpu.pipeline_mode<synchronous>, transform_indices = @transform_8, window_bounds = array<i64: 1, 128>}, {pipeline_mode = #tpu.pipeline_mode<synchronous>, transform_indices = @transform_9, window_bounds = array<i64: 1, 128>}, {pipeline_mode = #tpu.pipeline_mode<synchronous>, transform_indices = @transform_10, window_bounds = array<i64: 1, 128>}, {pipeline_mode = #tpu.pipeline_mode<synchronous>, transform_indices = @transform_11, window_bounds = array<i64: 128, 128>}, {pipeline_mode = #tpu.pipeline_mode<synchronous>, transform_indices = @transform_12, window_bounds = array<i64: 1, 128>}, {pipeline_mode = #tpu.pipeline_mode<synchronous>, transform_indices = @transform_13, window_bounds = array<i64: 1, 128>}]} {
    %get3A = arith.constant 0 : index
    %get3A_0 = arith.constant 0 : index
    %get3A_1 = vector.load %arg1[%get3A, %get3A_0] : memref<2000x128xf32, #tpu.memory_space<vmem>>, vector<2000x128xf32>
    %get3A_2 = arith.constant 0 : index
    %get3A_3 = arith.constant 0 : index
    %get3A_4 = vector.load %arg2[%get3A_2, %get3A_3] : memref<2000x128xf32, #tpu.memory_space<vmem>>, vector<2000x128xf32>
    %add3A = arith.addf %get3A_1, %get3A_4 : vector<2000x128xf32>
    %get3A_5 = arith.constant 0 : index
    %get3A_6 = arith.constant 0 : index
    %get3A_7 = vector.load %arg3[%get3A_5, %get3A_6] : memref<2000x128xf32, #tpu.memory_space<vmem>>, vector<2000x128xf32>
    %add3A_8 = arith.addf %add3A, %get3A_7 : vector<2000x128xf32>
    %get3A_9 = arith.constant 0 : index
    %get3A_10 = arith.constant 0 : index
    %get3A_11 = vector.load %arg4[%get3A_9, %get3A_10] : memref<128x128xf32, #tpu.memory_space<vmem>>, vector<128x128xf32>
    %dot_general3A = arith.constant dense<0.000000e+00> : vector<2000x128xf32>
    %dot_general3A_12 = tpu.matmul %add3A_8, %get3A_11, %dot_general3A {dimension_numbers = #tpu.dot_dimension_numbers<[1], [0], [0], [1], [0, 0, 1, 1], [], []>, transpose_lhs_hint = false} : vector<2000x128xf32>, vector<128x128xf32>, vector<2000x128xf32> -> vector<2000x128xf32>
    %get3A_13 = arith.constant 0 : index
    %get3A_14 = arith.constant 0 : index
    %get3A_15 = vector.load %arg5[%get3A_13, %get3A_14] : memref<1x128xf32, #tpu.memory_space<vmem>>, vector<1x128xf32>
    %add3A_16 = vector.broadcast %get3A_15 : vector<1x128xf32> to vector<2000x128xf32>
    %add3A_17 = arith.addf %dot_general3A_12, %add3A_16 : vector<2000x128xf32>
    %max3A = arith.constant 0.000000e+00 : f32
    %max3A_18 = vector.broadcast %max3A : f32 to vector<2000x128xf32>
    %max3A_19 = arith.maximumf %add3A_17, %max3A_18 : vector<2000x128xf32>
    %get3A_20 = arith.constant 0 : index
    %get3A_21 = arith.constant 0 : index
    %get3A_22 = vector.load %arg6[%get3A_20, %get3A_21] : memref<128x128xf32, #tpu.memory_space<vmem>>, vector<128x128xf32>
    %dot_general3A_23 = arith.constant dense<0.000000e+00> : vector<2000x128xf32>
    %dot_general3A_24 = tpu.matmul %max3A_19, %get3A_22, %dot_general3A_23 {dimension_numbers = #tpu.dot_dimension_numbers<[1], [0], [0], [1], [0, 0, 1, 1], [], []>, transpose_lhs_hint = false} : vector<2000x128xf32>, vector<128x128xf32>, vector<2000x128xf32> -> vector<2000x128xf32>
    %get3A_25 = arith.constant 0 : index
    %get3A_26 = arith.constant 0 : index
    %get3A_27 = vector.load %arg7[%get3A_25, %get3A_26] : memref<1x128xf32, #tpu.memory_space<vmem>>, vector<1x128xf32>
    %add3A_28 = vector.broadcast %get3A_27 : vector<1x128xf32> to vector<2000x128xf32>
    %add3A_29 = arith.addf %dot_general3A_24, %add3A_28 : vector<2000x128xf32>
    %get3A_30 = arith.constant 0 : index
    %get3A_31 = arith.constant 0 : index
    %get3A_32 = vector.load %arg10[%get3A_30, %get3A_31] : memref<1x128xf32, #tpu.memory_space<vmem>>, vector<1x128xf32>
    %sub3A = vector.broadcast %get3A_32 : vector<1x128xf32> to vector<2000x128xf32>
    %sub3A_33 = arith.subf %add3A_29, %sub3A : vector<2000x128xf32>
    %get3A_34 = arith.constant 0 : index
    %get3A_35 = arith.constant 0 : index
    %get3A_36 = vector.load %arg11[%get3A_34, %get3A_35] : memref<1x128xf32, #tpu.memory_space<vmem>>, vector<1x128xf32>
    %add3A_37 = arith.constant 9.99999974E-6 : f32
    %add3A_38 = vector.broadcast %add3A_37 : f32 to vector<1x128xf32>
    %add3A_39 = arith.addf %get3A_36, %add3A_38 : vector<1x128xf32>
    %rsqrt3A = math.rsqrt %add3A_39 : vector<1x128xf32>
    %mul3A = vector.broadcast %rsqrt3A : vector<1x128xf32> to vector<2000x128xf32>
    %mul3A_40 = arith.mulf %sub3A_33, %mul3A : vector<2000x128xf32>
    %get3A_41 = arith.constant 0 : index
    %get3A_42 = arith.constant 0 : index
    %get3A_43 = vector.load %arg8[%get3A_41, %get3A_42] : memref<1x128xf32, #tpu.memory_space<vmem>>, vector<1x128xf32>
    %mul3A_44 = vector.broadcast %get3A_43 : vector<1x128xf32> to vector<2000x128xf32>
    %mul3A_45 = arith.mulf %mul3A_40, %mul3A_44 : vector<2000x128xf32>
    %get3A_46 = arith.constant 0 : index
    %get3A_47 = arith.constant 0 : index
    %get3A_48 = vector.load %arg9[%get3A_46, %get3A_47] : memref<1x128xf32, #tpu.memory_space<vmem>>, vector<1x128xf32>
    %add3A_49 = vector.broadcast %get3A_48 : vector<1x128xf32> to vector<2000x128xf32>
    %add3A_50 = arith.addf %mul3A_45, %add3A_49 : vector<2000x128xf32>
    %max3A_51 = arith.constant 0.000000e+00 : f32
    %max3A_52 = vector.broadcast %max3A_51 : f32 to vector<2000x128xf32>
    %max3A_53 = arith.maximumf %add3A_50, %max3A_52 : vector<2000x128xf32>
    %reduce_sum3A = arith.constant dense<0.000000e+00> : vector<128xf32>
    %reduce_sum3A_54 = vector.multi_reduction <add>, %max3A_53, %reduce_sum3A [0] : vector<2000x128xf32> to vector<128xf32>
    %broadcast_in_dim3A = vector.shape_cast %reduce_sum3A_54 : vector<128xf32> to vector<1x128xf32>
    %eq3A = arith.constant 0 : i32
    %eq3A_55 = arith.cmpi eq, %arg0, %eq3A : i32
    %convert_element_type3A = arith.extui %eq3A_55 : i1 to i32
    %cond3A = arith.constant 0 : i32
    %cond3A_56 = arith.cmpi ne, %convert_element_type3A, %cond3A : i32
    scf.if %cond3A_56 {
      %swap3A = arith.constant 0 : index
      %swap3A_66 = arith.constant 0 : index
      %swap3A_67 = vector.load %arg14[%swap3A, %swap3A_66] : memref<1x128xf32, #tpu.memory_space<vmem>>, vector<1x128xf32>
      tpu.vector_store %arg14[%swap3A, %swap3A_66], %broadcast_in_dim3A {strides = array<i32>} : memref<1x128xf32, #tpu.memory_space<vmem>>, vector<1x128xf32>,
    } else {
    }
    %gt3A = arith.constant 0 : i32
    %gt3A_57 = arith.cmpi sgt, %arg0, %gt3A : i32
    %convert_element_type3A_58 = arith.extui %gt3A_57 : i1 to i32
    %cond3A_59 = arith.constant 0 : i32
    %cond3A_60 = arith.cmpi ne, %convert_element_type3A_58, %cond3A_59 : i32
    scf.if %cond3A_60 {
      %get3A_66 = arith.constant 0 : index
      %get3A_67 = arith.constant 0 : index
      %get3A_68 = vector.load %arg14[%get3A_66, %get3A_67] : memref<1x128xf32, #tpu.memory_space<vmem>>, vector<1x128xf32>
      %add3A_69 = arith.addf %get3A_68, %broadcast_in_dim3A : vector<1x128xf32>
      %swap3A = arith.constant 0 : index
      %swap3A_70 = arith.constant 0 : index
      %swap3A_71 = vector.load %arg14[%swap3A, %swap3A_70] : memref<1x128xf32, #tpu.memory_space<vmem>>, vector<1x128xf32>
      tpu.vector_store %arg14[%swap3A, %swap3A_70], %add3A_69 {strides = array<i32>} : memref<1x128xf32, #tpu.memory_space<vmem>>, vector<1x128xf32>,
    } else {
    }
    %eq3A_61 = arith.constant 4 : i32
    %eq3A_62 = arith.cmpi eq, %arg0, %eq3A_61 : i32
    %convert_element_type3A_63 = arith.extui %eq3A_62 : i1 to i32
    %cond3A_64 = arith.constant 0 : i32
    %cond3A_65 = arith.cmpi ne, %convert_element_type3A_63, %cond3A_64 : i32
    scf.if %cond3A_65 {
      %get3A_66 = arith.constant 0 : index
      %get3A_67 = arith.constant 0 : index
      %get3A_68 = vector.load %arg14[%get3A_66, %get3A_67] : memref<1x128xf32, #tpu.memory_space<vmem>>, vector<1x128xf32>
      %get3A_69 = arith.constant 0 : index
      %get3A_70 = arith.constant 0 : index
      %get3A_71 = vector.load %arg12[%get3A_69, %get3A_70] : memref<128x128xf32, #tpu.memory_space<vmem>>, vector<128x128xf32>
      %dot_general3A_72 = arith.constant dense<0.000000e+00> : vector<1x128xf32>
      %dot_general3A_73 = tpu.matmul %get3A_68, %get3A_71, %dot_general3A_72 {dimension_numbers = #tpu.dot_dimension_numbers<[1], [0], [0], [1], [0, 0, 1, 1], [], []>, transpose_lhs_hint = false} : vector<1x128xf32>, vector<128x128xf32>, vector<1x128xf32> -> vector<1x128xf32>
      %get3A_74 = arith.constant 0 : index
      %get3A_75 = arith.constant 0 : index
      %get3A_76 = vector.load %arg13[%get3A_74, %get3A_75] : memref<1x128xf32, #tpu.memory_space<vmem>>, vector<1x128xf32>
      %add3A_77 = arith.addf %dot_general3A_73, %get3A_76 : vector<1x128xf32>
      %swap3A = arith.constant 0 : index
      %swap3A_78 = arith.constant 0 : index
      %swap3A_79 = vector.load %arg14[%swap3A, %swap3A_78] : memref<1x128xf32, #tpu.memory_space<vmem>>, vector<1x128xf32>
      tpu.vector_store %arg14[%swap3A, %swap3A_78], %add3A_77 {strides = array<i32>} : memref<1x128xf32, #tpu.memory_space<vmem>>, vector<1x128xf32>,
    } else {
    }
    return
  }
  func.func @transform_0(%arg0: i32) -> (i32, i32) {
    %c0_i32 = arith.constant 0 : i32
    %c0_i32_0 = arith.constant 0 : i32
    return %arg0, %c0_i32 : i32, i32
  }
  func.func @transform_1(%arg0: i32) -> (i32, i32) {
    %c0_i32 = arith.constant 0 : i32
    %c0_i32_0 = arith.constant 0 : i32
    return %arg0, %c0_i32 : i32, i32
  }
  func.func @transform_2(%arg0: i32) -> (i32, i32) {
    %c0_i32 = arith.constant 0 : i32
    %c0_i32_0 = arith.constant 0 : i32
    return %arg0, %c0_i32 : i32, i32
  }
  func.func @transform_3(%arg0: i32) -> (i32, i32) {
    %c0_i32 = arith.constant 0 : i32
    %c0_i32_0 = arith.constant 0 : i32
    %c0_i32_1 = arith.constant 0 : i32
    return %c0_i32, %c0_i32_0 : i32, i32
  }
  func.func @transform_4(%arg0: i32) -> (i32, i32) {
    %c0_i32 = arith.constant 0 : i32
    %c0_i32_0 = arith.constant 0 : i32
    %c0_i32_1 = arith.constant 0 : i32
    return %c0_i32, %c0_i32_0 : i32, i32
  }
  func.func @transform_5(%arg0: i32) -> (i32, i32) {
    %c0_i32 = arith.constant 0 : i32
    %c0_i32_0 = arith.constant 0 : i32
    %c0_i32_1 = arith.constant 0 : i32
    return %c0_i32, %c0_i32_0 : i32, i32
  }
  func.func @transform_6(%arg0: i32) -> (i32, i32) {
    %c0_i32 = arith.constant 0 : i32
    %c0_i32_0 = arith.constant 0 : i32
    %c0_i32_1 = arith.constant 0 : i32
    return %c0_i32, %c0_i32_0 : i32, i32
  }
  func.func @transform_7(%arg0: i32) -> (i32, i32) {
    %c0_i32 = arith.constant 0 : i32
    %c0_i32_0 = arith.constant 0 : i32
    %c0_i32_1 = arith.constant 0 : i32
    return %c0_i32, %c0_i32_0 : i32, i32
  }
  func.func @transform_8(%arg0: i32) -> (i32, i32) {
    %c0_i32 = arith.constant 0 : i32
    %c0_i32_0 = arith.constant 0 : i32
    %c0_i32_1 = arith.constant 0 : i32
    return %c0_i32, %c0_i32_0 : i32, i32
  }
  func.func @transform_9(%arg0: i32) -> (i32, i32) {
    %c0_i32 = arith.constant 0 : i32
    %c0_i32_0 = arith.constant 0 : i32
    %c0_i32_1 = arith.constant 0 : i32
    return %c0_i32, %c0_i32_0 : i32, i32
  }
  func.func @transform_10(%arg0: i32) -> (i32, i32) {
    %c0_i32 = arith.constant 0 : i32
    %c0_i32_0 = arith.constant 0 : i32
    %c0_i32_1 = arith.constant 0 : i32
    return %c0_i32, %c0_i32_0 : i32, i32
  }
  func.func @transform_11(%arg0: i32) -> (i32, i32) {
    %c0_i32 = arith.constant 0 : i32
    %c0_i32_0 = arith.constant 0 : i32
    %c0_i32_1 = arith.constant 0 : i32
    return %c0_i32, %c0_i32_0 : i32, i32
  }
  func.func @transform_12(%arg0: i32) -> (i32, i32) {
    %c0_i32 = arith.constant 0 : i32
    %c0_i32_0 = arith.constant 0 : i32
    %c0_i32_1 = arith.constant 0 : i32
    return %c0_i32, %c0_i32_0 : i32, i32
  }
  func.func @transform_13(%arg0: i32) -> (i32, i32) {
    %c0_i32 = arith.constant 0 : i32
    %c0_i32_0 = arith.constant 0 : i32
    %c0_i32_1 = arith.constant 0 : i32
    return %c0_i32, %c0_i32_0 : i32, i32
  }
}

</mosaic_0001>

<sc_bundles>
// kernel: kernel.11.cloned.1.call-start
scs
__scs_entry_jumppad:
0x0: {  	(pc) =	sbr.rel $0x88, $3  }
0x1: {  	(tag) =	ssettag $0x0;
	lr =	simm.s32 $0x1  }
0x2: {  	[smem:$0x3F85] =	sst lr;
	_ =	strace $0xD0000000  }
0x3: {  	_ = 	snop  }
0x4: {  	_ = 	snop  }
0x5: {  	_ = 	snop  }
0x6: {  	_ = 	snop  }
0x7: {  	_ = 	snop  }
__scs_overlays_trampoline_lowered:
0x8: {  	[smem:$0x3F94] =	sst s0  }
0x9: {  	[smem:$0x3F95] =	sst s1  }
0xa: {  	[smem:$0x3F96] =	sst s2  }
0xb: {  	[smem:$0x3F97] =	sst s3  }
0xc: {  	[smem:$0x3F98] =	sst s4  }
0xd: {  	[smem:$0x3F99] =	sst s5  }
0xe: {  	[smem:$0x3F9A] =	sst s6  }
0xf: {  	[smem:$0x3F9B] =	sst s7  }
0x10: {  	[smem:$0x3F9C] =	sst s8  }
0x11: {  	[smem:$0x3F9D] =	sst s9;
	s0 =	simm.s32 @!p0 $0x0  }
0x12: {  	s1 =	sld [smem:$0x3F83];
	s0 =	simm.s32 @p0 $0x1  }
0x13: {  	[smem:$0x3F9E] =	sst s0;
	s0 =	simm.s32 @!p1 $0x0  }
0x14: {  	s2 =	sld [smem:$0x3F82];
	s0 =	simm.s32 @p1 $0x1  }
0x15: {  	[smem:$0x3F9F] =	sst s0;
	s0 =	simm.s32 @!p2 $0x0  }
0x16: {  	s3 =	sld [smem:$0x3FDB];
	s0 =	simm.s32 @p2 $0x1  }
0x17: {  	s4 =	simm.s32 $0x1BF5;
	[smem:$0x3FA1] =	sst s0  }
0x18: {  	s0 =	sld [smem:$0x3F84];
	_ =	swait.ge [sflag:s4], $0x0  }
0x19: {  	s7 =	sld [smem:$0x3F85]  }
0x1a: {  	s8 =	sadd.s32 $0xFFFFE003, lr  }
0x1b: {  	s9 =	sadd.s32 $0xFFFFFEF7, lr;
	s5 =	simm.s32 $0xFFFFFFFF;
	p2 =	slt.u32 s8, $0xFFFFF086  }
0x1c: {  	p1 =	slt.u32 s9, $0xF7A;
	s5 =	simm.s32 @!p2 $0x0  }
0x1d: {  	s5 =	simm.s32 @p1 $0x1;
	p0 =	seq.s32 s7, s2  }
0x1e: {  	s7 =	smul.u32 @!p0 $0xF7A, s2;
	p2 =	seq.s32 @!p0 s5, $0x0  }
0x1f: {  	s9 =	smul.u32 $0xF7A, s1;
	s8 =	simm.s32 @!p0 $0x1BF5;
	p2 =	por !p2, p0  }
0x20: {  	[sflag:s8] =	ssyncset.s32 @!p0 $0xFFFFF086;
	s6 =	sadd.s32 @!p0 s3, s7;
	s7 =	simm.s32 @!p0 $0x108  }
0x21: {  	s3 =	sadd.s32 s3, s9;
	s6 =	sadd.s32 @!p0 $0x88, s6;
	s7 =	simm.s32 @p2 $0x1082  }
0x22: {  	[simem:s7], [sflag:s8] =	dma.local @!p0 [hbm:s6], $0xF7A  }
0x23: {  	s9 =	sor.u32 $0xD0000000, s2;
	s6 =	simm.s32 $0x108;
	_ =	swait.ge @!p0 [sflag:s8], $0x0  }
0x24: {  	s3 =	sadd.s32 $0x88, s3;
	s6 =	simm.s32 @!p1 $0x1082;
	[sflag:s4] =	ssyncset.s32 $0xFFFFF086  }
0x25: {  	[simem:s6], [sflag:s4] =	dma.local [hbm:s3], $0xF7A  }
0x26: {  	[smem:$0x3F85] =	sst s1;
	(tag) =	ssettag s2;
	_ =	strace s9  }
0x27: {  	s1 =	sld [smem:$0x3F95]  }
0x28: {  	s2 =	sld [smem:$0x3F96]  }
0x29: {  	s4 =	sld [smem:$0x3F98]  }
0x2a: {  	p0 =	seq.s32 s5, $0x0;
	s5 =	sld [smem:$0x3F99]  }
0x2b: {  	s6 =	sld [smem:$0x3F9A]  }
0x2c: {  	s7 =	sld [smem:$0x3F9B]  }
0x2d: {  	s3 =	simm.s32 $0x108;
	s8 =	sld [smem:$0x3F9C]  }
0x2e: {  	s3 =	simm.s32 @!p0 $0x1082;
	s9 =	sld [smem:$0x3F9D]  }
0x2f: {  	lr =	sadd.s32 s0, s3;
	s0 =	sld [smem:$0x3F94]  }
0x30: {  	s3 =	sld [smem:$0x3F97]  }
0x31: {  	[smem:$0x3FA0] =	sst s10  }
0x32: {  	s10 =	sld [smem:$0x3F9E];
	_ =	sdelay $0x3  }
0x33: {  	p0 =	seq.s32 s10, $0x1;
	s10 =	sld [smem:$0x3FA0];
	_ =	sdelay $0x3  }
0x34: {  	[smem:$0x3FA0] =	sst s10  }
0x35: {  	s10 =	sld [smem:$0x3F9F];
	_ =	sdelay $0x3  }
0x36: {  	p1 =	seq.s32 s10, $0x1;
	s10 =	sld [smem:$0x3FA0];
	_ =	sdelay $0x3  }
0x37: {  	[smem:$0x3FA0] =	sst s10  }
0x38: {  	s10 =	sld [smem:$0x3FA1]  }
0x39: {  	_ = 	snop;
	(pc) =	sbr.ind lr, $3  }
0x3a: {  	_ = 	snop  }
0x3b: {  	_ = 	snop  }
0x3c: {  	p2 =	seq.s32 s10, $0x1;
	s10 =	sld [smem:$0x3FA0]  }
0x3d: {  	_ =	shalt  }
0x3e: {  	_ =	shalt  }
0x3f: {  	_ =	shalt  }
0x40: {  	_ =	shalt  }
0x41: {  	_ =	shalt  }
0x42: {  	_ =	shalt  }
0x43: {  	_ =	shalt  }
0x44: {  	_ =	shalt  }
0x45: {  	_ =	shalt  }
0x46: {  	_ =	shalt  }
0x47: {  	_ =	shalt  }
0x48: {  	_ =	shalt  }
0x49: {  	_ =	shalt  }
0x4a: {  	_ =	shalt  }
0x4b: {  	_ =	shalt  }
0x4c: {  	_ =	shalt  }
0x4d: {  	_ =	shalt  }
0x4e: {  	_ =	shalt  }
0x4f: {  	_ =	shalt  }
0x50: {  	_ =	shalt  }
0x51: {  	_ =	shalt  }
0x52: {  	_ =	shalt  }
0x53: {  	_ =	shalt  }
0x54: {  	_ =	shalt  }
0x55: {  	_ =	shalt  }
0x56: {  	_ =	shalt  }
0x57: {  	_ =	shalt  }
0x58: {  	_ =	shalt  }
0x59: {  	_ =	shalt  }
0x5a: {  	_ =	shalt  }
0x5b: {  	_ =	shalt  }
0x5c: {  	_ =	shalt  }
0x5d: {  	_ =	shalt  }
0x5e: {  	_ =	shalt  }
0x5f: {  	_ =	shalt  }
0x60: {  	_ =	shalt  }
0x61: {  	_ =	shalt  }
0x62: {  	_ =	shalt  }
0x63: {  	_ =	shalt  }
0x64: {  	_ =	shalt  }
0x65: {  	_ =	shalt  }
0x66: {  	_ =	shalt  }
0x67: {  	_ =	shalt  }
0x68: {  	_ =	shalt  }
0x69: {  	_ =	shalt  }
0x6a: {  	_ =	shalt  }
0x6b: {  	_ =	shalt  }
0x6c: {  	_ =	shalt  }
0x6d: {  	_ =	shalt  }
0x6e: {  	_ =	shalt  }
0x6f: {  	_ =	shalt  }
0x70: {  	_ =	shalt  }
0x71: {  	_ =	shalt  }
0x72: {  	_ =	shalt  }
0x73: {  	_ =	shalt  }
0x74: {  	_ =	shalt  }
0x75: {  	_ =	shalt  }
0x76: {  	_ =	shalt  }
0x77: {  	_ =	shalt  }
0x78: {  	_ =	shalt  }
0x79: {  	_ =	shalt  }
0x7a: {  	_ =	shalt  }
0x7b: {  	_ =	shalt  }
0x7c: {  	_ =	shalt  }
0x7d: {  	_ =	shalt  }
0x7e: {  	_ =	shalt  }
0x7f: {  	_ =	shalt  }
0x80: {  	_ =	shalt  }
0x81: {  	_ =	shalt  }
0x82: {  	_ =	shalt  }
0x83: {  	_ =	shalt  }
0x84: {  	_ =	shalt  }
0x85: {  	_ =	shalt  }
0x86: {  	_ =	shalt  }
0x87: {  	_ =	shalt  }
.Lfunc_end0:
.L_simem_size_0:
called_computation.1_lowered:
.L_overlay_start_0:
0x88: {  	s2 =	sld [smem:$0x3FD9]  }
0x89: {  	s3 =	sld [smem:$0x3FFE];
	_ =	sdelay $0x1  }
0x8a: {  	s1 =	srdreg.scid  }
0x8b: {  	s0 =	sand.u32 $0x1, s1  }
0x8c: {  	s16 =	sshll.u32 s0, $0xA;
	s2 =	sadd.s32 s3, s2  }
0x8d: {  	s2 =	sadd.s32 s2, s16  }
0x8e: {  	[smem:$0x3FAC] =	sst s2  }
0x8f: {  	_ = 	snop  }
0x90: {  	(tm) =	ssettm $0x1  }
0x91: {  	s17 =	sld [smem:$0x3FFB];
	_ =	sdelay $0x3  }
0x92: {  	_ =	strace s17  }
0x93: {  	s2 =	sld [smem:$0x3FFC];
	_ =	sdelay $0x3  }
0x94: {  	_ =	strace s2  }
0x95: {  	s2 =	sld [smem:$0x3FFD];
	_ =	sdelay $0x3  }
0x96: {  	_ =	strace s2  }
0x97: {  	_ =	strace $0x8FFFFFFF  }
0x98: {  	s18 =	sld [smem:$0x3FDB];
	_ =	sdelay $0x1  }
0x99: {  	s19 =	simm.s32 $_scs_section_size  }
0x9a: {  	s4 =	simm.s32 $_size__tile_overlayer_lowered;
	s5 =	simm.s32 $_tile_overlayer_lowered  }
0x9b: {  	s22 =	simm.s32 $0x1BFF;
	s21 =	sshll.u32 s5, $0x1;
	s2 =	sadd.s32 s19, s18  }
0x9c: {  	s6 =	simm.s32 $0x0;
	s20 =	sshll.u32 s4, $0x1;
	s4 =	sadd.s32 s21, s2  }
0x9d: {  	[timem:s6], [sflag:s22] =	dma.local [hbm:s4], s20  }
0x9e: {  	_ =	swait.ge [sflag:s22], s20  }
0x9f: {  	s3 =	ssub.s32 $0x0, s20;
	[sflag:s22] =	ssyncset.done $0x0  }
0xa0: {  	[sflag:s22] =	ssyncadd.s32 s3;
	_ =	sdelay $0x1  }
0xa1: {  	s23 =	simm.s32 $0x1B8B  }
0xa2: {  	_ =	swait.ge [sflag:s23], $0x1  }
0xa3: {  	[sflag:s23] =	ssyncset.done $0x0  }
0xa4: {  	s25 =	simm.s32 $0x1B8E;
	s24 =	sld [smem:$0x3FFE];
	[sflag:s23] =	ssyncadd.s32 $0xFFFFFFFF  }
0xa5: {  	s26 =	simm.s32 $execute0_lowered;
	[smem:$0x3FD2] =	sst s25  }
0xa6: {  	s4 =	sshll.u32 s26, $0x1;
	_ =	strace $0x80000049;
	[dreg:$0x1] =	wrdreg $0xFFFFFFFF  }
0xa7: {  	s28 =	simm.s32 $_size_execute0_lowered;
	s2 =	sadd.s32 s2, s4;
	[dreg:$0x0] =	wrdreg $0x0  }
0xa8: {  	s4 =	sshll.u32 s28, $0x1;
	[dreg:$0x2] =	wrdreg s2  }
0xa9: {  	[dreg:$0x3] =	wrdreg s4  }
0xaa: {  	[dreg:$0x4] =	wrdreg $0xC0  }
0xab: {  	_ =	task [dreg:s6], $0x5FFFF  }
0xac: {  	[dreg:$0x1] =	wrdreg $0xFFFFFFFF  }
0xad: {  	[dreg:$0x0] =	wrdreg $0x60  }
0xae: {  	[dreg:$0x2] =	wrdreg s24  }
0xaf: {  	[dreg:$0x3] =	wrdreg $0xAA000  }
0xb0: {  	[dreg:$0x4] =	wrdreg $0x9  }
0xb1: {  	_ =	task.clear_ibuf [dreg:s6], $0x5FFFF;
	_ =	strace $0x90000049  }
0xb2: {  	s29 =	simm.s32 $0x9;
	_ =	strace $0x8000004B  }
0xb3: {  	_ =	swait.ge [sflag:s29], $0x1  }
0xb4: {  	[sflag:s29] =	ssyncadd.s32 $0xFFFFFFFF  }
0xb5: {  	_ =	strace $0x9000004B  }
0xb6: {  	_ =	sfence  }
0xb7: {  	s30 =	sld [smem:$0x0];
	_ =	sdelay $0x2  }
0xb8: {  	s31 =	sshll.u32 s1, $0xD;
	s1 =	sshrl.u32 s1, $0x2  }
0xb9: {  	s3 =	sand.u32 $0x4000, s31;
	s1 =	sadd.s32 s1, s30  }
0xba: {  	s0 =	sor.u32 s3, s0;
	s1 =	sshll.u32 s1, $0x11  }
0xbb: {  	s0 =	sor.u32 s1, s0  }
0xbc: {  	s0 =	sadd.s32 $0x8F2B, s0  }
0xbd: {  	[sflag:s0] =	ssyncadd.remote.s32 $0x1  }
0xbe: {  	_ =	sfence.sel $0xFFFF  }
0xbf: {  	[dreg:$0x0] =	wrdreg $0xFFFFFFFF;
	(pc) =	sbr.abs _section_cstart, $3  }
0xc0: {  	[dreg:$0x1] =	wrdreg $0xFFFFFFFF  }
0xc1: {  	_ =	task.clear_ibuf [dreg:s6], $0x2FFFF;
	_ =	strace $0x9FFFFFFF  }
0xc2: {  	(tm) =	ssettm $0x7FFFFFFF  }
0xc3: {  	_ =	shalt  }
tec
execute0_lowered:
.L_overlay_start_1:
0x0: {  	(tag) =	ssettag $0x1  }
0x1: {  	s0 =	srdreg.scid;
	s1 =	rddreg [dreg:$0x0]  }
0x2: {  	s2 =	rddreg [dreg:$0x1];
	s13 =	stileid.u32  }
0x3: {  	s3 =	simm.s32 $0x0;
	s18 =	simm.s32 $0x80;
	s29 =	simm.s32 $0x5A00  }
0x4: {  	s30 =	simm.s32 $0x5;
	s31 =	simm.s32 $0x100;
	s14 =	simm.s32 $0x8A00  }
0x5: {  	s16 =	simm.s32 $0x9A00;
	s17 =	simm.s32 $0x6;
	s28 =	simm.s32 $0x4  }
0x6: {  	s0 =	sand.u32 $0x1, s0;
	[smem:$0x7FF] =	sst s3;
	s5 =	sadd.s32 $0x1C800, s1  }
0x7: {  	s6 =	sadd.s32 $0x10000, s1;
	s9 =	smul.u32 $0x2780, s13;
	s11 =	sadd.s32 $0x1A000, s1  }
0x8: {  	s12 =	smul.u32 $0x4F000, s13;
	s15 =	sadd.s32 $0x128400, s2;
	s23 =	sadd.s32 $0x68A80, s1  }
0x9: {  	s25 =	sadd.s32 $0x8FC80, s1;
	_ =	strace $0x8000004A;
	[dreg:$0x3] =	wrdreg s11  }
0xa: {  	p0 =	seq.s32 s13, $0xF;
	s4 =	sshll.u32 s0, $0x4;
	[dreg:$0xa] =	wrdreg s23  }
0xb: {  	s10 =	ssub.s32 $0x2, s0;
	p4 =	seq.s32 s0, $0x1;
	[dreg:$0xc] =	wrdreg s25  }
0xc: {  	s23 =	simm.s32 $0x2A00;
	s0 =	simm.s32 $0x7D;
	s11 =	simm.s32 $0x1E0  }
0xd: {  	s25 =	simm.s32 $0x0;
	[dreg:$0x8] =	wrdreg s15;
	s4 =	sor.u32 s13, s4  }
0xe: {  	s19 =	sshrl.u32 s10, $0x1;
	s9 =	sadd.s32 s9, s1;
	s21 =	sshrl.u32 s12, $0x2  }
0xf: {  	p2 =	seq.s32 @p4 s13, $0xF;
	p5 =	seq.s32 @!p4 s13, $0xF;
	s13 =	simm.s32 $0x7A00  }
0x10: {  	s4 =	smul.u32 $0x2800, s4;
	s10 =	ssub.s32 s10, s19;
	s22 =	sadd.s32 $0x43A00, s9  }
0x11: {  	s24 =	sadd.s32 $0x6AC00, s9;
	p1 =	por !p2, !p4;
	p2 =	por p2, !p4  }
0x12: {  	p3 =	por !p5, p4;
	p4 =	por p5, p4;
	[dreg:$0x9] =	wrdreg s22  }
0x13: {  	s19 =	simm.s32 $0x2;
	s9 =	simm.s32 $0x6A00;
	[dreg:$0xb] =	wrdreg s24  }
0x14: {  	s26 =	smax.u32 s10, $0x1;
	s22 =	simm.s32 $0x20;
	s24 =	simm.s32 $0x3A00  }
0x15: {  	s10 =	simm.s32 $0x8;
	s7 =	sshrl.u32 s4, $0x3;
	[dreg:$0xd] =	wrdreg s26  }
.Ltmp0:
0x16: {  	s8 =	sadd.s32 s7, s1;
	s7 =	sadd.s32 s6, s7;
	(pc) =	sbr.rel .LBB2_1-.Ltmp0, $4  }
0x17: {  	s26 =	simm.s32 $0x4A00;
	[dreg:$0x4] =	wrdreg s7;
	s7 =	sadd.s32 $0x10, s7  }
0x18: {  	s1 =	simm.s32 $0x180;
	s20 =	sadd.s32 $0x6000, s8;
	[dreg:$0x5] =	wrdreg s7  }
0x19: {  	[dreg:$0x6] =	wrdreg s20;
	s7 =	sadd.s32 s21, s2;
	s21 =	simm.s32 $0x1  }
0x1a: {  	s20 =	simm.s32 $0x3;
	[dreg:$0x7] =	wrdreg s7;
	s7 =	simm.s32 $0x7  }
.LBB2_4:
0x1b: {  	s8 =	simm.s32 $0x2980  }
0x1c: {  	[spmem:s2] =	stream.indirect.scatter.add.f32 [tilespmem:s9], [sflag:$0x8], $0x80, s8, s0, $0xb8;
	[tilespmem:$0x1E280] =	vst v63  }
0x1d: {  	_ =	swait.ge [sflag:s10], $0x3E80  }
0x1e: {  	[sflag:s10] =	ssyncset.done $0x0  }
0x1f: {  	[sflag:s10] =	ssyncadd.s32 $0xFFFFC180  }
0x20: {  	[bflag:$0x0] =	sbarrier.arrive $0xFFFF  }
0x21: {  	s8 =	rddreg [dreg:$0x8]  }
0x22: {  	s12 =	simm.s32 @!p1 $0x1FC9;
	s25 =	rddreg [dreg:$0xc];
	s15 =	sshrl.u32 @!p1 s8, $0x3  }
0x23: {  	[hbm:s25], [sflag:s12] =	dma.local @!p1 [spmem:s15], $0x2080  }
0x24: {  	s15 =	simm.s32 @!p1 $0x9  }
0x25: {  	_ =	swait.ge @!p1 [sflag:s15], $0x2080  }
0x26: {  	s12 =	stileid.u32;
	[sflag:s15] =	ssyncset.done @!p1 $0x0  }
0x27: {  	s12 =	sshll.u32 @!p2 s12, $0x6;
	[sflag:s15] =	ssyncadd.s32 @!p1 $0xFFFFDF80;
	s15 =	rddreg [dreg:$0x7]  }
0x28: {  	s11 =	sor.u32 @!p2 $0x1C09, s12;
	s25 =	rddreg [dreg:$0xb];
	s12 =	sshrl.u32 @!p2 s15, $0x3  }
0x29: {  	[hbm:s25], [sflag:s11] =	dma.local @!p2 [spmem:s12], $0x2780  }
0x2a: {  	s12 =	simm.s32 @!p2 $0x9  }
0x2b: {  	_ =	swait.ge @!p2 [sflag:s12], $0x2780  }
0x2c: {  	[sflag:s12] =	ssyncset.done @!p2 $0x0  }
0x2d: {  	s25 =	rddreg [dreg:$0xa];
	[sflag:s12] =	ssyncadd.s32 @!p2 $0xFFFFD880;
	s12 =	sshrl.u32 @!p3 s8, $0x3  }
0x2e: {  	[dreg:$0x10] =	wrdreg s12  }
0x2f: {  	s12 =	simm.s32 @!p3 $0x1FC9;
	s11 =	rddreg [dreg:$0x10]  }
0x30: {  	[hbm:s25], [sflag:s12] =	dma.local @!p3 [spmem:s11], $0x2080  }
0x31: {  	s12 =	stileid.u32  }
0x32: {  	s25 =	simm.s32 @!p3 $0x9;
	s12 =	sshll.u32 @!p4 s12, $0x6  }
0x33: {  	_ =	swait.ge @!p3 [sflag:s25], $0x2080;
	s12 =	sor.u32 @!p4 $0x1C09, s12  }
0x34: {  	[sflag:s25] =	ssyncset.done @!p3 $0x0;
	[dreg:$0xf] =	wrdreg s12  }
0x35: {  	[sflag:s25] =	ssyncadd.s32 @!p3 $0xFFFFDF80;
	s25 =	rddreg [dreg:$0x9]  }
0x36: {  	s12 =	sshrl.u32 @!p4 s15, $0x3;
	s15 =	smov.u32 s8;
	s8 =	rddreg [dreg:$0xf]  }
0x37: {  	[hbm:s25], [sflag:s8] =	dma.local @!p4 [spmem:s12], $0x2780  }
0x38: {  	s8 =	simm.s32 @!p4 $0x9  }
0x39: {  	_ =	swait.ge @!p4 [sflag:s8], $0x2780  }
0x3a: {  	s12 =	rddreg [dreg:$0xe]  }
0x3b: {  	s25 =	sadd.s32 $0x1, s12;
	s12 =	rddreg [dreg:$0xd]  }
0x3c: {  	p5 =	sne.s32 s25, s12  }
.Ltmp1:
0x3d: {  	_ = 	snop;
	(pc) =	sbr.rel @!p5 .LBB2_5-.Ltmp1, $3  }
0x3e: {  	_ =	sdelay $0x1  }
0x3f: {  	[sflag:s8] =	ssyncset.done @!p4 $0x0  }
0x40: {  	s11 =	simm.s32 $0x1E0;
	[sflag:s8] =	ssyncadd.s32 @!p4 $0xFFFFD880  }
.LBB2_1:
0x41: {  	[dreg:$0xe] =	wrdreg s25  }
0x42: {  	s8 =	rddreg [dreg:$0x4]  }
0x43: {  	[tilespmem:s3], [sflag:$0x1] =	stream.linear.gather [hbm4b:s8+s3], $0x80, $0x38;
	[tilespmem:$0x1E280] =	vst v63  }
0x44: {  	s12 =	rddreg [dreg:$0x5]  }
0x45: {  	[tilespmem:s18], [sflag:$0x2] =	stream.linear.gather [hbm4b:s12+s3], $0x80, $0x38;
	[tilespmem:$0x1E280] =	vst v63  }
0x46: {  	s25 =	rddreg [dreg:$0x6];
	s12 =	simm.s32 $0x200  }
0x47: {  	[tilespmem:s12], [sflag:$0x9] =	stream.linear.gather [hbm4b:s25+s3], $0x2800, $0x38;
	[tilespmem:$0x1E280] =	vst v63  }
0x48: {  	s25 =	simm.s32 $0x9  }
0x49: {  	_ =	swait.ge [sflag:s25], $0x2800  }
0x4a: {  	[sflag:s25] =	ssyncset.done $0x0  }
0x4b: {  	[sflag:s25] =	ssyncadd.s32 $0xFFFFD800  }
0x4c: {  	_ =	swait.ge [sflag:s21], $0x80  }
0x4d: {  	[sflag:s21] =	ssyncset.done $0x0  }
0x4e: {  	[sflag:s21] =	ssyncadd.s32 $0xFFFFFF80  }
0x4f: {  	[tilespmem:s23], [sflag:$0x5] =	stream.indirect.gather [hbm4b:s5+s22], $0x80, s3, s22, $0xb8;
	[tilespmem:$0x1E280] =	vst v63  }
0x50: {  	_ = 	snop  }
0x51: {  	[tilespmem:s24], [sflag:$0x5] =	stream.indirect.gather [hbm4b:s5+s22], $0x80, s22, s22, $0xb8;
	[tilespmem:$0x1E280] =	vst v63  }
0x52: {  	s12 =	simm.s32 $0x40  }
0x53: {  	[tilespmem:s26], [sflag:$0x5] =	stream.indirect.gather [hbm4b:s5+s22], $0x80, s12, s22, $0xb8;
	[tilespmem:$0x1E280] =	vst v63  }
0x54: {  	s25 =	simm.s32 $0x60;
	s8 =	rddreg [dreg:$0x3]  }
0x55: {  	[tilespmem:s29], [sflag:$0x5] =	stream.indirect.gather [hbm4b:s5+s22], $0x80, s25, s22, $0xb8;
	[tilespmem:$0x1E280] =	vst v63  }
0x56: {  	s12 =	sshrl.u32 @p0 s15, $0x3;
	s15 =	rddreg [dreg:$0x7];
	s25 =	simm.s32 @p0 $0x1FC9  }
0x57: {  	[spmem:s12], [sflag:s25] =	dma.local @p0 [hbm:s8], $0x2080  }
0x58: {  	s12 =	simm.s32 @p0 $0x9  }
0x59: {  	s25 =	stileid.u32;
	_ =	swait.ge @p0 [sflag:s12], $0x2080  }
0x5a: {  	s25 =	sshll.u32 @!p0 s25, $0x6;
	[sflag:s12] =	ssyncset.done @p0 $0x0  }
0x5b: {  	[sflag:s12] =	ssyncadd.s32 @p0 $0xFFFFDF80;
	s12 =	sor.u32 @!p0 $0x1C09, s25;
	s25 =	sshrl.u32 @!p0 s15, $0x3  }
0x5c: {  	[spmem:s25], [sflag:s12] =	dma.local @!p0 [hbm:s8], $0x2780  }
0x5d: {  	s12 =	simm.s32 @!p0 $0x9  }
0x5e: {  	_ =	swait.ge @!p0 [sflag:s12], $0x2780  }
0x5f: {  	[sflag:s12] =	ssyncset.done @!p0 $0x0  }
0x60: {  	[sflag:s12] =	ssyncadd.s32 @!p0 $0xFFFFD880  }
0x61: {  	s25 =	simm.s32 $0x200;
	s12 =	simm.s32 $0x280;
	[bflag:$0x0] =	sbarrier.arrive $0xFFFF  }
.LBB2_2:
0x62: {  	s8 =	sadd.s32 $0xFFFFFD80, s12  }
0x63: {  	s15 =	sadd.s32 $0xFFFFFE80, s12;
	s8 =	sand.u32 $0x3C00, s8  }
0x64: {  	s15 =	sand.u32 $0x300, s15;
	s8 =	sadd.s32 s4, s8  }
0x65: {  	_ =	swait.ge [sflag:s30], $0x4000;
	s15 =	sor.u32 s8, s15  }
0x66: {  	[sflag:s30] =	ssyncset.done $0x0;
	s15 =	sshrl.u32 s15, $0x3  }
0x67: {  	[sflag:s30] =	ssyncadd.s32 $0xFFFFC000;
	s15 =	sadd.s32 s6, s15  }
0x68: {  	[tilespmem:s31], [sflag:$0x3] =	stream.linear.gather [hbm4b:s15+s3], $0x80, $0x38;
	[tilespmem:$0x1E280] =	vst v63  }
0x69: {  	_ = 	snop  }
0x6a: {  	[spmem:s2] =	stream.indirect.scatter.add.f32 [tilespmem:s23], [sflag:$0x7], $0x80, s25, s0, $0xb8;
	[tilespmem:$0x1E280] =	vst v63  }
0x6b: {  	_ =	swait.ge [sflag:s19], $0x80  }
0x6c: {  	p5 =	seq.s32 s12, $0x280;
	[sflag:s19] =	ssyncset.done $0x0  }
0x6d: {  	s15 =	simm.s32 @!p5 $0x8;
	[sflag:s19] =	ssyncadd.s32 $0xFFFFFF80  }
0x6e: {  	_ =	swait.ge @!p5 [sflag:s15], $0x3E80  }
0x6f: {  	[sflag:s15] =	ssyncset.done @!p5 $0x0  }
0x70: {  	[sflag:s15] =	ssyncadd.s32 @!p5 $0xFFFFC180  }
0x71: {  	[tilespmem:s9], [sflag:$0x6] =	stream.indirect.gather [hbm4b:s5+s22], $0x80, s18, s22, $0xb8;
	[tilespmem:$0x1E280] =	vst v63  }
0x72: {  	s15 =	simm.s32 $0xA0  }
0x73: {  	[tilespmem:s13], [sflag:$0x6] =	stream.indirect.gather [hbm4b:s5+s22], $0x80, s15, s22, $0xb8;
	[tilespmem:$0x1E280] =	vst v63  }
0x74: {  	s15 =	simm.s32 $0xC0  }
0x75: {  	[tilespmem:s14], [sflag:$0x6] =	stream.indirect.gather [hbm4b:s5+s22], $0x80, s15, s22, $0xb8;
	[tilespmem:$0x1E280] =	vst v63  }
0x76: {  	s15 =	simm.s32 $0xE0  }
0x77: {  	[tilespmem:s16], [sflag:$0x6] =	stream.indirect.gather [hbm4b:s5+s22], $0x80, s15, s22, $0xb8;
	[tilespmem:$0x1E280] =	vst v63  }
0x78: {  	s15 =	sadd.s32 $0xFFFFFF00, s12  }
0x79: {  	s15 =	sand.u32 $0x380, s15  }
0x7a: {  	_ =	swait.ge [sflag:s17], $0x4000;
	s8 =	sor.u32 s8, s15  }
0x7b: {  	[sflag:s17] =	ssyncset.done $0x0;
	s8 =	sshrl.u32 s8, $0x3  }
0x7c: {  	[sflag:s17] =	ssyncadd.s32 $0xFFFFC000;
	s8 =	sadd.s32 s6, s8  }
0x7d: {  	[tilespmem:s1], [sflag:$0x4] =	stream.linear.gather [hbm4b:s8+s3], $0x80, $0x38;
	[tilespmem:$0x1E280] =	vst v63  }
0x7e: {  	s15 =	sadd.s32 $0x80, s25  }
0x7f: {  	[spmem:s2] =	stream.indirect.scatter.add.f32 [tilespmem:s9], [sflag:$0x8], $0x80, s15, s0, $0xb8;
	[tilespmem:$0x1E280] =	vst v63  }
0x80: {  	_ =	swait.ge [sflag:s20], $0x80  }
0x81: {  	[sflag:s20] =	ssyncset.done $0x0  }
0x82: {  	[sflag:s20] =	ssyncadd.s32 $0xFFFFFF80  }
0x83: {  	_ =	swait.ge [sflag:s7], $0x3E80  }
0x84: {  	[sflag:s7] =	ssyncset.done $0x0  }
0x85: {  	[sflag:s7] =	ssyncadd.s32 $0xFFFFC180  }
0x86: {  	[tilespmem:s23], [sflag:$0x5] =	stream.indirect.gather [hbm4b:s5+s22], $0x80, s31, s22, $0xb8;
	[tilespmem:$0x1E280] =	vst v63  }
0x87: {  	s15 =	simm.s32 $0x120  }
0x88: {  	[tilespmem:s24], [sflag:$0x5] =	stream.indirect.gather [hbm4b:s5+s22], $0x80, s15, s22, $0xb8;
	[tilespmem:$0x1E280] =	vst v63  }
0x89: {  	p5 =	seq.s32 s12, $0x2880;
	s15 =	simm.s32 $0x140  }
0x8a: {  	[tilespmem:s26], [sflag:$0x5] =	stream.indirect.gather [hbm4b:s5+s22], $0x80, s15, s22, $0xb8;
	[tilespmem:$0x1E280] =	vst v63  }
0x8b: {  	s8 =	sadd.s32 @!p5 $0xFFFFFF80, s12;
	s15 =	simm.s32 $0x160  }
0x8c: {  	[tilespmem:s29], [sflag:$0x5] =	stream.indirect.gather [hbm4b:s5+s22], $0x80, s15, s22, $0xb8;
	[tilespmem:$0x1E280] =	vst v63  }
0x8d: {  	s15 =	sand.u32 @!p5 $0x7C00, s8  }
0x8e: {  	s8 =	sand.u32 @!p5 $0x200, s8;
	s15 =	sadd.s32 @!p5 s4, s15  }
0x8f: {  	_ =	swait.ge [sflag:s30], $0x4000;
	s8 =	sor.u32 @!p5 s8, s15  }
0x90: {  	[sflag:s30] =	ssyncset.done $0x0;
	s8 =	sshrl.u32 @!p5 s8, $0x3  }
0x91: {  	s15 =	simm.s32 @!p5 $0x0;
	[sflag:s30] =	ssyncadd.s32 $0xFFFFC000;
	s8 =	sadd.s32 @!p5 s6, s8  }
0x92: {  	[tilespmem:s15], [sflag:$0x1] =	stream.linear.gather @!p5 [hbm4b:s8+s15], $0x80, $0x38;
	[tilespmem:$0x1E280] =	vst v63  }
0x93: {  	s15 =	sadd.s32 $0x100, s25  }
0x94: {  	[spmem:s2] =	stream.indirect.scatter.add.f32 [tilespmem:s23], [sflag:$0x7], $0x80, s15, s0, $0xb8;
	[tilespmem:$0x1E280] =	vst v63  }
0x95: {  	_ =	swait.ge [sflag:s28], $0x80  }
0x96: {  	[sflag:s28] =	ssyncset.done $0x0  }
0x97: {  	[sflag:s28] =	ssyncadd.s32 $0xFFFFFF80  }
0x98: {  	_ =	swait.ge [sflag:s10], $0x3E80  }
0x99: {  	[sflag:s10] =	ssyncset.done $0x0  }
0x9a: {  	[sflag:s10] =	ssyncadd.s32 $0xFFFFC180  }
0x9b: {  	[tilespmem:s9], [sflag:$0x6] =	stream.indirect.gather [hbm4b:s5+s22], $0x80, s1, s22, $0xb8;
	[tilespmem:$0x1E280] =	vst v63  }
0x9c: {  	s15 =	simm.s32 $0x1A0  }
0x9d: {  	[tilespmem:s13], [sflag:$0x6] =	stream.indirect.gather [hbm4b:s5+s22], $0x80, s15, s22, $0xb8;
	[tilespmem:$0x1E280] =	vst v63  }
0x9e: {  	s15 =	simm.s32 $0x1C0  }
0x9f: {  	[tilespmem:s14], [sflag:$0x6] =	stream.indirect.gather [hbm4b:s5+s22], $0x80, s15, s22, $0xb8;
	[tilespmem:$0x1E280] =	vst v63  }
.Ltmp2:
0xa0: {  	_ = 	snop;
	(pc) =	sbr.rel @p5 .LBB2_4-.Ltmp2, $4  }
0xa1: {  	[tilespmem:s16], [sflag:$0x6] =	stream.indirect.gather [hbm4b:s5+s22], $0x80, s11, s22, $0xb8;
	[tilespmem:$0x1E280] =	vst v63  }
0xa2: {  	_ =	swait.ge [sflag:s17], $0x4000  }
0xa3: {  	[sflag:s17] =	ssyncset.done $0x0  }
0xa4: {  	[sflag:s17] =	ssyncadd.s32 $0xFFFFC000  }
0xa5: {  	s8 =	sand.u32 $0x7C00, s12  }
0xa6: {  	s15 =	sand.u32 $0x280, s12;
	s8 =	sadd.s32 s4, s8  }
0xa7: {  	s8 =	sor.u32 s15, s8  }
0xa8: {  	s8 =	sshrl.u32 s8, $0x3  }
0xa9: {  	s8 =	sadd.s32 s6, s8  }
0xaa: {  	[tilespmem:s18], [sflag:$0x2] =	stream.linear.gather [hbm4b:s8+s3], $0x80, $0x38;
	[tilespmem:$0x1E280] =	vst v63  }
0xab: {  	s15 =	sadd.s32 $0x180, s25  }
0xac: {  	[spmem:s2] =	stream.indirect.scatter.add.f32 [tilespmem:s9], [sflag:$0x8], $0x80, s15, s0, $0xb8;
	[tilespmem:$0x1E280] =	vst v63  }
0xad: {  	_ =	swait.ge [sflag:s21], $0x80  }
0xae: {  	[sflag:s21] =	ssyncset.done $0x0  }
0xaf: {  	[sflag:s21] =	ssyncadd.s32 $0xFFFFFF80  }
0xb0: {  	_ =	swait.ge [sflag:s7], $0x3E80  }
0xb1: {  	[sflag:s7] =	ssyncset.done $0x0  }
0xb2: {  	[sflag:s7] =	ssyncadd.s32 $0xFFFFC180  }
0xb3: {  	[tilespmem:s23], [sflag:$0x5] =	stream.indirect.gather [hbm4b:s5+s22], $0x80, s3, s22, $0xb8;
	[tilespmem:$0x1E280] =	vst v63  }
0xb4: {  	_ = 	snop  }
0xb5: {  	[tilespmem:s24], [sflag:$0x5] =	stream.indirect.gather [hbm4b:s5+s22], $0x80, s22, s22, $0xb8;
	[tilespmem:$0x1E280] =	vst v63  }
.Ltmp3:
0xb6: {  	_ = 	snop;
	(pc) =	sbr.rel .LBB2_2-.Ltmp3, $4  }
0xb7: {  	s15 =	simm.s32 $0x40  }
0xb8: {  	[tilespmem:s26], [sflag:$0x5] =	stream.indirect.gather [hbm4b:s5+s22], $0x80, s15, s22, $0xb8;
	[tilespmem:$0x1E280] =	vst v63  }
0xb9: {  	s12 =	sadd.s32 $0x200, s12;
	s25 =	sadd.s32 $0x200, s25;
	s15 =	simm.s32 $0x60  }
0xba: {  	[tilespmem:s29], [sflag:$0x5] =	stream.indirect.gather [hbm4b:s5+s22], $0x80, s15, s22, $0xb8;
	[tilespmem:$0x1E280] =	vst v63  }
.LBB2_5:
0xbb: {  	_ =	sfence.sel $0x180000  }
0xbc: {  	[bflag:$0x0] =	sbarrier.arrive $0xFFFF  }
0xbd: {  	_ =	strace $0x9000004A  }
0xbe: {  	s0 =	stileid.u32;
	[bflag:$0x2] =	sbarrier.arrive $0xFFFF  }
0xbf: {  	p0 =	sne.s32 s0, $0x0;
	s0 =	rddreg [dreg:$0x2]  }
0xc0: {  	s0 =	sadd.s32 @!p0 $0x100000, s0  }
0xc1: {  	[sflag:s0] =	ssyncadd.tile.s32 @!p0 $0x1;
	_ =	shalt  }
.Lfunc_end2:
_tile_overlayer_lowered:
.L_overlay_start_2:
0xc2: {  	(tag) =	ssettag $0x2  }
0xc3: {  	s0 =	rddreg [dreg:$0x0];
	s2 =	stileid.u32  }
0xc4: {  	s1 =	rddreg [dreg:$0x1];
	p0 =	sne.s32 s2, $0x0  }
0xc5: {  	s3 =	rddreg [dreg:$0x2];
	[bflag:$0x3] =	sbarrier.arrive $0xFFFF;
	s2 =	simm.s32 @!p0 $0x1C09  }
0xc6: {  	[timem:s3], [sflag:s2] =	dma.local @!p0 [hbm:s0], s1  }
0xc7: {  	s0 =	simm.s32 @!p0 $0x9  }
0xc8: {  	_ =	swait.ge @!p0 [sflag:s0], s1  }
0xc9: {  	s1 =	ssub.s32 @!p0 $0x0, s1;
	[sflag:s0] =	ssyncset.done @!p0 $0x0  }
0xca: {  	[sflag:s0] =	ssyncadd.s32 @!p0 s1  }
0xcb: {  	[bflag:$0x3] =	sbarrier.arrive $0xFFFF  }
0xcc: {  	_ =	shalt  }

// kernel: kernel.14.cloned.1.call-start
scs
__scs_entry_jumppad:
0x0: {  	(pc) =	sbr.rel $0x88, $3  }
0x1: {  	(tag) =	ssettag $0x0;
	lr =	simm.s32 $0x1  }
0x2: {  	[smem:$0x3F85] =	sst lr;
	_ =	strace $0xD0000000  }
0x3: {  	_ = 	snop  }
0x4: {  	_ = 	snop  }
0x5: {  	_ = 	snop  }
0x6: {  	_ = 	snop  }
0x7: {  	_ = 	snop  }
__scs_overlays_trampoline_lowered:
0x8: {  	[smem:$0x3F94] =	sst s0  }
0x9: {  	[smem:$0x3F95] =	sst s1  }
0xa: {  	[smem:$0x3F96] =	sst s2  }
0xb: {  	[smem:$0x3F97] =	sst s3  }
0xc: {  	[smem:$0x3F98] =	sst s4  }
0xd: {  	[smem:$0x3F99] =	sst s5  }
0xe: {  	[smem:$0x3F9A] =	sst s6  }
0xf: {  	[smem:$0x3F9B] =	sst s7  }
0x10: {  	[smem:$0x3F9C] =	sst s8  }
0x11: {  	[smem:$0x3F9D] =	sst s9;
	s0 =	simm.s32 @!p0 $0x0  }
0x12: {  	s1 =	sld [smem:$0x3F83];
	s0 =	simm.s32 @p0 $0x1  }
0x13: {  	[smem:$0x3F9E] =	sst s0;
	s0 =	simm.s32 @!p1 $0x0  }
0x14: {  	s2 =	sld [smem:$0x3F82];
	s0 =	simm.s32 @p1 $0x1  }
0x15: {  	[smem:$0x3F9F] =	sst s0;
	s0 =	simm.s32 @!p2 $0x0  }
0x16: {  	s3 =	sld [smem:$0x3FDB];
	s0 =	simm.s32 @p2 $0x1  }
0x17: {  	s4 =	simm.s32 $0x1BF5;
	[smem:$0x3FA1] =	sst s0  }
0x18: {  	s0 =	sld [smem:$0x3F84];
	_ =	swait.ge [sflag:s4], $0x0  }
0x19: {  	s7 =	sld [smem:$0x3F85]  }
0x1a: {  	s8 =	sadd.s32 $0xFFFFE003, lr  }
0x1b: {  	s9 =	sadd.s32 $0xFFFFFEF7, lr;
	s5 =	simm.s32 $0xFFFFFFFF;
	p2 =	slt.u32 s8, $0xFFFFF086  }
0x1c: {  	p1 =	slt.u32 s9, $0xF7A;
	s5 =	simm.s32 @!p2 $0x0  }
0x1d: {  	s5 =	simm.s32 @p1 $0x1;
	p0 =	seq.s32 s7, s2  }
0x1e: {  	s7 =	smul.u32 @!p0 $0xF7A, s2;
	p2 =	seq.s32 @!p0 s5, $0x0  }
0x1f: {  	s9 =	smul.u32 $0xF7A, s1;
	s8 =	simm.s32 @!p0 $0x1BF5;
	p2 =	por !p2, p0  }
0x20: {  	[sflag:s8] =	ssyncset.s32 @!p0 $0xFFFFF086;
	s6 =	sadd.s32 @!p0 s3, s7;
	s7 =	simm.s32 @!p0 $0x108  }
0x21: {  	s3 =	sadd.s32 s3, s9;
	s6 =	sadd.s32 @!p0 $0x88, s6;
	s7 =	simm.s32 @p2 $0x1082  }
0x22: {  	[simem:s7], [sflag:s8] =	dma.local @!p0 [hbm:s6], $0xF7A  }
0x23: {  	s9 =	sor.u32 $0xD0000000, s2;
	s6 =	simm.s32 $0x108;
	_ =	swait.ge @!p0 [sflag:s8], $0x0  }
0x24: {  	s3 =	sadd.s32 $0x88, s3;
	s6 =	simm.s32 @!p1 $0x1082;
	[sflag:s4] =	ssyncset.s32 $0xFFFFF086  }
0x25: {  	[simem:s6], [sflag:s4] =	dma.local [hbm:s3], $0xF7A  }
0x26: {  	[smem:$0x3F85] =	sst s1;
	(tag) =	ssettag s2;
	_ =	strace s9  }
0x27: {  	s1 =	sld [smem:$0x3F95]  }
0x28: {  	s2 =	sld [smem:$0x3F96]  }
0x29: {  	s4 =	sld [smem:$0x3F98]  }
0x2a: {  	p0 =	seq.s32 s5, $0x0;
	s5 =	sld [smem:$0x3F99]  }
0x2b: {  	s6 =	sld [smem:$0x3F9A]  }
0x2c: {  	s7 =	sld [smem:$0x3F9B]  }
0x2d: {  	s3 =	simm.s32 $0x108;
	s8 =	sld [smem:$0x3F9C]  }
0x2e: {  	s3 =	simm.s32 @!p0 $0x1082;
	s9 =	sld [smem:$0x3F9D]  }
0x2f: {  	lr =	sadd.s32 s0, s3;
	s0 =	sld [smem:$0x3F94]  }
0x30: {  	s3 =	sld [smem:$0x3F97]  }
0x31: {  	[smem:$0x3FA0] =	sst s10  }
0x32: {  	s10 =	sld [smem:$0x3F9E];
	_ =	sdelay $0x3  }
0x33: {  	p0 =	seq.s32 s10, $0x1;
	s10 =	sld [smem:$0x3FA0];
	_ =	sdelay $0x3  }
0x34: {  	[smem:$0x3FA0] =	sst s10  }
0x35: {  	s10 =	sld [smem:$0x3F9F];
	_ =	sdelay $0x3  }
0x36: {  	p1 =	seq.s32 s10, $0x1;
	s10 =	sld [smem:$0x3FA0];
	_ =	sdelay $0x3  }
0x37: {  	[smem:$0x3FA0] =	sst s10  }
0x38: {  	s10 =	sld [smem:$0x3FA1]  }
0x39: {  	_ = 	snop;
	(pc) =	sbr.ind lr, $3  }
0x3a: {  	_ = 	snop  }
0x3b: {  	_ = 	snop  }
0x3c: {  	p2 =	seq.s32 s10, $0x1;
	s10 =	sld [smem:$0x3FA0]  }
0x3d: {  	_ =	shalt  }
0x3e: {  	_ =	shalt  }
0x3f: {  	_ =	shalt  }
0x40: {  	_ =	shalt  }
0x41: {  	_ =	shalt  }
0x42: {  	_ =	shalt  }
0x43: {  	_ =	shalt  }
0x44: {  	_ =	shalt  }
0x45: {  	_ =	shalt  }
0x46: {  	_ =	shalt  }
0x47: {  	_ =	shalt  }
0x48: {  	_ =	shalt  }
0x49: {  	_ =	shalt  }
0x4a: {  	_ =	shalt  }
0x4b: {  	_ =	shalt  }
0x4c: {  	_ =	shalt  }
0x4d: {  	_ =	shalt  }
0x4e: {  	_ =	shalt  }
0x4f: {  	_ =	shalt  }
0x50: {  	_ =	shalt  }
0x51: {  	_ =	shalt  }
0x52: {  	_ =	shalt  }
0x53: {  	_ =	shalt  }
0x54: {  	_ =	shalt  }
0x55: {  	_ =	shalt  }
0x56: {  	_ =	shalt  }
0x57: {  	_ =	shalt  }
0x58: {  	_ =	shalt  }
0x59: {  	_ =	shalt  }
0x5a: {  	_ =	shalt  }
0x5b: {  	_ =	shalt  }
0x5c: {  	_ =	shalt  }
0x5d: {  	_ =	shalt  }
0x5e: {  	_ =	shalt  }
0x5f: {  	_ =	shalt  }
0x60: {  	_ =	shalt  }
0x61: {  	_ =	shalt  }
0x62: {  	_ =	shalt  }
0x63: {  	_ =	shalt  }
0x64: {  	_ =	shalt  }
0x65: {  	_ =	shalt  }
0x66: {  	_ =	shalt  }
0x67: {  	_ =	shalt  }
0x68: {  	_ =	shalt  }
0x69: {  	_ =	shalt  }
0x6a: {  	_ =	shalt  }
0x6b: {  	_ =	shalt  }
0x6c: {  	_ =	shalt  }
0x6d: {  	_ =	shalt  }
0x6e: {  	_ =	shalt  }
0x6f: {  	_ =	shalt  }
0x70: {  	_ =	shalt  }
0x71: {  	_ =	shalt  }
0x72: {  	_ =	shalt  }
0x73: {  	_ =	shalt  }
0x74: {  	_ =	shalt  }
0x75: {  	_ =	shalt  }
0x76: {  	_ =	shalt  }
0x77: {  	_ =	shalt  }
0x78: {  	_ =	shalt  }
0x79: {  	_ =	shalt  }
0x7a: {  	_ =	shalt  }
0x7b: {  	_ =	shalt  }
0x7c: {  	_ =	shalt  }
0x7d: {  	_ =	shalt  }
0x7e: {  	_ =	shalt  }
0x7f: {  	_ =	shalt  }
0x80: {  	_ =	shalt  }
0x81: {  	_ =	shalt  }
0x82: {  	_ =	shalt  }
0x83: {  	_ =	shalt  }
0x84: {  	_ =	shalt  }
0x85: {  	_ =	shalt  }
0x86: {  	_ =	shalt  }
0x87: {  	_ =	shalt  }
.Lfunc_end0:
.L_simem_size_0:
called_computation.2_lowered:
.L_overlay_start_0:
0x88: {  	s2 =	sld [smem:$0x3FD9]  }
0x89: {  	s3 =	sld [smem:$0x3FFE];
	_ =	sdelay $0x1  }
0x8a: {  	s1 =	srdreg.scid  }
0x8b: {  	s0 =	sand.u32 $0x1, s1  }
0x8c: {  	s16 =	sshll.u32 s0, $0xA;
	s2 =	sadd.s32 s3, s2  }
0x8d: {  	s2 =	sadd.s32 s2, s16  }
0x8e: {  	[smem:$0x3FAC] =	sst s2  }
0x8f: {  	_ = 	snop  }
0x90: {  	(tm) =	ssettm $0x1  }
0x91: {  	s17 =	sld [smem:$0x3FFB];
	_ =	sdelay $0x3  }
0x92: {  	_ =	strace s17  }
0x93: {  	s2 =	sld [smem:$0x3FFC];
	_ =	sdelay $0x3  }
0x94: {  	_ =	strace s2  }
0x95: {  	s2 =	sld [smem:$0x3FFD];
	_ =	sdelay $0x3  }
0x96: {  	_ =	strace s2  }
0x97: {  	_ =	strace $0x8FFFFFFF  }
0x98: {  	s18 =	sld [smem:$0x3FDB];
	_ =	sdelay $0x1  }
0x99: {  	s19 =	simm.s32 $_scs_section_size  }
0x9a: {  	s4 =	simm.s32 $_size__tile_overlayer_lowered;
	s5 =	simm.s32 $_tile_overlayer_lowered  }
0x9b: {  	s22 =	simm.s32 $0x1BFF;
	s21 =	sshll.u32 s5, $0x1;
	s2 =	sadd.s32 s19, s18  }
0x9c: {  	s6 =	simm.s32 $0x0;
	s20 =	sshll.u32 s4, $0x1;
	s4 =	sadd.s32 s21, s2  }
0x9d: {  	[timem:s6], [sflag:s22] =	dma.local [hbm:s4], s20  }
0x9e: {  	_ =	swait.ge [sflag:s22], s20  }
0x9f: {  	s3 =	ssub.s32 $0x0, s20;
	[sflag:s22] =	ssyncset.done $0x0  }
0xa0: {  	[sflag:s22] =	ssyncadd.s32 s3;
	_ =	sdelay $0x1  }
0xa1: {  	s23 =	simm.s32 $0x1B8B  }
0xa2: {  	_ =	swait.ge [sflag:s23], $0x1  }
0xa3: {  	[sflag:s23] =	ssyncset.done $0x0  }
0xa4: {  	s25 =	simm.s32 $0x1B8E;
	s24 =	sld [smem:$0x3FFE];
	[sflag:s23] =	ssyncadd.s32 $0xFFFFFFFF  }
0xa5: {  	s26 =	simm.s32 $execute0_lowered;
	[smem:$0x3FD2] =	sst s25  }
0xa6: {  	s4 =	sshll.u32 s26, $0x1;
	_ =	strace $0x8000004C;
	[dreg:$0x1] =	wrdreg $0xFFFFFFFF  }
0xa7: {  	s28 =	simm.s32 $_size_execute0_lowered;
	s2 =	sadd.s32 s2, s4;
	[dreg:$0x0] =	wrdreg $0x0  }
0xa8: {  	s4 =	sshll.u32 s28, $0x1;
	[dreg:$0x2] =	wrdreg s2  }
0xa9: {  	[dreg:$0x3] =	wrdreg s4  }
0xaa: {  	[dreg:$0x4] =	wrdreg $0xC0  }
0xab: {  	_ =	task [dreg:s6], $0x5FFFF  }
0xac: {  	[dreg:$0x1] =	wrdreg $0xFFFFFFFF  }
0xad: {  	[dreg:$0x0] =	wrdreg $0x60  }
0xae: {  	[dreg:$0x2] =	wrdreg s24  }
0xaf: {  	[dreg:$0x3] =	wrdreg $0xAA000  }
0xb0: {  	[dreg:$0x4] =	wrdreg $0x9  }
0xb1: {  	_ =	task.clear_ibuf [dreg:s6], $0x5FFFF;
	_ =	strace $0x9000004C  }
0xb2: {  	s29 =	simm.s32 $0x9;
	_ =	strace $0x8000004E  }
0xb3: {  	_ =	swait.ge [sflag:s29], $0x1  }
0xb4: {  	[sflag:s29] =	ssyncadd.s32 $0xFFFFFFFF  }
0xb5: {  	_ =	strace $0x9000004E  }
0xb6: {  	_ =	sfence  }
0xb7: {  	s30 =	sld [smem:$0x0];
	_ =	sdelay $0x2  }
0xb8: {  	s31 =	sshll.u32 s1, $0xD;
	s1 =	sshrl.u32 s1, $0x2  }
0xb9: {  	s3 =	sand.u32 $0x4000, s31;
	s1 =	sadd.s32 s1, s30  }
0xba: {  	s0 =	sor.u32 s3, s0;
	s1 =	sshll.u32 s1, $0x11  }
0xbb: {  	s0 =	sor.u32 s1, s0  }
0xbc: {  	s0 =	sadd.s32 $0x8F2B, s0  }
0xbd: {  	[sflag:s0] =	ssyncadd.remote.s32 $0x1  }
0xbe: {  	_ =	sfence.sel $0xFFFF  }
0xbf: {  	[dreg:$0x0] =	wrdreg $0xFFFFFFFF;
	(pc) =	sbr.abs _section_cstart, $3  }
0xc0: {  	[dreg:$0x1] =	wrdreg $0xFFFFFFFF  }
0xc1: {  	_ =	task.clear_ibuf [dreg:s6], $0x2FFFF;
	_ =	strace $0x9FFFFFFF  }
0xc2: {  	(tm) =	ssettm $0x7FFFFFFF  }
0xc3: {  	_ =	shalt  }
tec
execute0_lowered:
.L_overlay_start_1:
0x0: {  	(tag) =	ssettag $0x1  }
0x1: {  	s0 =	srdreg.scid;
	s1 =	rddreg [dreg:$0x0]  }
0x2: {  	s2 =	rddreg [dreg:$0x1];
	s13 =	stileid.u32  }
0x3: {  	s3 =	simm.s32 $0x0;
	s18 =	simm.s32 $0x80;
	s29 =	simm.s32 $0x5A00  }
0x4: {  	s30 =	simm.s32 $0x5;
	s31 =	simm.s32 $0x100;
	s14 =	simm.s32 $0x8A00  }
0x5: {  	s16 =	simm.s32 $0x9A00;
	s17 =	simm.s32 $0x6;
	s28 =	simm.s32 $0x4  }
0x6: {  	s0 =	sand.u32 $0x1, s0;
	[smem:$0x7FF] =	sst s3;
	s5 =	sadd.s32 $0x1C800, s1  }
0x7: {  	s6 =	sadd.s32 $0x10000, s1;
	s9 =	smul.u32 $0x2780, s13;
	s11 =	sadd.s32 $0x1A000, s1  }
0x8: {  	s12 =	smul.u32 $0x4F000, s13;
	s15 =	sadd.s32 $0x128400, s2;
	s23 =	sadd.s32 $0x68A80, s1  }
0x9: {  	s25 =	sadd.s32 $0x8FC80, s1;
	_ =	strace $0x8000004D;
	[dreg:$0x3] =	wrdreg s11  }
0xa: {  	p0 =	seq.s32 s13, $0xF;
	s4 =	sshll.u32 s0, $0x4;
	[dreg:$0xa] =	wrdreg s23  }
0xb: {  	s10 =	ssub.s32 $0x2, s0;
	p4 =	seq.s32 s0, $0x1;
	[dreg:$0xc] =	wrdreg s25  }
0xc: {  	s23 =	simm.s32 $0x2A00;
	s0 =	simm.s32 $0x7D;
	s11 =	simm.s32 $0x1E0  }
0xd: {  	s25 =	simm.s32 $0x0;
	[dreg:$0x8] =	wrdreg s15;
	s4 =	sor.u32 s13, s4  }
0xe: {  	s19 =	sshrl.u32 s10, $0x1;
	s9 =	sadd.s32 s9, s1;
	s21 =	sshrl.u32 s12, $0x2  }
0xf: {  	p2 =	seq.s32 @p4 s13, $0xF;
	p5 =	seq.s32 @!p4 s13, $0xF;
	s13 =	simm.s32 $0x7A00  }
0x10: {  	s4 =	smul.u32 $0x2800, s4;
	s10 =	ssub.s32 s10, s19;
	s22 =	sadd.s32 $0x43A00, s9  }
0x11: {  	s24 =	sadd.s32 $0x6AC00, s9;
	p1 =	por !p2, !p4;
	p2 =	por p2, !p4  }
0x12: {  	p3 =	por !p5, p4;
	p4 =	por p5, p4;
	[dreg:$0x9] =	wrdreg s22  }
0x13: {  	s19 =	simm.s32 $0x2;
	s9 =	simm.s32 $0x6A00;
	[dreg:$0xb] =	wrdreg s24  }
0x14: {  	s26 =	smax.u32 s10, $0x1;
	s22 =	simm.s32 $0x20;
	s24 =	simm.s32 $0x3A00  }
0x15: {  	s10 =	simm.s32 $0x8;
	s7 =	sshrl.u32 s4, $0x3;
	[dreg:$0xd] =	wrdreg s26  }
.Ltmp0:
0x16: {  	s8 =	sadd.s32 s7, s1;
	s7 =	sadd.s32 s6, s7;
	(pc) =	sbr.rel .LBB2_1-.Ltmp0, $4  }
0x17: {  	s26 =	simm.s32 $0x4A00;
	[dreg:$0x4] =	wrdreg s7;
	s7 =	sadd.s32 $0x10, s7  }
0x18: {  	s1 =	simm.s32 $0x180;
	s20 =	sadd.s32 $0x6000, s8;
	[dreg:$0x5] =	wrdreg s7  }
0x19: {  	[dreg:$0x6] =	wrdreg s20;
	s7 =	sadd.s32 s21, s2;
	s21 =	simm.s32 $0x1  }
0x1a: {  	s20 =	simm.s32 $0x3;
	[dreg:$0x7] =	wrdreg s7;
	s7 =	simm.s32 $0x7  }
.LBB2_4:
0x1b: {  	s8 =	simm.s32 $0x2980  }
0x1c: {  	[spmem:s2] =	stream.indirect.scatter.add.f32 [tilespmem:s9], [sflag:$0x8], $0x80, s8, s0, $0xb8;
	[tilespmem:$0x1E280] =	vst v63  }
0x1d: {  	_ =	swait.ge [sflag:s10], $0x3E80  }
0x1e: {  	[sflag:s10] =	ssyncset.done $0x0  }
0x1f: {  	[sflag:s10] =	ssyncadd.s32 $0xFFFFC180  }
0x20: {  	[bflag:$0x0] =	sbarrier.arrive $0xFFFF  }
0x21: {  	s8 =	rddreg [dreg:$0x8]  }
0x22: {  	s12 =	simm.s32 @!p1 $0x1FC9;
	s25 =	rddreg [dreg:$0xc];
	s15 =	sshrl.u32 @!p1 s8, $0x3  }
0x23: {  	[hbm:s25], [sflag:s12] =	dma.local @!p1 [spmem:s15], $0x2080  }
0x24: {  	s15 =	simm.s32 @!p1 $0x9  }
0x25: {  	_ =	swait.ge @!p1 [sflag:s15], $0x2080  }
0x26: {  	s12 =	stileid.u32;
	[sflag:s15] =	ssyncset.done @!p1 $0x0  }
0x27: {  	s12 =	sshll.u32 @!p2 s12, $0x6;
	[sflag:s15] =	ssyncadd.s32 @!p1 $0xFFFFDF80;
	s15 =	rddreg [dreg:$0x7]  }
0x28: {  	s11 =	sor.u32 @!p2 $0x1C09, s12;
	s25 =	rddreg [dreg:$0xb];
	s12 =	sshrl.u32 @!p2 s15, $0x3  }
0x29: {  	[hbm:s25], [sflag:s11] =	dma.local @!p2 [spmem:s12], $0x2780  }
0x2a: {  	s12 =	simm.s32 @!p2 $0x9  }
0x2b: {  	_ =	swait.ge @!p2 [sflag:s12], $0x2780  }
0x2c: {  	[sflag:s12] =	ssyncset.done @!p2 $0x0  }
0x2d: {  	s25 =	rddreg [dreg:$0xa];
	[sflag:s12] =	ssyncadd.s32 @!p2 $0xFFFFD880;
	s12 =	sshrl.u32 @!p3 s8, $0x3  }
0x2e: {  	[dreg:$0x10] =	wrdreg s12  }
0x2f: {  	s12 =	simm.s32 @!p3 $0x1FC9;
	s11 =	rddreg [dreg:$0x10]  }
0x30: {  	[hbm:s25], [sflag:s12] =	dma.local @!p3 [spmem:s11], $0x2080  }
0x31: {  	s12 =	stileid.u32  }
0x32: {  	s25 =	simm.s32 @!p3 $0x9;
	s12 =	sshll.u32 @!p4 s12, $0x6  }
0x33: {  	_ =	swait.ge @!p3 [sflag:s25], $0x2080;
	s12 =	sor.u32 @!p4 $0x1C09, s12  }
0x34: {  	[sflag:s25] =	ssyncset.done @!p3 $0x0;
	[dreg:$0xf] =	wrdreg s12  }
0x35: {  	[sflag:s25] =	ssyncadd.s32 @!p3 $0xFFFFDF80;
	s25 =	rddreg [dreg:$0x9]  }
0x36: {  	s12 =	sshrl.u32 @!p4 s15, $0x3;
	s15 =	smov.u32 s8;
	s8 =	rddreg [dreg:$0xf]  }
0x37: {  	[hbm:s25], [sflag:s8] =	dma.local @!p4 [spmem:s12], $0x2780  }
0x38: {  	s8 =	simm.s32 @!p4 $0x9  }
0x39: {  	_ =	swait.ge @!p4 [sflag:s8], $0x2780  }
0x3a: {  	s12 =	rddreg [dreg:$0xe]  }
0x3b: {  	s25 =	sadd.s32 $0x1, s12;
	s12 =	rddreg [dreg:$0xd]  }
0x3c: {  	p5 =	sne.s32 s25, s12  }
.Ltmp1:
0x3d: {  	_ = 	snop;
	(pc) =	sbr.rel @!p5 .LBB2_5-.Ltmp1, $3  }
0x3e: {  	_ =	sdelay $0x1  }
0x3f: {  	[sflag:s8] =	ssyncset.done @!p4 $0x0  }
0x40: {  	s11 =	simm.s32 $0x1E0;
	[sflag:s8] =	ssyncadd.s32 @!p4 $0xFFFFD880  }
.LBB2_1:
0x41: {  	[dreg:$0xe] =	wrdreg s25  }
0x42: {  	s8 =	rddreg [dreg:$0x4]  }
0x43: {  	[tilespmem:s3], [sflag:$0x1] =	stream.linear.gather [hbm4b:s8+s3], $0x80, $0x38;
	[tilespmem:$0x1E280] =	vst v63  }
0x44: {  	s12 =	rddreg [dreg:$0x5]  }
0x45: {  	[tilespmem:s18], [sflag:$0x2] =	stream.linear.gather [hbm4b:s12+s3], $0x80, $0x38;
	[tilespmem:$0x1E280] =	vst v63  }
0x46: {  	s25 =	rddreg [dreg:$0x6];
	s12 =	simm.s32 $0x200  }
0x47: {  	[tilespmem:s12], [sflag:$0x9] =	stream.linear.gather [hbm4b:s25+s3], $0x2800, $0x38;
	[tilespmem:$0x1E280] =	vst v63  }
0x48: {  	s25 =	simm.s32 $0x9  }
0x49: {  	_ =	swait.ge [sflag:s25], $0x2800  }
0x4a: {  	[sflag:s25] =	ssyncset.done $0x0  }
0x4b: {  	[sflag:s25] =	ssyncadd.s32 $0xFFFFD800  }
0x4c: {  	_ =	swait.ge [sflag:s21], $0x80  }
0x4d: {  	[sflag:s21] =	ssyncset.done $0x0  }
0x4e: {  	[sflag:s21] =	ssyncadd.s32 $0xFFFFFF80  }
0x4f: {  	[tilespmem:s23], [sflag:$0x5] =	stream.indirect.gather [hbm4b:s5+s22], $0x80, s3, s22, $0xb8;
	[tilespmem:$0x1E280] =	vst v63  }
0x50: {  	_ = 	snop  }
0x51: {  	[tilespmem:s24], [sflag:$0x5] =	stream.indirect.gather [hbm4b:s5+s22], $0x80, s22, s22, $0xb8;
	[tilespmem:$0x1E280] =	vst v63  }
0x52: {  	s12 =	simm.s32 $0x40  }
0x53: {  	[tilespmem:s26], [sflag:$0x5] =	stream.indirect.gather [hbm4b:s5+s22], $0x80, s12, s22, $0xb8;
	[tilespmem:$0x1E280] =	vst v63  }
0x54: {  	s25 =	simm.s32 $0x60;
	s8 =	rddreg [dreg:$0x3]  }
0x55: {  	[tilespmem:s29], [sflag:$0x5] =	stream.indirect.gather [hbm4b:s5+s22], $0x80, s25, s22, $0xb8;
	[tilespmem:$0x1E280] =	vst v63  }
0x56: {  	s12 =	sshrl.u32 @p0 s15, $0x3;
	s15 =	rddreg [dreg:$0x7];
	s25 =	simm.s32 @p0 $0x1FC9  }
0x57: {  	[spmem:s12], [sflag:s25] =	dma.local @p0 [hbm:s8], $0x2080  }
0x58: {  	s12 =	simm.s32 @p0 $0x9  }
0x59: {  	s25 =	stileid.u32;
	_ =	swait.ge @p0 [sflag:s12], $0x2080  }
0x5a: {  	s25 =	sshll.u32 @!p0 s25, $0x6;
	[sflag:s12] =	ssyncset.done @p0 $0x0  }
0x5b: {  	[sflag:s12] =	ssyncadd.s32 @p0 $0xFFFFDF80;
	s12 =	sor.u32 @!p0 $0x1C09, s25;
	s25 =	sshrl.u32 @!p0 s15, $0x3  }
0x5c: {  	[spmem:s25], [sflag:s12] =	dma.local @!p0 [hbm:s8], $0x2780  }
0x5d: {  	s12 =	simm.s32 @!p0 $0x9  }
0x5e: {  	_ =	swait.ge @!p0 [sflag:s12], $0x2780  }
0x5f: {  	[sflag:s12] =	ssyncset.done @!p0 $0x0  }
0x60: {  	[sflag:s12] =	ssyncadd.s32 @!p0 $0xFFFFD880  }
0x61: {  	s25 =	simm.s32 $0x200;
	s12 =	simm.s32 $0x280;
	[bflag:$0x0] =	sbarrier.arrive $0xFFFF  }
.LBB2_2:
0x62: {  	s8 =	sadd.s32 $0xFFFFFD80, s12  }
0x63: {  	s15 =	sadd.s32 $0xFFFFFE80, s12;
	s8 =	sand.u32 $0x3C00, s8  }
0x64: {  	s15 =	sand.u32 $0x300, s15;
	s8 =	sadd.s32 s4, s8  }
0x65: {  	_ =	swait.ge [sflag:s30], $0x4000;
	s15 =	sor.u32 s8, s15  }
0x66: {  	[sflag:s30] =	ssyncset.done $0x0;
	s15 =	sshrl.u32 s15, $0x3  }
0x67: {  	[sflag:s30] =	ssyncadd.s32 $0xFFFFC000;
	s15 =	sadd.s32 s6, s15  }
0x68: {  	[tilespmem:s31], [sflag:$0x3] =	stream.linear.gather [hbm4b:s15+s3], $0x80, $0x38;
	[tilespmem:$0x1E280] =	vst v63  }
0x69: {  	_ = 	snop  }
0x6a: {  	[spmem:s2] =	stream.indirect.scatter.add.f32 [tilespmem:s23], [sflag:$0x7], $0x80, s25, s0, $0xb8;
	[tilespmem:$0x1E280] =	vst v63  }
0x6b: {  	_ =	swait.ge [sflag:s19], $0x80  }
0x6c: {  	p5 =	seq.s32 s12, $0x280;
	[sflag:s19] =	ssyncset.done $0x0  }
0x6d: {  	s15 =	simm.s32 @!p5 $0x8;
	[sflag:s19] =	ssyncadd.s32 $0xFFFFFF80  }
0x6e: {  	_ =	swait.ge @!p5 [sflag:s15], $0x3E80  }
0x6f: {  	[sflag:s15] =	ssyncset.done @!p5 $0x0  }
0x70: {  	[sflag:s15] =	ssyncadd.s32 @!p5 $0xFFFFC180  }
0x71: {  	[tilespmem:s9], [sflag:$0x6] =	stream.indirect.gather [hbm4b:s5+s22], $0x80, s18, s22, $0xb8;
	[tilespmem:$0x1E280] =	vst v63  }
0x72: {  	s15 =	simm.s32 $0xA0  }
0x73: {  	[tilespmem:s13], [sflag:$0x6] =	stream.indirect.gather [hbm4b:s5+s22], $0x80, s15, s22, $0xb8;
	[tilespmem:$0x1E280] =	vst v63  }
0x74: {  	s15 =	simm.s32 $0xC0  }
0x75: {  	[tilespmem:s14], [sflag:$0x6] =	stream.indirect.gather [hbm4b:s5+s22], $0x80, s15, s22, $0xb8;
	[tilespmem:$0x1E280] =	vst v63  }
0x76: {  	s15 =	simm.s32 $0xE0  }
0x77: {  	[tilespmem:s16], [sflag:$0x6] =	stream.indirect.gather [hbm4b:s5+s22], $0x80, s15, s22, $0xb8;
	[tilespmem:$0x1E280] =	vst v63  }
0x78: {  	s15 =	sadd.s32 $0xFFFFFF00, s12  }
0x79: {  	s15 =	sand.u32 $0x380, s15  }
0x7a: {  	_ =	swait.ge [sflag:s17], $0x4000;
	s8 =	sor.u32 s8, s15  }
0x7b: {  	[sflag:s17] =	ssyncset.done $0x0;
	s8 =	sshrl.u32 s8, $0x3  }
0x7c: {  	[sflag:s17] =	ssyncadd.s32 $0xFFFFC000;
	s8 =	sadd.s32 s6, s8  }
0x7d: {  	[tilespmem:s1], [sflag:$0x4] =	stream.linear.gather [hbm4b:s8+s3], $0x80, $0x38;
	[tilespmem:$0x1E280] =	vst v63  }
0x7e: {  	s15 =	sadd.s32 $0x80, s25  }
0x7f: {  	[spmem:s2] =	stream.indirect.scatter.add.f32 [tilespmem:s9], [sflag:$0x8], $0x80, s15, s0, $0xb8;
	[tilespmem:$0x1E280] =	vst v63  }
0x80: {  	_ =	swait.ge [sflag:s20], $0x80  }
0x81: {  	[sflag:s20] =	ssyncset.done $0x0  }
0x82: {  	[sflag:s20] =	ssyncadd.s32 $0xFFFFFF80  }
0x83: {  	_ =	swait.ge [sflag:s7], $0x3E80  }
0x84: {  	[sflag:s7] =	ssyncset.done $0x0  }
0x85: {  	[sflag:s7] =	ssyncadd.s32 $0xFFFFC180  }
0x86: {  	[tilespmem:s23], [sflag:$0x5] =	stream.indirect.gather [hbm4b:s5+s22], $0x80, s31, s22, $0xb8;
	[tilespmem:$0x1E280] =	vst v63  }
0x87: {  	s15 =	simm.s32 $0x120  }
0x88: {  	[tilespmem:s24], [sflag:$0x5] =	stream.indirect.gather [hbm4b:s5+s22], $0x80, s15, s22, $0xb8;
	[tilespmem:$0x1E280] =	vst v63  }
0x89: {  	p5 =	seq.s32 s12, $0x2880;
	s15 =	simm.s32 $0x140  }
0x8a: {  	[tilespmem:s26], [sflag:$0x5] =	stream.indirect.gather [hbm4b:s5+s22], $0x80, s15, s22, $0xb8;
	[tilespmem:$0x1E280] =	vst v63  }
0x8b: {  	s8 =	sadd.s32 @!p5 $0xFFFFFF80, s12;
	s15 =	simm.s32 $0x160  }
0x8c: {  	[tilespmem:s29], [sflag:$0x5] =	stream.indirect.gather [hbm4b:s5+s22], $0x80, s15, s22, $0xb8;
	[tilespmem:$0x1E280] =	vst v63  }
0x8d: {  	s15 =	sand.u32 @!p5 $0x7C00, s8  }
0x8e: {  	s8 =	sand.u32 @!p5 $0x200, s8;
	s15 =	sadd.s32 @!p5 s4, s15  }
0x8f: {  	_ =	swait.ge [sflag:s30], $0x4000;
	s8 =	sor.u32 @!p5 s8, s15  }
0x90: {  	[sflag:s30] =	ssyncset.done $0x0;
	s8 =	sshrl.u32 @!p5 s8, $0x3  }
0x91: {  	s15 =	simm.s32 @!p5 $0x0;
	[sflag:s30] =	ssyncadd.s32 $0xFFFFC000;
	s8 =	sadd.s32 @!p5 s6, s8  }
0x92: {  	[tilespmem:s15], [sflag:$0x1] =	stream.linear.gather @!p5 [hbm4b:s8+s15], $0x80, $0x38;
	[tilespmem:$0x1E280] =	vst v63  }
0x93: {  	s15 =	sadd.s32 $0x100, s25  }
0x94: {  	[spmem:s2] =	stream.indirect.scatter.add.f32 [tilespmem:s23], [sflag:$0x7], $0x80, s15, s0, $0xb8;
	[tilespmem:$0x1E280] =	vst v63  }
0x95: {  	_ =	swait.ge [sflag:s28], $0x80  }
0x96: {  	[sflag:s28] =	ssyncset.done $0x0  }
0x97: {  	[sflag:s28] =	ssyncadd.s32 $0xFFFFFF80  }
0x98: {  	_ =	swait.ge [sflag:s10], $0x3E80  }
0x99: {  	[sflag:s10] =	ssyncset.done $0x0  }
0x9a: {  	[sflag:s10] =	ssyncadd.s32 $0xFFFFC180  }
0x9b: {  	[tilespmem:s9], [sflag:$0x6] =	stream.indirect.gather [hbm4b:s5+s22], $0x80, s1, s22, $0xb8;
	[tilespmem:$0x1E280] =	vst v63  }
0x9c: {  	s15 =	simm.s32 $0x1A0  }
0x9d: {  	[tilespmem:s13], [sflag:$0x6] =	stream.indirect.gather [hbm4b:s5+s22], $0x80, s15, s22, $0xb8;
	[tilespmem:$0x1E280] =	vst v63  }
0x9e: {  	s15 =	simm.s32 $0x1C0  }
0x9f: {  	[tilespmem:s14], [sflag:$0x6] =	stream.indirect.gather [hbm4b:s5+s22], $0x80, s15, s22, $0xb8;
	[tilespmem:$0x1E280] =	vst v63  }
.Ltmp2:
0xa0: {  	_ = 	snop;
	(pc) =	sbr.rel @p5 .LBB2_4-.Ltmp2, $4  }
0xa1: {  	[tilespmem:s16], [sflag:$0x6] =	stream.indirect.gather [hbm4b:s5+s22], $0x80, s11, s22, $0xb8;
	[tilespmem:$0x1E280] =	vst v63  }
0xa2: {  	_ =	swait.ge [sflag:s17], $0x4000  }
0xa3: {  	[sflag:s17] =	ssyncset.done $0x0  }
0xa4: {  	[sflag:s17] =	ssyncadd.s32 $0xFFFFC000  }
0xa5: {  	s8 =	sand.u32 $0x7C00, s12  }
0xa6: {  	s15 =	sand.u32 $0x280, s12;
	s8 =	sadd.s32 s4, s8  }
0xa7: {  	s8 =	sor.u32 s15, s8  }
0xa8: {  	s8 =	sshrl.u32 s8, $0x3  }
0xa9: {  	s8 =	sadd.s32 s6, s8  }
0xaa: {  	[tilespmem:s18], [sflag:$0x2] =	stream.linear.gather [hbm4b:s8+s3], $0x80, $0x38;
	[tilespmem:$0x1E280] =	vst v63  }
0xab: {  	s15 =	sadd.s32 $0x180, s25  }
0xac: {  	[spmem:s2] =	stream.indirect.scatter.add.f32 [tilespmem:s9], [sflag:$0x8], $0x80, s15, s0, $0xb8;
	[tilespmem:$0x1E280] =	vst v63  }
0xad: {  	_ =	swait.ge [sflag:s21], $0x80  }
0xae: {  	[sflag:s21] =	ssyncset.done $0x0  }
0xaf: {  	[sflag:s21] =	ssyncadd.s32 $0xFFFFFF80  }
0xb0: {  	_ =	swait.ge [sflag:s7], $0x3E80  }
0xb1: {  	[sflag:s7] =	ssyncset.done $0x0  }
0xb2: {  	[sflag:s7] =	ssyncadd.s32 $0xFFFFC180  }
0xb3: {  	[tilespmem:s23], [sflag:$0x5] =	stream.indirect.gather [hbm4b:s5+s22], $0x80, s3, s22, $0xb8;
	[tilespmem:$0x1E280] =	vst v63  }
0xb4: {  	_ = 	snop  }
0xb5: {  	[tilespmem:s24], [sflag:$0x5] =	stream.indirect.gather [hbm4b:s5+s22], $0x80, s22, s22, $0xb8;
	[tilespmem:$0x1E280] =	vst v63  }
.Ltmp3:
0xb6: {  	_ = 	snop;
	(pc) =	sbr.rel .LBB2_2-.Ltmp3, $4  }
0xb7: {  	s15 =	simm.s32 $0x40  }
0xb8: {  	[tilespmem:s26], [sflag:$0x5] =	stream.indirect.gather [hbm4b:s5+s22], $0x80, s15, s22, $0xb8;
	[tilespmem:$0x1E280] =	vst v63  }
0xb9: {  	s12 =	sadd.s32 $0x200, s12;
	s25 =	sadd.s32 $0x200, s25;
	s15 =	simm.s32 $0x60  }
0xba: {  	[tilespmem:s29], [sflag:$0x5] =	stream.indirect.gather [hbm4b:s5+s22], $0x80, s15, s22, $0xb8;
	[tilespmem:$0x1E280] =	vst v63  }
.LBB2_5:
0xbb: {  	_ =	sfence.sel $0x180000  }
0xbc: {  	[bflag:$0x0] =	sbarrier.arrive $0xFFFF  }
0xbd: {  	_ =	strace $0x9000004D  }
0xbe: {  	s0 =	stileid.u32;
	[bflag:$0x2] =	sbarrier.arrive $0xFFFF  }
0xbf: {  	p0 =	sne.s32 s0, $0x0;
	s0 =	rddreg [dreg:$0x2]  }
0xc0: {  	s0 =	sadd.s32 @!p0 $0x100000, s0  }
0xc1: {  	[sflag:s0] =	ssyncadd.tile.s32 @!p0 $0x1;
	_ =	shalt  }
.Lfunc_end2:
_tile_overlayer_lowered:
.L_overlay_start_2:
0xc2: {  	(tag) =	ssettag $0x2  }
0xc3: {  	s0 =	rddreg [dreg:$0x0];
	s2 =	stileid.u32  }
0xc4: {  	s1 =	rddreg [dreg:$0x1];
	p0 =	sne.s32 s2, $0x0  }
0xc5: {  	s3 =	rddreg [dreg:$0x2];
	[bflag:$0x3] =	sbarrier.arrive $0xFFFF;
	s2 =	simm.s32 @!p0 $0x1C09  }
0xc6: {  	[timem:s3], [sflag:s2] =	dma.local @!p0 [hbm:s0], s1  }
0xc7: {  	s0 =	simm.s32 @!p0 $0x9  }
0xc8: {  	_ =	swait.ge @!p0 [sflag:s0], s1  }
0xc9: {  	s1 =	ssub.s32 @!p0 $0x0, s1;
	[sflag:s0] =	ssyncset.done @!p0 $0x0  }
0xca: {  	[sflag:s0] =	ssyncadd.s32 @!p0 s1  }
0xcb: {  	[bflag:$0x3] =	sbarrier.arrive $0xFFFF  }
0xcc: {  	_ =	shalt  }

// kernel: kernel.8.cloned.1.call-start
scs
__scs_entry_jumppad:
0x0: {  	(pc) =	sbr.rel $0x88, $3  }
0x1: {  	(tag) =	ssettag $0x0;
	lr =	simm.s32 $0x1  }
0x2: {  	[smem:$0x3F85] =	sst lr;
	_ =	strace $0xD0000000  }
0x3: {  	_ = 	snop  }
0x4: {  	_ = 	snop  }
0x5: {  	_ = 	snop  }
0x6: {  	_ = 	snop  }
0x7: {  	_ = 	snop  }
__scs_overlays_trampoline_lowered:
0x8: {  	[smem:$0x3F94] =	sst s0  }
0x9: {  	[smem:$0x3F95] =	sst s1  }
0xa: {  	[smem:$0x3F96] =	sst s2  }
0xb: {  	[smem:$0x3F97] =	sst s3  }
0xc: {  	[smem:$0x3F98] =	sst s4  }
0xd: {  	[smem:$0x3F99] =	sst s5  }
0xe: {  	[smem:$0x3F9A] =	sst s6  }
0xf: {  	[smem:$0x3F9B] =	sst s7  }
0x10: {  	[smem:$0x3F9C] =	sst s8  }
0x11: {  	[smem:$0x3F9D] =	sst s9;
	s0 =	simm.s32 @!p0 $0x0  }
0x12: {  	s1 =	sld [smem:$0x3F83];
	s0 =	simm.s32 @p0 $0x1  }
0x13: {  	[smem:$0x3F9E] =	sst s0;
	s0 =	simm.s32 @!p1 $0x0  }
0x14: {  	s2 =	sld [smem:$0x3F82];
	s0 =	simm.s32 @p1 $0x1  }
0x15: {  	[smem:$0x3F9F] =	sst s0;
	s0 =	simm.s32 @!p2 $0x0  }
0x16: {  	s3 =	sld [smem:$0x3FDB];
	s0 =	simm.s32 @p2 $0x1  }
0x17: {  	s4 =	simm.s32 $0x1BF5;
	[smem:$0x3FA1] =	sst s0  }
0x18: {  	s0 =	sld [smem:$0x3F84];
	_ =	swait.ge [sflag:s4], $0x0  }
0x19: {  	s7 =	sld [smem:$0x3F85]  }
0x1a: {  	s8 =	sadd.s32 $0xFFFFE003, lr  }
0x1b: {  	s9 =	sadd.s32 $0xFFFFFEF7, lr;
	s5 =	simm.s32 $0xFFFFFFFF;
	p2 =	slt.u32 s8, $0xFFFFF086  }
0x1c: {  	p1 =	slt.u32 s9, $0xF7A;
	s5 =	simm.s32 @!p2 $0x0  }
0x1d: {  	s5 =	simm.s32 @p1 $0x1;
	p0 =	seq.s32 s7, s2  }
0x1e: {  	s7 =	smul.u32 @!p0 $0xF7A, s2;
	p2 =	seq.s32 @!p0 s5, $0x0  }
0x1f: {  	s9 =	smul.u32 $0xF7A, s1;
	s8 =	simm.s32 @!p0 $0x1BF5;
	p2 =	por !p2, p0  }
0x20: {  	[sflag:s8] =	ssyncset.s32 @!p0 $0xFFFFF086;
	s6 =	sadd.s32 @!p0 s3, s7;
	s7 =	simm.s32 @!p0 $0x108  }
0x21: {  	s3 =	sadd.s32 s3, s9;
	s6 =	sadd.s32 @!p0 $0x88, s6;
	s7 =	simm.s32 @p2 $0x1082  }
0x22: {  	[simem:s7], [sflag:s8] =	dma.local @!p0 [hbm:s6], $0xF7A  }
0x23: {  	s9 =	sor.u32 $0xD0000000, s2;
	s6 =	simm.s32 $0x108;
	_ =	swait.ge @!p0 [sflag:s8], $0x0  }
0x24: {  	s3 =	sadd.s32 $0x88, s3;
	s6 =	simm.s32 @!p1 $0x1082;
	[sflag:s4] =	ssyncset.s32 $0xFFFFF086  }
0x25: {  	[simem:s6], [sflag:s4] =	dma.local [hbm:s3], $0xF7A  }
0x26: {  	[smem:$0x3F85] =	sst s1;
	(tag) =	ssettag s2;
	_ =	strace s9  }
0x27: {  	s1 =	sld [smem:$0x3F95]  }
0x28: {  	s2 =	sld [smem:$0x3F96]  }
0x29: {  	s4 =	sld [smem:$0x3F98]  }
0x2a: {  	p0 =	seq.s32 s5, $0x0;
	s5 =	sld [smem:$0x3F99]  }
0x2b: {  	s6 =	sld [smem:$0x3F9A]  }
0x2c: {  	s7 =	sld [smem:$0x3F9B]  }
0x2d: {  	s3 =	simm.s32 $0x108;
	s8 =	sld [smem:$0x3F9C]  }
0x2e: {  	s3 =	simm.s32 @!p0 $0x1082;
	s9 =	sld [smem:$0x3F9D]  }
0x2f: {  	lr =	sadd.s32 s0, s3;
	s0 =	sld [smem:$0x3F94]  }
0x30: {  	s3 =	sld [smem:$0x3F97]  }
0x31: {  	[smem:$0x3FA0] =	sst s10  }
0x32: {  	s10 =	sld [smem:$0x3F9E];
	_ =	sdelay $0x3  }
0x33: {  	p0 =	seq.s32 s10, $0x1;
	s10 =	sld [smem:$0x3FA0];
	_ =	sdelay $0x3  }
0x34: {  	[smem:$0x3FA0] =	sst s10  }
0x35: {  	s10 =	sld [smem:$0x3F9F];
	_ =	sdelay $0x3  }
0x36: {  	p1 =	seq.s32 s10, $0x1;
	s10 =	sld [smem:$0x3FA0];
	_ =	sdelay $0x3  }
0x37: {  	[smem:$0x3FA0] =	sst s10  }
0x38: {  	s10 =	sld [smem:$0x3FA1]  }
0x39: {  	_ = 	snop;
	(pc) =	sbr.ind lr, $3  }
0x3a: {  	_ = 	snop  }
0x3b: {  	_ = 	snop  }
0x3c: {  	p2 =	seq.s32 s10, $0x1;
	s10 =	sld [smem:$0x3FA0]  }
0x3d: {  	_ =	shalt  }
0x3e: {  	_ =	shalt  }
0x3f: {  	_ =	shalt  }
0x40: {  	_ =	shalt  }
0x41: {  	_ =	shalt  }
0x42: {  	_ =	shalt  }
0x43: {  	_ =	shalt  }
0x44: {  	_ =	shalt  }
0x45: {  	_ =	shalt  }
0x46: {  	_ =	shalt  }
0x47: {  	_ =	shalt  }
0x48: {  	_ =	shalt  }
0x49: {  	_ =	shalt  }
0x4a: {  	_ =	shalt  }
0x4b: {  	_ =	shalt  }
0x4c: {  	_ =	shalt  }
0x4d: {  	_ =	shalt  }
0x4e: {  	_ =	shalt  }
0x4f: {  	_ =	shalt  }
0x50: {  	_ =	shalt  }
0x51: {  	_ =	shalt  }
0x52: {  	_ =	shalt  }
0x53: {  	_ =	shalt  }
0x54: {  	_ =	shalt  }
0x55: {  	_ =	shalt  }
0x56: {  	_ =	shalt  }
0x57: {  	_ =	shalt  }
0x58: {  	_ =	shalt  }
0x59: {  	_ =	shalt  }
0x5a: {  	_ =	shalt  }
0x5b: {  	_ =	shalt  }
0x5c: {  	_ =	shalt  }
0x5d: {  	_ =	shalt  }
0x5e: {  	_ =	shalt  }
0x5f: {  	_ =	shalt  }
0x60: {  	_ =	shalt  }
0x61: {  	_ =	shalt  }
0x62: {  	_ =	shalt  }
0x63: {  	_ =	shalt  }
0x64: {  	_ =	shalt  }
0x65: {  	_ =	shalt  }
0x66: {  	_ =	shalt  }
0x67: {  	_ =	shalt  }
0x68: {  	_ =	shalt  }
0x69: {  	_ =	shalt  }
0x6a: {  	_ =	shalt  }
0x6b: {  	_ =	shalt  }
0x6c: {  	_ =	shalt  }
0x6d: {  	_ =	shalt  }
0x6e: {  	_ =	shalt  }
0x6f: {  	_ =	shalt  }
0x70: {  	_ =	shalt  }
0x71: {  	_ =	shalt  }
0x72: {  	_ =	shalt  }
0x73: {  	_ =	shalt  }
0x74: {  	_ =	shalt  }
0x75: {  	_ =	shalt  }
0x76: {  	_ =	shalt  }
0x77: {  	_ =	shalt  }
0x78: {  	_ =	shalt  }
0x79: {  	_ =	shalt  }
0x7a: {  	_ =	shalt  }
0x7b: {  	_ =	shalt  }
0x7c: {  	_ =	shalt  }
0x7d: {  	_ =	shalt  }
0x7e: {  	_ =	shalt  }
0x7f: {  	_ =	shalt  }
0x80: {  	_ =	shalt  }
0x81: {  	_ =	shalt  }
0x82: {  	_ =	shalt  }
0x83: {  	_ =	shalt  }
0x84: {  	_ =	shalt  }
0x85: {  	_ =	shalt  }
0x86: {  	_ =	shalt  }
0x87: {  	_ =	shalt  }
.Lfunc_end0:
.L_simem_size_0:
called_computation_lowered:
.L_overlay_start_0:
0x88: {  	s2 =	sld [smem:$0x3FD9]  }
0x89: {  	s3 =	sld [smem:$0x3FFE];
	_ =	sdelay $0x1  }
0x8a: {  	s1 =	srdreg.scid  }
0x8b: {  	s0 =	sand.u32 $0x1, s1  }
0x8c: {  	s17 =	sshll.u32 s0, $0xA;
	s2 =	sadd.s32 s3, s2  }
0x8d: {  	s2 =	sadd.s32 s2, s17  }
0x8e: {  	[smem:$0x3FAC] =	sst s2  }
0x8f: {  	_ = 	snop  }
0x90: {  	s2 =	sld [smem:$0x3FC9];
	(tm) =	ssettm $0x1  }
0x91: {  	s18 =	sld [smem:$0x3FFB];
	_ =	sdelay $0x3  }
0x92: {  	_ =	strace s18  }
0x93: {  	s3 =	sld [smem:$0x3FFC];
	_ =	sdelay $0x3  }
0x94: {  	_ =	strace s3  }
0x95: {  	s3 =	sld [smem:$0x3FFD];
	_ =	sdelay $0x3  }
0x96: {  	_ =	strace s3  }
0x97: {  	_ =	strace $0x8FFFFFFF  }
0x98: {  	s19 =	sld [smem:$0x3FDB];
	_ =	sdelay $0x1  }
0x99: {  	s4 =	simm.s32 $_scs_section_size  }
0x9a: {  	s5 =	simm.s32 $_size__tile_overlayer_lowered;
	s6 =	simm.s32 $_tile_overlayer_lowered  }
0x9b: {  	s22 =	simm.s32 $0x1BFF;
	s21 =	sshll.u32 s6, $0x1;
	s3 =	sadd.s32 s4, s19  }
0x9c: {  	s7 =	simm.s32 $0x0;
	s20 =	sshll.u32 s5, $0x1;
	s5 =	sadd.s32 s21, s3  }
0x9d: {  	[timem:s7], [sflag:s22] =	dma.local [hbm:s5], s20  }
0x9e: {  	_ =	swait.ge [sflag:s22], s20  }
0x9f: {  	s4 =	ssub.s32 $0x0, s20;
	[sflag:s22] =	ssyncset.done $0x0  }
0xa0: {  	[sflag:s22] =	ssyncadd.s32 s4;
	_ =	sdelay $0x1  }
0xa1: {  	s23 =	simm.s32 $0x1B8B  }
0xa2: {  	_ =	swait.ge [sflag:s23], $0x1  }
0xa3: {  	[sflag:s23] =	ssyncset.done $0x0  }
0xa4: {  	s25 =	simm.s32 $0x1B8E;
	s24 =	sld [smem:$0x3FFE];
	[sflag:s23] =	ssyncadd.s32 $0xFFFFFFFF  }
0xa5: {  	s26 =	simm.s32 $execute0_lowered;
	[smem:$0x3FD2] =	sst s25  }
0xa6: {  	s5 =	sshll.u32 s26, $0x1;
	_ =	strace $0x80000046;
	[dreg:$0x1] =	wrdreg $0xFFFFFFFF  }
0xa7: {  	s28 =	simm.s32 $_size_execute0_lowered;
	s3 =	sadd.s32 s3, s5;
	[dreg:$0x0] =	wrdreg $0x0  }
0xa8: {  	s5 =	sshll.u32 s28, $0x1;
	[dreg:$0x2] =	wrdreg s3  }
0xa9: {  	[dreg:$0x3] =	wrdreg s5  }
0xaa: {  	[dreg:$0x4] =	wrdreg $0xC0  }
0xab: {  	_ =	task [dreg:s7], $0x5FFFF  }
0xac: {  	[dreg:$0x1] =	wrdreg $0xFFFFFFFF  }
0xad: {  	[dreg:$0x0] =	wrdreg $0x60  }
0xae: {  	[dreg:$0x2] =	wrdreg s2  }
0xaf: {  	[dreg:$0x3] =	wrdreg s24  }
0xb0: {  	[dreg:$0x4] =	wrdreg $0xAA000  }
0xb1: {  	[dreg:$0x5] =	wrdreg $0x9  }
0xb2: {  	_ =	task.clear_ibuf [dreg:s7], $0x6FFFF;
	_ =	strace $0x90000046  }
0xb3: {  	s29 =	simm.s32 $0x9;
	_ =	strace $0x80000048  }
0xb4: {  	_ =	swait.ge [sflag:s29], $0x1  }
0xb5: {  	[sflag:s29] =	ssyncadd.s32 $0xFFFFFFFF  }
0xb6: {  	_ =	strace $0x90000048  }
0xb7: {  	_ =	sfence  }
0xb8: {  	s30 =	sld [smem:$0x0];
	_ =	sdelay $0x2  }
0xb9: {  	s31 =	sshll.u32 s1, $0xD;
	s1 =	sshrl.u32 s1, $0x2  }
0xba: {  	s3 =	sand.u32 $0x4000, s31;
	s1 =	sadd.s32 s1, s30  }
0xbb: {  	s0 =	sor.u32 s3, s0;
	s1 =	sshll.u32 s1, $0x11  }
0xbc: {  	s0 =	sor.u32 s1, s0  }
0xbd: {  	s0 =	sadd.s32 $0x8F2B, s0  }
0xbe: {  	[sflag:s0] =	ssyncadd.remote.s32 $0x1  }
0xbf: {  	_ =	sfence.sel $0xFFFF  }
0xc0: {  	[dreg:$0x0] =	wrdreg $0xFFFFFFFF;
	(pc) =	sbr.abs _section_cstart, $3  }
0xc1: {  	[dreg:$0x1] =	wrdreg $0xFFFFFFFF  }
0xc2: {  	_ =	task.clear_ibuf [dreg:s7], $0x2FFFF;
	_ =	strace $0x9FFFFFFF  }
0xc3: {  	(tm) =	ssettm $0x7FFFFFFF  }
tec
execute0_lowered:
.L_overlay_start_1:
0x0: {  	(tag) =	ssettag $0x1  }
0x1: {  	s0 =	srdreg.scid;
	s1 =	rddreg [dreg:$0x0]  }
0x2: {  	s2 =	rddreg [dreg:$0x1];
	s13 =	stileid.u32  }
0x3: {  	s3 =	rddreg [dreg:$0x2];
	s18 =	simm.s32 $0x80;
	s29 =	simm.s32 $0x5A00  }
0x4: {  	s30 =	simm.s32 $0x5;
	s31 =	simm.s32 $0x100;
	s14 =	simm.s32 $0x8A00  }
0x5: {  	s16 =	simm.s32 $0x9A00;
	s17 =	simm.s32 $0x6;
	s28 =	simm.s32 $0x4  }
0x6: {  	s0 =	sand.u32 $0x1, s0;
	s6 =	sadd.s32 $0x10000, s2;
	s9 =	smul.u32 $0x2780, s13  }
0x7: {  	s11 =	sadd.s32 $0x1A000, s2;
	s12 =	smul.u32 $0x4F000, s13;
	s15 =	sadd.s32 $0x128400, s3  }
0x8: {  	s23 =	sadd.s32 $0x41880, s2;
	s25 =	sadd.s32 $0x68A80, s2;
	p0 =	seq.s32 s13, $0xF  }
0x9: {  	s4 =	sshll.u32 s0, $0x4;
	s10 =	ssub.s32 $0x2, s0;
	p4 =	seq.s32 s0, $0x1  }
0xa: {  	s0 =	simm.s32 $0x180;
	s5 =	sor.u32 s13, s4;
	s4 =	simm.s32 $0x0  }
0xb: {  	s19 =	sshrl.u32 s10, $0x1;
	s9 =	sadd.s32 s9, s2;
	s21 =	sshrl.u32 s12, $0x2  }
0xc: {  	p2 =	seq.s32 @p4 s13, $0xF;
	p5 =	seq.s32 @!p4 s13, $0xF;
	s13 =	simm.s32 $0x7A00  }
0xd: {  	s5 =	smul.u32 $0x2800, s5;
	[smem:$0x7FF] =	sst s4;
	s10 =	ssub.s32 s10, s19  }
0xe: {  	s22 =	sadd.s32 $0x1C800, s9;
	_ =	strace $0x80000047;
	[dreg:$0x4] =	wrdreg s11  }
0xf: {  	s24 =	sadd.s32 $0x43A00, s9;
	p1 =	por !p2, !p4;
	[dreg:$0xa] =	wrdreg s22  }
0x10: {  	p2 =	por p2, !p4;
	p3 =	por !p5, p4;
	[dreg:$0xb] =	wrdreg s23  }
0x11: {  	p4 =	por p5, p4;
	s19 =	simm.s32 $0x2;
	[dreg:$0xc] =	wrdreg s24  }
0x12: {  	s9 =	simm.s32 $0x6A00;
	[dreg:$0xd] =	wrdreg s25;
	s26 =	smax.u32 s10, $0x1  }
0x13: {  	s22 =	simm.s32 $0x20;
	s23 =	simm.s32 $0x2A00;
	s24 =	simm.s32 $0x3A00  }
0x14: {  	s10 =	simm.s32 $0x8;
	s11 =	simm.s32 $0x1E0;
	[dreg:$0x9] =	wrdreg s15  }
0x15: {  	s25 =	simm.s32 $0x0;
	s7 =	sshrl.u32 s5, $0x3;
	[dreg:$0xe] =	wrdreg s26  }
.Ltmp0:
0x16: {  	s8 =	sadd.s32 s7, s2;
	s7 =	sadd.s32 s6, s7;
	(pc) =	sbr.rel .LBB2_1-.Ltmp0, $4  }
0x17: {  	s26 =	simm.s32 $0x4A00;
	[dreg:$0x5] =	wrdreg s7;
	s7 =	sadd.s32 $0x10, s7  }
0x18: {  	s2 =	simm.s32 $0x7D;
	s20 =	sadd.s32 $0x6000, s8;
	[dreg:$0x6] =	wrdreg s7  }
0x19: {  	[dreg:$0x7] =	wrdreg s20;
	s7 =	sadd.s32 s21, s3;
	s21 =	simm.s32 $0x1  }
0x1a: {  	s20 =	simm.s32 $0x3;
	[dreg:$0x8] =	wrdreg s7;
	s7 =	simm.s32 $0x7  }
.LBB2_4:
0x1b: {  	s8 =	simm.s32 $0x2980  }
0x1c: {  	[spmem:s3] =	stream.indirect.scatter.add.f32 [tilespmem:s9], [sflag:$0x8], $0x80, s8, s2, $0xb8;
	[tilespmem:$0x1E280] =	vst v63  }
0x1d: {  	_ =	swait.ge [sflag:s10], $0x3E80  }
0x1e: {  	[sflag:s10] =	ssyncset.done $0x0  }
0x1f: {  	[sflag:s10] =	ssyncadd.s32 $0xFFFFC180  }
0x20: {  	[bflag:$0x0] =	sbarrier.arrive $0xFFFF  }
0x21: {  	s8 =	rddreg [dreg:$0x9]  }
0x22: {  	s12 =	simm.s32 @!p1 $0x1FC9;
	s25 =	rddreg [dreg:$0xd];
	s15 =	sshrl.u32 @!p1 s8, $0x3  }
0x23: {  	[hbm:s25], [sflag:s12] =	dma.local @!p1 [spmem:s15], $0x2080  }
0x24: {  	s15 =	simm.s32 @!p1 $0x9  }
0x25: {  	_ =	swait.ge @!p1 [sflag:s15], $0x2080  }
0x26: {  	s12 =	stileid.u32;
	[sflag:s15] =	ssyncset.done @!p1 $0x0  }
0x27: {  	s12 =	sshll.u32 @!p2 s12, $0x6;
	[sflag:s15] =	ssyncadd.s32 @!p1 $0xFFFFDF80;
	s15 =	rddreg [dreg:$0x8]  }
0x28: {  	s11 =	sor.u32 @!p2 $0x1C09, s12;
	s25 =	rddreg [dreg:$0xc];
	s12 =	sshrl.u32 @!p2 s15, $0x3  }
0x29: {  	[hbm:s25], [sflag:s11] =	dma.local @!p2 [spmem:s12], $0x2780  }
0x2a: {  	s12 =	simm.s32 @!p2 $0x9  }
0x2b: {  	_ =	swait.ge @!p2 [sflag:s12], $0x2780  }
0x2c: {  	[sflag:s12] =	ssyncset.done @!p2 $0x0  }
0x2d: {  	s25 =	rddreg [dreg:$0xb];
	[sflag:s12] =	ssyncadd.s32 @!p2 $0xFFFFD880;
	s12 =	sshrl.u32 @!p3 s8, $0x3  }
0x2e: {  	[dreg:$0x11] =	wrdreg s12  }
0x2f: {  	s12 =	simm.s32 @!p3 $0x1FC9;
	s11 =	rddreg [dreg:$0x11]  }
0x30: {  	[hbm:s25], [sflag:s12] =	dma.local @!p3 [spmem:s11], $0x2080  }
0x31: {  	s12 =	stileid.u32  }
0x32: {  	s25 =	simm.s32 @!p3 $0x9;
	s12 =	sshll.u32 @!p4 s12, $0x6  }
0x33: {  	_ =	swait.ge @!p3 [sflag:s25], $0x2080;
	s12 =	sor.u32 @!p4 $0x1C09, s12  }
0x34: {  	[sflag:s25] =	ssyncset.done @!p3 $0x0;
	[dreg:$0x10] =	wrdreg s12  }
0x35: {  	[sflag:s25] =	ssyncadd.s32 @!p3 $0xFFFFDF80;
	s25 =	rddreg [dreg:$0xa]  }
0x36: {  	s12 =	sshrl.u32 @!p4 s15, $0x3;
	s15 =	smov.u32 s8;
	s8 =	rddreg [dreg:$0x10]  }
0x37: {  	[hbm:s25], [sflag:s8] =	dma.local @!p4 [spmem:s12], $0x2780  }
0x38: {  	s8 =	simm.s32 @!p4 $0x9  }
0x39: {  	_ =	swait.ge @!p4 [sflag:s8], $0x2780  }
0x3a: {  	s12 =	rddreg [dreg:$0xf]  }
0x3b: {  	s25 =	sadd.s32 $0x1, s12;
	s12 =	rddreg [dreg:$0xe]  }
0x3c: {  	p5 =	sne.s32 s25, s12  }
.Ltmp1:
0x3d: {  	_ = 	snop;
	(pc) =	sbr.rel @!p5 .LBB2_5-.Ltmp1, $3  }
0x3e: {  	_ =	sdelay $0x1  }
0x3f: {  	[sflag:s8] =	ssyncset.done @!p4 $0x0  }
0x40: {  	s11 =	simm.s32 $0x1E0;
	[sflag:s8] =	ssyncadd.s32 @!p4 $0xFFFFD880  }
.LBB2_1:
0x41: {  	[dreg:$0xf] =	wrdreg s25  }
0x42: {  	s8 =	rddreg [dreg:$0x5]  }
0x43: {  	[tilespmem:s4], [sflag:$0x1] =	stream.linear.gather [hbm4b:s8+s4], $0x80, $0x38;
	[tilespmem:$0x1E280] =	vst v63  }
0x44: {  	s12 =	rddreg [dreg:$0x6]  }
0x45: {  	[tilespmem:s18], [sflag:$0x2] =	stream.linear.gather [hbm4b:s12+s4], $0x80, $0x38;
	[tilespmem:$0x1E280] =	vst v63  }
0x46: {  	s25 =	rddreg [dreg:$0x7];
	s12 =	simm.s32 $0x200  }
0x47: {  	[tilespmem:s12], [sflag:$0x9] =	stream.linear.gather [hbm4b:s25+s4], $0x2800, $0x38;
	[tilespmem:$0x1E280] =	vst v63  }
0x48: {  	s25 =	simm.s32 $0x9  }
0x49: {  	_ =	swait.ge [sflag:s25], $0x2800  }
0x4a: {  	[sflag:s25] =	ssyncset.done $0x0  }
0x4b: {  	[sflag:s25] =	ssyncadd.s32 $0xFFFFD800  }
0x4c: {  	_ =	swait.ge [sflag:s21], $0x80  }
0x4d: {  	[sflag:s21] =	ssyncset.done $0x0  }
0x4e: {  	[sflag:s21] =	ssyncadd.s32 $0xFFFFFF80  }
0x4f: {  	[tilespmem:s23], [sflag:$0x5] =	stream.indirect.gather [hbm4b:s1+s22], $0x80, s4, s22, $0xb8;
	[tilespmem:$0x1E280] =	vst v63  }
0x50: {  	_ = 	snop  }
0x51: {  	[tilespmem:s24], [sflag:$0x5] =	stream.indirect.gather [hbm4b:s1+s22], $0x80, s22, s22, $0xb8;
	[tilespmem:$0x1E280] =	vst v63  }
0x52: {  	s12 =	simm.s32 $0x40  }
0x53: {  	[tilespmem:s26], [sflag:$0x5] =	stream.indirect.gather [hbm4b:s1+s22], $0x80, s12, s22, $0xb8;
	[tilespmem:$0x1E280] =	vst v63  }
0x54: {  	s25 =	simm.s32 $0x60;
	s8 =	rddreg [dreg:$0x4]  }
0x55: {  	[tilespmem:s29], [sflag:$0x5] =	stream.indirect.gather [hbm4b:s1+s22], $0x80, s25, s22, $0xb8;
	[tilespmem:$0x1E280] =	vst v63  }
0x56: {  	s12 =	sshrl.u32 @p0 s15, $0x3;
	s15 =	rddreg [dreg:$0x8];
	s25 =	simm.s32 @p0 $0x1FC9  }
0x57: {  	[spmem:s12], [sflag:s25] =	dma.local @p0 [hbm:s8], $0x2080  }
0x58: {  	s12 =	simm.s32 @p0 $0x9  }
0x59: {  	s25 =	stileid.u32;
	_ =	swait.ge @p0 [sflag:s12], $0x2080  }
0x5a: {  	s25 =	sshll.u32 @!p0 s25, $0x6;
	[sflag:s12] =	ssyncset.done @p0 $0x0  }
0x5b: {  	[sflag:s12] =	ssyncadd.s32 @p0 $0xFFFFDF80;
	s12 =	sor.u32 @!p0 $0x1C09, s25;
	s25 =	sshrl.u32 @!p0 s15, $0x3  }
0x5c: {  	[spmem:s25], [sflag:s12] =	dma.local @!p0 [hbm:s8], $0x2780  }
0x5d: {  	s12 =	simm.s32 @!p0 $0x9  }
0x5e: {  	_ =	swait.ge @!p0 [sflag:s12], $0x2780  }
0x5f: {  	[sflag:s12] =	ssyncset.done @!p0 $0x0  }
0x60: {  	[sflag:s12] =	ssyncadd.s32 @!p0 $0xFFFFD880  }
0x61: {  	s25 =	simm.s32 $0x200;
	s12 =	simm.s32 $0x280;
	[bflag:$0x0] =	sbarrier.arrive $0xFFFF  }
.LBB2_2:
0x62: {  	s8 =	sadd.s32 $0xFFFFFD80, s12  }
0x63: {  	s15 =	sadd.s32 $0xFFFFFE80, s12;
	s8 =	sand.u32 $0x3C00, s8  }
0x64: {  	s15 =	sand.u32 $0x300, s15;
	s8 =	sadd.s32 s5, s8  }
0x65: {  	_ =	swait.ge [sflag:s30], $0x4000;
	s15 =	sor.u32 s8, s15  }
0x66: {  	[sflag:s30] =	ssyncset.done $0x0;
	s15 =	sshrl.u32 s15, $0x3  }
0x67: {  	[sflag:s30] =	ssyncadd.s32 $0xFFFFC000;
	s15 =	sadd.s32 s6, s15  }
0x68: {  	[tilespmem:s31], [sflag:$0x3] =	stream.linear.gather [hbm4b:s15+s4], $0x80, $0x38;
	[tilespmem:$0x1E280] =	vst v63  }
0x69: {  	_ = 	snop  }
0x6a: {  	[spmem:s3] =	stream.indirect.scatter.add.f32 [tilespmem:s23], [sflag:$0x7], $0x80, s25, s2, $0xb8;
	[tilespmem:$0x1E280] =	vst v63  }
0x6b: {  	_ =	swait.ge [sflag:s19], $0x80  }
0x6c: {  	p5 =	seq.s32 s12, $0x280;
	[sflag:s19] =	ssyncset.done $0x0  }
0x6d: {  	s15 =	simm.s32 @!p5 $0x8;
	[sflag:s19] =	ssyncadd.s32 $0xFFFFFF80  }
0x6e: {  	_ =	swait.ge @!p5 [sflag:s15], $0x3E80  }
0x6f: {  	[sflag:s15] =	ssyncset.done @!p5 $0x0  }
0x70: {  	[sflag:s15] =	ssyncadd.s32 @!p5 $0xFFFFC180  }
0x71: {  	[tilespmem:s9], [sflag:$0x6] =	stream.indirect.gather [hbm4b:s1+s22], $0x80, s18, s22, $0xb8;
	[tilespmem:$0x1E280] =	vst v63  }
0x72: {  	s15 =	simm.s32 $0xA0  }
0x73: {  	[tilespmem:s13], [sflag:$0x6] =	stream.indirect.gather [hbm4b:s1+s22], $0x80, s15, s22, $0xb8;
	[tilespmem:$0x1E280] =	vst v63  }
0x74: {  	s15 =	simm.s32 $0xC0  }
0x75: {  	[tilespmem:s14], [sflag:$0x6] =	stream.indirect.gather [hbm4b:s1+s22], $0x80, s15, s22, $0xb8;
	[tilespmem:$0x1E280] =	vst v63  }
0x76: {  	s15 =	simm.s32 $0xE0  }
0x77: {  	[tilespmem:s16], [sflag:$0x6] =	stream.indirect.gather [hbm4b:s1+s22], $0x80, s15, s22, $0xb8;
	[tilespmem:$0x1E280] =	vst v63  }
0x78: {  	s15 =	sadd.s32 $0xFFFFFF00, s12  }
0x79: {  	s15 =	sand.u32 $0x380, s15  }
0x7a: {  	_ =	swait.ge [sflag:s17], $0x4000;
	s8 =	sor.u32 s8, s15  }
0x7b: {  	[sflag:s17] =	ssyncset.done $0x0;
	s8 =	sshrl.u32 s8, $0x3  }
0x7c: {  	[sflag:s17] =	ssyncadd.s32 $0xFFFFC000;
	s8 =	sadd.s32 s6, s8  }
0x7d: {  	[tilespmem:s0], [sflag:$0x4] =	stream.linear.gather [hbm4b:s8+s4], $0x80, $0x38;
	[tilespmem:$0x1E280] =	vst v63  }
0x7e: {  	s15 =	sadd.s32 $0x80, s25  }
0x7f: {  	[spmem:s3] =	stream.indirect.scatter.add.f32 [tilespmem:s9], [sflag:$0x8], $0x80, s15, s2, $0xb8;
	[tilespmem:$0x1E280] =	vst v63  }
0x80: {  	_ =	swait.ge [sflag:s20], $0x80  }
0x81: {  	[sflag:s20] =	ssyncset.done $0x0  }
0x82: {  	[sflag:s20] =	ssyncadd.s32 $0xFFFFFF80  }
0x83: {  	_ =	swait.ge [sflag:s7], $0x3E80  }
0x84: {  	[sflag:s7] =	ssyncset.done $0x0  }
0x85: {  	[sflag:s7] =	ssyncadd.s32 $0xFFFFC180  }
0x86: {  	[tilespmem:s23], [sflag:$0x5] =	stream.indirect.gather [hbm4b:s1+s22], $0x80, s31, s22, $0xb8;
	[tilespmem:$0x1E280] =	vst v63  }
0x87: {  	s15 =	simm.s32 $0x120  }
0x88: {  	[tilespmem:s24], [sflag:$0x5] =	stream.indirect.gather [hbm4b:s1+s22], $0x80, s15, s22, $0xb8;
	[tilespmem:$0x1E280] =	vst v63  }
0x89: {  	p5 =	seq.s32 s12, $0x2880;
	s15 =	simm.s32 $0x140  }
0x8a: {  	[tilespmem:s26], [sflag:$0x5] =	stream.indirect.gather [hbm4b:s1+s22], $0x80, s15, s22, $0xb8;
	[tilespmem:$0x1E280] =	vst v63  }
0x8b: {  	s8 =	sadd.s32 @!p5 $0xFFFFFF80, s12;
	s15 =	simm.s32 $0x160  }
0x8c: {  	[tilespmem:s29], [sflag:$0x5] =	stream.indirect.gather [hbm4b:s1+s22], $0x80, s15, s22, $0xb8;
	[tilespmem:$0x1E280] =	vst v63  }
0x8d: {  	s15 =	sand.u32 @!p5 $0x7C00, s8  }
0x8e: {  	s8 =	sand.u32 @!p5 $0x200, s8;
	s15 =	sadd.s32 @!p5 s5, s15  }
0x8f: {  	_ =	swait.ge [sflag:s30], $0x4000;
	s8 =	sor.u32 @!p5 s8, s15  }
0x90: {  	[sflag:s30] =	ssyncset.done $0x0;
	s8 =	sshrl.u32 @!p5 s8, $0x3  }
0x91: {  	s15 =	simm.s32 @!p5 $0x0;
	[sflag:s30] =	ssyncadd.s32 $0xFFFFC000;
	s8 =	sadd.s32 @!p5 s6, s8  }
0x92: {  	[tilespmem:s15], [sflag:$0x1] =	stream.linear.gather @!p5 [hbm4b:s8+s15], $0x80, $0x38;
	[tilespmem:$0x1E280] =	vst v63  }
0x93: {  	s15 =	sadd.s32 $0x100, s25  }
0x94: {  	[spmem:s3] =	stream.indirect.scatter.add.f32 [tilespmem:s23], [sflag:$0x7], $0x80, s15, s2, $0xb8;
	[tilespmem:$0x1E280] =	vst v63  }
0x95: {  	_ =	swait.ge [sflag:s28], $0x80  }
0x96: {  	[sflag:s28] =	ssyncset.done $0x0  }
0x97: {  	[sflag:s28] =	ssyncadd.s32 $0xFFFFFF80  }
0x98: {  	_ =	swait.ge [sflag:s10], $0x3E80  }
0x99: {  	[sflag:s10] =	ssyncset.done $0x0  }
0x9a: {  	[sflag:s10] =	ssyncadd.s32 $0xFFFFC180  }
0x9b: {  	[tilespmem:s9], [sflag:$0x6] =	stream.indirect.gather [hbm4b:s1+s22], $0x80, s0, s22, $0xb8;
	[tilespmem:$0x1E280] =	vst v63  }
0x9c: {  	s15 =	simm.s32 $0x1A0  }
0x9d: {  	[tilespmem:s13], [sflag:$0x6] =	stream.indirect.gather [hbm4b:s1+s22], $0x80, s15, s22, $0xb8;
	[tilespmem:$0x1E280] =	vst v63  }
0x9e: {  	s15 =	simm.s32 $0x1C0  }
0x9f: {  	[tilespmem:s14], [sflag:$0x6] =	stream.indirect.gather [hbm4b:s1+s22], $0x80, s15, s22, $0xb8;
	[tilespmem:$0x1E280] =	vst v63  }
.Ltmp2:
0xa0: {  	_ = 	snop;
	(pc) =	sbr.rel @p5 .LBB2_4-.Ltmp2, $4  }
0xa1: {  	[tilespmem:s16], [sflag:$0x6] =	stream.indirect.gather [hbm4b:s1+s22], $0x80, s11, s22, $0xb8;
	[tilespmem:$0x1E280] =	vst v63  }
0xa2: {  	_ =	swait.ge [sflag:s17], $0x4000  }
0xa3: {  	[sflag:s17] =	ssyncset.done $0x0  }
0xa4: {  	[sflag:s17] =	ssyncadd.s32 $0xFFFFC000  }
0xa5: {  	s8 =	sand.u32 $0x7C00, s12  }
0xa6: {  	s15 =	sand.u32 $0x280, s12;
	s8 =	sadd.s32 s5, s8  }
0xa7: {  	s8 =	sor.u32 s15, s8  }
0xa8: {  	s8 =	sshrl.u32 s8, $0x3  }
0xa9: {  	s8 =	sadd.s32 s6, s8  }
0xaa: {  	[tilespmem:s18], [sflag:$0x2] =	stream.linear.gather [hbm4b:s8+s4], $0x80, $0x38;
	[tilespmem:$0x1E280] =	vst v63  }
0xab: {  	s15 =	sadd.s32 $0x180, s25  }
0xac: {  	[spmem:s3] =	stream.indirect.scatter.add.f32 [tilespmem:s9], [sflag:$0x8], $0x80, s15, s2, $0xb8;
	[tilespmem:$0x1E280] =	vst v63  }
0xad: {  	_ =	swait.ge [sflag:s21], $0x80  }
0xae: {  	[sflag:s21] =	ssyncset.done $0x0  }
0xaf: {  	[sflag:s21] =	ssyncadd.s32 $0xFFFFFF80  }
0xb0: {  	_ =	swait.ge [sflag:s7], $0x3E80  }
0xb1: {  	[sflag:s7] =	ssyncset.done $0x0  }
0xb2: {  	[sflag:s7] =	ssyncadd.s32 $0xFFFFC180  }
0xb3: {  	[tilespmem:s23], [sflag:$0x5] =	stream.indirect.gather [hbm4b:s1+s22], $0x80, s4, s22, $0xb8;
	[tilespmem:$0x1E280] =	vst v63  }
0xb4: {  	_ = 	snop  }
0xb5: {  	[tilespmem:s24], [sflag:$0x5] =	stream.indirect.gather [hbm4b:s1+s22], $0x80, s22, s22, $0xb8;
	[tilespmem:$0x1E280] =	vst v63  }
.Ltmp3:
0xb6: {  	_ = 	snop;
	(pc) =	sbr.rel .LBB2_2-.Ltmp3, $4  }
0xb7: {  	s15 =	simm.s32 $0x40  }
0xb8: {  	[tilespmem:s26], [sflag:$0x5] =	stream.indirect.gather [hbm4b:s1+s22], $0x80, s15, s22, $0xb8;
	[tilespmem:$0x1E280] =	vst v63  }
0xb9: {  	s12 =	sadd.s32 $0x200, s12;
	s25 =	sadd.s32 $0x200, s25;
	s15 =	simm.s32 $0x60  }
0xba: {  	[tilespmem:s29], [sflag:$0x5] =	stream.indirect.gather [hbm4b:s1+s22], $0x80, s15, s22, $0xb8;
	[tilespmem:$0x1E280] =	vst v63  }
.LBB2_5:
0xbb: {  	_ =	sfence.sel $0x180000  }
0xbc: {  	[bflag:$0x0] =	sbarrier.arrive $0xFFFF  }
0xbd: {  	_ =	strace $0x90000047  }
0xbe: {  	s0 =	stileid.u32;
	[bflag:$0x2] =	sbarrier.arrive $0xFFFF  }
0xbf: {  	p0 =	sne.s32 s0, $0x0;
	s0 =	rddreg [dreg:$0x3]  }
0xc0: {  	s0 =	sadd.s32 @!p0 $0x100000, s0  }
0xc1: {  	[sflag:s0] =	ssyncadd.tile.s32 @!p0 $0x1;
	_ =	shalt  }
.Lfunc_end2:
_tile_overlayer_lowered:
.L_overlay_start_2:
0xc2: {  	(tag) =	ssettag $0x2  }
0xc3: {  	s0 =	rddreg [dreg:$0x0];
	s2 =	stileid.u32  }
0xc4: {  	s1 =	rddreg [dreg:$0x1];
	p0 =	sne.s32 s2, $0x0  }
0xc5: {  	s3 =	rddreg [dreg:$0x2];
	[bflag:$0x3] =	sbarrier.arrive $0xFFFF;
	s2 =	simm.s32 @!p0 $0x1C09  }
0xc6: {  	[timem:s3], [sflag:s2] =	dma.local @!p0 [hbm:s0], s1  }
0xc7: {  	s0 =	simm.s32 @!p0 $0x9  }
0xc8: {  	_ =	swait.ge @!p0 [sflag:s0], s1  }
0xc9: {  	s1 =	ssub.s32 @!p0 $0x0, s1;
	[sflag:s0] =	ssyncset.done @!p0 $0x0  }
0xca: {  	[sflag:s0] =	ssyncadd.s32 @!p0 s1  }
0xcb: {  	[bflag:$0x3] =	sbarrier.arrive $0xFFFF  }
0xcc: {  	_ =	shalt  }

</sc_bundles>
